<compile_context>
chip_gen: v7x
topology: tpu7x:2x2x1
jax: 0.10.2.dev20260603
libtpu: 0.0.44.dev20260713+nightly
codegen_flags: <defaults>
</compile_context>

<pallas_src>
import dataclasses
import functools

import jax
import jax.numpy as jnp
from jax import lax
from jax.experimental import pallas as pl
from jax.experimental.pallas import tpu as pltpu
from jax.experimental.pallas import tpu_sc as plsc

N = 10000
E = 320000
NC, NS = 2, 16
NW = NC * NS
EPW = E // NW
CHUNK = 128
NCHUNK = 80
EPAD = NCHUNK * CHUNK - EPW
NDUMMY = 8
NHCH = EPW // 16
RPS = N // NS
NBUF = 8

F32 = jnp.float32


def _mesh():
    return plsc.VectorSubcoreMesh(
        core_axis_name="c", subcore_axis_name="s",
        num_cores=NC, num_subcores=NS)


def _sc_params():
    cp = pltpu.CompilerParams()
    fields = pltpu.CompilerParams.__dataclass_fields__
    if "needs_layout_passes" in fields:
        cp = dataclasses.replace(cp, needs_layout_passes=False)
    if "use_tc_tiling_on_sc" in fields:
        cp = dataclasses.replace(cp, use_tc_tiling_on_sc=False)
    return cp


def _hist(dst16):
    @functools.partial(
        pl.kernel,
        out_type=jax.ShapeDtypeStruct((NW, 1, N), F32),
        mesh=_mesh(),
        scratch_types=[
            pltpu.VMEM((N,), F32),
            pltpu.VMEM((NHCH, 16), jnp.int32),
        ],
        compiler_params=_sc_params(),
    )
    def k(dst_hbm, out_hbm, hist, idx):
        c = lax.axis_index("c")
        s = lax.axis_index("s")
        w = s * NC + c
        pltpu.sync_copy(dst_hbm.at[w], idx)

        @pl.loop(0, N, step=16)
        def _(i):
            hist.at[pl.ds(i, 16)][...] = jnp.zeros((16,), F32)

        ones = jnp.ones((16,), F32)

        @pl.loop(0, NHCH)
        def _(j):
            plsc.addupdate_scatter(hist, [idx.at[j][...]], ones)

        pltpu.sync_copy(hist, out_hbm.at[w, 0])

    return k(dst16)


def _agg(g, srcc, dstc, zeros, C, dt):
    @functools.partial(
        pl.kernel,
        out_type=jax.ShapeDtypeStruct((NC, NS, RPS, C), dt),
        mesh=_mesh(),
        scratch_types=[
            pltpu.VMEM((NCHUNK, CHUNK), jnp.int32),
            pltpu.VMEM((NCHUNK, CHUNK), jnp.int32),
        ] + [pltpu.VMEM((CHUNK, C), dt)] * NBUF + [
            pltpu.VMEM_SHARED((N + NDUMMY, C), dt),
        ] + [pltpu.SemaphoreType.DMA] * (2 * NBUF),
        compiler_params=_sc_params(),
    )
    def k(g_hbm, src_hbm, dst_hbm, z_hbm, out_hbm, srcv, dstv, *rest):
        bufs = rest[:NBUF]
        acc = rest[NBUF]
        gsems = rest[NBUF + 1:2 * NBUF + 1]
        ssems = rest[2 * NBUF + 1:]
        c = lax.axis_index("c")
        s = lax.axis_index("s")
        w = s * NC + c

        def start_g(j, b):
            pltpu.async_copy(g_hbm.at[srcv.at[j]], bufs[b], gsems[b])

        def wait_g(b):
            pltpu.make_async_copy(g_hbm.at[srcv.at[0]], bufs[b],
                                  gsems[b]).wait()

        def start_s(j, b):
            pltpu.async_copy(bufs[b], acc.at[dstv.at[j]], ssems[b], add=True)

        def wait_s(b):
            pltpu.make_async_copy(bufs[b], acc.at[dstv.at[0]],
                                  ssems[b]).wait()

        pltpu.sync_copy(src_hbm.at[w], srcv)
        pltpu.sync_copy(dst_hbm.at[w], dstv)
        for b in range(NBUF):
            start_g(b, b)
        r0 = s * RPS
        pltpu.sync_copy(z_hbm.at[s], acc.at[pl.ds(r0, RPS)])
        plsc.subcore_barrier()

        @pl.loop(0, NCHUNK - 2 * NBUF, step=NBUF)
        def _(k4):
            for b in range(NBUF):
                j = k4 + b
                wait_g(b)
                start_s(j, b)
                wait_s(b)
                start_g(j + NBUF, b)

        for b in range(NBUF):
            j = NCHUNK - 2 * NBUF + b
            wait_g(b)
            start_s(j, b)
            wait_s(b)
            start_g(j + NBUF, b)
        for b in range(NBUF):
            wait_g(b)
            start_s(NCHUNK - NBUF + b, b)
            wait_s(b)

        plsc.subcore_barrier()
        pltpu.sync_copy(acc.at[pl.ds(r0, RPS)], out_hbm.at[c, s])

    return k(g, srcc, dstc, zeros)


def _prep(x, W, counts):
    def body(x_ref, w_ref, c_ref, dinv_ref, gb_ref):
        deg = 1.0 + jnp.sum(c_ref[...], axis=0)
        dinv = lax.rsqrt(deg)[:, None]
        dinv_ref[...] = dinv
        g = jnp.dot(x_ref[...], w_ref[...],
                    preferred_element_type=F32) * dinv
        gb_ref[...] = g.astype(jnp.bfloat16)

    C = W.shape[1]
    return pl.pallas_call(
        body,
        out_shape=(jax.ShapeDtypeStruct((N, 1), F32),
                   jax.ShapeDtypeStruct((N, C), jnp.bfloat16)),
    )(x, W, counts)


def _layer(acc, g, dinv, b2d, W, out_dt):
    def body(a_ref, g_ref, d_ref, b_ref, w_ref, o_ref):
        a = (a_ref[0] + a_ref[1]).astype(F32)
        t = (a + g_ref[...].astype(F32)) * d_ref[...] + b_ref[...]
        z = jnp.maximum(t, 0.0)
        o = jnp.dot(z, w_ref[...], preferred_element_type=F32) * d_ref[...]
        o_ref[...] = o.astype(out_dt)

    C = W.shape[1]
    return pl.pallas_call(
        body,
        out_shape=jax.ShapeDtypeStruct((N, C), out_dt),
    )(acc, g, dinv, b2d, W)


def _final(acc, g, dinv, b2d):
    def body(a_ref, g_ref, d_ref, b_ref, o_ref):
        a = (a_ref[0] + a_ref[1]).astype(F32)
        o_ref[...] = (a + g_ref[...]) * d_ref[...] + b_ref[...]

    return pl.pallas_call(
        body,
        out_shape=jax.ShapeDtypeStruct(g.shape, F32),
    )(acc, g, dinv, b2d)


def kernel(x, edge_index, W1, b1, W2, b2, W3, b3):
    src = edge_index[0].astype(jnp.int32)
    dst = edge_index[1].astype(jnp.int32)
    pad_src = jnp.broadcast_to((jnp.arange(EPAD, dtype=jnp.int32) * 41) % N,
                               (NW, EPAD))
    pad_dst = jnp.broadcast_to(N + (jnp.arange(EPAD, dtype=jnp.int32)
                                    % NDUMMY), (NW, EPAD))
    srcc = jnp.concatenate([src.reshape(NW, EPW), pad_src],
                           axis=1).reshape(NW, NCHUNK, CHUNK)
    dstc = jnp.concatenate([dst.reshape(NW, EPW), pad_dst],
                           axis=1).reshape(NW, NCHUNK, CHUNK)
    dst16 = dst.reshape(NW, NHCH, 16)
    BF16 = jnp.bfloat16
    z64 = jnp.zeros((NS, RPS, 64), BF16)
    z16 = jnp.zeros((NS, RPS, 16), F32)

    counts = _hist(dst16).reshape(NW, N)
    dinv, g1 = _prep(x, W1, counts)
    acc1 = _agg(g1, srcc, dstc, z64, 64, BF16).reshape(NC, N, 64)
    g2 = _layer(acc1, g1, dinv, b1.reshape(1, -1), W2, BF16)
    acc2 = _agg(g2, srcc, dstc, z64, 64, BF16).reshape(NC, N, 64)
    g3 = _layer(acc2, g2, dinv, b2.reshape(1, -1), W3, F32)
    acc3 = _agg(g3, srcc, dstc, z16, 16, F32).reshape(NC, N, 16)
    return _final(acc3, g3, dinv, b3.reshape(1, -1))

# --- scband reference (transcript-rebuilt; emitter-appended) ---
"""Pipeline reference for scband-gcn-24610162606454 (READ-ONLY COPY).

The authoritative reference and input builder live on the scoring server;
editing this copy changes nothing except your own understanding.
"""

import jax, jax.numpy as jnp
import numpy as np

N_NODES = 10000
N_EDGES = 320000
IN_CH = 128
HID_CH = 64
OUT_CH = 16


def setup_inputs(seed: int = 0) -> dict:
    key = jax.random.key(seed)
    ks = jax.random.split(key, 8)
    x = jax.random.normal(ks[0], (N_NODES, IN_CH), dtype=jnp.float32)
    edge_index = jax.random.randint(ks[1], (2, N_EDGES), 0, N_NODES, dtype=jnp.int64 if jax.config.jax_enable_x64 else jnp.int32)
    # learned parameters (glorot-ish init)
    W1 = jax.random.normal(ks[2], (IN_CH, HID_CH), dtype=jnp.float32) * (1.0 / np.sqrt(IN_CH))
    b1 = jnp.zeros((HID_CH,), dtype=jnp.float32)
    W2 = jax.random.normal(ks[3], (HID_CH, HID_CH), dtype=jnp.float32) * (1.0 / np.sqrt(HID_CH))
    b2 = jnp.zeros((HID_CH,), dtype=jnp.float32)
    W3 = jax.random.normal(ks[4], (HID_CH, OUT_CH), dtype=jnp.float32) * (1.0 / np.sqrt(HID_CH))
    b3 = jnp.zeros((OUT_CH,), dtype=jnp.float32)
    return {"x": x, "edge_index": edge_index, "W1": W1, "b1": b1, "W2": W2, "b2": b2, "W3": W3, "b3": b3}


def _gcn_conv(x, src, dst, norm, W, b, n_nodes):
    # x' = D^{-1/2} (A + I) D^{-1/2} x W + b  (GCNConv; dropout is identity in eval)
    h = x @ W
    msg = h[src] * norm[:, None]
    out = jnp.zeros((n_nodes, W.shape[1]), dtype=h.dtype).at[dst].add(msg)
    return out + b


def _prep_graph(edge_index, n_nodes):
    loop = jnp.arange(n_nodes, dtype=edge_index.dtype)
    src = jnp.concatenate([edge_index[0], loop])
    dst = jnp.concatenate([edge_index[1], loop])
    deg = jnp.zeros((n_nodes,), dtype=jnp.float32).at[dst].add(1.0)
    dinv = jax.lax.rsqrt(deg)
    norm = dinv[src] * dinv[dst]
    return src, dst, norm


def reference(x, edge_index, W1, b1, W2, b2, W3, b3):
    n = x.shape[0]
    src, dst, norm = _prep_graph(edge_index, n)
    h = _gcn_conv(x, src, dst, norm, W1, b1, n)
    h = jax.nn.relu(h)
    h = _gcn_conv(h, src, dst, norm, W2, b2, n)
    h = jax.nn.relu(h)
    h = _gcn_conv(h, src, dst, norm, W3, b3, n)
    return h

if __name__ == "__main__":
    import jax
    _d = setup_inputs()
    print(jax.jit(kernel)(*tuple(_d.values())))

</pallas_src>

<mosaic_0001>
#map = affine_map<(d0, d1) -> (0, 0, 0)>
module attributes {stable_mosaic.version = 14 : i64} {
  func.func @k(%arg0: i32, %arg1: i32, %arg2: memref<32x625x16xi32, #tpu.memory_space<hbm>>, %arg3: memref<32x1x10000xf32, #tpu.memory_space<hbm>>, %arg4: memref<10000xf32, #tpu.memory_space<vmem>>, %arg5: memref<625x16xi32, #tpu.memory_space<vmem>>) attributes {dimension_semantics = [#tpu.dimension_semantics<core_parallel>, #tpu.dimension_semantics<subcore_parallel>], iteration_bounds = array<i64: 2, 16>, scalar_prefetch = 0 : i64, scratch_operands = 2 : i64, tpu.core_type = #tpu.core_type<sc_vector_subcore>, window_params = [{transform_indices = #map}, {transform_indices = #map}]} {
    %mul3A = arith.constant 2 : i32
    %mul3A_0 = arith.muli %arg1, %mul3A : i32
    %add3A = arith.addi %mul3A_0, %arg0 : i32
    "tpu.region"() ({
      %run_scoped3A_11 = tpu.sem_alloc : memref<!tpu.dma_semaphore, #tpu.memory_space<semaphore_mem>>
      %dma_start3A = arith.constant 0 : i32
      %dma_start3A_12 = arith.constant 0 : i32
      %dma_start3A_13 = tpu.memref_slice %arg2[%add3A, %dma_start3A, %dma_start3A_12] : memref<32x625x16xi32, #tpu.memory_space<hbm>> -> memref<1x625x16xi32, #tpu.memory_space<hbm>>
      %dma_start3A_14 = tpu.memref_squeeze %dma_start3A_13 : memref<1x625x16xi32, #tpu.memory_space<hbm>> -> memref<625x16xi32, #tpu.memory_space<hbm>>
      %dma_start3A_15 = arith.constant 0 : i32
      %dma_start3A_16 = arith.constant 0 : i32
      %dma_start3A_17 = tpu.memref_slice %arg2[%add3A, %dma_start3A_15, %dma_start3A_16] : memref<32x625x16xi32, #tpu.memory_space<hbm>> -> memref<1x625x16xi32, #tpu.memory_space<hbm>>
      %dma_start3A_18 = tpu.memref_squeeze %dma_start3A_17 : memref<1x625x16xi32, #tpu.memory_space<hbm>> -> memref<625x16xi32, #tpu.memory_space<hbm>>
      tpu.enqueue_dma source(%dma_start3A_18 : memref<625x16xi32, #tpu.memory_space<hbm>>) target(%arg5 : memref<625x16xi32, #tpu.memory_space<vmem>>) target_semaphore(%run_scoped3A_11 : memref<!tpu.dma_semaphore, #tpu.memory_space<semaphore_mem>>)
      %dma_wait3A = arith.constant 0 : i32
      %dma_wait3A_19 = arith.constant 0 : i32
      %dma_wait3A_20 = tpu.memref_slice %arg2[%add3A, %dma_wait3A, %dma_wait3A_19] : memref<32x625x16xi32, #tpu.memory_space<hbm>> -> memref<1x625x16xi32, #tpu.memory_space<hbm>>
      %dma_wait3A_21 = tpu.memref_squeeze %dma_wait3A_20 : memref<1x625x16xi32, #tpu.memory_space<hbm>> -> memref<625x16xi32, #tpu.memory_space<hbm>>
      %dma_wait3A_22 = arith.constant 0 : i32
      %dma_wait3A_23 = arith.constant 0 : i32
      %dma_wait3A_24 = tpu.memref_slice %arg2[%add3A, %dma_wait3A_22, %dma_wait3A_23] : memref<32x625x16xi32, #tpu.memory_space<hbm>> -> memref<1x625x16xi32, #tpu.memory_space<hbm>>
      %dma_wait3A_25 = tpu.memref_squeeze %dma_wait3A_24 : memref<1x625x16xi32, #tpu.memory_space<hbm>> -> memref<625x16xi32, #tpu.memory_space<hbm>>
      tpu.wait_dma2 semaphore(%run_scoped3A_11 : memref<!tpu.dma_semaphore, #tpu.memory_space<semaphore_mem>>) src(%dma_wait3A_25 : memref<625x16xi32, #tpu.memory_space<hbm>>) dst(%arg5 : memref<625x16xi32, #tpu.memory_space<vmem>>)
      tpu.yield
    }) : () -> ()
    %scan3A = arith.constant 0 : i32
    %scan3A_1 = arith.constant 625 : i32
    %scan3A_2 = arith.addi %scan3A, %scan3A_1 : i32
    %scan3A_3 = arith.constant 1 : i32
    scf.for %scan3A_11 = %scan3A to %scan3A_2 step %scan3A_3  : i32 {
      %mul3A_12 = arith.constant 16 : i32
      %mul3A_13 = arith.muli %scan3A_11, %mul3A_12 : i32
      %add3A_14 = arith.constant 0 : i32
      %add3A_15 = arith.addi %add3A_14, %mul3A_13 : i32
      %broadcast_in_dim3A_16 = arith.constant 0.000000e+00 : f32
      %broadcast_in_dim3A_17 = vector.broadcast %broadcast_in_dim3A_16 : f32 to vector<16xf32>
      %swap3A = arith.index_cast %add3A_15 : i32 to index
      %swap3A_18 = tpu.vector_load %arg4[%swap3A] {strides = array<i32>} : memref<10000xf32, #tpu.memory_space<vmem>>, vector<16xf32>,
      tpu.vector_store %arg4[%swap3A], %broadcast_in_dim3A_17 {strides = array<i32>} : memref<10000xf32, #tpu.memory_space<vmem>>, vector<16xf32>,
    }
    %scan3A_4 = arith.constant 625 : i32
    %broadcast_in_dim3A = arith.constant 1.000000e+00 : f32
    %broadcast_in_dim3A_5 = vector.broadcast %broadcast_in_dim3A : f32 to vector<16xf32>
    %scan3A_6 = arith.constant 0 : i32
    %scan3A_7 = arith.constant 625 : i32
    %scan3A_8 = arith.addi %scan3A_6, %scan3A_7 : i32
    %scan3A_9 = arith.constant 1 : i32
    scf.for %scan3A_11 = %scan3A_6 to %scan3A_8 step %scan3A_9  : i32 {
      %mul3A_12 = arith.constant 1 : i32
      %mul3A_13 = arith.muli %scan3A_11, %mul3A_12 : i32
      %add3A_14 = arith.constant 0 : i32
      %add3A_15 = arith.addi %add3A_14, %mul3A_13 : i32
      %get3A = arith.index_cast %add3A_15 : i32 to index
      %get3A_16 = arith.constant 0 : index
      %get3A_17 = tpu.vector_load %arg5[%get3A, %get3A_16] {strides = array<i32>} : memref<625x16xi32, #tpu.memory_space<vmem>>, vector<16xi32>,
      tpu.vector_store_idx %arg4[%get3A_17], %broadcast_in_dim3A_5 {add = true} : memref<10000xf32, #tpu.memory_space<vmem>>[vector<16xi32>], vector<16xf32>,
    }
    %scan3A_10 = arith.constant 625 : i32
    %run_scoped3A = arith.constant 0 : i32
    "tpu.region"() ({
      %run_scoped3A_11 = tpu.sem_alloc : memref<!tpu.dma_semaphore, #tpu.memory_space<semaphore_mem>>
      %dma_start3A = arith.constant 0 : i32
      %dma_start3A_12 = tpu.memref_slice %arg3[%add3A, %run_scoped3A, %dma_start3A] : memref<32x1x10000xf32, #tpu.memory_space<hbm>> -> memref<1x1x10000xf32, #tpu.memory_space<hbm>>
      %dma_start3A_13 = tpu.memref_squeeze %dma_start3A_12 : memref<1x1x10000xf32, #tpu.memory_space<hbm>> -> memref<10000xf32, #tpu.memory_space<hbm>>
      %dma_start3A_14 = arith.constant 0 : i32
      %dma_start3A_15 = tpu.memref_slice %arg3[%add3A, %run_scoped3A, %dma_start3A_14] : memref<32x1x10000xf32, #tpu.memory_space<hbm>> -> memref<1x1x10000xf32, #tpu.memory_space<hbm>>
      %dma_start3A_16 = tpu.memref_squeeze %dma_start3A_15 : memref<1x1x10000xf32, #tpu.memory_space<hbm>> -> memref<10000xf32, #tpu.memory_space<hbm>>
      tpu.enqueue_dma source(%arg4 : memref<10000xf32, #tpu.memory_space<vmem>>) target(%dma_start3A_16 : memref<10000xf32, #tpu.memory_space<hbm>>) target_semaphore(%run_scoped3A_11 : memref<!tpu.dma_semaphore, #tpu.memory_space<semaphore_mem>>)
      %dma_wait3A = arith.constant 0 : i32
      %dma_wait3A_17 = tpu.memref_slice %arg3[%add3A, %run_scoped3A, %dma_wait3A] : memref<32x1x10000xf32, #tpu.memory_space<hbm>> -> memref<1x1x10000xf32, #tpu.memory_space<hbm>>
      %dma_wait3A_18 = tpu.memref_squeeze %dma_wait3A_17 : memref<1x1x10000xf32, #tpu.memory_space<hbm>> -> memref<10000xf32, #tpu.memory_space<hbm>>
      %dma_wait3A_19 = arith.constant 0 : i32
      %dma_wait3A_20 = tpu.memref_slice %arg3[%add3A, %run_scoped3A, %dma_wait3A_19] : memref<32x1x10000xf32, #tpu.memory_space<hbm>> -> memref<1x1x10000xf32, #tpu.memory_space<hbm>>
      %dma_wait3A_21 = tpu.memref_squeeze %dma_wait3A_20 : memref<1x1x10000xf32, #tpu.memory_space<hbm>> -> memref<10000xf32, #tpu.memory_space<hbm>>
      tpu.wait_dma2 semaphore(%run_scoped3A_11 : memref<!tpu.dma_semaphore, #tpu.memory_space<semaphore_mem>>) src(%arg4 : memref<10000xf32, #tpu.memory_space<vmem>>) dst(%dma_wait3A_21 : memref<10000xf32, #tpu.memory_space<hbm>>)
      tpu.yield
    }) : () -> ()
    return
  }
}

#map = affine_map<(d0, d1) -> (0, 0)>
#map1 = affine_map<(d0, d1) -> (0, 0, 0)>
#map2 = affine_map<(d0, d1) -> (0, 0, 0, 0)>
module attributes {stable_mosaic.version = 14 : i64} {
  func.func @k(%arg0: i32, %arg1: i32, %arg2: memref<10000x64xbf16, #tpu.memory_space<hbm>>, %arg3: memref<32x80x128xi32, #tpu.memory_space<hbm>>, %arg4: memref<32x80x128xi32, #tpu.memory_space<hbm>>, %arg5: memref<16x625x64xbf16, #tpu.memory_space<hbm>>, %arg6: memref<2x16x625x64xbf16, #tpu.memory_space<hbm>>, %arg7: memref<80x128xi32, #tpu.memory_space<vmem>>, %arg8: memref<80x128xi32, #tpu.memory_space<vmem>>, %arg9: memref<128x64xbf16, #tpu.memory_space<vmem>>, %arg10: memref<128x64xbf16, #tpu.memory_space<vmem>>, %arg11: memref<128x64xbf16, #tpu.memory_space<vmem>>, %arg12: memref<128x64xbf16, #tpu.memory_space<vmem>>, %arg13: memref<128x64xbf16, #tpu.memory_space<vmem>>, %arg14: memref<128x64xbf16, #tpu.memory_space<vmem>>, %arg15: memref<128x64xbf16, #tpu.memory_space<vmem>>, %arg16: memref<128x64xbf16, #tpu.memory_space<vmem>>, %arg17: memref<10008x64xbf16, #tpu.memory_space<vmem_shared>>, %arg18: memref<!tpu.dma_semaphore, #tpu.memory_space<semaphore_mem>>, %arg19: memref<!tpu.dma_semaphore, #tpu.memory_space<semaphore_mem>>, %arg20: memref<!tpu.dma_semaphore, #tpu.memory_space<semaphore_mem>>, %arg21: memref<!tpu.dma_semaphore, #tpu.memory_space<semaphore_mem>>, %arg22: memref<!tpu.dma_semaphore, #tpu.memory_space<semaphore_mem>>, %arg23: memref<!tpu.dma_semaphore, #tpu.memory_space<semaphore_mem>>, %arg24: memref<!tpu.dma_semaphore, #tpu.memory_space<semaphore_mem>>, %arg25: memref<!tpu.dma_semaphore, #tpu.memory_space<semaphore_mem>>, %arg26: memref<!tpu.dma_semaphore, #tpu.memory_space<semaphore_mem>>, %arg27: memref<!tpu.dma_semaphore, #tpu.memory_space<semaphore_mem>>, %arg28: memref<!tpu.dma_semaphore, #tpu.memory_space<semaphore_mem>>, %arg29: memref<!tpu.dma_semaphore, #tpu.memory_space<semaphore_mem>>, %arg30: memref<!tpu.dma_semaphore, #tpu.memory_space<semaphore_mem>>, %arg31: memref<!tpu.dma_semaphore, #tpu.memory_space<semaphore_mem>>, %arg32: memref<!tpu.dma_semaphore, #tpu.memory_space<semaphore_mem>>, %arg33: memref<!tpu.dma_semaphore, #tpu.memory_space<semaphore_mem>>) attributes {dimension_semantics = [#tpu.dimension_semantics<core_parallel>, #tpu.dimension_semantics<subcore_parallel>], iteration_bounds = array<i64: 2, 16>, scalar_prefetch = 0 : i64, scratch_operands = 27 : i64, tpu.core_type = #tpu.core_type<sc_vector_subcore>, window_params = [{transform_indices = #map}, {transform_indices = #map1}, {transform_indices = #map1}, {transform_indices = #map1}, {transform_indices = #map2}]} {
    %mul3A = arith.constant 2 : i32
    %mul3A_0 = arith.muli %arg1, %mul3A : i32
    %add3A = arith.addi %mul3A_0, %arg0 : i32
    "tpu.region"() ({
      %run_scoped3A = tpu.sem_alloc : memref<!tpu.dma_semaphore, #tpu.memory_space<semaphore_mem>>
      %dma_start3A_454 = arith.constant 0 : i32
      %dma_start3A_455 = arith.constant 0 : i32
      %dma_start3A_456 = tpu.memref_slice %arg3[%add3A, %dma_start3A_454, %dma_start3A_455] : memref<32x80x128xi32, #tpu.memory_space<hbm>> -> memref<1x80x128xi32, #tpu.memory_space<hbm>>
      %dma_start3A_457 = tpu.memref_squeeze %dma_start3A_456 : memref<1x80x128xi32, #tpu.memory_space<hbm>> -> memref<80x128xi32, #tpu.memory_space<hbm>>
      %dma_start3A_458 = arith.constant 0 : i32
      %dma_start3A_459 = arith.constant 0 : i32
      %dma_start3A_460 = tpu.memref_slice %arg3[%add3A, %dma_start3A_458, %dma_start3A_459] : memref<32x80x128xi32, #tpu.memory_space<hbm>> -> memref<1x80x128xi32, #tpu.memory_space<hbm>>
      %dma_start3A_461 = tpu.memref_squeeze %dma_start3A_460 : memref<1x80x128xi32, #tpu.memory_space<hbm>> -> memref<80x128xi32, #tpu.memory_space<hbm>>
      tpu.enqueue_dma source(%dma_start3A_461 : memref<80x128xi32, #tpu.memory_space<hbm>>) target(%arg7 : memref<80x128xi32, #tpu.memory_space<vmem>>) target_semaphore(%run_scoped3A : memref<!tpu.dma_semaphore, #tpu.memory_space<semaphore_mem>>)
      %dma_wait3A_462 = arith.constant 0 : i32
      %dma_wait3A_463 = arith.constant 0 : i32
      %dma_wait3A_464 = tpu.memref_slice %arg3[%add3A, %dma_wait3A_462, %dma_wait3A_463] : memref<32x80x128xi32, #tpu.memory_space<hbm>> -> memref<1x80x128xi32, #tpu.memory_space<hbm>>
      %dma_wait3A_465 = tpu.memref_squeeze %dma_wait3A_464 : memref<1x80x128xi32, #tpu.memory_space<hbm>> -> memref<80x128xi32, #tpu.memory_space<hbm>>
      %dma_wait3A_466 = arith.constant 0 : i32
      %dma_wait3A_467 = arith.constant 0 : i32
      %dma_wait3A_468 = tpu.memref_slice %arg3[%add3A, %dma_wait3A_466, %dma_wait3A_467] : memref<32x80x128xi32, #tpu.memory_space<hbm>> -> memref<1x80x128xi32, #tpu.memory_space<hbm>>
      %dma_wait3A_469 = tpu.memref_squeeze %dma_wait3A_468 : memref<1x80x128xi32, #tpu.memory_space<hbm>> -> memref<80x128xi32, #tpu.memory_space<hbm>>
      tpu.wait_dma2 semaphore(%run_scoped3A : memref<!tpu.dma_semaphore, #tpu.memory_space<semaphore_mem>>) src(%dma_wait3A_469 : memref<80x128xi32, #tpu.memory_space<hbm>>) dst(%arg7 : memref<80x128xi32, #tpu.memory_space<vmem>>)
      tpu.yield
    }) : () -> ()
    "tpu.region"() ({
      %run_scoped3A = tpu.sem_alloc : memref<!tpu.dma_semaphore, #tpu.memory_space<semaphore_mem>>
      %dma_start3A_454 = arith.constant 0 : i32
      %dma_start3A_455 = arith.constant 0 : i32
      %dma_start3A_456 = tpu.memref_slice %arg4[%add3A, %dma_start3A_454, %dma_start3A_455] : memref<32x80x128xi32, #tpu.memory_space<hbm>> -> memref<1x80x128xi32, #tpu.memory_space<hbm>>
      %dma_start3A_457 = tpu.memref_squeeze %dma_start3A_456 : memref<1x80x128xi32, #tpu.memory_space<hbm>> -> memref<80x128xi32, #tpu.memory_space<hbm>>
      %dma_start3A_458 = arith.constant 0 : i32
      %dma_start3A_459 = arith.constant 0 : i32
      %dma_start3A_460 = tpu.memref_slice %arg4[%add3A, %dma_start3A_458, %dma_start3A_459] : memref<32x80x128xi32, #tpu.memory_space<hbm>> -> memref<1x80x128xi32, #tpu.memory_space<hbm>>
      %dma_start3A_461 = tpu.memref_squeeze %dma_start3A_460 : memref<1x80x128xi32, #tpu.memory_space<hbm>> -> memref<80x128xi32, #tpu.memory_space<hbm>>
      tpu.enqueue_dma source(%dma_start3A_461 : memref<80x128xi32, #tpu.memory_space<hbm>>) target(%arg8 : memref<80x128xi32, #tpu.memory_space<vmem>>) target_semaphore(%run_scoped3A : memref<!tpu.dma_semaphore, #tpu.memory_space<semaphore_mem>>)
      %dma_wait3A_462 = arith.constant 0 : i32
      %dma_wait3A_463 = arith.constant 0 : i32
      %dma_wait3A_464 = tpu.memref_slice %arg4[%add3A, %dma_wait3A_462, %dma_wait3A_463] : memref<32x80x128xi32, #tpu.memory_space<hbm>> -> memref<1x80x128xi32, #tpu.memory_space<hbm>>
      %dma_wait3A_465 = tpu.memref_squeeze %dma_wait3A_464 : memref<1x80x128xi32, #tpu.memory_space<hbm>> -> memref<80x128xi32, #tpu.memory_space<hbm>>
      %dma_wait3A_466 = arith.constant 0 : i32
      %dma_wait3A_467 = arith.constant 0 : i32
      %dma_wait3A_468 = tpu.memref_slice %arg4[%add3A, %dma_wait3A_466, %dma_wait3A_467] : memref<32x80x128xi32, #tpu.memory_space<hbm>> -> memref<1x80x128xi32, #tpu.memory_space<hbm>>
      %dma_wait3A_469 = tpu.memref_squeeze %dma_wait3A_468 : memref<1x80x128xi32, #tpu.memory_space<hbm>> -> memref<80x128xi32, #tpu.memory_space<hbm>>
      tpu.wait_dma2 semaphore(%run_scoped3A : memref<!tpu.dma_semaphore, #tpu.memory_space<semaphore_mem>>) src(%dma_wait3A_469 : memref<80x128xi32, #tpu.memory_space<hbm>>) dst(%arg8 : memref<80x128xi32, #tpu.memory_space<vmem>>)
      tpu.yield
    }) : () -> ()
    %dma_start3A = arith.constant 0 : i32
    %dma_start3A_1 = arith.constant 0 : i32
    %dma_start3A_2 = tpu.memref_slice %arg7[%dma_start3A, %dma_start3A_1] : memref<80x128xi32, #tpu.memory_space<vmem>> -> memref<1x128xi32, #tpu.memory_space<vmem>>
    %dma_start3A_3 = tpu.memref_squeeze %dma_start3A_2 : memref<1x128xi32, #tpu.memory_space<vmem>> -> memref<128xi32, #tpu.memory_space<vmem>>
    %dma_start3A_4 = arith.constant 0 : i32
    %dma_start3A_5 = arith.constant 0 : i32
    %dma_start3A_6 = tpu.memref_slice %arg2[%dma_start3A_4, %dma_start3A_5] : memref<10000x64xbf16, #tpu.memory_space<hbm>> -> memref<10000x64xbf16, #tpu.memory_space<hbm>>
    tpu.enqueue_indirect_dma source(%dma_start3A_6 : memref<10000x64xbf16, #tpu.memory_space<hbm>>) target(%arg9 : memref<128x64xbf16, #tpu.memory_space<vmem>>) offsets(%dma_start3A_3 : memref<128xi32, #tpu.memory_space<vmem>>) semaphore(%arg18 : memref<!tpu.dma_semaphore, #tpu.memory_space<semaphore_mem>>)
    %dma_start3A_7 = arith.constant 1 : i32
    %dma_start3A_8 = arith.constant 0 : i32
    %dma_start3A_9 = tpu.memref_slice %arg7[%dma_start3A_7, %dma_start3A_8] : memref<80x128xi32, #tpu.memory_space<vmem>> -> memref<1x128xi32, #tpu.memory_space<vmem>>
    %dma_start3A_10 = tpu.memref_squeeze %dma_start3A_9 : memref<1x128xi32, #tpu.memory_space<vmem>> -> memref<128xi32, #tpu.memory_space<vmem>>
    %dma_start3A_11 = arith.constant 0 : i32
    %dma_start3A_12 = arith.constant 0 : i32
    %dma_start3A_13 = tpu.memref_slice %arg2[%dma_start3A_11, %dma_start3A_12] : memref<10000x64xbf16, #tpu.memory_space<hbm>> -> memref<10000x64xbf16, #tpu.memory_space<hbm>>
    tpu.enqueue_indirect_dma source(%dma_start3A_13 : memref<10000x64xbf16, #tpu.memory_space<hbm>>) target(%arg10 : memref<128x64xbf16, #tpu.memory_space<vmem>>) offsets(%dma_start3A_10 : memref<128xi32, #tpu.memory_space<vmem>>) semaphore(%arg19 : memref<!tpu.dma_semaphore, #tpu.memory_space<semaphore_mem>>)
    %dma_start3A_14 = arith.constant 2 : i32
    %dma_start3A_15 = arith.constant 0 : i32
    %dma_start3A_16 = tpu.memref_slice %arg7[%dma_start3A_14, %dma_start3A_15] : memref<80x128xi32, #tpu.memory_space<vmem>> -> memref<1x128xi32, #tpu.memory_space<vmem>>
    %dma_start3A_17 = tpu.memref_squeeze %dma_start3A_16 : memref<1x128xi32, #tpu.memory_space<vmem>> -> memref<128xi32, #tpu.memory_space<vmem>>
    %dma_start3A_18 = arith.constant 0 : i32
    %dma_start3A_19 = arith.constant 0 : i32
    %dma_start3A_20 = tpu.memref_slice %arg2[%dma_start3A_18, %dma_start3A_19] : memref<10000x64xbf16, #tpu.memory_space<hbm>> -> memref<10000x64xbf16, #tpu.memory_space<hbm>>
    tpu.enqueue_indirect_dma source(%dma_start3A_20 : memref<10000x64xbf16, #tpu.memory_space<hbm>>) target(%arg11 : memref<128x64xbf16, #tpu.memory_space<vmem>>) offsets(%dma_start3A_17 : memref<128xi32, #tpu.memory_space<vmem>>) semaphore(%arg20 : memref<!tpu.dma_semaphore, #tpu.memory_space<semaphore_mem>>)
    %dma_start3A_21 = arith.constant 3 : i32
    %dma_start3A_22 = arith.constant 0 : i32
    %dma_start3A_23 = tpu.memref_slice %arg7[%dma_start3A_21, %dma_start3A_22] : memref<80x128xi32, #tpu.memory_space<vmem>> -> memref<1x128xi32, #tpu.memory_space<vmem>>
    %dma_start3A_24 = tpu.memref_squeeze %dma_start3A_23 : memref<1x128xi32, #tpu.memory_space<vmem>> -> memref<128xi32, #tpu.memory_space<vmem>>
    %dma_start3A_25 = arith.constant 0 : i32
    %dma_start3A_26 = arith.constant 0 : i32
    %dma_start3A_27 = tpu.memref_slice %arg2[%dma_start3A_25, %dma_start3A_26] : memref<10000x64xbf16, #tpu.memory_space<hbm>> -> memref<10000x64xbf16, #tpu.memory_space<hbm>>
    tpu.enqueue_indirect_dma source(%dma_start3A_27 : memref<10000x64xbf16, #tpu.memory_space<hbm>>) target(%arg12 : memref<128x64xbf16, #tpu.memory_space<vmem>>) offsets(%dma_start3A_24 : memref<128xi32, #tpu.memory_space<vmem>>) semaphore(%arg21 : memref<!tpu.dma_semaphore, #tpu.memory_space<semaphore_mem>>)
    %dma_start3A_28 = arith.constant 4 : i32
    %dma_start3A_29 = arith.constant 0 : i32
    %dma_start3A_30 = tpu.memref_slice %arg7[%dma_start3A_28, %dma_start3A_29] : memref<80x128xi32, #tpu.memory_space<vmem>> -> memref<1x128xi32, #tpu.memory_space<vmem>>
    %dma_start3A_31 = tpu.memref_squeeze %dma_start3A_30 : memref<1x128xi32, #tpu.memory_space<vmem>> -> memref<128xi32, #tpu.memory_space<vmem>>
    %dma_start3A_32 = arith.constant 0 : i32
    %dma_start3A_33 = arith.constant 0 : i32
    %dma_start3A_34 = tpu.memref_slice %arg2[%dma_start3A_32, %dma_start3A_33] : memref<10000x64xbf16, #tpu.memory_space<hbm>> -> memref<10000x64xbf16, #tpu.memory_space<hbm>>
    tpu.enqueue_indirect_dma source(%dma_start3A_34 : memref<10000x64xbf16, #tpu.memory_space<hbm>>) target(%arg13 : memref<128x64xbf16, #tpu.memory_space<vmem>>) offsets(%dma_start3A_31 : memref<128xi32, #tpu.memory_space<vmem>>) semaphore(%arg22 : memref<!tpu.dma_semaphore, #tpu.memory_space<semaphore_mem>>)
    %dma_start3A_35 = arith.constant 5 : i32
    %dma_start3A_36 = arith.constant 0 : i32
    %dma_start3A_37 = tpu.memref_slice %arg7[%dma_start3A_35, %dma_start3A_36] : memref<80x128xi32, #tpu.memory_space<vmem>> -> memref<1x128xi32, #tpu.memory_space<vmem>>
    %dma_start3A_38 = tpu.memref_squeeze %dma_start3A_37 : memref<1x128xi32, #tpu.memory_space<vmem>> -> memref<128xi32, #tpu.memory_space<vmem>>
    %dma_start3A_39 = arith.constant 0 : i32
    %dma_start3A_40 = arith.constant 0 : i32
    %dma_start3A_41 = tpu.memref_slice %arg2[%dma_start3A_39, %dma_start3A_40] : memref<10000x64xbf16, #tpu.memory_space<hbm>> -> memref<10000x64xbf16, #tpu.memory_space<hbm>>
    tpu.enqueue_indirect_dma source(%dma_start3A_41 : memref<10000x64xbf16, #tpu.memory_space<hbm>>) target(%arg14 : memref<128x64xbf16, #tpu.memory_space<vmem>>) offsets(%dma_start3A_38 : memref<128xi32, #tpu.memory_space<vmem>>) semaphore(%arg23 : memref<!tpu.dma_semaphore, #tpu.memory_space<semaphore_mem>>)
    %dma_start3A_42 = arith.constant 6 : i32
    %dma_start3A_43 = arith.constant 0 : i32
    %dma_start3A_44 = tpu.memref_slice %arg7[%dma_start3A_42, %dma_start3A_43] : memref<80x128xi32, #tpu.memory_space<vmem>> -> memref<1x128xi32, #tpu.memory_space<vmem>>
    %dma_start3A_45 = tpu.memref_squeeze %dma_start3A_44 : memref<1x128xi32, #tpu.memory_space<vmem>> -> memref<128xi32, #tpu.memory_space<vmem>>
    %dma_start3A_46 = arith.constant 0 : i32
    %dma_start3A_47 = arith.constant 0 : i32
    %dma_start3A_48 = tpu.memref_slice %arg2[%dma_start3A_46, %dma_start3A_47] : memref<10000x64xbf16, #tpu.memory_space<hbm>> -> memref<10000x64xbf16, #tpu.memory_space<hbm>>
    tpu.enqueue_indirect_dma source(%dma_start3A_48 : memref<10000x64xbf16, #tpu.memory_space<hbm>>) target(%arg15 : memref<128x64xbf16, #tpu.memory_space<vmem>>) offsets(%dma_start3A_45 : memref<128xi32, #tpu.memory_space<vmem>>) semaphore(%arg24 : memref<!tpu.dma_semaphore, #tpu.memory_space<semaphore_mem>>)
    %dma_start3A_49 = arith.constant 7 : i32
    %dma_start3A_50 = arith.constant 0 : i32
    %dma_start3A_51 = tpu.memref_slice %arg7[%dma_start3A_49, %dma_start3A_50] : memref<80x128xi32, #tpu.memory_space<vmem>> -> memref<1x128xi32, #tpu.memory_space<vmem>>
    %dma_start3A_52 = tpu.memref_squeeze %dma_start3A_51 : memref<1x128xi32, #tpu.memory_space<vmem>> -> memref<128xi32, #tpu.memory_space<vmem>>
    %dma_start3A_53 = arith.constant 0 : i32
    %dma_start3A_54 = arith.constant 0 : i32
    %dma_start3A_55 = tpu.memref_slice %arg2[%dma_start3A_53, %dma_start3A_54] : memref<10000x64xbf16, #tpu.memory_space<hbm>> -> memref<10000x64xbf16, #tpu.memory_space<hbm>>
    tpu.enqueue_indirect_dma source(%dma_start3A_55 : memref<10000x64xbf16, #tpu.memory_space<hbm>>) target(%arg16 : memref<128x64xbf16, #tpu.memory_space<vmem>>) offsets(%dma_start3A_52 : memref<128xi32, #tpu.memory_space<vmem>>) semaphore(%arg25 : memref<!tpu.dma_semaphore, #tpu.memory_space<semaphore_mem>>)
    %mul3A_56 = arith.constant 625 : i32
    %mul3A_57 = arith.muli %arg1, %mul3A_56 : i32
    "tpu.region"() ({
      %run_scoped3A = tpu.sem_alloc : memref<!tpu.dma_semaphore, #tpu.memory_space<semaphore_mem>>
      %dma_start3A_454 = arith.constant 0 : i32
      %dma_start3A_455 = tpu.memref_slice %arg17[%mul3A_57, %dma_start3A_454] : memref<10008x64xbf16, #tpu.memory_space<vmem_shared>> -> memref<625x64xbf16, #tpu.memory_space<vmem_shared>>
      %dma_start3A_456 = arith.constant 0 : i32
      %dma_start3A_457 = arith.constant 0 : i32
      %dma_start3A_458 = tpu.memref_slice %arg5[%arg1, %dma_start3A_456, %dma_start3A_457] : memref<16x625x64xbf16, #tpu.memory_space<hbm>> -> memref<1x625x64xbf16, #tpu.memory_space<hbm>>
      %dma_start3A_459 = tpu.memref_squeeze %dma_start3A_458 : memref<1x625x64xbf16, #tpu.memory_space<hbm>> -> memref<625x64xbf16, #tpu.memory_space<hbm>>
      tpu.enqueue_dma source(%dma_start3A_459 : memref<625x64xbf16, #tpu.memory_space<hbm>>) target(%dma_start3A_455 : memref<625x64xbf16, #tpu.memory_space<vmem_shared>>) target_semaphore(%run_scoped3A : memref<!tpu.dma_semaphore, #tpu.memory_space<semaphore_mem>>)
      %dma_wait3A_460 = arith.constant 0 : i32
      %dma_wait3A_461 = tpu.memref_slice %arg17[%mul3A_57, %dma_wait3A_460] : memref<10008x64xbf16, #tpu.memory_space<vmem_shared>> -> memref<625x64xbf16, #tpu.memory_space<vmem_shared>>
      %dma_wait3A_462 = arith.constant 0 : i32
      %dma_wait3A_463 = arith.constant 0 : i32
      %dma_wait3A_464 = tpu.memref_slice %arg5[%arg1, %dma_wait3A_462, %dma_wait3A_463] : memref<16x625x64xbf16, #tpu.memory_space<hbm>> -> memref<1x625x64xbf16, #tpu.memory_space<hbm>>
      %dma_wait3A_465 = tpu.memref_squeeze %dma_wait3A_464 : memref<1x625x64xbf16, #tpu.memory_space<hbm>> -> memref<625x64xbf16, #tpu.memory_space<hbm>>
      tpu.wait_dma2 semaphore(%run_scoped3A : memref<!tpu.dma_semaphore, #tpu.memory_space<semaphore_mem>>) src(%dma_wait3A_465 : memref<625x64xbf16, #tpu.memory_space<hbm>>) dst(%dma_wait3A_461 : memref<625x64xbf16, #tpu.memory_space<vmem_shared>>)
      tpu.yield
    }) : () -> ()
    %barrier3A = arith.constant 0 : index
    tpu.barrier barrier_id(%barrier3A)
    %scan3A = arith.constant 0 : i32
    %scan3A_58 = arith.constant 8 : i32
    %scan3A_59 = arith.addi %scan3A, %scan3A_58 : i32
    %scan3A_60 = arith.constant 1 : i32
    scf.for %scan3A_454 = %scan3A to %scan3A_59 step %scan3A_60  : i32 {
      %mul3A_455 = arith.constant 8 : i32
      %mul3A_456 = arith.muli %scan3A_454, %mul3A_455 : i32
      %add3A_457 = arith.constant 0 : i32
      %add3A_458 = arith.addi %add3A_457, %mul3A_456 : i32
      %add3A_459 = arith.constant 0 : i32
      %add3A_460 = arith.addi %add3A_458, %add3A_459 : i32
      %dma_wait3A_461 = arith.constant 0 : i32
      %dma_wait3A_462 = arith.constant 0 : i32
      %dma_wait3A_463 = tpu.memref_slice %arg7[%dma_wait3A_461, %dma_wait3A_462] : memref<80x128xi32, #tpu.memory_space<vmem>> -> memref<1x128xi32, #tpu.memory_space<vmem>>
      %dma_wait3A_464 = tpu.memref_squeeze %dma_wait3A_463 : memref<1x128xi32, #tpu.memory_space<vmem>> -> memref<128xi32, #tpu.memory_space<vmem>>
      %dma_wait3A_465 = arith.constant 0 : i32
      %dma_wait3A_466 = arith.constant 0 : i32
      %dma_wait3A_467 = tpu.memref_slice %arg2[%dma_wait3A_465, %dma_wait3A_466] : memref<10000x64xbf16, #tpu.memory_space<hbm>> -> memref<10000x64xbf16, #tpu.memory_space<hbm>>
      tpu.wait_indirect_dma semaphore(%arg18 : memref<!tpu.dma_semaphore, #tpu.memory_space<semaphore_mem>>) src(%dma_wait3A_467 : memref<10000x64xbf16, #tpu.memory_space<hbm>>) dst(%arg9 : memref<128x64xbf16, #tpu.memory_space<vmem>>)
      %dma_start3A_468 = arith.constant 0 : i32
      %dma_start3A_469 = tpu.memref_slice %arg8[%add3A_460, %dma_start3A_468] : memref<80x128xi32, #tpu.memory_space<vmem>> -> memref<1x128xi32, #tpu.memory_space<vmem>>
      %dma_start3A_470 = tpu.memref_squeeze %dma_start3A_469 : memref<1x128xi32, #tpu.memory_space<vmem>> -> memref<128xi32, #tpu.memory_space<vmem>>
      %dma_start3A_471 = arith.constant 0 : i32
      %dma_start3A_472 = arith.constant 0 : i32
      %dma_start3A_473 = tpu.memref_slice %arg17[%dma_start3A_471, %dma_start3A_472] : memref<10008x64xbf16, #tpu.memory_space<vmem_shared>> -> memref<10008x64xbf16, #tpu.memory_space<vmem_shared>>
      tpu.enqueue_indirect_dma source(%arg9 : memref<128x64xbf16, #tpu.memory_space<vmem>>) target(%dma_start3A_473 : memref<10008x64xbf16, #tpu.memory_space<vmem_shared>>) offsets(%dma_start3A_470 : memref<128xi32, #tpu.memory_space<vmem>>) semaphore(%arg26 : memref<!tpu.dma_semaphore, #tpu.memory_space<semaphore_mem>>) {add = true}
      %dma_wait3A_474 = arith.constant 0 : i32
      %dma_wait3A_475 = arith.constant 0 : i32
      %dma_wait3A_476 = tpu.memref_slice %arg8[%dma_wait3A_474, %dma_wait3A_475] : memref<80x128xi32, #tpu.memory_space<vmem>> -> memref<1x128xi32, #tpu.memory_space<vmem>>
      %dma_wait3A_477 = tpu.memref_squeeze %dma_wait3A_476 : memref<1x128xi32, #tpu.memory_space<vmem>> -> memref<128xi32, #tpu.memory_space<vmem>>
      %dma_wait3A_478 = arith.constant 0 : i32
      %dma_wait3A_479 = arith.constant 0 : i32
      %dma_wait3A_480 = tpu.memref_slice %arg17[%dma_wait3A_478, %dma_wait3A_479] : memref<10008x64xbf16, #tpu.memory_space<vmem_shared>> -> memref<10008x64xbf16, #tpu.memory_space<vmem_shared>>
      tpu.wait_indirect_dma semaphore(%arg26 : memref<!tpu.dma_semaphore, #tpu.memory_space<semaphore_mem>>) src(%arg9 : memref<128x64xbf16, #tpu.memory_space<vmem>>) dst(%dma_wait3A_480 : memref<10008x64xbf16, #tpu.memory_space<vmem_shared>>)
      %add3A_481 = arith.constant 8 : i32
      %add3A_482 = arith.addi %add3A_460, %add3A_481 : i32
      %dma_start3A_483 = arith.constant 0 : i32
      %dma_start3A_484 = tpu.memref_slice %arg7[%add3A_482, %dma_start3A_483] : memref<80x128xi32, #tpu.memory_space<vmem>> -> memref<1x128xi32, #tpu.memory_space<vmem>>
      %dma_start3A_485 = tpu.memref_squeeze %dma_start3A_484 : memref<1x128xi32, #tpu.memory_space<vmem>> -> memref<128xi32, #tpu.memory_space<vmem>>
      %dma_start3A_486 = arith.constant 0 : i32
      %dma_start3A_487 = arith.constant 0 : i32
      %dma_start3A_488 = tpu.memref_slice %arg2[%dma_start3A_486, %dma_start3A_487] : memref<10000x64xbf16, #tpu.memory_space<hbm>> -> memref<10000x64xbf16, #tpu.memory_space<hbm>>
      tpu.enqueue_indirect_dma source(%dma_start3A_488 : memref<10000x64xbf16, #tpu.memory_space<hbm>>) target(%arg9 : memref<128x64xbf16, #tpu.memory_space<vmem>>) offsets(%dma_start3A_485 : memref<128xi32, #tpu.memory_space<vmem>>) semaphore(%arg18 : memref<!tpu.dma_semaphore, #tpu.memory_space<semaphore_mem>>)
      %add3A_489 = arith.constant 1 : i32
      %add3A_490 = arith.addi %add3A_458, %add3A_489 : i32
      %dma_wait3A_491 = arith.constant 0 : i32
      %dma_wait3A_492 = arith.constant 0 : i32
      %dma_wait3A_493 = tpu.memref_slice %arg7[%dma_wait3A_491, %dma_wait3A_492] : memref<80x128xi32, #tpu.memory_space<vmem>> -> memref<1x128xi32, #tpu.memory_space<vmem>>
      %dma_wait3A_494 = tpu.memref_squeeze %dma_wait3A_493 : memref<1x128xi32, #tpu.memory_space<vmem>> -> memref<128xi32, #tpu.memory_space<vmem>>
      %dma_wait3A_495 = arith.constant 0 : i32
      %dma_wait3A_496 = arith.constant 0 : i32
      %dma_wait3A_497 = tpu.memref_slice %arg2[%dma_wait3A_495, %dma_wait3A_496] : memref<10000x64xbf16, #tpu.memory_space<hbm>> -> memref<10000x64xbf16, #tpu.memory_space<hbm>>
      tpu.wait_indirect_dma semaphore(%arg19 : memref<!tpu.dma_semaphore, #tpu.memory_space<semaphore_mem>>) src(%dma_wait3A_497 : memref<10000x64xbf16, #tpu.memory_space<hbm>>) dst(%arg10 : memref<128x64xbf16, #tpu.memory_space<vmem>>)
      %dma_start3A_498 = arith.constant 0 : i32
      %dma_start3A_499 = tpu.memref_slice %arg8[%add3A_490, %dma_start3A_498] : memref<80x128xi32, #tpu.memory_space<vmem>> -> memref<1x128xi32, #tpu.memory_space<vmem>>
      %dma_start3A_500 = tpu.memref_squeeze %dma_start3A_499 : memref<1x128xi32, #tpu.memory_space<vmem>> -> memref<128xi32, #tpu.memory_space<vmem>>
      %dma_start3A_501 = arith.constant 0 : i32
      %dma_start3A_502 = arith.constant 0 : i32
      %dma_start3A_503 = tpu.memref_slice %arg17[%dma_start3A_501, %dma_start3A_502] : memref<10008x64xbf16, #tpu.memory_space<vmem_shared>> -> memref<10008x64xbf16, #tpu.memory_space<vmem_shared>>
      tpu.enqueue_indirect_dma source(%arg10 : memref<128x64xbf16, #tpu.memory_space<vmem>>) target(%dma_start3A_503 : memref<10008x64xbf16, #tpu.memory_space<vmem_shared>>) offsets(%dma_start3A_500 : memref<128xi32, #tpu.memory_space<vmem>>) semaphore(%arg27 : memref<!tpu.dma_semaphore, #tpu.memory_space<semaphore_mem>>) {add = true}
      %dma_wait3A_504 = arith.constant 0 : i32
      %dma_wait3A_505 = arith.constant 0 : i32
      %dma_wait3A_506 = tpu.memref_slice %arg8[%dma_wait3A_504, %dma_wait3A_505] : memref<80x128xi32, #tpu.memory_space<vmem>> -> memref<1x128xi32, #tpu.memory_space<vmem>>
      %dma_wait3A_507 = tpu.memref_squeeze %dma_wait3A_506 : memref<1x128xi32, #tpu.memory_space<vmem>> -> memref<128xi32, #tpu.memory_space<vmem>>
      %dma_wait3A_508 = arith.constant 0 : i32
      %dma_wait3A_509 = arith.constant 0 : i32
      %dma_wait3A_510 = tpu.memref_slice %arg17[%dma_wait3A_508, %dma_wait3A_509] : memref<10008x64xbf16, #tpu.memory_space<vmem_shared>> -> memref<10008x64xbf16, #tpu.memory_space<vmem_shared>>
      tpu.wait_indirect_dma semaphore(%arg27 : memref<!tpu.dma_semaphore, #tpu.memory_space<semaphore_mem>>) src(%arg10 : memref<128x64xbf16, #tpu.memory_space<vmem>>) dst(%dma_wait3A_510 : memref<10008x64xbf16, #tpu.memory_space<vmem_shared>>)
      %add3A_511 = arith.constant 8 : i32
      %add3A_512 = arith.addi %add3A_490, %add3A_511 : i32
      %dma_start3A_513 = arith.constant 0 : i32
      %dma_start3A_514 = tpu.memref_slice %arg7[%add3A_512, %dma_start3A_513] : memref<80x128xi32, #tpu.memory_space<vmem>> -> memref<1x128xi32, #tpu.memory_space<vmem>>
      %dma_start3A_515 = tpu.memref_squeeze %dma_start3A_514 : memref<1x128xi32, #tpu.memory_space<vmem>> -> memref<128xi32, #tpu.memory_space<vmem>>
      %dma_start3A_516 = arith.constant 0 : i32
      %dma_start3A_517 = arith.constant 0 : i32
      %dma_start3A_518 = tpu.memref_slice %arg2[%dma_start3A_516, %dma_start3A_517] : memref<10000x64xbf16, #tpu.memory_space<hbm>> -> memref<10000x64xbf16, #tpu.memory_space<hbm>>
      tpu.enqueue_indirect_dma source(%dma_start3A_518 : memref<10000x64xbf16, #tpu.memory_space<hbm>>) target(%arg10 : memref<128x64xbf16, #tpu.memory_space<vmem>>) offsets(%dma_start3A_515 : memref<128xi32, #tpu.memory_space<vmem>>) semaphore(%arg19 : memref<!tpu.dma_semaphore, #tpu.memory_space<semaphore_mem>>)
      %add3A_519 = arith.constant 2 : i32
      %add3A_520 = arith.addi %add3A_458, %add3A_519 : i32
      %dma_wait3A_521 = arith.constant 0 : i32
      %dma_wait3A_522 = arith.constant 0 : i32
      %dma_wait3A_523 = tpu.memref_slice %arg7[%dma_wait3A_521, %dma_wait3A_522] : memref<80x128xi32, #tpu.memory_space<vmem>> -> memref<1x128xi32, #tpu.memory_space<vmem>>
      %dma_wait3A_524 = tpu.memref_squeeze %dma_wait3A_523 : memref<1x128xi32, #tpu.memory_space<vmem>> -> memref<128xi32, #tpu.memory_space<vmem>>
      %dma_wait3A_525 = arith.constant 0 : i32
      %dma_wait3A_526 = arith.constant 0 : i32
      %dma_wait3A_527 = tpu.memref_slice %arg2[%dma_wait3A_525, %dma_wait3A_526] : memref<10000x64xbf16, #tpu.memory_space<hbm>> -> memref<10000x64xbf16, #tpu.memory_space<hbm>>
      tpu.wait_indirect_dma semaphore(%arg20 : memref<!tpu.dma_semaphore, #tpu.memory_space<semaphore_mem>>) src(%dma_wait3A_527 : memref<10000x64xbf16, #tpu.memory_space<hbm>>) dst(%arg11 : memref<128x64xbf16, #tpu.memory_space<vmem>>)
      %dma_start3A_528 = arith.constant 0 : i32
      %dma_start3A_529 = tpu.memref_slice %arg8[%add3A_520, %dma_start3A_528] : memref<80x128xi32, #tpu.memory_space<vmem>> -> memref<1x128xi32, #tpu.memory_space<vmem>>
      %dma_start3A_530 = tpu.memref_squeeze %dma_start3A_529 : memref<1x128xi32, #tpu.memory_space<vmem>> -> memref<128xi32, #tpu.memory_space<vmem>>
      %dma_start3A_531 = arith.constant 0 : i32
      %dma_start3A_532 = arith.constant 0 : i32
      %dma_start3A_533 = tpu.memref_slice %arg17[%dma_start3A_531, %dma_start3A_532] : memref<10008x64xbf16, #tpu.memory_space<vmem_shared>> -> memref<10008x64xbf16, #tpu.memory_space<vmem_shared>>
      tpu.enqueue_indirect_dma source(%arg11 : memref<128x64xbf16, #tpu.memory_space<vmem>>) target(%dma_start3A_533 : memref<10008x64xbf16, #tpu.memory_space<vmem_shared>>) offsets(%dma_start3A_530 : memref<128xi32, #tpu.memory_space<vmem>>) semaphore(%arg28 : memref<!tpu.dma_semaphore, #tpu.memory_space<semaphore_mem>>) {add = true}
      %dma_wait3A_534 = arith.constant 0 : i32
      %dma_wait3A_535 = arith.constant 0 : i32
      %dma_wait3A_536 = tpu.memref_slice %arg8[%dma_wait3A_534, %dma_wait3A_535] : memref<80x128xi32, #tpu.memory_space<vmem>> -> memref<1x128xi32, #tpu.memory_space<vmem>>
      %dma_wait3A_537 = tpu.memref_squeeze %dma_wait3A_536 : memref<1x128xi32, #tpu.memory_space<vmem>> -> memref<128xi32, #tpu.memory_space<vmem>>
      %dma_wait3A_538 = arith.constant 0 : i32
      %dma_wait3A_539 = arith.constant 0 : i32
      %dma_wait3A_540 = tpu.memref_slice %arg17[%dma_wait3A_538, %dma_wait3A_539] : memref<10008x64xbf16, #tpu.memory_space<vmem_shared>> -> memref<10008x64xbf16, #tpu.memory_space<vmem_shared>>
      tpu.wait_indirect_dma semaphore(%arg28 : memref<!tpu.dma_semaphore, #tpu.memory_space<semaphore_mem>>) src(%arg11 : memref<128x64xbf16, #tpu.memory_space<vmem>>) dst(%dma_wait3A_540 : memref<10008x64xbf16, #tpu.memory_space<vmem_shared>>)
      %add3A_541 = arith.constant 8 : i32
      %add3A_542 = arith.addi %add3A_520, %add3A_541 : i32
      %dma_start3A_543 = arith.constant 0 : i32
      %dma_start3A_544 = tpu.memref_slice %arg7[%add3A_542, %dma_start3A_543] : memref<80x128xi32, #tpu.memory_space<vmem>> -> memref<1x128xi32, #tpu.memory_space<vmem>>
      %dma_start3A_545 = tpu.memref_squeeze %dma_start3A_544 : memref<1x128xi32, #tpu.memory_space<vmem>> -> memref<128xi32, #tpu.memory_space<vmem>>
      %dma_start3A_546 = arith.constant 0 : i32
      %dma_start3A_547 = arith.constant 0 : i32
      %dma_start3A_548 = tpu.memref_slice %arg2[%dma_start3A_546, %dma_start3A_547] : memref<10000x64xbf16, #tpu.memory_space<hbm>> -> memref<10000x64xbf16, #tpu.memory_space<hbm>>
      tpu.enqueue_indirect_dma source(%dma_start3A_548 : memref<10000x64xbf16, #tpu.memory_space<hbm>>) target(%arg11 : memref<128x64xbf16, #tpu.memory_space<vmem>>) offsets(%dma_start3A_545 : memref<128xi32, #tpu.memory_space<vmem>>) semaphore(%arg20 : memref<!tpu.dma_semaphore, #tpu.memory_space<semaphore_mem>>)
      %add3A_549 = arith.constant 3 : i32
      %add3A_550 = arith.addi %add3A_458, %add3A_549 : i32
      %dma_wait3A_551 = arith.constant 0 : i32
      %dma_wait3A_552 = arith.constant 0 : i32
      %dma_wait3A_553 = tpu.memref_slice %arg7[%dma_wait3A_551, %dma_wait3A_552] : memref<80x128xi32, #tpu.memory_space<vmem>> -> memref<1x128xi32, #tpu.memory_space<vmem>>
      %dma_wait3A_554 = tpu.memref_squeeze %dma_wait3A_553 : memref<1x128xi32, #tpu.memory_space<vmem>> -> memref<128xi32, #tpu.memory_space<vmem>>
      %dma_wait3A_555 = arith.constant 0 : i32
      %dma_wait3A_556 = arith.constant 0 : i32
      %dma_wait3A_557 = tpu.memref_slice %arg2[%dma_wait3A_555, %dma_wait3A_556] : memref<10000x64xbf16, #tpu.memory_space<hbm>> -> memref<10000x64xbf16, #tpu.memory_space<hbm>>
      tpu.wait_indirect_dma semaphore(%arg21 : memref<!tpu.dma_semaphore, #tpu.memory_space<semaphore_mem>>) src(%dma_wait3A_557 : memref<10000x64xbf16, #tpu.memory_space<hbm>>) dst(%arg12 : memref<128x64xbf16, #tpu.memory_space<vmem>>)
      %dma_start3A_558 = arith.constant 0 : i32
      %dma_start3A_559 = tpu.memref_slice %arg8[%add3A_550, %dma_start3A_558] : memref<80x128xi32, #tpu.memory_space<vmem>> -> memref<1x128xi32, #tpu.memory_space<vmem>>
      %dma_start3A_560 = tpu.memref_squeeze %dma_start3A_559 : memref<1x128xi32, #tpu.memory_space<vmem>> -> memref<128xi32, #tpu.memory_space<vmem>>
      %dma_start3A_561 = arith.constant 0 : i32
      %dma_start3A_562 = arith.constant 0 : i32
      %dma_start3A_563 = tpu.memref_slice %arg17[%dma_start3A_561, %dma_start3A_562] : memref<10008x64xbf16, #tpu.memory_space<vmem_shared>> -> memref<10008x64xbf16, #tpu.memory_space<vmem_shared>>
      tpu.enqueue_indirect_dma source(%arg12 : memref<128x64xbf16, #tpu.memory_space<vmem>>) target(%dma_start3A_563 : memref<10008x64xbf16, #tpu.memory_space<vmem_shared>>) offsets(%dma_start3A_560 : memref<128xi32, #tpu.memory_space<vmem>>) semaphore(%arg29 : memref<!tpu.dma_semaphore, #tpu.memory_space<semaphore_mem>>) {add = true}
      %dma_wait3A_564 = arith.constant 0 : i32
      %dma_wait3A_565 = arith.constant 0 : i32
      %dma_wait3A_566 = tpu.memref_slice %arg8[%dma_wait3A_564, %dma_wait3A_565] : memref<80x128xi32, #tpu.memory_space<vmem>> -> memref<1x128xi32, #tpu.memory_space<vmem>>
      %dma_wait3A_567 = tpu.memref_squeeze %dma_wait3A_566 : memref<1x128xi32, #tpu.memory_space<vmem>> -> memref<128xi32, #tpu.memory_space<vmem>>
      %dma_wait3A_568 = arith.constant 0 : i32
      %dma_wait3A_569 = arith.constant 0 : i32
      %dma_wait3A_570 = tpu.memref_slice %arg17[%dma_wait3A_568, %dma_wait3A_569] : memref<10008x64xbf16, #tpu.memory_space<vmem_shared>> -> memref<10008x64xbf16, #tpu.memory_space<vmem_shared>>
      tpu.wait_indirect_dma semaphore(%arg29 : memref<!tpu.dma_semaphore, #tpu.memory_space<semaphore_mem>>) src(%arg12 : memref<128x64xbf16, #tpu.memory_space<vmem>>) dst(%dma_wait3A_570 : memref<10008x64xbf16, #tpu.memory_space<vmem_shared>>)
      %add3A_571 = arith.constant 8 : i32
      %add3A_572 = arith.addi %add3A_550, %add3A_571 : i32
      %dma_start3A_573 = arith.constant 0 : i32
      %dma_start3A_574 = tpu.memref_slice %arg7[%add3A_572, %dma_start3A_573] : memref<80x128xi32, #tpu.memory_space<vmem>> -> memref<1x128xi32, #tpu.memory_space<vmem>>
      %dma_start3A_575 = tpu.memref_squeeze %dma_start3A_574 : memref<1x128xi32, #tpu.memory_space<vmem>> -> memref<128xi32, #tpu.memory_space<vmem>>
      %dma_start3A_576 = arith.constant 0 : i32
      %dma_start3A_577 = arith.constant 0 : i32
      %dma_start3A_578 = tpu.memref_slice %arg2[%dma_start3A_576, %dma_start3A_577] : memref<10000x64xbf16, #tpu.memory_space<hbm>> -> memref<10000x64xbf16, #tpu.memory_space<hbm>>
      tpu.enqueue_indirect_dma source(%dma_start3A_578 : memref<10000x64xbf16, #tpu.memory_space<hbm>>) target(%arg12 : memref<128x64xbf16, #tpu.memory_space<vmem>>) offsets(%dma_start3A_575 : memref<128xi32, #tpu.memory_space<vmem>>) semaphore(%arg21 : memref<!tpu.dma_semaphore, #tpu.memory_space<semaphore_mem>>)
      %add3A_579 = arith.constant 4 : i32
      %add3A_580 = arith.addi %add3A_458, %add3A_579 : i32
      %dma_wait3A_581 = arith.constant 0 : i32
      %dma_wait3A_582 = arith.constant 0 : i32
      %dma_wait3A_583 = tpu.memref_slice %arg7[%dma_wait3A_581, %dma_wait3A_582] : memref<80x128xi32, #tpu.memory_space<vmem>> -> memref<1x128xi32, #tpu.memory_space<vmem>>
      %dma_wait3A_584 = tpu.memref_squeeze %dma_wait3A_583 : memref<1x128xi32, #tpu.memory_space<vmem>> -> memref<128xi32, #tpu.memory_space<vmem>>
      %dma_wait3A_585 = arith.constant 0 : i32
      %dma_wait3A_586 = arith.constant 0 : i32
      %dma_wait3A_587 = tpu.memref_slice %arg2[%dma_wait3A_585, %dma_wait3A_586] : memref<10000x64xbf16, #tpu.memory_space<hbm>> -> memref<10000x64xbf16, #tpu.memory_space<hbm>>
      tpu.wait_indirect_dma semaphore(%arg22 : memref<!tpu.dma_semaphore, #tpu.memory_space<semaphore_mem>>) src(%dma_wait3A_587 : memref<10000x64xbf16, #tpu.memory_space<hbm>>) dst(%arg13 : memref<128x64xbf16, #tpu.memory_space<vmem>>)
      %dma_start3A_588 = arith.constant 0 : i32
      %dma_start3A_589 = tpu.memref_slice %arg8[%add3A_580, %dma_start3A_588] : memref<80x128xi32, #tpu.memory_space<vmem>> -> memref<1x128xi32, #tpu.memory_space<vmem>>
      %dma_start3A_590 = tpu.memref_squeeze %dma_start3A_589 : memref<1x128xi32, #tpu.memory_space<vmem>> -> memref<128xi32, #tpu.memory_space<vmem>>
      %dma_start3A_591 = arith.constant 0 : i32
      %dma_start3A_592 = arith.constant 0 : i32
      %dma_start3A_593 = tpu.memref_slice %arg17[%dma_start3A_591, %dma_start3A_592] : memref<10008x64xbf16, #tpu.memory_space<vmem_shared>> -> memref<10008x64xbf16, #tpu.memory_space<vmem_shared>>
      tpu.enqueue_indirect_dma source(%arg13 : memref<128x64xbf16, #tpu.memory_space<vmem>>) target(%dma_start3A_593 : memref<10008x64xbf16, #tpu.memory_space<vmem_shared>>) offsets(%dma_start3A_590 : memref<128xi32, #tpu.memory_space<vmem>>) semaphore(%arg30 : memref<!tpu.dma_semaphore, #tpu.memory_space<semaphore_mem>>) {add = true}
      %dma_wait3A_594 = arith.constant 0 : i32
      %dma_wait3A_595 = arith.constant 0 : i32
      %dma_wait3A_596 = tpu.memref_slice %arg8[%dma_wait3A_594, %dma_wait3A_595] : memref<80x128xi32, #tpu.memory_space<vmem>> -> memref<1x128xi32, #tpu.memory_space<vmem>>
      %dma_wait3A_597 = tpu.memref_squeeze %dma_wait3A_596 : memref<1x128xi32, #tpu.memory_space<vmem>> -> memref<128xi32, #tpu.memory_space<vmem>>
      %dma_wait3A_598 = arith.constant 0 : i32
      %dma_wait3A_599 = arith.constant 0 : i32
      %dma_wait3A_600 = tpu.memref_slice %arg17[%dma_wait3A_598, %dma_wait3A_599] : memref<10008x64xbf16, #tpu.memory_space<vmem_shared>> -> memref<10008x64xbf16, #tpu.memory_space<vmem_shared>>
      tpu.wait_indirect_dma semaphore(%arg30 : memref<!tpu.dma_semaphore, #tpu.memory_space<semaphore_mem>>) src(%arg13 : memref<128x64xbf16, #tpu.memory_space<vmem>>) dst(%dma_wait3A_600 : memref<10008x64xbf16, #tpu.memory_space<vmem_shared>>)
      %add3A_601 = arith.constant 8 : i32
      %add3A_602 = arith.addi %add3A_580, %add3A_601 : i32
      %dma_start3A_603 = arith.constant 0 : i32
      %dma_start3A_604 = tpu.memref_slice %arg7[%add3A_602, %dma_start3A_603] : memref<80x128xi32, #tpu.memory_space<vmem>> -> memref<1x128xi32, #tpu.memory_space<vmem>>
      %dma_start3A_605 = tpu.memref_squeeze %dma_start3A_604 : memref<1x128xi32, #tpu.memory_space<vmem>> -> memref<128xi32, #tpu.memory_space<vmem>>
      %dma_start3A_606 = arith.constant 0 : i32
      %dma_start3A_607 = arith.constant 0 : i32
      %dma_start3A_608 = tpu.memref_slice %arg2[%dma_start3A_606, %dma_start3A_607] : memref<10000x64xbf16, #tpu.memory_space<hbm>> -> memref<10000x64xbf16, #tpu.memory_space<hbm>>
      tpu.enqueue_indirect_dma source(%dma_start3A_608 : memref<10000x64xbf16, #tpu.memory_space<hbm>>) target(%arg13 : memref<128x64xbf16, #tpu.memory_space<vmem>>) offsets(%dma_start3A_605 : memref<128xi32, #tpu.memory_space<vmem>>) semaphore(%arg22 : memref<!tpu.dma_semaphore, #tpu.memory_space<semaphore_mem>>)
      %add3A_609 = arith.constant 5 : i32
      %add3A_610 = arith.addi %add3A_458, %add3A_609 : i32
      %dma_wait3A_611 = arith.constant 0 : i32
      %dma_wait3A_612 = arith.constant 0 : i32
      %dma_wait3A_613 = tpu.memref_slice %arg7[%dma_wait3A_611, %dma_wait3A_612] : memref<80x128xi32, #tpu.memory_space<vmem>> -> memref<1x128xi32, #tpu.memory_space<vmem>>
      %dma_wait3A_614 = tpu.memref_squeeze %dma_wait3A_613 : memref<1x128xi32, #tpu.memory_space<vmem>> -> memref<128xi32, #tpu.memory_space<vmem>>
      %dma_wait3A_615 = arith.constant 0 : i32
      %dma_wait3A_616 = arith.constant 0 : i32
      %dma_wait3A_617 = tpu.memref_slice %arg2[%dma_wait3A_615, %dma_wait3A_616] : memref<10000x64xbf16, #tpu.memory_space<hbm>> -> memref<10000x64xbf16, #tpu.memory_space<hbm>>
      tpu.wait_indirect_dma semaphore(%arg23 : memref<!tpu.dma_semaphore, #tpu.memory_space<semaphore_mem>>) src(%dma_wait3A_617 : memref<10000x64xbf16, #tpu.memory_space<hbm>>) dst(%arg14 : memref<128x64xbf16, #tpu.memory_space<vmem>>)
      %dma_start3A_618 = arith.constant 0 : i32
      %dma_start3A_619 = tpu.memref_slice %arg8[%add3A_610, %dma_start3A_618] : memref<80x128xi32, #tpu.memory_space<vmem>> -> memref<1x128xi32, #tpu.memory_space<vmem>>
      %dma_start3A_620 = tpu.memref_squeeze %dma_start3A_619 : memref<1x128xi32, #tpu.memory_space<vmem>> -> memref<128xi32, #tpu.memory_space<vmem>>
      %dma_start3A_621 = arith.constant 0 : i32
      %dma_start3A_622 = arith.constant 0 : i32
      %dma_start3A_623 = tpu.memref_slice %arg17[%dma_start3A_621, %dma_start3A_622] : memref<10008x64xbf16, #tpu.memory_space<vmem_shared>> -> memref<10008x64xbf16, #tpu.memory_space<vmem_shared>>
      tpu.enqueue_indirect_dma source(%arg14 : memref<128x64xbf16, #tpu.memory_space<vmem>>) target(%dma_start3A_623 : memref<10008x64xbf16, #tpu.memory_space<vmem_shared>>) offsets(%dma_start3A_620 : memref<128xi32, #tpu.memory_space<vmem>>) semaphore(%arg31 : memref<!tpu.dma_semaphore, #tpu.memory_space<semaphore_mem>>) {add = true}
      %dma_wait3A_624 = arith.constant 0 : i32
      %dma_wait3A_625 = arith.constant 0 : i32
      %dma_wait3A_626 = tpu.memref_slice %arg8[%dma_wait3A_624, %dma_wait3A_625] : memref<80x128xi32, #tpu.memory_space<vmem>> -> memref<1x128xi32, #tpu.memory_space<vmem>>
      %dma_wait3A_627 = tpu.memref_squeeze %dma_wait3A_626 : memref<1x128xi32, #tpu.memory_space<vmem>> -> memref<128xi32, #tpu.memory_space<vmem>>
      %dma_wait3A_628 = arith.constant 0 : i32
      %dma_wait3A_629 = arith.constant 0 : i32
      %dma_wait3A_630 = tpu.memref_slice %arg17[%dma_wait3A_628, %dma_wait3A_629] : memref<10008x64xbf16, #tpu.memory_space<vmem_shared>> -> memref<10008x64xbf16, #tpu.memory_space<vmem_shared>>
      tpu.wait_indirect_dma semaphore(%arg31 : memref<!tpu.dma_semaphore, #tpu.memory_space<semaphore_mem>>) src(%arg14 : memref<128x64xbf16, #tpu.memory_space<vmem>>) dst(%dma_wait3A_630 : memref<10008x64xbf16, #tpu.memory_space<vmem_shared>>)
      %add3A_631 = arith.constant 8 : i32
      %add3A_632 = arith.addi %add3A_610, %add3A_631 : i32
      %dma_start3A_633 = arith.constant 0 : i32
      %dma_start3A_634 = tpu.memref_slice %arg7[%add3A_632, %dma_start3A_633] : memref<80x128xi32, #tpu.memory_space<vmem>> -> memref<1x128xi32, #tpu.memory_space<vmem>>
      %dma_start3A_635 = tpu.memref_squeeze %dma_start3A_634 : memref<1x128xi32, #tpu.memory_space<vmem>> -> memref<128xi32, #tpu.memory_space<vmem>>
      %dma_start3A_636 = arith.constant 0 : i32
      %dma_start3A_637 = arith.constant 0 : i32
      %dma_start3A_638 = tpu.memref_slice %arg2[%dma_start3A_636, %dma_start3A_637] : memref<10000x64xbf16, #tpu.memory_space<hbm>> -> memref<10000x64xbf16, #tpu.memory_space<hbm>>
      tpu.enqueue_indirect_dma source(%dma_start3A_638 : memref<10000x64xbf16, #tpu.memory_space<hbm>>) target(%arg14 : memref<128x64xbf16, #tpu.memory_space<vmem>>) offsets(%dma_start3A_635 : memref<128xi32, #tpu.memory_space<vmem>>) semaphore(%arg23 : memref<!tpu.dma_semaphore, #tpu.memory_space<semaphore_mem>>)
      %add3A_639 = arith.constant 6 : i32
      %add3A_640 = arith.addi %add3A_458, %add3A_639 : i32
      %dma_wait3A_641 = arith.constant 0 : i32
      %dma_wait3A_642 = arith.constant 0 : i32
      %dma_wait3A_643 = tpu.memref_slice %arg7[%dma_wait3A_641, %dma_wait3A_642] : memref<80x128xi32, #tpu.memory_space<vmem>> -> memref<1x128xi32, #tpu.memory_space<vmem>>
      %dma_wait3A_644 = tpu.memref_squeeze %dma_wait3A_643 : memref<1x128xi32, #tpu.memory_space<vmem>> -> memref<128xi32, #tpu.memory_space<vmem>>
      %dma_wait3A_645 = arith.constant 0 : i32
      %dma_wait3A_646 = arith.constant 0 : i32
      %dma_wait3A_647 = tpu.memref_slice %arg2[%dma_wait3A_645, %dma_wait3A_646] : memref<10000x64xbf16, #tpu.memory_space<hbm>> -> memref<10000x64xbf16, #tpu.memory_space<hbm>>
      tpu.wait_indirect_dma semaphore(%arg24 : memref<!tpu.dma_semaphore, #tpu.memory_space<semaphore_mem>>) src(%dma_wait3A_647 : memref<10000x64xbf16, #tpu.memory_space<hbm>>) dst(%arg15 : memref<128x64xbf16, #tpu.memory_space<vmem>>)
      %dma_start3A_648 = arith.constant 0 : i32
      %dma_start3A_649 = tpu.memref_slice %arg8[%add3A_640, %dma_start3A_648] : memref<80x128xi32, #tpu.memory_space<vmem>> -> memref<1x128xi32, #tpu.memory_space<vmem>>
      %dma_start3A_650 = tpu.memref_squeeze %dma_start3A_649 : memref<1x128xi32, #tpu.memory_space<vmem>> -> memref<128xi32, #tpu.memory_space<vmem>>
      %dma_start3A_651 = arith.constant 0 : i32
      %dma_start3A_652 = arith.constant 0 : i32
      %dma_start3A_653 = tpu.memref_slice %arg17[%dma_start3A_651, %dma_start3A_652] : memref<10008x64xbf16, #tpu.memory_space<vmem_shared>> -> memref<10008x64xbf16, #tpu.memory_space<vmem_shared>>
      tpu.enqueue_indirect_dma source(%arg15 : memref<128x64xbf16, #tpu.memory_space<vmem>>) target(%dma_start3A_653 : memref<10008x64xbf16, #tpu.memory_space<vmem_shared>>) offsets(%dma_start3A_650 : memref<128xi32, #tpu.memory_space<vmem>>) semaphore(%arg32 : memref<!tpu.dma_semaphore, #tpu.memory_space<semaphore_mem>>) {add = true}
      %dma_wait3A_654 = arith.constant 0 : i32
      %dma_wait3A_655 = arith.constant 0 : i32
      %dma_wait3A_656 = tpu.memref_slice %arg8[%dma_wait3A_654, %dma_wait3A_655] : memref<80x128xi32, #tpu.memory_space<vmem>> -> memref<1x128xi32, #tpu.memory_space<vmem>>
      %dma_wait3A_657 = tpu.memref_squeeze %dma_wait3A_656 : memref<1x128xi32, #tpu.memory_space<vmem>> -> memref<128xi32, #tpu.memory_space<vmem>>
      %dma_wait3A_658 = arith.constant 0 : i32
      %dma_wait3A_659 = arith.constant 0 : i32
      %dma_wait3A_660 = tpu.memref_slice %arg17[%dma_wait3A_658, %dma_wait3A_659] : memref<10008x64xbf16, #tpu.memory_space<vmem_shared>> -> memref<10008x64xbf16, #tpu.memory_space<vmem_shared>>
      tpu.wait_indirect_dma semaphore(%arg32 : memref<!tpu.dma_semaphore, #tpu.memory_space<semaphore_mem>>) src(%arg15 : memref<128x64xbf16, #tpu.memory_space<vmem>>) dst(%dma_wait3A_660 : memref<10008x64xbf16, #tpu.memory_space<vmem_shared>>)
      %add3A_661 = arith.constant 8 : i32
      %add3A_662 = arith.addi %add3A_640, %add3A_661 : i32
      %dma_start3A_663 = arith.constant 0 : i32
      %dma_start3A_664 = tpu.memref_slice %arg7[%add3A_662, %dma_start3A_663] : memref<80x128xi32, #tpu.memory_space<vmem>> -> memref<1x128xi32, #tpu.memory_space<vmem>>
      %dma_start3A_665 = tpu.memref_squeeze %dma_start3A_664 : memref<1x128xi32, #tpu.memory_space<vmem>> -> memref<128xi32, #tpu.memory_space<vmem>>
      %dma_start3A_666 = arith.constant 0 : i32
      %dma_start3A_667 = arith.constant 0 : i32
      %dma_start3A_668 = tpu.memref_slice %arg2[%dma_start3A_666, %dma_start3A_667] : memref<10000x64xbf16, #tpu.memory_space<hbm>> -> memref<10000x64xbf16, #tpu.memory_space<hbm>>
      tpu.enqueue_indirect_dma source(%dma_start3A_668 : memref<10000x64xbf16, #tpu.memory_space<hbm>>) target(%arg15 : memref<128x64xbf16, #tpu.memory_space<vmem>>) offsets(%dma_start3A_665 : memref<128xi32, #tpu.memory_space<vmem>>) semaphore(%arg24 : memref<!tpu.dma_semaphore, #tpu.memory_space<semaphore_mem>>)
      %add3A_669 = arith.constant 7 : i32
      %add3A_670 = arith.addi %add3A_458, %add3A_669 : i32
      %dma_wait3A_671 = arith.constant 0 : i32
      %dma_wait3A_672 = arith.constant 0 : i32
      %dma_wait3A_673 = tpu.memref_slice %arg7[%dma_wait3A_671, %dma_wait3A_672] : memref<80x128xi32, #tpu.memory_space<vmem>> -> memref<1x128xi32, #tpu.memory_space<vmem>>
      %dma_wait3A_674 = tpu.memref_squeeze %dma_wait3A_673 : memref<1x128xi32, #tpu.memory_space<vmem>> -> memref<128xi32, #tpu.memory_space<vmem>>
      %dma_wait3A_675 = arith.constant 0 : i32
      %dma_wait3A_676 = arith.constant 0 : i32
      %dma_wait3A_677 = tpu.memref_slice %arg2[%dma_wait3A_675, %dma_wait3A_676] : memref<10000x64xbf16, #tpu.memory_space<hbm>> -> memref<10000x64xbf16, #tpu.memory_space<hbm>>
      tpu.wait_indirect_dma semaphore(%arg25 : memref<!tpu.dma_semaphore, #tpu.memory_space<semaphore_mem>>) src(%dma_wait3A_677 : memref<10000x64xbf16, #tpu.memory_space<hbm>>) dst(%arg16 : memref<128x64xbf16, #tpu.memory_space<vmem>>)
      %dma_start3A_678 = arith.constant 0 : i32
      %dma_start3A_679 = tpu.memref_slice %arg8[%add3A_670, %dma_start3A_678] : memref<80x128xi32, #tpu.memory_space<vmem>> -> memref<1x128xi32, #tpu.memory_space<vmem>>
      %dma_start3A_680 = tpu.memref_squeeze %dma_start3A_679 : memref<1x128xi32, #tpu.memory_space<vmem>> -> memref<128xi32, #tpu.memory_space<vmem>>
      %dma_start3A_681 = arith.constant 0 : i32
      %dma_start3A_682 = arith.constant 0 : i32
      %dma_start3A_683 = tpu.memref_slice %arg17[%dma_start3A_681, %dma_start3A_682] : memref<10008x64xbf16, #tpu.memory_space<vmem_shared>> -> memref<10008x64xbf16, #tpu.memory_space<vmem_shared>>
      tpu.enqueue_indirect_dma source(%arg16 : memref<128x64xbf16, #tpu.memory_space<vmem>>) target(%dma_start3A_683 : memref<10008x64xbf16, #tpu.memory_space<vmem_shared>>) offsets(%dma_start3A_680 : memref<128xi32, #tpu.memory_space<vmem>>) semaphore(%arg33 : memref<!tpu.dma_semaphore, #tpu.memory_space<semaphore_mem>>) {add = true}
      %dma_wait3A_684 = arith.constant 0 : i32
      %dma_wait3A_685 = arith.constant 0 : i32
      %dma_wait3A_686 = tpu.memref_slice %arg8[%dma_wait3A_684, %dma_wait3A_685] : memref<80x128xi32, #tpu.memory_space<vmem>> -> memref<1x128xi32, #tpu.memory_space<vmem>>
      %dma_wait3A_687 = tpu.memref_squeeze %dma_wait3A_686 : memref<1x128xi32, #tpu.memory_space<vmem>> -> memref<128xi32, #tpu.memory_space<vmem>>
      %dma_wait3A_688 = arith.constant 0 : i32
      %dma_wait3A_689 = arith.constant 0 : i32
      %dma_wait3A_690 = tpu.memref_slice %arg17[%dma_wait3A_688, %dma_wait3A_689] : memref<10008x64xbf16, #tpu.memory_space<vmem_shared>> -> memref<10008x64xbf16, #tpu.memory_space<vmem_shared>>
      tpu.wait_indirect_dma semaphore(%arg33 : memref<!tpu.dma_semaphore, #tpu.memory_space<semaphore_mem>>) src(%arg16 : memref<128x64xbf16, #tpu.memory_space<vmem>>) dst(%dma_wait3A_690 : memref<10008x64xbf16, #tpu.memory_space<vmem_shared>>)
      %add3A_691 = arith.constant 8 : i32
      %add3A_692 = arith.addi %add3A_670, %add3A_691 : i32
      %dma_start3A_693 = arith.constant 0 : i32
      %dma_start3A_694 = tpu.memref_slice %arg7[%add3A_692, %dma_start3A_693] : memref<80x128xi32, #tpu.memory_space<vmem>> -> memref<1x128xi32, #tpu.memory_space<vmem>>
      %dma_start3A_695 = tpu.memref_squeeze %dma_start3A_694 : memref<1x128xi32, #tpu.memory_space<vmem>> -> memref<128xi32, #tpu.memory_space<vmem>>
      %dma_start3A_696 = arith.constant 0 : i32
      %dma_start3A_697 = arith.constant 0 : i32
      %dma_start3A_698 = tpu.memref_slice %arg2[%dma_start3A_696, %dma_start3A_697] : memref<10000x64xbf16, #tpu.memory_space<hbm>> -> memref<10000x64xbf16, #tpu.memory_space<hbm>>
      tpu.enqueue_indirect_dma source(%dma_start3A_698 : memref<10000x64xbf16, #tpu.memory_space<hbm>>) target(%arg16 : memref<128x64xbf16, #tpu.memory_space<vmem>>) offsets(%dma_start3A_695 : memref<128xi32, #tpu.memory_space<vmem>>) semaphore(%arg25 : memref<!tpu.dma_semaphore, #tpu.memory_space<semaphore_mem>>)
    }
    %scan3A_61 = arith.constant 8 : i32
    %dma_wait3A = arith.constant 0 : i32
    %dma_wait3A_62 = arith.constant 0 : i32
    %dma_wait3A_63 = tpu.memref_slice %arg7[%dma_wait3A, %dma_wait3A_62] : memref<80x128xi32, #tpu.memory_space<vmem>> -> memref<1x128xi32, #tpu.memory_space<vmem>>
    %dma_wait3A_64 = tpu.memref_squeeze %dma_wait3A_63 : memref<1x128xi32, #tpu.memory_space<vmem>> -> memref<128xi32, #tpu.memory_space<vmem>>
    %dma_wait3A_65 = arith.constant 0 : i32
    %dma_wait3A_66 = arith.constant 0 : i32
    %dma_wait3A_67 = tpu.memref_slice %arg2[%dma_wait3A_65, %dma_wait3A_66] : memref<10000x64xbf16, #tpu.memory_space<hbm>> -> memref<10000x64xbf16, #tpu.memory_space<hbm>>
    tpu.wait_indirect_dma semaphore(%arg18 : memref<!tpu.dma_semaphore, #tpu.memory_space<semaphore_mem>>) src(%dma_wait3A_67 : memref<10000x64xbf16, #tpu.memory_space<hbm>>) dst(%arg9 : memref<128x64xbf16, #tpu.memory_space<vmem>>)
    %dma_start3A_68 = arith.constant 64 : i32
    %dma_start3A_69 = arith.constant 0 : i32
    %dma_start3A_70 = tpu.memref_slice %arg8[%dma_start3A_68, %dma_start3A_69] : memref<80x128xi32, #tpu.memory_space<vmem>> -> memref<1x128xi32, #tpu.memory_space<vmem>>
    %dma_start3A_71 = tpu.memref_squeeze %dma_start3A_70 : memref<1x128xi32, #tpu.memory_space<vmem>> -> memref<128xi32, #tpu.memory_space<vmem>>
    %dma_start3A_72 = arith.constant 0 : i32
    %dma_start3A_73 = arith.constant 0 : i32
    %dma_start3A_74 = tpu.memref_slice %arg17[%dma_start3A_72, %dma_start3A_73] : memref<10008x64xbf16, #tpu.memory_space<vmem_shared>> -> memref<10008x64xbf16, #tpu.memory_space<vmem_shared>>
    tpu.enqueue_indirect_dma source(%arg9 : memref<128x64xbf16, #tpu.memory_space<vmem>>) target(%dma_start3A_74 : memref<10008x64xbf16, #tpu.memory_space<vmem_shared>>) offsets(%dma_start3A_71 : memref<128xi32, #tpu.memory_space<vmem>>) semaphore(%arg26 : memref<!tpu.dma_semaphore, #tpu.memory_space<semaphore_mem>>) {add = true}
    %dma_wait3A_75 = arith.constant 0 : i32
    %dma_wait3A_76 = arith.constant 0 : i32
    %dma_wait3A_77 = tpu.memref_slice %arg8[%dma_wait3A_75, %dma_wait3A_76] : memref<80x128xi32, #tpu.memory_space<vmem>> -> memref<1x128xi32, #tpu.memory_space<vmem>>
    %dma_wait3A_78 = tpu.memref_squeeze %dma_wait3A_77 : memref<1x128xi32, #tpu.memory_space<vmem>> -> memref<128xi32, #tpu.memory_space<vmem>>
    %dma_wait3A_79 = arith.constant 0 : i32
    %dma_wait3A_80 = arith.constant 0 : i32
    %dma_wait3A_81 = tpu.memref_slice %arg17[%dma_wait3A_79, %dma_wait3A_80] : memref<10008x64xbf16, #tpu.memory_space<vmem_shared>> -> memref<10008x64xbf16, #tpu.memory_space<vmem_shared>>
    tpu.wait_indirect_dma semaphore(%arg26 : memref<!tpu.dma_semaphore, #tpu.memory_space<semaphore_mem>>) src(%arg9 : memref<128x64xbf16, #tpu.memory_space<vmem>>) dst(%dma_wait3A_81 : memref<10008x64xbf16, #tpu.memory_space<vmem_shared>>)
    %dma_start3A_82 = arith.constant 72 : i32
    %dma_start3A_83 = arith.constant 0 : i32
    %dma_start3A_84 = tpu.memref_slice %arg7[%dma_start3A_82, %dma_start3A_83] : memref<80x128xi32, #tpu.memory_space<vmem>> -> memref<1x128xi32, #tpu.memory_space<vmem>>
    %dma_start3A_85 = tpu.memref_squeeze %dma_start3A_84 : memref<1x128xi32, #tpu.memory_space<vmem>> -> memref<128xi32, #tpu.memory_space<vmem>>
    %dma_start3A_86 = arith.constant 0 : i32
    %dma_start3A_87 = arith.constant 0 : i32
    %dma_start3A_88 = tpu.memref_slice %arg2[%dma_start3A_86, %dma_start3A_87] : memref<10000x64xbf16, #tpu.memory_space<hbm>> -> memref<10000x64xbf16, #tpu.memory_space<hbm>>
    tpu.enqueue_indirect_dma source(%dma_start3A_88 : memref<10000x64xbf16, #tpu.memory_space<hbm>>) target(%arg9 : memref<128x64xbf16, #tpu.memory_space<vmem>>) offsets(%dma_start3A_85 : memref<128xi32, #tpu.memory_space<vmem>>) semaphore(%arg18 : memref<!tpu.dma_semaphore, #tpu.memory_space<semaphore_mem>>)
    %dma_wait3A_89 = arith.constant 0 : i32
    %dma_wait3A_90 = arith.constant 0 : i32
    %dma_wait3A_91 = tpu.memref_slice %arg7[%dma_wait3A_89, %dma_wait3A_90] : memref<80x128xi32, #tpu.memory_space<vmem>> -> memref<1x128xi32, #tpu.memory_space<vmem>>
    %dma_wait3A_92 = tpu.memref_squeeze %dma_wait3A_91 : memref<1x128xi32, #tpu.memory_space<vmem>> -> memref<128xi32, #tpu.memory_space<vmem>>
    %dma_wait3A_93 = arith.constant 0 : i32
    %dma_wait3A_94 = arith.constant 0 : i32
    %dma_wait3A_95 = tpu.memref_slice %arg2[%dma_wait3A_93, %dma_wait3A_94] : memref<10000x64xbf16, #tpu.memory_space<hbm>> -> memref<10000x64xbf16, #tpu.memory_space<hbm>>
    tpu.wait_indirect_dma semaphore(%arg19 : memref<!tpu.dma_semaphore, #tpu.memory_space<semaphore_mem>>) src(%dma_wait3A_95 : memref<10000x64xbf16, #tpu.memory_space<hbm>>) dst(%arg10 : memref<128x64xbf16, #tpu.memory_space<vmem>>)
    %dma_start3A_96 = arith.constant 65 : i32
    %dma_start3A_97 = arith.constant 0 : i32
    %dma_start3A_98 = tpu.memref_slice %arg8[%dma_start3A_96, %dma_start3A_97] : memref<80x128xi32, #tpu.memory_space<vmem>> -> memref<1x128xi32, #tpu.memory_space<vmem>>
    %dma_start3A_99 = tpu.memref_squeeze %dma_start3A_98 : memref<1x128xi32, #tpu.memory_space<vmem>> -> memref<128xi32, #tpu.memory_space<vmem>>
    %dma_start3A_100 = arith.constant 0 : i32
    %dma_start3A_101 = arith.constant 0 : i32
    %dma_start3A_102 = tpu.memref_slice %arg17[%dma_start3A_100, %dma_start3A_101] : memref<10008x64xbf16, #tpu.memory_space<vmem_shared>> -> memref<10008x64xbf16, #tpu.memory_space<vmem_shared>>
    tpu.enqueue_indirect_dma source(%arg10 : memref<128x64xbf16, #tpu.memory_space<vmem>>) target(%dma_start3A_102 : memref<10008x64xbf16, #tpu.memory_space<vmem_shared>>) offsets(%dma_start3A_99 : memref<128xi32, #tpu.memory_space<vmem>>) semaphore(%arg27 : memref<!tpu.dma_semaphore, #tpu.memory_space<semaphore_mem>>) {add = true}
    %dma_wait3A_103 = arith.constant 0 : i32
    %dma_wait3A_104 = arith.constant 0 : i32
    %dma_wait3A_105 = tpu.memref_slice %arg8[%dma_wait3A_103, %dma_wait3A_104] : memref<80x128xi32, #tpu.memory_space<vmem>> -> memref<1x128xi32, #tpu.memory_space<vmem>>
    %dma_wait3A_106 = tpu.memref_squeeze %dma_wait3A_105 : memref<1x128xi32, #tpu.memory_space<vmem>> -> memref<128xi32, #tpu.memory_space<vmem>>
    %dma_wait3A_107 = arith.constant 0 : i32
    %dma_wait3A_108 = arith.constant 0 : i32
    %dma_wait3A_109 = tpu.memref_slice %arg17[%dma_wait3A_107, %dma_wait3A_108] : memref<10008x64xbf16, #tpu.memory_space<vmem_shared>> -> memref<10008x64xbf16, #tpu.memory_space<vmem_shared>>
    tpu.wait_indirect_dma semaphore(%arg27 : memref<!tpu.dma_semaphore, #tpu.memory_space<semaphore_mem>>) src(%arg10 : memref<128x64xbf16, #tpu.memory_space<vmem>>) dst(%dma_wait3A_109 : memref<10008x64xbf16, #tpu.memory_space<vmem_shared>>)
    %dma_start3A_110 = arith.constant 73 : i32
    %dma_start3A_111 = arith.constant 0 : i32
    %dma_start3A_112 = tpu.memref_slice %arg7[%dma_start3A_110, %dma_start3A_111] : memref<80x128xi32, #tpu.memory_space<vmem>> -> memref<1x128xi32, #tpu.memory_space<vmem>>
    %dma_start3A_113 = tpu.memref_squeeze %dma_start3A_112 : memref<1x128xi32, #tpu.memory_space<vmem>> -> memref<128xi32, #tpu.memory_space<vmem>>
    %dma_start3A_114 = arith.constant 0 : i32
    %dma_start3A_115 = arith.constant 0 : i32
    %dma_start3A_116 = tpu.memref_slice %arg2[%dma_start3A_114, %dma_start3A_115] : memref<10000x64xbf16, #tpu.memory_space<hbm>> -> memref<10000x64xbf16, #tpu.memory_space<hbm>>
    tpu.enqueue_indirect_dma source(%dma_start3A_116 : memref<10000x64xbf16, #tpu.memory_space<hbm>>) target(%arg10 : memref<128x64xbf16, #tpu.memory_space<vmem>>) offsets(%dma_start3A_113 : memref<128xi32, #tpu.memory_space<vmem>>) semaphore(%arg19 : memref<!tpu.dma_semaphore, #tpu.memory_space<semaphore_mem>>)
    %dma_wait3A_117 = arith.constant 0 : i32
    %dma_wait3A_118 = arith.constant 0 : i32
    %dma_wait3A_119 = tpu.memref_slice %arg7[%dma_wait3A_117, %dma_wait3A_118] : memref<80x128xi32, #tpu.memory_space<vmem>> -> memref<1x128xi32, #tpu.memory_space<vmem>>
    %dma_wait3A_120 = tpu.memref_squeeze %dma_wait3A_119 : memref<1x128xi32, #tpu.memory_space<vmem>> -> memref<128xi32, #tpu.memory_space<vmem>>
    %dma_wait3A_121 = arith.constant 0 : i32
    %dma_wait3A_122 = arith.constant 0 : i32
    %dma_wait3A_123 = tpu.memref_slice %arg2[%dma_wait3A_121, %dma_wait3A_122] : memref<10000x64xbf16, #tpu.memory_space<hbm>> -> memref<10000x64xbf16, #tpu.memory_space<hbm>>
    tpu.wait_indirect_dma semaphore(%arg20 : memref<!tpu.dma_semaphore, #tpu.memory_space<semaphore_mem>>) src(%dma_wait3A_123 : memref<10000x64xbf16, #tpu.memory_space<hbm>>) dst(%arg11 : memref<128x64xbf16, #tpu.memory_space<vmem>>)
    %dma_start3A_124 = arith.constant 66 : i32
    %dma_start3A_125 = arith.constant 0 : i32
    %dma_start3A_126 = tpu.memref_slice %arg8[%dma_start3A_124, %dma_start3A_125] : memref<80x128xi32, #tpu.memory_space<vmem>> -> memref<1x128xi32, #tpu.memory_space<vmem>>
    %dma_start3A_127 = tpu.memref_squeeze %dma_start3A_126 : memref<1x128xi32, #tpu.memory_space<vmem>> -> memref<128xi32, #tpu.memory_space<vmem>>
    %dma_start3A_128 = arith.constant 0 : i32
    %dma_start3A_129 = arith.constant 0 : i32
    %dma_start3A_130 = tpu.memref_slice %arg17[%dma_start3A_128, %dma_start3A_129] : memref<10008x64xbf16, #tpu.memory_space<vmem_shared>> -> memref<10008x64xbf16, #tpu.memory_space<vmem_shared>>
    tpu.enqueue_indirect_dma source(%arg11 : memref<128x64xbf16, #tpu.memory_space<vmem>>) target(%dma_start3A_130 : memref<10008x64xbf16, #tpu.memory_space<vmem_shared>>) offsets(%dma_start3A_127 : memref<128xi32, #tpu.memory_space<vmem>>) semaphore(%arg28 : memref<!tpu.dma_semaphore, #tpu.memory_space<semaphore_mem>>) {add = true}
    %dma_wait3A_131 = arith.constant 0 : i32
    %dma_wait3A_132 = arith.constant 0 : i32
    %dma_wait3A_133 = tpu.memref_slice %arg8[%dma_wait3A_131, %dma_wait3A_132] : memref<80x128xi32, #tpu.memory_space<vmem>> -> memref<1x128xi32, #tpu.memory_space<vmem>>
    %dma_wait3A_134 = tpu.memref_squeeze %dma_wait3A_133 : memref<1x128xi32, #tpu.memory_space<vmem>> -> memref<128xi32, #tpu.memory_space<vmem>>
    %dma_wait3A_135 = arith.constant 0 : i32
    %dma_wait3A_136 = arith.constant 0 : i32
    %dma_wait3A_137 = tpu.memref_slice %arg17[%dma_wait3A_135, %dma_wait3A_136] : memref<10008x64xbf16, #tpu.memory_space<vmem_shared>> -> memref<10008x64xbf16, #tpu.memory_space<vmem_shared>>
    tpu.wait_indirect_dma semaphore(%arg28 : memref<!tpu.dma_semaphore, #tpu.memory_space<semaphore_mem>>) src(%arg11 : memref<128x64xbf16, #tpu.memory_space<vmem>>) dst(%dma_wait3A_137 : memref<10008x64xbf16, #tpu.memory_space<vmem_shared>>)
    %dma_start3A_138 = arith.constant 74 : i32
    %dma_start3A_139 = arith.constant 0 : i32
    %dma_start3A_140 = tpu.memref_slice %arg7[%dma_start3A_138, %dma_start3A_139] : memref<80x128xi32, #tpu.memory_space<vmem>> -> memref<1x128xi32, #tpu.memory_space<vmem>>
    %dma_start3A_141 = tpu.memref_squeeze %dma_start3A_140 : memref<1x128xi32, #tpu.memory_space<vmem>> -> memref<128xi32, #tpu.memory_space<vmem>>
    %dma_start3A_142 = arith.constant 0 : i32
    %dma_start3A_143 = arith.constant 0 : i32
    %dma_start3A_144 = tpu.memref_slice %arg2[%dma_start3A_142, %dma_start3A_143] : memref<10000x64xbf16, #tpu.memory_space<hbm>> -> memref<10000x64xbf16, #tpu.memory_space<hbm>>
    tpu.enqueue_indirect_dma source(%dma_start3A_144 : memref<10000x64xbf16, #tpu.memory_space<hbm>>) target(%arg11 : memref<128x64xbf16, #tpu.memory_space<vmem>>) offsets(%dma_start3A_141 : memref<128xi32, #tpu.memory_space<vmem>>) semaphore(%arg20 : memref<!tpu.dma_semaphore, #tpu.memory_space<semaphore_mem>>)
    %dma_wait3A_145 = arith.constant 0 : i32
    %dma_wait3A_146 = arith.constant 0 : i32
    %dma_wait3A_147 = tpu.memref_slice %arg7[%dma_wait3A_145, %dma_wait3A_146] : memref<80x128xi32, #tpu.memory_space<vmem>> -> memref<1x128xi32, #tpu.memory_space<vmem>>
    %dma_wait3A_148 = tpu.memref_squeeze %dma_wait3A_147 : memref<1x128xi32, #tpu.memory_space<vmem>> -> memref<128xi32, #tpu.memory_space<vmem>>
    %dma_wait3A_149 = arith.constant 0 : i32
    %dma_wait3A_150 = arith.constant 0 : i32
    %dma_wait3A_151 = tpu.memref_slice %arg2[%dma_wait3A_149, %dma_wait3A_150] : memref<10000x64xbf16, #tpu.memory_space<hbm>> -> memref<10000x64xbf16, #tpu.memory_space<hbm>>
    tpu.wait_indirect_dma semaphore(%arg21 : memref<!tpu.dma_semaphore, #tpu.memory_space<semaphore_mem>>) src(%dma_wait3A_151 : memref<10000x64xbf16, #tpu.memory_space<hbm>>) dst(%arg12 : memref<128x64xbf16, #tpu.memory_space<vmem>>)
    %dma_start3A_152 = arith.constant 67 : i32
    %dma_start3A_153 = arith.constant 0 : i32
    %dma_start3A_154 = tpu.memref_slice %arg8[%dma_start3A_152, %dma_start3A_153] : memref<80x128xi32, #tpu.memory_space<vmem>> -> memref<1x128xi32, #tpu.memory_space<vmem>>
    %dma_start3A_155 = tpu.memref_squeeze %dma_start3A_154 : memref<1x128xi32, #tpu.memory_space<vmem>> -> memref<128xi32, #tpu.memory_space<vmem>>
    %dma_start3A_156 = arith.constant 0 : i32
    %dma_start3A_157 = arith.constant 0 : i32
    %dma_start3A_158 = tpu.memref_slice %arg17[%dma_start3A_156, %dma_start3A_157] : memref<10008x64xbf16, #tpu.memory_space<vmem_shared>> -> memref<10008x64xbf16, #tpu.memory_space<vmem_shared>>
    tpu.enqueue_indirect_dma source(%arg12 : memref<128x64xbf16, #tpu.memory_space<vmem>>) target(%dma_start3A_158 : memref<10008x64xbf16, #tpu.memory_space<vmem_shared>>) offsets(%dma_start3A_155 : memref<128xi32, #tpu.memory_space<vmem>>) semaphore(%arg29 : memref<!tpu.dma_semaphore, #tpu.memory_space<semaphore_mem>>) {add = true}
    %dma_wait3A_159 = arith.constant 0 : i32
    %dma_wait3A_160 = arith.constant 0 : i32
    %dma_wait3A_161 = tpu.memref_slice %arg8[%dma_wait3A_159, %dma_wait3A_160] : memref<80x128xi32, #tpu.memory_space<vmem>> -> memref<1x128xi32, #tpu.memory_space<vmem>>
    %dma_wait3A_162 = tpu.memref_squeeze %dma_wait3A_161 : memref<1x128xi32, #tpu.memory_space<vmem>> -> memref<128xi32, #tpu.memory_space<vmem>>
    %dma_wait3A_163 = arith.constant 0 : i32
    %dma_wait3A_164 = arith.constant 0 : i32
    %dma_wait3A_165 = tpu.memref_slice %arg17[%dma_wait3A_163, %dma_wait3A_164] : memref<10008x64xbf16, #tpu.memory_space<vmem_shared>> -> memref<10008x64xbf16, #tpu.memory_space<vmem_shared>>
    tpu.wait_indirect_dma semaphore(%arg29 : memref<!tpu.dma_semaphore, #tpu.memory_space<semaphore_mem>>) src(%arg12 : memref<128x64xbf16, #tpu.memory_space<vmem>>) dst(%dma_wait3A_165 : memref<10008x64xbf16, #tpu.memory_space<vmem_shared>>)
    %dma_start3A_166 = arith.constant 75 : i32
    %dma_start3A_167 = arith.constant 0 : i32
    %dma_start3A_168 = tpu.memref_slice %arg7[%dma_start3A_166, %dma_start3A_167] : memref<80x128xi32, #tpu.memory_space<vmem>> -> memref<1x128xi32, #tpu.memory_space<vmem>>
    %dma_start3A_169 = tpu.memref_squeeze %dma_start3A_168 : memref<1x128xi32, #tpu.memory_space<vmem>> -> memref<128xi32, #tpu.memory_space<vmem>>
    %dma_start3A_170 = arith.constant 0 : i32
    %dma_start3A_171 = arith.constant 0 : i32
    %dma_start3A_172 = tpu.memref_slice %arg2[%dma_start3A_170, %dma_start3A_171] : memref<10000x64xbf16, #tpu.memory_space<hbm>> -> memref<10000x64xbf16, #tpu.memory_space<hbm>>
    tpu.enqueue_indirect_dma source(%dma_start3A_172 : memref<10000x64xbf16, #tpu.memory_space<hbm>>) target(%arg12 : memref<128x64xbf16, #tpu.memory_space<vmem>>) offsets(%dma_start3A_169 : memref<128xi32, #tpu.memory_space<vmem>>) semaphore(%arg21 : memref<!tpu.dma_semaphore, #tpu.memory_space<semaphore_mem>>)
    %dma_wait3A_173 = arith.constant 0 : i32
    %dma_wait3A_174 = arith.constant 0 : i32
    %dma_wait3A_175 = tpu.memref_slice %arg7[%dma_wait3A_173, %dma_wait3A_174] : memref<80x128xi32, #tpu.memory_space<vmem>> -> memref<1x128xi32, #tpu.memory_space<vmem>>
    %dma_wait3A_176 = tpu.memref_squeeze %dma_wait3A_175 : memref<1x128xi32, #tpu.memory_space<vmem>> -> memref<128xi32, #tpu.memory_space<vmem>>
    %dma_wait3A_177 = arith.constant 0 : i32
    %dma_wait3A_178 = arith.constant 0 : i32
    %dma_wait3A_179 = tpu.memref_slice %arg2[%dma_wait3A_177, %dma_wait3A_178] : memref<10000x64xbf16, #tpu.memory_space<hbm>> -> memref<10000x64xbf16, #tpu.memory_space<hbm>>
    tpu.wait_indirect_dma semaphore(%arg22 : memref<!tpu.dma_semaphore, #tpu.memory_space<semaphore_mem>>) src(%dma_wait3A_179 : memref<10000x64xbf16, #tpu.memory_space<hbm>>) dst(%arg13 : memref<128x64xbf16, #tpu.memory_space<vmem>>)
    %dma_start3A_180 = arith.constant 68 : i32
    %dma_start3A_181 = arith.constant 0 : i32
    %dma_start3A_182 = tpu.memref_slice %arg8[%dma_start3A_180, %dma_start3A_181] : memref<80x128xi32, #tpu.memory_space<vmem>> -> memref<1x128xi32, #tpu.memory_space<vmem>>
    %dma_start3A_183 = tpu.memref_squeeze %dma_start3A_182 : memref<1x128xi32, #tpu.memory_space<vmem>> -> memref<128xi32, #tpu.memory_space<vmem>>
    %dma_start3A_184 = arith.constant 0 : i32
    %dma_start3A_185 = arith.constant 0 : i32
    %dma_start3A_186 = tpu.memref_slice %arg17[%dma_start3A_184, %dma_start3A_185] : memref<10008x64xbf16, #tpu.memory_space<vmem_shared>> -> memref<10008x64xbf16, #tpu.memory_space<vmem_shared>>
    tpu.enqueue_indirect_dma source(%arg13 : memref<128x64xbf16, #tpu.memory_space<vmem>>) target(%dma_start3A_186 : memref<10008x64xbf16, #tpu.memory_space<vmem_shared>>) offsets(%dma_start3A_183 : memref<128xi32, #tpu.memory_space<vmem>>) semaphore(%arg30 : memref<!tpu.dma_semaphore, #tpu.memory_space<semaphore_mem>>) {add = true}
    %dma_wait3A_187 = arith.constant 0 : i32
    %dma_wait3A_188 = arith.constant 0 : i32
    %dma_wait3A_189 = tpu.memref_slice %arg8[%dma_wait3A_187, %dma_wait3A_188] : memref<80x128xi32, #tpu.memory_space<vmem>> -> memref<1x128xi32, #tpu.memory_space<vmem>>
    %dma_wait3A_190 = tpu.memref_squeeze %dma_wait3A_189 : memref<1x128xi32, #tpu.memory_space<vmem>> -> memref<128xi32, #tpu.memory_space<vmem>>
    %dma_wait3A_191 = arith.constant 0 : i32
    %dma_wait3A_192 = arith.constant 0 : i32
    %dma_wait3A_193 = tpu.memref_slice %arg17[%dma_wait3A_191, %dma_wait3A_192] : memref<10008x64xbf16, #tpu.memory_space<vmem_shared>> -> memref<10008x64xbf16, #tpu.memory_space<vmem_shared>>
    tpu.wait_indirect_dma semaphore(%arg30 : memref<!tpu.dma_semaphore, #tpu.memory_space<semaphore_mem>>) src(%arg13 : memref<128x64xbf16, #tpu.memory_space<vmem>>) dst(%dma_wait3A_193 : memref<10008x64xbf16, #tpu.memory_space<vmem_shared>>)
    %dma_start3A_194 = arith.constant 76 : i32
    %dma_start3A_195 = arith.constant 0 : i32
    %dma_start3A_196 = tpu.memref_slice %arg7[%dma_start3A_194, %dma_start3A_195] : memref<80x128xi32, #tpu.memory_space<vmem>> -> memref<1x128xi32, #tpu.memory_space<vmem>>
    %dma_start3A_197 = tpu.memref_squeeze %dma_start3A_196 : memref<1x128xi32, #tpu.memory_space<vmem>> -> memref<128xi32, #tpu.memory_space<vmem>>
    %dma_start3A_198 = arith.constant 0 : i32
    %dma_start3A_199 = arith.constant 0 : i32
    %dma_start3A_200 = tpu.memref_slice %arg2[%dma_start3A_198, %dma_start3A_199] : memref<10000x64xbf16, #tpu.memory_space<hbm>> -> memref<10000x64xbf16, #tpu.memory_space<hbm>>
    tpu.enqueue_indirect_dma source(%dma_start3A_200 : memref<10000x64xbf16, #tpu.memory_space<hbm>>) target(%arg13 : memref<128x64xbf16, #tpu.memory_space<vmem>>) offsets(%dma_start3A_197 : memref<128xi32, #tpu.memory_space<vmem>>) semaphore(%arg22 : memref<!tpu.dma_semaphore, #tpu.memory_space<semaphore_mem>>)
    %dma_wait3A_201 = arith.constant 0 : i32
    %dma_wait3A_202 = arith.constant 0 : i32
    %dma_wait3A_203 = tpu.memref_slice %arg7[%dma_wait3A_201, %dma_wait3A_202] : memref<80x128xi32, #tpu.memory_space<vmem>> -> memref<1x128xi32, #tpu.memory_space<vmem>>
    %dma_wait3A_204 = tpu.memref_squeeze %dma_wait3A_203 : memref<1x128xi32, #tpu.memory_space<vmem>> -> memref<128xi32, #tpu.memory_space<vmem>>
    %dma_wait3A_205 = arith.constant 0 : i32
    %dma_wait3A_206 = arith.constant 0 : i32
    %dma_wait3A_207 = tpu.memref_slice %arg2[%dma_wait3A_205, %dma_wait3A_206] : memref<10000x64xbf16, #tpu.memory_space<hbm>> -> memref<10000x64xbf16, #tpu.memory_space<hbm>>
    tpu.wait_indirect_dma semaphore(%arg23 : memref<!tpu.dma_semaphore, #tpu.memory_space<semaphore_mem>>) src(%dma_wait3A_207 : memref<10000x64xbf16, #tpu.memory_space<hbm>>) dst(%arg14 : memref<128x64xbf16, #tpu.memory_space<vmem>>)
    %dma_start3A_208 = arith.constant 69 : i32
    %dma_start3A_209 = arith.constant 0 : i32
    %dma_start3A_210 = tpu.memref_slice %arg8[%dma_start3A_208, %dma_start3A_209] : memref<80x128xi32, #tpu.memory_space<vmem>> -> memref<1x128xi32, #tpu.memory_space<vmem>>
    %dma_start3A_211 = tpu.memref_squeeze %dma_start3A_210 : memref<1x128xi32, #tpu.memory_space<vmem>> -> memref<128xi32, #tpu.memory_space<vmem>>
    %dma_start3A_212 = arith.constant 0 : i32
    %dma_start3A_213 = arith.constant 0 : i32
    %dma_start3A_214 = tpu.memref_slice %arg17[%dma_start3A_212, %dma_start3A_213] : memref<10008x64xbf16, #tpu.memory_space<vmem_shared>> -> memref<10008x64xbf16, #tpu.memory_space<vmem_shared>>
    tpu.enqueue_indirect_dma source(%arg14 : memref<128x64xbf16, #tpu.memory_space<vmem>>) target(%dma_start3A_214 : memref<10008x64xbf16, #tpu.memory_space<vmem_shared>>) offsets(%dma_start3A_211 : memref<128xi32, #tpu.memory_space<vmem>>) semaphore(%arg31 : memref<!tpu.dma_semaphore, #tpu.memory_space<semaphore_mem>>) {add = true}
    %dma_wait3A_215 = arith.constant 0 : i32
    %dma_wait3A_216 = arith.constant 0 : i32
    %dma_wait3A_217 = tpu.memref_slice %arg8[%dma_wait3A_215, %dma_wait3A_216] : memref<80x128xi32, #tpu.memory_space<vmem>> -> memref<1x128xi32, #tpu.memory_space<vmem>>
    %dma_wait3A_218 = tpu.memref_squeeze %dma_wait3A_217 : memref<1x128xi32, #tpu.memory_space<vmem>> -> memref<128xi32, #tpu.memory_space<vmem>>
    %dma_wait3A_219 = arith.constant 0 : i32
    %dma_wait3A_220 = arith.constant 0 : i32
    %dma_wait3A_221 = tpu.memref_slice %arg17[%dma_wait3A_219, %dma_wait3A_220] : memref<10008x64xbf16, #tpu.memory_space<vmem_shared>> -> memref<10008x64xbf16, #tpu.memory_space<vmem_shared>>
    tpu.wait_indirect_dma semaphore(%arg31 : memref<!tpu.dma_semaphore, #tpu.memory_space<semaphore_mem>>) src(%arg14 : memref<128x64xbf16, #tpu.memory_space<vmem>>) dst(%dma_wait3A_221 : memref<10008x64xbf16, #tpu.memory_space<vmem_shared>>)
    %dma_start3A_222 = arith.constant 77 : i32
    %dma_start3A_223 = arith.constant 0 : i32
    %dma_start3A_224 = tpu.memref_slice %arg7[%dma_start3A_222, %dma_start3A_223] : memref<80x128xi32, #tpu.memory_space<vmem>> -> memref<1x128xi32, #tpu.memory_space<vmem>>
    %dma_start3A_225 = tpu.memref_squeeze %dma_start3A_224 : memref<1x128xi32, #tpu.memory_space<vmem>> -> memref<128xi32, #tpu.memory_space<vmem>>
    %dma_start3A_226 = arith.constant 0 : i32
    %dma_start3A_227 = arith.constant 0 : i32
    %dma_start3A_228 = tpu.memref_slice %arg2[%dma_start3A_226, %dma_start3A_227] : memref<10000x64xbf16, #tpu.memory_space<hbm>> -> memref<10000x64xbf16, #tpu.memory_space<hbm>>
    tpu.enqueue_indirect_dma source(%dma_start3A_228 : memref<10000x64xbf16, #tpu.memory_space<hbm>>) target(%arg14 : memref<128x64xbf16, #tpu.memory_space<vmem>>) offsets(%dma_start3A_225 : memref<128xi32, #tpu.memory_space<vmem>>) semaphore(%arg23 : memref<!tpu.dma_semaphore, #tpu.memory_space<semaphore_mem>>)
    %dma_wait3A_229 = arith.constant 0 : i32
    %dma_wait3A_230 = arith.constant 0 : i32
    %dma_wait3A_231 = tpu.memref_slice %arg7[%dma_wait3A_229, %dma_wait3A_230] : memref<80x128xi32, #tpu.memory_space<vmem>> -> memref<1x128xi32, #tpu.memory_space<vmem>>
    %dma_wait3A_232 = tpu.memref_squeeze %dma_wait3A_231 : memref<1x128xi32, #tpu.memory_space<vmem>> -> memref<128xi32, #tpu.memory_space<vmem>>
    %dma_wait3A_233 = arith.constant 0 : i32
    %dma_wait3A_234 = arith.constant 0 : i32
    %dma_wait3A_235 = tpu.memref_slice %arg2[%dma_wait3A_233, %dma_wait3A_234] : memref<10000x64xbf16, #tpu.memory_space<hbm>> -> memref<10000x64xbf16, #tpu.memory_space<hbm>>
    tpu.wait_indirect_dma semaphore(%arg24 : memref<!tpu.dma_semaphore, #tpu.memory_space<semaphore_mem>>) src(%dma_wait3A_235 : memref<10000x64xbf16, #tpu.memory_space<hbm>>) dst(%arg15 : memref<128x64xbf16, #tpu.memory_space<vmem>>)
    %dma_start3A_236 = arith.constant 70 : i32
    %dma_start3A_237 = arith.constant 0 : i32
    %dma_start3A_238 = tpu.memref_slice %arg8[%dma_start3A_236, %dma_start3A_237] : memref<80x128xi32, #tpu.memory_space<vmem>> -> memref<1x128xi32, #tpu.memory_space<vmem>>
    %dma_start3A_239 = tpu.memref_squeeze %dma_start3A_238 : memref<1x128xi32, #tpu.memory_space<vmem>> -> memref<128xi32, #tpu.memory_space<vmem>>
    %dma_start3A_240 = arith.constant 0 : i32
    %dma_start3A_241 = arith.constant 0 : i32
    %dma_start3A_242 = tpu.memref_slice %arg17[%dma_start3A_240, %dma_start3A_241] : memref<10008x64xbf16, #tpu.memory_space<vmem_shared>> -> memref<10008x64xbf16, #tpu.memory_space<vmem_shared>>
    tpu.enqueue_indirect_dma source(%arg15 : memref<128x64xbf16, #tpu.memory_space<vmem>>) target(%dma_start3A_242 : memref<10008x64xbf16, #tpu.memory_space<vmem_shared>>) offsets(%dma_start3A_239 : memref<128xi32, #tpu.memory_space<vmem>>) semaphore(%arg32 : memref<!tpu.dma_semaphore, #tpu.memory_space<semaphore_mem>>) {add = true}
    %dma_wait3A_243 = arith.constant 0 : i32
    %dma_wait3A_244 = arith.constant 0 : i32
    %dma_wait3A_245 = tpu.memref_slice %arg8[%dma_wait3A_243, %dma_wait3A_244] : memref<80x128xi32, #tpu.memory_space<vmem>> -> memref<1x128xi32, #tpu.memory_space<vmem>>
    %dma_wait3A_246 = tpu.memref_squeeze %dma_wait3A_245 : memref<1x128xi32, #tpu.memory_space<vmem>> -> memref<128xi32, #tpu.memory_space<vmem>>
    %dma_wait3A_247 = arith.constant 0 : i32
    %dma_wait3A_248 = arith.constant 0 : i32
    %dma_wait3A_249 = tpu.memref_slice %arg17[%dma_wait3A_247, %dma_wait3A_248] : memref<10008x64xbf16, #tpu.memory_space<vmem_shared>> -> memref<10008x64xbf16, #tpu.memory_space<vmem_shared>>
    tpu.wait_indirect_dma semaphore(%arg32 : memref<!tpu.dma_semaphore, #tpu.memory_space<semaphore_mem>>) src(%arg15 : memref<128x64xbf16, #tpu.memory_space<vmem>>) dst(%dma_wait3A_249 : memref<10008x64xbf16, #tpu.memory_space<vmem_shared>>)
    %dma_start3A_250 = arith.constant 78 : i32
    %dma_start3A_251 = arith.constant 0 : i32
    %dma_start3A_252 = tpu.memref_slice %arg7[%dma_start3A_250, %dma_start3A_251] : memref<80x128xi32, #tpu.memory_space<vmem>> -> memref<1x128xi32, #tpu.memory_space<vmem>>
    %dma_start3A_253 = tpu.memref_squeeze %dma_start3A_252 : memref<1x128xi32, #tpu.memory_space<vmem>> -> memref<128xi32, #tpu.memory_space<vmem>>
    %dma_start3A_254 = arith.constant 0 : i32
    %dma_start3A_255 = arith.constant 0 : i32
    %dma_start3A_256 = tpu.memref_slice %arg2[%dma_start3A_254, %dma_start3A_255] : memref<10000x64xbf16, #tpu.memory_space<hbm>> -> memref<10000x64xbf16, #tpu.memory_space<hbm>>
    tpu.enqueue_indirect_dma source(%dma_start3A_256 : memref<10000x64xbf16, #tpu.memory_space<hbm>>) target(%arg15 : memref<128x64xbf16, #tpu.memory_space<vmem>>) offsets(%dma_start3A_253 : memref<128xi32, #tpu.memory_space<vmem>>) semaphore(%arg24 : memref<!tpu.dma_semaphore, #tpu.memory_space<semaphore_mem>>)
    %dma_wait3A_257 = arith.constant 0 : i32
    %dma_wait3A_258 = arith.constant 0 : i32
    %dma_wait3A_259 = tpu.memref_slice %arg7[%dma_wait3A_257, %dma_wait3A_258] : memref<80x128xi32, #tpu.memory_space<vmem>> -> memref<1x128xi32, #tpu.memory_space<vmem>>
    %dma_wait3A_260 = tpu.memref_squeeze %dma_wait3A_259 : memref<1x128xi32, #tpu.memory_space<vmem>> -> memref<128xi32, #tpu.memory_space<vmem>>
    %dma_wait3A_261 = arith.constant 0 : i32
    %dma_wait3A_262 = arith.constant 0 : i32
    %dma_wait3A_263 = tpu.memref_slice %arg2[%dma_wait3A_261, %dma_wait3A_262] : memref<10000x64xbf16, #tpu.memory_space<hbm>> -> memref<10000x64xbf16, #tpu.memory_space<hbm>>
    tpu.wait_indirect_dma semaphore(%arg25 : memref<!tpu.dma_semaphore, #tpu.memory_space<semaphore_mem>>) src(%dma_wait3A_263 : memref<10000x64xbf16, #tpu.memory_space<hbm>>) dst(%arg16 : memref<128x64xbf16, #tpu.memory_space<vmem>>)
    %dma_start3A_264 = arith.constant 71 : i32
    %dma_start3A_265 = arith.constant 0 : i32
    %dma_start3A_266 = tpu.memref_slice %arg8[%dma_start3A_264, %dma_start3A_265] : memref<80x128xi32, #tpu.memory_space<vmem>> -> memref<1x128xi32, #tpu.memory_space<vmem>>
    %dma_start3A_267 = tpu.memref_squeeze %dma_start3A_266 : memref<1x128xi32, #tpu.memory_space<vmem>> -> memref<128xi32, #tpu.memory_space<vmem>>
    %dma_start3A_268 = arith.constant 0 : i32
    %dma_start3A_269 = arith.constant 0 : i32
    %dma_start3A_270 = tpu.memref_slice %arg17[%dma_start3A_268, %dma_start3A_269] : memref<10008x64xbf16, #tpu.memory_space<vmem_shared>> -> memref<10008x64xbf16, #tpu.memory_space<vmem_shared>>
    tpu.enqueue_indirect_dma source(%arg16 : memref<128x64xbf16, #tpu.memory_space<vmem>>) target(%dma_start3A_270 : memref<10008x64xbf16, #tpu.memory_space<vmem_shared>>) offsets(%dma_start3A_267 : memref<128xi32, #tpu.memory_space<vmem>>) semaphore(%arg33 : memref<!tpu.dma_semaphore, #tpu.memory_space<semaphore_mem>>) {add = true}
    %dma_wait3A_271 = arith.constant 0 : i32
    %dma_wait3A_272 = arith.constant 0 : i32
    %dma_wait3A_273 = tpu.memref_slice %arg8[%dma_wait3A_271, %dma_wait3A_272] : memref<80x128xi32, #tpu.memory_space<vmem>> -> memref<1x128xi32, #tpu.memory_space<vmem>>
    %dma_wait3A_274 = tpu.memref_squeeze %dma_wait3A_273 : memref<1x128xi32, #tpu.memory_space<vmem>> -> memref<128xi32, #tpu.memory_space<vmem>>
    %dma_wait3A_275 = arith.constant 0 : i32
    %dma_wait3A_276 = arith.constant 0 : i32
    %dma_wait3A_277 = tpu.memref_slice %arg17[%dma_wait3A_275, %dma_wait3A_276] : memref<10008x64xbf16, #tpu.memory_space<vmem_shared>> -> memref<10008x64xbf16, #tpu.memory_space<vmem_shared>>
    tpu.wait_indirect_dma semaphore(%arg33 : memref<!tpu.dma_semaphore, #tpu.memory_space<semaphore_mem>>) src(%arg16 : memref<128x64xbf16, #tpu.memory_space<vmem>>) dst(%dma_wait3A_277 : memref<10008x64xbf16, #tpu.memory_space<vmem_shared>>)
    %dma_start3A_278 = arith.constant 79 : i32
    %dma_start3A_279 = arith.constant 0 : i32
    %dma_start3A_280 = tpu.memref_slice %arg7[%dma_start3A_278, %dma_start3A_279] : memref<80x128xi32, #tpu.memory_space<vmem>> -> memref<1x128xi32, #tpu.memory_space<vmem>>
    %dma_start3A_281 = tpu.memref_squeeze %dma_start3A_280 : memref<1x128xi32, #tpu.memory_space<vmem>> -> memref<128xi32, #tpu.memory_space<vmem>>
    %dma_start3A_282 = arith.constant 0 : i32
    %dma_start3A_283 = arith.constant 0 : i32
    %dma_start3A_284 = tpu.memref_slice %arg2[%dma_start3A_282, %dma_start3A_283] : memref<10000x64xbf16, #tpu.memory_space<hbm>> -> memref<10000x64xbf16, #tpu.memory_space<hbm>>
    tpu.enqueue_indirect_dma source(%dma_start3A_284 : memref<10000x64xbf16, #tpu.memory_space<hbm>>) target(%arg16 : memref<128x64xbf16, #tpu.memory_space<vmem>>) offsets(%dma_start3A_281 : memref<128xi32, #tpu.memory_space<vmem>>) semaphore(%arg25 : memref<!tpu.dma_semaphore, #tpu.memory_space<semaphore_mem>>)
    %dma_wait3A_285 = arith.constant 0 : i32
    %dma_wait3A_286 = arith.constant 0 : i32
    %dma_wait3A_287 = tpu.memref_slice %arg7[%dma_wait3A_285, %dma_wait3A_286] : memref<80x128xi32, #tpu.memory_space<vmem>> -> memref<1x128xi32, #tpu.memory_space<vmem>>
    %dma_wait3A_288 = tpu.memref_squeeze %dma_wait3A_287 : memref<1x128xi32, #tpu.memory_space<vmem>> -> memref<128xi32, #tpu.memory_space<vmem>>
    %dma_wait3A_289 = arith.constant 0 : i32
    %dma_wait3A_290 = arith.constant 0 : i32
    %dma_wait3A_291 = tpu.memref_slice %arg2[%dma_wait3A_289, %dma_wait3A_290] : memref<10000x64xbf16, #tpu.memory_space<hbm>> -> memref<10000x64xbf16, #tpu.memory_space<hbm>>
    tpu.wait_indirect_dma semaphore(%arg18 : memref<!tpu.dma_semaphore, #tpu.memory_space<semaphore_mem>>) src(%dma_wait3A_291 : memref<10000x64xbf16, #tpu.memory_space<hbm>>) dst(%arg9 : memref<128x64xbf16, #tpu.memory_space<vmem>>)
    %dma_start3A_292 = arith.constant 72 : i32
    %dma_start3A_293 = arith.constant 0 : i32
    %dma_start3A_294 = tpu.memref_slice %arg8[%dma_start3A_292, %dma_start3A_293] : memref<80x128xi32, #tpu.memory_space<vmem>> -> memref<1x128xi32, #tpu.memory_space<vmem>>
    %dma_start3A_295 = tpu.memref_squeeze %dma_start3A_294 : memref<1x128xi32, #tpu.memory_space<vmem>> -> memref<128xi32, #tpu.memory_space<vmem>>
    %dma_start3A_296 = arith.constant 0 : i32
    %dma_start3A_297 = arith.constant 0 : i32
    %dma_start3A_298 = tpu.memref_slice %arg17[%dma_start3A_296, %dma_start3A_297] : memref<10008x64xbf16, #tpu.memory_space<vmem_shared>> -> memref<10008x64xbf16, #tpu.memory_space<vmem_shared>>
    tpu.enqueue_indirect_dma source(%arg9 : memref<128x64xbf16, #tpu.memory_space<vmem>>) target(%dma_start3A_298 : memref<10008x64xbf16, #tpu.memory_space<vmem_shared>>) offsets(%dma_start3A_295 : memref<128xi32, #tpu.memory_space<vmem>>) semaphore(%arg26 : memref<!tpu.dma_semaphore, #tpu.memory_space<semaphore_mem>>) {add = true}
    %dma_wait3A_299 = arith.constant 0 : i32
    %dma_wait3A_300 = arith.constant 0 : i32
    %dma_wait3A_301 = tpu.memref_slice %arg8[%dma_wait3A_299, %dma_wait3A_300] : memref<80x128xi32, #tpu.memory_space<vmem>> -> memref<1x128xi32, #tpu.memory_space<vmem>>
    %dma_wait3A_302 = tpu.memref_squeeze %dma_wait3A_301 : memref<1x128xi32, #tpu.memory_space<vmem>> -> memref<128xi32, #tpu.memory_space<vmem>>
    %dma_wait3A_303 = arith.constant 0 : i32
    %dma_wait3A_304 = arith.constant 0 : i32
    %dma_wait3A_305 = tpu.memref_slice %arg17[%dma_wait3A_303, %dma_wait3A_304] : memref<10008x64xbf16, #tpu.memory_space<vmem_shared>> -> memref<10008x64xbf16, #tpu.memory_space<vmem_shared>>
    tpu.wait_indirect_dma semaphore(%arg26 : memref<!tpu.dma_semaphore, #tpu.memory_space<semaphore_mem>>) src(%arg9 : memref<128x64xbf16, #tpu.memory_space<vmem>>) dst(%dma_wait3A_305 : memref<10008x64xbf16, #tpu.memory_space<vmem_shared>>)
    %dma_wait3A_306 = arith.constant 0 : i32
    %dma_wait3A_307 = arith.constant 0 : i32
    %dma_wait3A_308 = tpu.memref_slice %arg7[%dma_wait3A_306, %dma_wait3A_307] : memref<80x128xi32, #tpu.memory_space<vmem>> -> memref<1x128xi32, #tpu.memory_space<vmem>>
    %dma_wait3A_309 = tpu.memref_squeeze %dma_wait3A_308 : memref<1x128xi32, #tpu.memory_space<vmem>> -> memref<128xi32, #tpu.memory_space<vmem>>
    %dma_wait3A_310 = arith.constant 0 : i32
    %dma_wait3A_311 = arith.constant 0 : i32
    %dma_wait3A_312 = tpu.memref_slice %arg2[%dma_wait3A_310, %dma_wait3A_311] : memref<10000x64xbf16, #tpu.memory_space<hbm>> -> memref<10000x64xbf16, #tpu.memory_space<hbm>>
    tpu.wait_indirect_dma semaphore(%arg19 : memref<!tpu.dma_semaphore, #tpu.memory_space<semaphore_mem>>) src(%dma_wait3A_312 : memref<10000x64xbf16, #tpu.memory_space<hbm>>) dst(%arg10 : memref<128x64xbf16, #tpu.memory_space<vmem>>)
    %dma_start3A_313 = arith.constant 73 : i32
    %dma_start3A_314 = arith.constant 0 : i32
    %dma_start3A_315 = tpu.memref_slice %arg8[%dma_start3A_313, %dma_start3A_314] : memref<80x128xi32, #tpu.memory_space<vmem>> -> memref<1x128xi32, #tpu.memory_space<vmem>>
    %dma_start3A_316 = tpu.memref_squeeze %dma_start3A_315 : memref<1x128xi32, #tpu.memory_space<vmem>> -> memref<128xi32, #tpu.memory_space<vmem>>
    %dma_start3A_317 = arith.constant 0 : i32
    %dma_start3A_318 = arith.constant 0 : i32
    %dma_start3A_319 = tpu.memref_slice %arg17[%dma_start3A_317, %dma_start3A_318] : memref<10008x64xbf16, #tpu.memory_space<vmem_shared>> -> memref<10008x64xbf16, #tpu.memory_space<vmem_shared>>
    tpu.enqueue_indirect_dma source(%arg10 : memref<128x64xbf16, #tpu.memory_space<vmem>>) target(%dma_start3A_319 : memref<10008x64xbf16, #tpu.memory_space<vmem_shared>>) offsets(%dma_start3A_316 : memref<128xi32, #tpu.memory_space<vmem>>) semaphore(%arg27 : memref<!tpu.dma_semaphore, #tpu.memory_space<semaphore_mem>>) {add = true}
    %dma_wait3A_320 = arith.constant 0 : i32
    %dma_wait3A_321 = arith.constant 0 : i32
    %dma_wait3A_322 = tpu.memref_slice %arg8[%dma_wait3A_320, %dma_wait3A_321] : memref<80x128xi32, #tpu.memory_space<vmem>> -> memref<1x128xi32, #tpu.memory_space<vmem>>
    %dma_wait3A_323 = tpu.memref_squeeze %dma_wait3A_322 : memref<1x128xi32, #tpu.memory_space<vmem>> -> memref<128xi32, #tpu.memory_space<vmem>>
    %dma_wait3A_324 = arith.constant 0 : i32
    %dma_wait3A_325 = arith.constant 0 : i32
    %dma_wait3A_326 = tpu.memref_slice %arg17[%dma_wait3A_324, %dma_wait3A_325] : memref<10008x64xbf16, #tpu.memory_space<vmem_shared>> -> memref<10008x64xbf16, #tpu.memory_space<vmem_shared>>
    tpu.wait_indirect_dma semaphore(%arg27 : memref<!tpu.dma_semaphore, #tpu.memory_space<semaphore_mem>>) src(%arg10 : memref<128x64xbf16, #tpu.memory_space<vmem>>) dst(%dma_wait3A_326 : memref<10008x64xbf16, #tpu.memory_space<vmem_shared>>)
    %dma_wait3A_327 = arith.constant 0 : i32
    %dma_wait3A_328 = arith.constant 0 : i32
    %dma_wait3A_329 = tpu.memref_slice %arg7[%dma_wait3A_327, %dma_wait3A_328] : memref<80x128xi32, #tpu.memory_space<vmem>> -> memref<1x128xi32, #tpu.memory_space<vmem>>
    %dma_wait3A_330 = tpu.memref_squeeze %dma_wait3A_329 : memref<1x128xi32, #tpu.memory_space<vmem>> -> memref<128xi32, #tpu.memory_space<vmem>>
    %dma_wait3A_331 = arith.constant 0 : i32
    %dma_wait3A_332 = arith.constant 0 : i32
    %dma_wait3A_333 = tpu.memref_slice %arg2[%dma_wait3A_331, %dma_wait3A_332] : memref<10000x64xbf16, #tpu.memory_space<hbm>> -> memref<10000x64xbf16, #tpu.memory_space<hbm>>
    tpu.wait_indirect_dma semaphore(%arg20 : memref<!tpu.dma_semaphore, #tpu.memory_space<semaphore_mem>>) src(%dma_wait3A_333 : memref<10000x64xbf16, #tpu.memory_space<hbm>>) dst(%arg11 : memref<128x64xbf16, #tpu.memory_space<vmem>>)
    %dma_start3A_334 = arith.constant 74 : i32
    %dma_start3A_335 = arith.constant 0 : i32
    %dma_start3A_336 = tpu.memref_slice %arg8[%dma_start3A_334, %dma_start3A_335] : memref<80x128xi32, #tpu.memory_space<vmem>> -> memref<1x128xi32, #tpu.memory_space<vmem>>
    %dma_start3A_337 = tpu.memref_squeeze %dma_start3A_336 : memref<1x128xi32, #tpu.memory_space<vmem>> -> memref<128xi32, #tpu.memory_space<vmem>>
    %dma_start3A_338 = arith.constant 0 : i32
    %dma_start3A_339 = arith.constant 0 : i32
    %dma_start3A_340 = tpu.memref_slice %arg17[%dma_start3A_338, %dma_start3A_339] : memref<10008x64xbf16, #tpu.memory_space<vmem_shared>> -> memref<10008x64xbf16, #tpu.memory_space<vmem_shared>>
    tpu.enqueue_indirect_dma source(%arg11 : memref<128x64xbf16, #tpu.memory_space<vmem>>) target(%dma_start3A_340 : memref<10008x64xbf16, #tpu.memory_space<vmem_shared>>) offsets(%dma_start3A_337 : memref<128xi32, #tpu.memory_space<vmem>>) semaphore(%arg28 : memref<!tpu.dma_semaphore, #tpu.memory_space<semaphore_mem>>) {add = true}
    %dma_wait3A_341 = arith.constant 0 : i32
    %dma_wait3A_342 = arith.constant 0 : i32
    %dma_wait3A_343 = tpu.memref_slice %arg8[%dma_wait3A_341, %dma_wait3A_342] : memref<80x128xi32, #tpu.memory_space<vmem>> -> memref<1x128xi32, #tpu.memory_space<vmem>>
    %dma_wait3A_344 = tpu.memref_squeeze %dma_wait3A_343 : memref<1x128xi32, #tpu.memory_space<vmem>> -> memref<128xi32, #tpu.memory_space<vmem>>
    %dma_wait3A_345 = arith.constant 0 : i32
    %dma_wait3A_346 = arith.constant 0 : i32
    %dma_wait3A_347 = tpu.memref_slice %arg17[%dma_wait3A_345, %dma_wait3A_346] : memref<10008x64xbf16, #tpu.memory_space<vmem_shared>> -> memref<10008x64xbf16, #tpu.memory_space<vmem_shared>>
    tpu.wait_indirect_dma semaphore(%arg28 : memref<!tpu.dma_semaphore, #tpu.memory_space<semaphore_mem>>) src(%arg11 : memref<128x64xbf16, #tpu.memory_space<vmem>>) dst(%dma_wait3A_347 : memref<10008x64xbf16, #tpu.memory_space<vmem_shared>>)
    %dma_wait3A_348 = arith.constant 0 : i32
    %dma_wait3A_349 = arith.constant 0 : i32
    %dma_wait3A_350 = tpu.memref_slice %arg7[%dma_wait3A_348, %dma_wait3A_349] : memref<80x128xi32, #tpu.memory_space<vmem>> -> memref<1x128xi32, #tpu.memory_space<vmem>>
    %dma_wait3A_351 = tpu.memref_squeeze %dma_wait3A_350 : memref<1x128xi32, #tpu.memory_space<vmem>> -> memref<128xi32, #tpu.memory_space<vmem>>
    %dma_wait3A_352 = arith.constant 0 : i32
    %dma_wait3A_353 = arith.constant 0 : i32
    %dma_wait3A_354 = tpu.memref_slice %arg2[%dma_wait3A_352, %dma_wait3A_353] : memref<10000x64xbf16, #tpu.memory_space<hbm>> -> memref<10000x64xbf16, #tpu.memory_space<hbm>>
    tpu.wait_indirect_dma semaphore(%arg21 : memref<!tpu.dma_semaphore, #tpu.memory_space<semaphore_mem>>) src(%dma_wait3A_354 : memref<10000x64xbf16, #tpu.memory_space<hbm>>) dst(%arg12 : memref<128x64xbf16, #tpu.memory_space<vmem>>)
    %dma_start3A_355 = arith.constant 75 : i32
    %dma_start3A_356 = arith.constant 0 : i32
    %dma_start3A_357 = tpu.memref_slice %arg8[%dma_start3A_355, %dma_start3A_356] : memref<80x128xi32, #tpu.memory_space<vmem>> -> memref<1x128xi32, #tpu.memory_space<vmem>>
    %dma_start3A_358 = tpu.memref_squeeze %dma_start3A_357 : memref<1x128xi32, #tpu.memory_space<vmem>> -> memref<128xi32, #tpu.memory_space<vmem>>
    %dma_start3A_359 = arith.constant 0 : i32
    %dma_start3A_360 = arith.constant 0 : i32
    %dma_start3A_361 = tpu.memref_slice %arg17[%dma_start3A_359, %dma_start3A_360] : memref<10008x64xbf16, #tpu.memory_space<vmem_shared>> -> memref<10008x64xbf16, #tpu.memory_space<vmem_shared>>
    tpu.enqueue_indirect_dma source(%arg12 : memref<128x64xbf16, #tpu.memory_space<vmem>>) target(%dma_start3A_361 : memref<10008x64xbf16, #tpu.memory_space<vmem_shared>>) offsets(%dma_start3A_358 : memref<128xi32, #tpu.memory_space<vmem>>) semaphore(%arg29 : memref<!tpu.dma_semaphore, #tpu.memory_space<semaphore_mem>>) {add = true}
    %dma_wait3A_362 = arith.constant 0 : i32
    %dma_wait3A_363 = arith.constant 0 : i32
    %dma_wait3A_364 = tpu.memref_slice %arg8[%dma_wait3A_362, %dma_wait3A_363] : memref<80x128xi32, #tpu.memory_space<vmem>> -> memref<1x128xi32, #tpu.memory_space<vmem>>
    %dma_wait3A_365 = tpu.memref_squeeze %dma_wait3A_364 : memref<1x128xi32, #tpu.memory_space<vmem>> -> memref<128xi32, #tpu.memory_space<vmem>>
    %dma_wait3A_366 = arith.constant 0 : i32
    %dma_wait3A_367 = arith.constant 0 : i32
    %dma_wait3A_368 = tpu.memref_slice %arg17[%dma_wait3A_366, %dma_wait3A_367] : memref<10008x64xbf16, #tpu.memory_space<vmem_shared>> -> memref<10008x64xbf16, #tpu.memory_space<vmem_shared>>
    tpu.wait_indirect_dma semaphore(%arg29 : memref<!tpu.dma_semaphore, #tpu.memory_space<semaphore_mem>>) src(%arg12 : memref<128x64xbf16, #tpu.memory_space<vmem>>) dst(%dma_wait3A_368 : memref<10008x64xbf16, #tpu.memory_space<vmem_shared>>)
    %dma_wait3A_369 = arith.constant 0 : i32
    %dma_wait3A_370 = arith.constant 0 : i32
    %dma_wait3A_371 = tpu.memref_slice %arg7[%dma_wait3A_369, %dma_wait3A_370] : memref<80x128xi32, #tpu.memory_space<vmem>> -> memref<1x128xi32, #tpu.memory_space<vmem>>
    %dma_wait3A_372 = tpu.memref_squeeze %dma_wait3A_371 : memref<1x128xi32, #tpu.memory_space<vmem>> -> memref<128xi32, #tpu.memory_space<vmem>>
    %dma_wait3A_373 = arith.constant 0 : i32
    %dma_wait3A_374 = arith.constant 0 : i32
    %dma_wait3A_375 = tpu.memref_slice %arg2[%dma_wait3A_373, %dma_wait3A_374] : memref<10000x64xbf16, #tpu.memory_space<hbm>> -> memref<10000x64xbf16, #tpu.memory_space<hbm>>
    tpu.wait_indirect_dma semaphore(%arg22 : memref<!tpu.dma_semaphore, #tpu.memory_space<semaphore_mem>>) src(%dma_wait3A_375 : memref<10000x64xbf16, #tpu.memory_space<hbm>>) dst(%arg13 : memref<128x64xbf16, #tpu.memory_space<vmem>>)
    %dma_start3A_376 = arith.constant 76 : i32
    %dma_start3A_377 = arith.constant 0 : i32
    %dma_start3A_378 = tpu.memref_slice %arg8[%dma_start3A_376, %dma_start3A_377] : memref<80x128xi32, #tpu.memory_space<vmem>> -> memref<1x128xi32, #tpu.memory_space<vmem>>
    %dma_start3A_379 = tpu.memref_squeeze %dma_start3A_378 : memref<1x128xi32, #tpu.memory_space<vmem>> -> memref<128xi32, #tpu.memory_space<vmem>>
    %dma_start3A_380 = arith.constant 0 : i32
    %dma_start3A_381 = arith.constant 0 : i32
    %dma_start3A_382 = tpu.memref_slice %arg17[%dma_start3A_380, %dma_start3A_381] : memref<10008x64xbf16, #tpu.memory_space<vmem_shared>> -> memref<10008x64xbf16, #tpu.memory_space<vmem_shared>>
    tpu.enqueue_indirect_dma source(%arg13 : memref<128x64xbf16, #tpu.memory_space<vmem>>) target(%dma_start3A_382 : memref<10008x64xbf16, #tpu.memory_space<vmem_shared>>) offsets(%dma_start3A_379 : memref<128xi32, #tpu.memory_space<vmem>>) semaphore(%arg30 : memref<!tpu.dma_semaphore, #tpu.memory_space<semaphore_mem>>) {add = true}
    %dma_wait3A_383 = arith.constant 0 : i32
    %dma_wait3A_384 = arith.constant 0 : i32
    %dma_wait3A_385 = tpu.memref_slice %arg8[%dma_wait3A_383, %dma_wait3A_384] : memref<80x128xi32, #tpu.memory_space<vmem>> -> memref<1x128xi32, #tpu.memory_space<vmem>>
    %dma_wait3A_386 = tpu.memref_squeeze %dma_wait3A_385 : memref<1x128xi32, #tpu.memory_space<vmem>> -> memref<128xi32, #tpu.memory_space<vmem>>
    %dma_wait3A_387 = arith.constant 0 : i32
    %dma_wait3A_388 = arith.constant 0 : i32
    %dma_wait3A_389 = tpu.memref_slice %arg17[%dma_wait3A_387, %dma_wait3A_388] : memref<10008x64xbf16, #tpu.memory_space<vmem_shared>> -> memref<10008x64xbf16, #tpu.memory_space<vmem_shared>>
    tpu.wait_indirect_dma semaphore(%arg30 : memref<!tpu.dma_semaphore, #tpu.memory_space<semaphore_mem>>) src(%arg13 : memref<128x64xbf16, #tpu.memory_space<vmem>>) dst(%dma_wait3A_389 : memref<10008x64xbf16, #tpu.memory_space<vmem_shared>>)
    %dma_wait3A_390 = arith.constant 0 : i32
    %dma_wait3A_391 = arith.constant 0 : i32
    %dma_wait3A_392 = tpu.memref_slice %arg7[%dma_wait3A_390, %dma_wait3A_391] : memref<80x128xi32, #tpu.memory_space<vmem>> -> memref<1x128xi32, #tpu.memory_space<vmem>>
    %dma_wait3A_393 = tpu.memref_squeeze %dma_wait3A_392 : memref<1x128xi32, #tpu.memory_space<vmem>> -> memref<128xi32, #tpu.memory_space<vmem>>
    %dma_wait3A_394 = arith.constant 0 : i32
    %dma_wait3A_395 = arith.constant 0 : i32
    %dma_wait3A_396 = tpu.memref_slice %arg2[%dma_wait3A_394, %dma_wait3A_395] : memref<10000x64xbf16, #tpu.memory_space<hbm>> -> memref<10000x64xbf16, #tpu.memory_space<hbm>>
    tpu.wait_indirect_dma semaphore(%arg23 : memref<!tpu.dma_semaphore, #tpu.memory_space<semaphore_mem>>) src(%dma_wait3A_396 : memref<10000x64xbf16, #tpu.memory_space<hbm>>) dst(%arg14 : memref<128x64xbf16, #tpu.memory_space<vmem>>)
    %dma_start3A_397 = arith.constant 77 : i32
    %dma_start3A_398 = arith.constant 0 : i32
    %dma_start3A_399 = tpu.memref_slice %arg8[%dma_start3A_397, %dma_start3A_398] : memref<80x128xi32, #tpu.memory_space<vmem>> -> memref<1x128xi32, #tpu.memory_space<vmem>>
    %dma_start3A_400 = tpu.memref_squeeze %dma_start3A_399 : memref<1x128xi32, #tpu.memory_space<vmem>> -> memref<128xi32, #tpu.memory_space<vmem>>
    %dma_start3A_401 = arith.constant 0 : i32
    %dma_start3A_402 = arith.constant 0 : i32
    %dma_start3A_403 = tpu.memref_slice %arg17[%dma_start3A_401, %dma_start3A_402] : memref<10008x64xbf16, #tpu.memory_space<vmem_shared>> -> memref<10008x64xbf16, #tpu.memory_space<vmem_shared>>
    tpu.enqueue_indirect_dma source(%arg14 : memref<128x64xbf16, #tpu.memory_space<vmem>>) target(%dma_start3A_403 : memref<10008x64xbf16, #tpu.memory_space<vmem_shared>>) offsets(%dma_start3A_400 : memref<128xi32, #tpu.memory_space<vmem>>) semaphore(%arg31 : memref<!tpu.dma_semaphore, #tpu.memory_space<semaphore_mem>>) {add = true}
    %dma_wait3A_404 = arith.constant 0 : i32
    %dma_wait3A_405 = arith.constant 0 : i32
    %dma_wait3A_406 = tpu.memref_slice %arg8[%dma_wait3A_404, %dma_wait3A_405] : memref<80x128xi32, #tpu.memory_space<vmem>> -> memref<1x128xi32, #tpu.memory_space<vmem>>
    %dma_wait3A_407 = tpu.memref_squeeze %dma_wait3A_406 : memref<1x128xi32, #tpu.memory_space<vmem>> -> memref<128xi32, #tpu.memory_space<vmem>>
    %dma_wait3A_408 = arith.constant 0 : i32
    %dma_wait3A_409 = arith.constant 0 : i32
    %dma_wait3A_410 = tpu.memref_slice %arg17[%dma_wait3A_408, %dma_wait3A_409] : memref<10008x64xbf16, #tpu.memory_space<vmem_shared>> -> memref<10008x64xbf16, #tpu.memory_space<vmem_shared>>
    tpu.wait_indirect_dma semaphore(%arg31 : memref<!tpu.dma_semaphore, #tpu.memory_space<semaphore_mem>>) src(%arg14 : memref<128x64xbf16, #tpu.memory_space<vmem>>) dst(%dma_wait3A_410 : memref<10008x64xbf16, #tpu.memory_space<vmem_shared>>)
    %dma_wait3A_411 = arith.constant 0 : i32
    %dma_wait3A_412 = arith.constant 0 : i32
    %dma_wait3A_413 = tpu.memref_slice %arg7[%dma_wait3A_411, %dma_wait3A_412] : memref<80x128xi32, #tpu.memory_space<vmem>> -> memref<1x128xi32, #tpu.memory_space<vmem>>
    %dma_wait3A_414 = tpu.memref_squeeze %dma_wait3A_413 : memref<1x128xi32, #tpu.memory_space<vmem>> -> memref<128xi32, #tpu.memory_space<vmem>>
    %dma_wait3A_415 = arith.constant 0 : i32
    %dma_wait3A_416 = arith.constant 0 : i32
    %dma_wait3A_417 = tpu.memref_slice %arg2[%dma_wait3A_415, %dma_wait3A_416] : memref<10000x64xbf16, #tpu.memory_space<hbm>> -> memref<10000x64xbf16, #tpu.memory_space<hbm>>
    tpu.wait_indirect_dma semaphore(%arg24 : memref<!tpu.dma_semaphore, #tpu.memory_space<semaphore_mem>>) src(%dma_wait3A_417 : memref<10000x64xbf16, #tpu.memory_space<hbm>>) dst(%arg15 : memref<128x64xbf16, #tpu.memory_space<vmem>>)
    %dma_start3A_418 = arith.constant 78 : i32
    %dma_start3A_419 = arith.constant 0 : i32
    %dma_start3A_420 = tpu.memref_slice %arg8[%dma_start3A_418, %dma_start3A_419] : memref<80x128xi32, #tpu.memory_space<vmem>> -> memref<1x128xi32, #tpu.memory_space<vmem>>
    %dma_start3A_421 = tpu.memref_squeeze %dma_start3A_420 : memref<1x128xi32, #tpu.memory_space<vmem>> -> memref<128xi32, #tpu.memory_space<vmem>>
    %dma_start3A_422 = arith.constant 0 : i32
    %dma_start3A_423 = arith.constant 0 : i32
    %dma_start3A_424 = tpu.memref_slice %arg17[%dma_start3A_422, %dma_start3A_423] : memref<10008x64xbf16, #tpu.memory_space<vmem_shared>> -> memref<10008x64xbf16, #tpu.memory_space<vmem_shared>>
    tpu.enqueue_indirect_dma source(%arg15 : memref<128x64xbf16, #tpu.memory_space<vmem>>) target(%dma_start3A_424 : memref<10008x64xbf16, #tpu.memory_space<vmem_shared>>) offsets(%dma_start3A_421 : memref<128xi32, #tpu.memory_space<vmem>>) semaphore(%arg32 : memref<!tpu.dma_semaphore, #tpu.memory_space<semaphore_mem>>) {add = true}
    %dma_wait3A_425 = arith.constant 0 : i32
    %dma_wait3A_426 = arith.constant 0 : i32
    %dma_wait3A_427 = tpu.memref_slice %arg8[%dma_wait3A_425, %dma_wait3A_426] : memref<80x128xi32, #tpu.memory_space<vmem>> -> memref<1x128xi32, #tpu.memory_space<vmem>>
    %dma_wait3A_428 = tpu.memref_squeeze %dma_wait3A_427 : memref<1x128xi32, #tpu.memory_space<vmem>> -> memref<128xi32, #tpu.memory_space<vmem>>
    %dma_wait3A_429 = arith.constant 0 : i32
    %dma_wait3A_430 = arith.constant 0 : i32
    %dma_wait3A_431 = tpu.memref_slice %arg17[%dma_wait3A_429, %dma_wait3A_430] : memref<10008x64xbf16, #tpu.memory_space<vmem_shared>> -> memref<10008x64xbf16, #tpu.memory_space<vmem_shared>>
    tpu.wait_indirect_dma semaphore(%arg32 : memref<!tpu.dma_semaphore, #tpu.memory_space<semaphore_mem>>) src(%arg15 : memref<128x64xbf16, #tpu.memory_space<vmem>>) dst(%dma_wait3A_431 : memref<10008x64xbf16, #tpu.memory_space<vmem_shared>>)
    %dma_wait3A_432 = arith.constant 0 : i32
    %dma_wait3A_433 = arith.constant 0 : i32
    %dma_wait3A_434 = tpu.memref_slice %arg7[%dma_wait3A_432, %dma_wait3A_433] : memref<80x128xi32, #tpu.memory_space<vmem>> -> memref<1x128xi32, #tpu.memory_space<vmem>>
    %dma_wait3A_435 = tpu.memref_squeeze %dma_wait3A_434 : memref<1x128xi32, #tpu.memory_space<vmem>> -> memref<128xi32, #tpu.memory_space<vmem>>
    %dma_wait3A_436 = arith.constant 0 : i32
    %dma_wait3A_437 = arith.constant 0 : i32
    %dma_wait3A_438 = tpu.memref_slice %arg2[%dma_wait3A_436, %dma_wait3A_437] : memref<10000x64xbf16, #tpu.memory_space<hbm>> -> memref<10000x64xbf16, #tpu.memory_space<hbm>>
    tpu.wait_indirect_dma semaphore(%arg25 : memref<!tpu.dma_semaphore, #tpu.memory_space<semaphore_mem>>) src(%dma_wait3A_438 : memref<10000x64xbf16, #tpu.memory_space<hbm>>) dst(%arg16 : memref<128x64xbf16, #tpu.memory_space<vmem>>)
    %dma_start3A_439 = arith.constant 79 : i32
    %dma_start3A_440 = arith.constant 0 : i32
    %dma_start3A_441 = tpu.memref_slice %arg8[%dma_start3A_439, %dma_start3A_440] : memref<80x128xi32, #tpu.memory_space<vmem>> -> memref<1x128xi32, #tpu.memory_space<vmem>>
    %dma_start3A_442 = tpu.memref_squeeze %dma_start3A_441 : memref<1x128xi32, #tpu.memory_space<vmem>> -> memref<128xi32, #tpu.memory_space<vmem>>
    %dma_start3A_443 = arith.constant 0 : i32
    %dma_start3A_444 = arith.constant 0 : i32
    %dma_start3A_445 = tpu.memref_slice %arg17[%dma_start3A_443, %dma_start3A_444] : memref<10008x64xbf16, #tpu.memory_space<vmem_shared>> -> memref<10008x64xbf16, #tpu.memory_space<vmem_shared>>
    tpu.enqueue_indirect_dma source(%arg16 : memref<128x64xbf16, #tpu.memory_space<vmem>>) target(%dma_start3A_445 : memref<10008x64xbf16, #tpu.memory_space<vmem_shared>>) offsets(%dma_start3A_442 : memref<128xi32, #tpu.memory_space<vmem>>) semaphore(%arg33 : memref<!tpu.dma_semaphore, #tpu.memory_space<semaphore_mem>>) {add = true}
    %dma_wait3A_446 = arith.constant 0 : i32
    %dma_wait3A_447 = arith.constant 0 : i32
    %dma_wait3A_448 = tpu.memref_slice %arg8[%dma_wait3A_446, %dma_wait3A_447] : memref<80x128xi32, #tpu.memory_space<vmem>> -> memref<1x128xi32, #tpu.memory_space<vmem>>
    %dma_wait3A_449 = tpu.memref_squeeze %dma_wait3A_448 : memref<1x128xi32, #tpu.memory_space<vmem>> -> memref<128xi32, #tpu.memory_space<vmem>>
    %dma_wait3A_450 = arith.constant 0 : i32
    %dma_wait3A_451 = arith.constant 0 : i32
    %dma_wait3A_452 = tpu.memref_slice %arg17[%dma_wait3A_450, %dma_wait3A_451] : memref<10008x64xbf16, #tpu.memory_space<vmem_shared>> -> memref<10008x64xbf16, #tpu.memory_space<vmem_shared>>
    tpu.wait_indirect_dma semaphore(%arg33 : memref<!tpu.dma_semaphore, #tpu.memory_space<semaphore_mem>>) src(%arg16 : memref<128x64xbf16, #tpu.memory_space<vmem>>) dst(%dma_wait3A_452 : memref<10008x64xbf16, #tpu.memory_space<vmem_shared>>)
    %barrier3A_453 = arith.constant 0 : index
    tpu.barrier barrier_id(%barrier3A_453)
    "tpu.region"() ({
      %run_scoped3A = tpu.sem_alloc : memref<!tpu.dma_semaphore, #tpu.memory_space<semaphore_mem>>
      %dma_start3A_454 = arith.constant 0 : i32
      %dma_start3A_455 = arith.constant 0 : i32
      %dma_start3A_456 = tpu.memref_slice %arg6[%arg0, %arg1, %dma_start3A_454, %dma_start3A_455] : memref<2x16x625x64xbf16, #tpu.memory_space<hbm>> -> memref<1x1x625x64xbf16, #tpu.memory_space<hbm>>
      %dma_start3A_457 = tpu.memref_squeeze %dma_start3A_456 : memref<1x1x625x64xbf16, #tpu.memory_space<hbm>> -> memref<625x64xbf16, #tpu.memory_space<hbm>>
      %dma_start3A_458 = arith.constant 0 : i32
      %dma_start3A_459 = tpu.memref_slice %arg17[%mul3A_57, %dma_start3A_458] : memref<10008x64xbf16, #tpu.memory_space<vmem_shared>> -> memref<625x64xbf16, #tpu.memory_space<vmem_shared>>
      tpu.enqueue_dma source(%dma_start3A_459 : memref<625x64xbf16, #tpu.memory_space<vmem_shared>>) target(%dma_start3A_457 : memref<625x64xbf16, #tpu.memory_space<hbm>>) target_semaphore(%run_scoped3A : memref<!tpu.dma_semaphore, #tpu.memory_space<semaphore_mem>>)
      %dma_wait3A_460 = arith.constant 0 : i32
      %dma_wait3A_461 = arith.constant 0 : i32
      %dma_wait3A_462 = tpu.memref_slice %arg6[%arg0, %arg1, %dma_wait3A_460, %dma_wait3A_461] : memref<2x16x625x64xbf16, #tpu.memory_space<hbm>> -> memref<1x1x625x64xbf16, #tpu.memory_space<hbm>>
      %dma_wait3A_463 = tpu.memref_squeeze %dma_wait3A_462 : memref<1x1x625x64xbf16, #tpu.memory_space<hbm>> -> memref<625x64xbf16, #tpu.memory_space<hbm>>
      %dma_wait3A_464 = arith.constant 0 : i32
      %dma_wait3A_465 = tpu.memref_slice %arg17[%mul3A_57, %dma_wait3A_464] : memref<10008x64xbf16, #tpu.memory_space<vmem_shared>> -> memref<625x64xbf16, #tpu.memory_space<vmem_shared>>
      tpu.wait_dma2 semaphore(%run_scoped3A : memref<!tpu.dma_semaphore, #tpu.memory_space<semaphore_mem>>) src(%dma_wait3A_465 : memref<625x64xbf16, #tpu.memory_space<vmem_shared>>) dst(%dma_wait3A_463 : memref<625x64xbf16, #tpu.memory_space<hbm>>)
      tpu.yield
    }) : () -> ()
    return
  }
}

#map = affine_map<(d0, d1) -> (0, 0)>
#map1 = affine_map<(d0, d1) -> (0, 0, 0)>
#map2 = affine_map<(d0, d1) -> (0, 0, 0, 0)>
module attributes {stable_mosaic.version = 14 : i64} {
  func.func @k(%arg0: i32, %arg1: i32, %arg2: memref<10000x64xbf16, #tpu.memory_space<hbm>>, %arg3: memref<32x80x128xi32, #tpu.memory_space<hbm>>, %arg4: memref<32x80x128xi32, #tpu.memory_space<hbm>>, %arg5: memref<16x625x64xbf16, #tpu.memory_space<hbm>>, %arg6: memref<2x16x625x64xbf16, #tpu.memory_space<hbm>>, %arg7: memref<80x128xi32, #tpu.memory_space<vmem>>, %arg8: memref<80x128xi32, #tpu.memory_space<vmem>>, %arg9: memref<128x64xbf16, #tpu.memory_space<vmem>>, %arg10: memref<128x64xbf16, #tpu.memory_space<vmem>>, %arg11: memref<128x64xbf16, #tpu.memory_space<vmem>>, %arg12: memref<128x64xbf16, #tpu.memory_space<vmem>>, %arg13: memref<128x64xbf16, #tpu.memory_space<vmem>>, %arg14: memref<128x64xbf16, #tpu.memory_space<vmem>>, %arg15: memref<128x64xbf16, #tpu.memory_space<vmem>>, %arg16: memref<128x64xbf16, #tpu.memory_space<vmem>>, %arg17: memref<10008x64xbf16, #tpu.memory_space<vmem_shared>>, %arg18: memref<!tpu.dma_semaphore, #tpu.memory_space<semaphore_mem>>, %arg19: memref<!tpu.dma_semaphore, #tpu.memory_space<semaphore_mem>>, %arg20: memref<!tpu.dma_semaphore, #tpu.memory_space<semaphore_mem>>, %arg21: memref<!tpu.dma_semaphore, #tpu.memory_space<semaphore_mem>>, %arg22: memref<!tpu.dma_semaphore, #tpu.memory_space<semaphore_mem>>, %arg23: memref<!tpu.dma_semaphore, #tpu.memory_space<semaphore_mem>>, %arg24: memref<!tpu.dma_semaphore, #tpu.memory_space<semaphore_mem>>, %arg25: memref<!tpu.dma_semaphore, #tpu.memory_space<semaphore_mem>>, %arg26: memref<!tpu.dma_semaphore, #tpu.memory_space<semaphore_mem>>, %arg27: memref<!tpu.dma_semaphore, #tpu.memory_space<semaphore_mem>>, %arg28: memref<!tpu.dma_semaphore, #tpu.memory_space<semaphore_mem>>, %arg29: memref<!tpu.dma_semaphore, #tpu.memory_space<semaphore_mem>>, %arg30: memref<!tpu.dma_semaphore, #tpu.memory_space<semaphore_mem>>, %arg31: memref<!tpu.dma_semaphore, #tpu.memory_space<semaphore_mem>>, %arg32: memref<!tpu.dma_semaphore, #tpu.memory_space<semaphore_mem>>, %arg33: memref<!tpu.dma_semaphore, #tpu.memory_space<semaphore_mem>>) attributes {dimension_semantics = [#tpu.dimension_semantics<core_parallel>, #tpu.dimension_semantics<subcore_parallel>], iteration_bounds = array<i64: 2, 16>, scalar_prefetch = 0 : i64, scratch_operands = 27 : i64, tpu.core_type = #tpu.core_type<sc_vector_subcore>, window_params = [{transform_indices = #map}, {transform_indices = #map1}, {transform_indices = #map1}, {transform_indices = #map1}, {transform_indices = #map2}]} {
    %mul3A = arith.constant 2 : i32
    %mul3A_0 = arith.muli %arg1, %mul3A : i32
    %add3A = arith.addi %mul3A_0, %arg0 : i32
    "tpu.region"() ({
      %run_scoped3A = tpu.sem_alloc : memref<!tpu.dma_semaphore, #tpu.memory_space<semaphore_mem>>
      %dma_start3A_454 = arith.constant 0 : i32
      %dma_start3A_455 = arith.constant 0 : i32
      %dma_start3A_456 = tpu.memref_slice %arg3[%add3A, %dma_start3A_454, %dma_start3A_455] : memref<32x80x128xi32, #tpu.memory_space<hbm>> -> memref<1x80x128xi32, #tpu.memory_space<hbm>>
      %dma_start3A_457 = tpu.memref_squeeze %dma_start3A_456 : memref<1x80x128xi32, #tpu.memory_space<hbm>> -> memref<80x128xi32, #tpu.memory_space<hbm>>
      %dma_start3A_458 = arith.constant 0 : i32
      %dma_start3A_459 = arith.constant 0 : i32
      %dma_start3A_460 = tpu.memref_slice %arg3[%add3A, %dma_start3A_458, %dma_start3A_459] : memref<32x80x128xi32, #tpu.memory_space<hbm>> -> memref<1x80x128xi32, #tpu.memory_space<hbm>>
      %dma_start3A_461 = tpu.memref_squeeze %dma_start3A_460 : memref<1x80x128xi32, #tpu.memory_space<hbm>> -> memref<80x128xi32, #tpu.memory_space<hbm>>
      tpu.enqueue_dma source(%dma_start3A_461 : memref<80x128xi32, #tpu.memory_space<hbm>>) target(%arg7 : memref<80x128xi32, #tpu.memory_space<vmem>>) target_semaphore(%run_scoped3A : memref<!tpu.dma_semaphore, #tpu.memory_space<semaphore_mem>>)
      %dma_wait3A_462 = arith.constant 0 : i32
      %dma_wait3A_463 = arith.constant 0 : i32
      %dma_wait3A_464 = tpu.memref_slice %arg3[%add3A, %dma_wait3A_462, %dma_wait3A_463] : memref<32x80x128xi32, #tpu.memory_space<hbm>> -> memref<1x80x128xi32, #tpu.memory_space<hbm>>
      %dma_wait3A_465 = tpu.memref_squeeze %dma_wait3A_464 : memref<1x80x128xi32, #tpu.memory_space<hbm>> -> memref<80x128xi32, #tpu.memory_space<hbm>>
      %dma_wait3A_466 = arith.constant 0 : i32
      %dma_wait3A_467 = arith.constant 0 : i32
      %dma_wait3A_468 = tpu.memref_slice %arg3[%add3A, %dma_wait3A_466, %dma_wait3A_467] : memref<32x80x128xi32, #tpu.memory_space<hbm>> -> memref<1x80x128xi32, #tpu.memory_space<hbm>>
      %dma_wait3A_469 = tpu.memref_squeeze %dma_wait3A_468 : memref<1x80x128xi32, #tpu.memory_space<hbm>> -> memref<80x128xi32, #tpu.memory_space<hbm>>
      tpu.wait_dma2 semaphore(%run_scoped3A : memref<!tpu.dma_semaphore, #tpu.memory_space<semaphore_mem>>) src(%dma_wait3A_469 : memref<80x128xi32, #tpu.memory_space<hbm>>) dst(%arg7 : memref<80x128xi32, #tpu.memory_space<vmem>>)
      tpu.yield
    }) : () -> ()
    "tpu.region"() ({
      %run_scoped3A = tpu.sem_alloc : memref<!tpu.dma_semaphore, #tpu.memory_space<semaphore_mem>>
      %dma_start3A_454 = arith.constant 0 : i32
      %dma_start3A_455 = arith.constant 0 : i32
      %dma_start3A_456 = tpu.memref_slice %arg4[%add3A, %dma_start3A_454, %dma_start3A_455] : memref<32x80x128xi32, #tpu.memory_space<hbm>> -> memref<1x80x128xi32, #tpu.memory_space<hbm>>
      %dma_start3A_457 = tpu.memref_squeeze %dma_start3A_456 : memref<1x80x128xi32, #tpu.memory_space<hbm>> -> memref<80x128xi32, #tpu.memory_space<hbm>>
      %dma_start3A_458 = arith.constant 0 : i32
      %dma_start3A_459 = arith.constant 0 : i32
      %dma_start3A_460 = tpu.memref_slice %arg4[%add3A, %dma_start3A_458, %dma_start3A_459] : memref<32x80x128xi32, #tpu.memory_space<hbm>> -> memref<1x80x128xi32, #tpu.memory_space<hbm>>
      %dma_start3A_461 = tpu.memref_squeeze %dma_start3A_460 : memref<1x80x128xi32, #tpu.memory_space<hbm>> -> memref<80x128xi32, #tpu.memory_space<hbm>>
      tpu.enqueue_dma source(%dma_start3A_461 : memref<80x128xi32, #tpu.memory_space<hbm>>) target(%arg8 : memref<80x128xi32, #tpu.memory_space<vmem>>) target_semaphore(%run_scoped3A : memref<!tpu.dma_semaphore, #tpu.memory_space<semaphore_mem>>)
      %dma_wait3A_462 = arith.constant 0 : i32
      %dma_wait3A_463 = arith.constant 0 : i32
      %dma_wait3A_464 = tpu.memref_slice %arg4[%add3A, %dma_wait3A_462, %dma_wait3A_463] : memref<32x80x128xi32, #tpu.memory_space<hbm>> -> memref<1x80x128xi32, #tpu.memory_space<hbm>>
      %dma_wait3A_465 = tpu.memref_squeeze %dma_wait3A_464 : memref<1x80x128xi32, #tpu.memory_space<hbm>> -> memref<80x128xi32, #tpu.memory_space<hbm>>
      %dma_wait3A_466 = arith.constant 0 : i32
      %dma_wait3A_467 = arith.constant 0 : i32
      %dma_wait3A_468 = tpu.memref_slice %arg4[%add3A, %dma_wait3A_466, %dma_wait3A_467] : memref<32x80x128xi32, #tpu.memory_space<hbm>> -> memref<1x80x128xi32, #tpu.memory_space<hbm>>
      %dma_wait3A_469 = tpu.memref_squeeze %dma_wait3A_468 : memref<1x80x128xi32, #tpu.memory_space<hbm>> -> memref<80x128xi32, #tpu.memory_space<hbm>>
      tpu.wait_dma2 semaphore(%run_scoped3A : memref<!tpu.dma_semaphore, #tpu.memory_space<semaphore_mem>>) src(%dma_wait3A_469 : memref<80x128xi32, #tpu.memory_space<hbm>>) dst(%arg8 : memref<80x128xi32, #tpu.memory_space<vmem>>)
      tpu.yield
    }) : () -> ()
    %dma_start3A = arith.constant 0 : i32
    %dma_start3A_1 = arith.constant 0 : i32
    %dma_start3A_2 = tpu.memref_slice %arg7[%dma_start3A, %dma_start3A_1] : memref<80x128xi32, #tpu.memory_space<vmem>> -> memref<1x128xi32, #tpu.memory_space<vmem>>
    %dma_start3A_3 = tpu.memref_squeeze %dma_start3A_2 : memref<1x128xi32, #tpu.memory_space<vmem>> -> memref<128xi32, #tpu.memory_space<vmem>>
    %dma_start3A_4 = arith.constant 0 : i32
    %dma_start3A_5 = arith.constant 0 : i32
    %dma_start3A_6 = tpu.memref_slice %arg2[%dma_start3A_4, %dma_start3A_5] : memref<10000x64xbf16, #tpu.memory_space<hbm>> -> memref<10000x64xbf16, #tpu.memory_space<hbm>>
    tpu.enqueue_indirect_dma source(%dma_start3A_6 : memref<10000x64xbf16, #tpu.memory_space<hbm>>) target(%arg9 : memref<128x64xbf16, #tpu.memory_space<vmem>>) offsets(%dma_start3A_3 : memref<128xi32, #tpu.memory_space<vmem>>) semaphore(%arg18 : memref<!tpu.dma_semaphore, #tpu.memory_space<semaphore_mem>>)
    %dma_start3A_7 = arith.constant 1 : i32
    %dma_start3A_8 = arith.constant 0 : i32
    %dma_start3A_9 = tpu.memref_slice %arg7[%dma_start3A_7, %dma_start3A_8] : memref<80x128xi32, #tpu.memory_space<vmem>> -> memref<1x128xi32, #tpu.memory_space<vmem>>
    %dma_start3A_10 = tpu.memref_squeeze %dma_start3A_9 : memref<1x128xi32, #tpu.memory_space<vmem>> -> memref<128xi32, #tpu.memory_space<vmem>>
    %dma_start3A_11 = arith.constant 0 : i32
    %dma_start3A_12 = arith.constant 0 : i32
    %dma_start3A_13 = tpu.memref_slice %arg2[%dma_start3A_11, %dma_start3A_12] : memref<10000x64xbf16, #tpu.memory_space<hbm>> -> memref<10000x64xbf16, #tpu.memory_space<hbm>>
    tpu.enqueue_indirect_dma source(%dma_start3A_13 : memref<10000x64xbf16, #tpu.memory_space<hbm>>) target(%arg10 : memref<128x64xbf16, #tpu.memory_space<vmem>>) offsets(%dma_start3A_10 : memref<128xi32, #tpu.memory_space<vmem>>) semaphore(%arg19 : memref<!tpu.dma_semaphore, #tpu.memory_space<semaphore_mem>>)
    %dma_start3A_14 = arith.constant 2 : i32
    %dma_start3A_15 = arith.constant 0 : i32
    %dma_start3A_16 = tpu.memref_slice %arg7[%dma_start3A_14, %dma_start3A_15] : memref<80x128xi32, #tpu.memory_space<vmem>> -> memref<1x128xi32, #tpu.memory_space<vmem>>
    %dma_start3A_17 = tpu.memref_squeeze %dma_start3A_16 : memref<1x128xi32, #tpu.memory_space<vmem>> -> memref<128xi32, #tpu.memory_space<vmem>>
    %dma_start3A_18 = arith.constant 0 : i32
    %dma_start3A_19 = arith.constant 0 : i32
    %dma_start3A_20 = tpu.memref_slice %arg2[%dma_start3A_18, %dma_start3A_19] : memref<10000x64xbf16, #tpu.memory_space<hbm>> -> memref<10000x64xbf16, #tpu.memory_space<hbm>>
    tpu.enqueue_indirect_dma source(%dma_start3A_20 : memref<10000x64xbf16, #tpu.memory_space<hbm>>) target(%arg11 : memref<128x64xbf16, #tpu.memory_space<vmem>>) offsets(%dma_start3A_17 : memref<128xi32, #tpu.memory_space<vmem>>) semaphore(%arg20 : memref<!tpu.dma_semaphore, #tpu.memory_space<semaphore_mem>>)
    %dma_start3A_21 = arith.constant 3 : i32
    %dma_start3A_22 = arith.constant 0 : i32
    %dma_start3A_23 = tpu.memref_slice %arg7[%dma_start3A_21, %dma_start3A_22] : memref<80x128xi32, #tpu.memory_space<vmem>> -> memref<1x128xi32, #tpu.memory_space<vmem>>
    %dma_start3A_24 = tpu.memref_squeeze %dma_start3A_23 : memref<1x128xi32, #tpu.memory_space<vmem>> -> memref<128xi32, #tpu.memory_space<vmem>>
    %dma_start3A_25 = arith.constant 0 : i32
    %dma_start3A_26 = arith.constant 0 : i32
    %dma_start3A_27 = tpu.memref_slice %arg2[%dma_start3A_25, %dma_start3A_26] : memref<10000x64xbf16, #tpu.memory_space<hbm>> -> memref<10000x64xbf16, #tpu.memory_space<hbm>>
    tpu.enqueue_indirect_dma source(%dma_start3A_27 : memref<10000x64xbf16, #tpu.memory_space<hbm>>) target(%arg12 : memref<128x64xbf16, #tpu.memory_space<vmem>>) offsets(%dma_start3A_24 : memref<128xi32, #tpu.memory_space<vmem>>) semaphore(%arg21 : memref<!tpu.dma_semaphore, #tpu.memory_space<semaphore_mem>>)
    %dma_start3A_28 = arith.constant 4 : i32
    %dma_start3A_29 = arith.constant 0 : i32
    %dma_start3A_30 = tpu.memref_slice %arg7[%dma_start3A_28, %dma_start3A_29] : memref<80x128xi32, #tpu.memory_space<vmem>> -> memref<1x128xi32, #tpu.memory_space<vmem>>
    %dma_start3A_31 = tpu.memref_squeeze %dma_start3A_30 : memref<1x128xi32, #tpu.memory_space<vmem>> -> memref<128xi32, #tpu.memory_space<vmem>>
    %dma_start3A_32 = arith.constant 0 : i32
    %dma_start3A_33 = arith.constant 0 : i32
    %dma_start3A_34 = tpu.memref_slice %arg2[%dma_start3A_32, %dma_start3A_33] : memref<10000x64xbf16, #tpu.memory_space<hbm>> -> memref<10000x64xbf16, #tpu.memory_space<hbm>>
    tpu.enqueue_indirect_dma source(%dma_start3A_34 : memref<10000x64xbf16, #tpu.memory_space<hbm>>) target(%arg13 : memref<128x64xbf16, #tpu.memory_space<vmem>>) offsets(%dma_start3A_31 : memref<128xi32, #tpu.memory_space<vmem>>) semaphore(%arg22 : memref<!tpu.dma_semaphore, #tpu.memory_space<semaphore_mem>>)
    %dma_start3A_35 = arith.constant 5 : i32
    %dma_start3A_36 = arith.constant 0 : i32
    %dma_start3A_37 = tpu.memref_slice %arg7[%dma_start3A_35, %dma_start3A_36] : memref<80x128xi32, #tpu.memory_space<vmem>> -> memref<1x128xi32, #tpu.memory_space<vmem>>
    %dma_start3A_38 = tpu.memref_squeeze %dma_start3A_37 : memref<1x128xi32, #tpu.memory_space<vmem>> -> memref<128xi32, #tpu.memory_space<vmem>>
    %dma_start3A_39 = arith.constant 0 : i32
    %dma_start3A_40 = arith.constant 0 : i32
    %dma_start3A_41 = tpu.memref_slice %arg2[%dma_start3A_39, %dma_start3A_40] : memref<10000x64xbf16, #tpu.memory_space<hbm>> -> memref<10000x64xbf16, #tpu.memory_space<hbm>>
    tpu.enqueue_indirect_dma source(%dma_start3A_41 : memref<10000x64xbf16, #tpu.memory_space<hbm>>) target(%arg14 : memref<128x64xbf16, #tpu.memory_space<vmem>>) offsets(%dma_start3A_38 : memref<128xi32, #tpu.memory_space<vmem>>) semaphore(%arg23 : memref<!tpu.dma_semaphore, #tpu.memory_space<semaphore_mem>>)
    %dma_start3A_42 = arith.constant 6 : i32
    %dma_start3A_43 = arith.constant 0 : i32
    %dma_start3A_44 = tpu.memref_slice %arg7[%dma_start3A_42, %dma_start3A_43] : memref<80x128xi32, #tpu.memory_space<vmem>> -> memref<1x128xi32, #tpu.memory_space<vmem>>
    %dma_start3A_45 = tpu.memref_squeeze %dma_start3A_44 : memref<1x128xi32, #tpu.memory_space<vmem>> -> memref<128xi32, #tpu.memory_space<vmem>>
    %dma_start3A_46 = arith.constant 0 : i32
    %dma_start3A_47 = arith.constant 0 : i32
    %dma_start3A_48 = tpu.memref_slice %arg2[%dma_start3A_46, %dma_start3A_47] : memref<10000x64xbf16, #tpu.memory_space<hbm>> -> memref<10000x64xbf16, #tpu.memory_space<hbm>>
    tpu.enqueue_indirect_dma source(%dma_start3A_48 : memref<10000x64xbf16, #tpu.memory_space<hbm>>) target(%arg15 : memref<128x64xbf16, #tpu.memory_space<vmem>>) offsets(%dma_start3A_45 : memref<128xi32, #tpu.memory_space<vmem>>) semaphore(%arg24 : memref<!tpu.dma_semaphore, #tpu.memory_space<semaphore_mem>>)
    %dma_start3A_49 = arith.constant 7 : i32
    %dma_start3A_50 = arith.constant 0 : i32
    %dma_start3A_51 = tpu.memref_slice %arg7[%dma_start3A_49, %dma_start3A_50] : memref<80x128xi32, #tpu.memory_space<vmem>> -> memref<1x128xi32, #tpu.memory_space<vmem>>
    %dma_start3A_52 = tpu.memref_squeeze %dma_start3A_51 : memref<1x128xi32, #tpu.memory_space<vmem>> -> memref<128xi32, #tpu.memory_space<vmem>>
    %dma_start3A_53 = arith.constant 0 : i32
    %dma_start3A_54 = arith.constant 0 : i32
    %dma_start3A_55 = tpu.memref_slice %arg2[%dma_start3A_53, %dma_start3A_54] : memref<10000x64xbf16, #tpu.memory_space<hbm>> -> memref<10000x64xbf16, #tpu.memory_space<hbm>>
    tpu.enqueue_indirect_dma source(%dma_start3A_55 : memref<10000x64xbf16, #tpu.memory_space<hbm>>) target(%arg16 : memref<128x64xbf16, #tpu.memory_space<vmem>>) offsets(%dma_start3A_52 : memref<128xi32, #tpu.memory_space<vmem>>) semaphore(%arg25 : memref<!tpu.dma_semaphore, #tpu.memory_space<semaphore_mem>>)
    %mul3A_56 = arith.constant 625 : i32
    %mul3A_57 = arith.muli %arg1, %mul3A_56 : i32
    "tpu.region"() ({
      %run_scoped3A = tpu.sem_alloc : memref<!tpu.dma_semaphore, #tpu.memory_space<semaphore_mem>>
      %dma_start3A_454 = arith.constant 0 : i32
      %dma_start3A_455 = tpu.memref_slice %arg17[%mul3A_57, %dma_start3A_454] : memref<10008x64xbf16, #tpu.memory_space<vmem_shared>> -> memref<625x64xbf16, #tpu.memory_space<vmem_shared>>
      %dma_start3A_456 = arith.constant 0 : i32
      %dma_start3A_457 = arith.constant 0 : i32
      %dma_start3A_458 = tpu.memref_slice %arg5[%arg1, %dma_start3A_456, %dma_start3A_457] : memref<16x625x64xbf16, #tpu.memory_space<hbm>> -> memref<1x625x64xbf16, #tpu.memory_space<hbm>>
      %dma_start3A_459 = tpu.memref_squeeze %dma_start3A_458 : memref<1x625x64xbf16, #tpu.memory_space<hbm>> -> memref<625x64xbf16, #tpu.memory_space<hbm>>
      tpu.enqueue_dma source(%dma_start3A_459 : memref<625x64xbf16, #tpu.memory_space<hbm>>) target(%dma_start3A_455 : memref<625x64xbf16, #tpu.memory_space<vmem_shared>>) target_semaphore(%run_scoped3A : memref<!tpu.dma_semaphore, #tpu.memory_space<semaphore_mem>>)
      %dma_wait3A_460 = arith.constant 0 : i32
      %dma_wait3A_461 = tpu.memref_slice %arg17[%mul3A_57, %dma_wait3A_460] : memref<10008x64xbf16, #tpu.memory_space<vmem_shared>> -> memref<625x64xbf16, #tpu.memory_space<vmem_shared>>
      %dma_wait3A_462 = arith.constant 0 : i32
      %dma_wait3A_463 = arith.constant 0 : i32
      %dma_wait3A_464 = tpu.memref_slice %arg5[%arg1, %dma_wait3A_462, %dma_wait3A_463] : memref<16x625x64xbf16, #tpu.memory_space<hbm>> -> memref<1x625x64xbf16, #tpu.memory_space<hbm>>
      %dma_wait3A_465 = tpu.memref_squeeze %dma_wait3A_464 : memref<1x625x64xbf16, #tpu.memory_space<hbm>> -> memref<625x64xbf16, #tpu.memory_space<hbm>>
      tpu.wait_dma2 semaphore(%run_scoped3A : memref<!tpu.dma_semaphore, #tpu.memory_space<semaphore_mem>>) src(%dma_wait3A_465 : memref<625x64xbf16, #tpu.memory_space<hbm>>) dst(%dma_wait3A_461 : memref<625x64xbf16, #tpu.memory_space<vmem_shared>>)
      tpu.yield
    }) : () -> ()
    %barrier3A = arith.constant 0 : index
    tpu.barrier barrier_id(%barrier3A)
    %scan3A = arith.constant 0 : i32
    %scan3A_58 = arith.constant 8 : i32
    %scan3A_59 = arith.addi %scan3A, %scan3A_58 : i32
    %scan3A_60 = arith.constant 1 : i32
    scf.for %scan3A_454 = %scan3A to %scan3A_59 step %scan3A_60  : i32 {
      %mul3A_455 = arith.constant 8 : i32
      %mul3A_456 = arith.muli %scan3A_454, %mul3A_455 : i32
      %add3A_457 = arith.constant 0 : i32
      %add3A_458 = arith.addi %add3A_457, %mul3A_456 : i32
      %add3A_459 = arith.constant 0 : i32
      %add3A_460 = arith.addi %add3A_458, %add3A_459 : i32
      %dma_wait3A_461 = arith.constant 0 : i32
      %dma_wait3A_462 = arith.constant 0 : i32
      %dma_wait3A_463 = tpu.memref_slice %arg7[%dma_wait3A_461, %dma_wait3A_462] : memref<80x128xi32, #tpu.memory_space<vmem>> -> memref<1x128xi32, #tpu.memory_space<vmem>>
      %dma_wait3A_464 = tpu.memref_squeeze %dma_wait3A_463 : memref<1x128xi32, #tpu.memory_space<vmem>> -> memref<128xi32, #tpu.memory_space<vmem>>
      %dma_wait3A_465 = arith.constant 0 : i32
      %dma_wait3A_466 = arith.constant 0 : i32
      %dma_wait3A_467 = tpu.memref_slice %arg2[%dma_wait3A_465, %dma_wait3A_466] : memref<10000x64xbf16, #tpu.memory_space<hbm>> -> memref<10000x64xbf16, #tpu.memory_space<hbm>>
      tpu.wait_indirect_dma semaphore(%arg18 : memref<!tpu.dma_semaphore, #tpu.memory_space<semaphore_mem>>) src(%dma_wait3A_467 : memref<10000x64xbf16, #tpu.memory_space<hbm>>) dst(%arg9 : memref<128x64xbf16, #tpu.memory_space<vmem>>)
      %dma_start3A_468 = arith.constant 0 : i32
      %dma_start3A_469 = tpu.memref_slice %arg8[%add3A_460, %dma_start3A_468] : memref<80x128xi32, #tpu.memory_space<vmem>> -> memref<1x128xi32, #tpu.memory_space<vmem>>
      %dma_start3A_470 = tpu.memref_squeeze %dma_start3A_469 : memref<1x128xi32, #tpu.memory_space<vmem>> -> memref<128xi32, #tpu.memory_space<vmem>>
      %dma_start3A_471 = arith.constant 0 : i32
      %dma_start3A_472 = arith.constant 0 : i32
      %dma_start3A_473 = tpu.memref_slice %arg17[%dma_start3A_471, %dma_start3A_472] : memref<10008x64xbf16, #tpu.memory_space<vmem_shared>> -> memref<10008x64xbf16, #tpu.memory_space<vmem_shared>>
      tpu.enqueue_indirect_dma source(%arg9 : memref<128x64xbf16, #tpu.memory_space<vmem>>) target(%dma_start3A_473 : memref<10008x64xbf16, #tpu.memory_space<vmem_shared>>) offsets(%dma_start3A_470 : memref<128xi32, #tpu.memory_space<vmem>>) semaphore(%arg26 : memref<!tpu.dma_semaphore, #tpu.memory_space<semaphore_mem>>) {add = true}
      %dma_wait3A_474 = arith.constant 0 : i32
      %dma_wait3A_475 = arith.constant 0 : i32
      %dma_wait3A_476 = tpu.memref_slice %arg8[%dma_wait3A_474, %dma_wait3A_475] : memref<80x128xi32, #tpu.memory_space<vmem>> -> memref<1x128xi32, #tpu.memory_space<vmem>>
      %dma_wait3A_477 = tpu.memref_squeeze %dma_wait3A_476 : memref<1x128xi32, #tpu.memory_space<vmem>> -> memref<128xi32, #tpu.memory_space<vmem>>
      %dma_wait3A_478 = arith.constant 0 : i32
      %dma_wait3A_479 = arith.constant 0 : i32
      %dma_wait3A_480 = tpu.memref_slice %arg17[%dma_wait3A_478, %dma_wait3A_479] : memref<10008x64xbf16, #tpu.memory_space<vmem_shared>> -> memref<10008x64xbf16, #tpu.memory_space<vmem_shared>>
      tpu.wait_indirect_dma semaphore(%arg26 : memref<!tpu.dma_semaphore, #tpu.memory_space<semaphore_mem>>) src(%arg9 : memref<128x64xbf16, #tpu.memory_space<vmem>>) dst(%dma_wait3A_480 : memref<10008x64xbf16, #tpu.memory_space<vmem_shared>>)
      %add3A_481 = arith.constant 8 : i32
      %add3A_482 = arith.addi %add3A_460, %add3A_481 : i32
      %dma_start3A_483 = arith.constant 0 : i32
      %dma_start3A_484 = tpu.memref_slice %arg7[%add3A_482, %dma_start3A_483] : memref<80x128xi32, #tpu.memory_space<vmem>> -> memref<1x128xi32, #tpu.memory_space<vmem>>
      %dma_start3A_485 = tpu.memref_squeeze %dma_start3A_484 : memref<1x128xi32, #tpu.memory_space<vmem>> -> memref<128xi32, #tpu.memory_space<vmem>>
      %dma_start3A_486 = arith.constant 0 : i32
      %dma_start3A_487 = arith.constant 0 : i32
      %dma_start3A_488 = tpu.memref_slice %arg2[%dma_start3A_486, %dma_start3A_487] : memref<10000x64xbf16, #tpu.memory_space<hbm>> -> memref<10000x64xbf16, #tpu.memory_space<hbm>>
      tpu.enqueue_indirect_dma source(%dma_start3A_488 : memref<10000x64xbf16, #tpu.memory_space<hbm>>) target(%arg9 : memref<128x64xbf16, #tpu.memory_space<vmem>>) offsets(%dma_start3A_485 : memref<128xi32, #tpu.memory_space<vmem>>) semaphore(%arg18 : memref<!tpu.dma_semaphore, #tpu.memory_space<semaphore_mem>>)
      %add3A_489 = arith.constant 1 : i32
      %add3A_490 = arith.addi %add3A_458, %add3A_489 : i32
      %dma_wait3A_491 = arith.constant 0 : i32
      %dma_wait3A_492 = arith.constant 0 : i32
      %dma_wait3A_493 = tpu.memref_slice %arg7[%dma_wait3A_491, %dma_wait3A_492] : memref<80x128xi32, #tpu.memory_space<vmem>> -> memref<1x128xi32, #tpu.memory_space<vmem>>
      %dma_wait3A_494 = tpu.memref_squeeze %dma_wait3A_493 : memref<1x128xi32, #tpu.memory_space<vmem>> -> memref<128xi32, #tpu.memory_space<vmem>>
      %dma_wait3A_495 = arith.constant 0 : i32
      %dma_wait3A_496 = arith.constant 0 : i32
      %dma_wait3A_497 = tpu.memref_slice %arg2[%dma_wait3A_495, %dma_wait3A_496] : memref<10000x64xbf16, #tpu.memory_space<hbm>> -> memref<10000x64xbf16, #tpu.memory_space<hbm>>
      tpu.wait_indirect_dma semaphore(%arg19 : memref<!tpu.dma_semaphore, #tpu.memory_space<semaphore_mem>>) src(%dma_wait3A_497 : memref<10000x64xbf16, #tpu.memory_space<hbm>>) dst(%arg10 : memref<128x64xbf16, #tpu.memory_space<vmem>>)
      %dma_start3A_498 = arith.constant 0 : i32
      %dma_start3A_499 = tpu.memref_slice %arg8[%add3A_490, %dma_start3A_498] : memref<80x128xi32, #tpu.memory_space<vmem>> -> memref<1x128xi32, #tpu.memory_space<vmem>>
      %dma_start3A_500 = tpu.memref_squeeze %dma_start3A_499 : memref<1x128xi32, #tpu.memory_space<vmem>> -> memref<128xi32, #tpu.memory_space<vmem>>
      %dma_start3A_501 = arith.constant 0 : i32
      %dma_start3A_502 = arith.constant 0 : i32
      %dma_start3A_503 = tpu.memref_slice %arg17[%dma_start3A_501, %dma_start3A_502] : memref<10008x64xbf16, #tpu.memory_space<vmem_shared>> -> memref<10008x64xbf16, #tpu.memory_space<vmem_shared>>
      tpu.enqueue_indirect_dma source(%arg10 : memref<128x64xbf16, #tpu.memory_space<vmem>>) target(%dma_start3A_503 : memref<10008x64xbf16, #tpu.memory_space<vmem_shared>>) offsets(%dma_start3A_500 : memref<128xi32, #tpu.memory_space<vmem>>) semaphore(%arg27 : memref<!tpu.dma_semaphore, #tpu.memory_space<semaphore_mem>>) {add = true}
      %dma_wait3A_504 = arith.constant 0 : i32
      %dma_wait3A_505 = arith.constant 0 : i32
      %dma_wait3A_506 = tpu.memref_slice %arg8[%dma_wait3A_504, %dma_wait3A_505] : memref<80x128xi32, #tpu.memory_space<vmem>> -> memref<1x128xi32, #tpu.memory_space<vmem>>
      %dma_wait3A_507 = tpu.memref_squeeze %dma_wait3A_506 : memref<1x128xi32, #tpu.memory_space<vmem>> -> memref<128xi32, #tpu.memory_space<vmem>>
      %dma_wait3A_508 = arith.constant 0 : i32
      %dma_wait3A_509 = arith.constant 0 : i32
      %dma_wait3A_510 = tpu.memref_slice %arg17[%dma_wait3A_508, %dma_wait3A_509] : memref<10008x64xbf16, #tpu.memory_space<vmem_shared>> -> memref<10008x64xbf16, #tpu.memory_space<vmem_shared>>
      tpu.wait_indirect_dma semaphore(%arg27 : memref<!tpu.dma_semaphore, #tpu.memory_space<semaphore_mem>>) src(%arg10 : memref<128x64xbf16, #tpu.memory_space<vmem>>) dst(%dma_wait3A_510 : memref<10008x64xbf16, #tpu.memory_space<vmem_shared>>)
      %add3A_511 = arith.constant 8 : i32
      %add3A_512 = arith.addi %add3A_490, %add3A_511 : i32
      %dma_start3A_513 = arith.constant 0 : i32
      %dma_start3A_514 = tpu.memref_slice %arg7[%add3A_512, %dma_start3A_513] : memref<80x128xi32, #tpu.memory_space<vmem>> -> memref<1x128xi32, #tpu.memory_space<vmem>>
      %dma_start3A_515 = tpu.memref_squeeze %dma_start3A_514 : memref<1x128xi32, #tpu.memory_space<vmem>> -> memref<128xi32, #tpu.memory_space<vmem>>
      %dma_start3A_516 = arith.constant 0 : i32
      %dma_start3A_517 = arith.constant 0 : i32
      %dma_start3A_518 = tpu.memref_slice %arg2[%dma_start3A_516, %dma_start3A_517] : memref<10000x64xbf16, #tpu.memory_space<hbm>> -> memref<10000x64xbf16, #tpu.memory_space<hbm>>
      tpu.enqueue_indirect_dma source(%dma_start3A_518 : memref<10000x64xbf16, #tpu.memory_space<hbm>>) target(%arg10 : memref<128x64xbf16, #tpu.memory_space<vmem>>) offsets(%dma_start3A_515 : memref<128xi32, #tpu.memory_space<vmem>>) semaphore(%arg19 : memref<!tpu.dma_semaphore, #tpu.memory_space<semaphore_mem>>)
      %add3A_519 = arith.constant 2 : i32
      %add3A_520 = arith.addi %add3A_458, %add3A_519 : i32
      %dma_wait3A_521 = arith.constant 0 : i32
      %dma_wait3A_522 = arith.constant 0 : i32
      %dma_wait3A_523 = tpu.memref_slice %arg7[%dma_wait3A_521, %dma_wait3A_522] : memref<80x128xi32, #tpu.memory_space<vmem>> -> memref<1x128xi32, #tpu.memory_space<vmem>>
      %dma_wait3A_524 = tpu.memref_squeeze %dma_wait3A_523 : memref<1x128xi32, #tpu.memory_space<vmem>> -> memref<128xi32, #tpu.memory_space<vmem>>
      %dma_wait3A_525 = arith.constant 0 : i32
      %dma_wait3A_526 = arith.constant 0 : i32
      %dma_wait3A_527 = tpu.memref_slice %arg2[%dma_wait3A_525, %dma_wait3A_526] : memref<10000x64xbf16, #tpu.memory_space<hbm>> -> memref<10000x64xbf16, #tpu.memory_space<hbm>>
      tpu.wait_indirect_dma semaphore(%arg20 : memref<!tpu.dma_semaphore, #tpu.memory_space<semaphore_mem>>) src(%dma_wait3A_527 : memref<10000x64xbf16, #tpu.memory_space<hbm>>) dst(%arg11 : memref<128x64xbf16, #tpu.memory_space<vmem>>)
      %dma_start3A_528 = arith.constant 0 : i32
      %dma_start3A_529 = tpu.memref_slice %arg8[%add3A_520, %dma_start3A_528] : memref<80x128xi32, #tpu.memory_space<vmem>> -> memref<1x128xi32, #tpu.memory_space<vmem>>
      %dma_start3A_530 = tpu.memref_squeeze %dma_start3A_529 : memref<1x128xi32, #tpu.memory_space<vmem>> -> memref<128xi32, #tpu.memory_space<vmem>>
      %dma_start3A_531 = arith.constant 0 : i32
      %dma_start3A_532 = arith.constant 0 : i32
      %dma_start3A_533 = tpu.memref_slice %arg17[%dma_start3A_531, %dma_start3A_532] : memref<10008x64xbf16, #tpu.memory_space<vmem_shared>> -> memref<10008x64xbf16, #tpu.memory_space<vmem_shared>>
      tpu.enqueue_indirect_dma source(%arg11 : memref<128x64xbf16, #tpu.memory_space<vmem>>) target(%dma_start3A_533 : memref<10008x64xbf16, #tpu.memory_space<vmem_shared>>) offsets(%dma_start3A_530 : memref<128xi32, #tpu.memory_space<vmem>>) semaphore(%arg28 : memref<!tpu.dma_semaphore, #tpu.memory_space<semaphore_mem>>) {add = true}
      %dma_wait3A_534 = arith.constant 0 : i32
      %dma_wait3A_535 = arith.constant 0 : i32
      %dma_wait3A_536 = tpu.memref_slice %arg8[%dma_wait3A_534, %dma_wait3A_535] : memref<80x128xi32, #tpu.memory_space<vmem>> -> memref<1x128xi32, #tpu.memory_space<vmem>>
      %dma_wait3A_537 = tpu.memref_squeeze %dma_wait3A_536 : memref<1x128xi32, #tpu.memory_space<vmem>> -> memref<128xi32, #tpu.memory_space<vmem>>
      %dma_wait3A_538 = arith.constant 0 : i32
      %dma_wait3A_539 = arith.constant 0 : i32
      %dma_wait3A_540 = tpu.memref_slice %arg17[%dma_wait3A_538, %dma_wait3A_539] : memref<10008x64xbf16, #tpu.memory_space<vmem_shared>> -> memref<10008x64xbf16, #tpu.memory_space<vmem_shared>>
      tpu.wait_indirect_dma semaphore(%arg28 : memref<!tpu.dma_semaphore, #tpu.memory_space<semaphore_mem>>) src(%arg11 : memref<128x64xbf16, #tpu.memory_space<vmem>>) dst(%dma_wait3A_540 : memref<10008x64xbf16, #tpu.memory_space<vmem_shared>>)
      %add3A_541 = arith.constant 8 : i32
      %add3A_542 = arith.addi %add3A_520, %add3A_541 : i32
      %dma_start3A_543 = arith.constant 0 : i32
      %dma_start3A_544 = tpu.memref_slice %arg7[%add3A_542, %dma_start3A_543] : memref<80x128xi32, #tpu.memory_space<vmem>> -> memref<1x128xi32, #tpu.memory_space<vmem>>
      %dma_start3A_545 = tpu.memref_squeeze %dma_start3A_544 : memref<1x128xi32, #tpu.memory_space<vmem>> -> memref<128xi32, #tpu.memory_space<vmem>>
      %dma_start3A_546 = arith.constant 0 : i32
      %dma_start3A_547 = arith.constant 0 : i32
      %dma_start3A_548 = tpu.memref_slice %arg2[%dma_start3A_546, %dma_start3A_547] : memref<10000x64xbf16, #tpu.memory_space<hbm>> -> memref<10000x64xbf16, #tpu.memory_space<hbm>>
      tpu.enqueue_indirect_dma source(%dma_start3A_548 : memref<10000x64xbf16, #tpu.memory_space<hbm>>) target(%arg11 : memref<128x64xbf16, #tpu.memory_space<vmem>>) offsets(%dma_start3A_545 : memref<128xi32, #tpu.memory_space<vmem>>) semaphore(%arg20 : memref<!tpu.dma_semaphore, #tpu.memory_space<semaphore_mem>>)
      %add3A_549 = arith.constant 3 : i32
      %add3A_550 = arith.addi %add3A_458, %add3A_549 : i32
      %dma_wait3A_551 = arith.constant 0 : i32
      %dma_wait3A_552 = arith.constant 0 : i32
      %dma_wait3A_553 = tpu.memref_slice %arg7[%dma_wait3A_551, %dma_wait3A_552] : memref<80x128xi32, #tpu.memory_space<vmem>> -> memref<1x128xi32, #tpu.memory_space<vmem>>
      %dma_wait3A_554 = tpu.memref_squeeze %dma_wait3A_553 : memref<1x128xi32, #tpu.memory_space<vmem>> -> memref<128xi32, #tpu.memory_space<vmem>>
      %dma_wait3A_555 = arith.constant 0 : i32
      %dma_wait3A_556 = arith.constant 0 : i32
      %dma_wait3A_557 = tpu.memref_slice %arg2[%dma_wait3A_555, %dma_wait3A_556] : memref<10000x64xbf16, #tpu.memory_space<hbm>> -> memref<10000x64xbf16, #tpu.memory_space<hbm>>
      tpu.wait_indirect_dma semaphore(%arg21 : memref<!tpu.dma_semaphore, #tpu.memory_space<semaphore_mem>>) src(%dma_wait3A_557 : memref<10000x64xbf16, #tpu.memory_space<hbm>>) dst(%arg12 : memref<128x64xbf16, #tpu.memory_space<vmem>>)
      %dma_start3A_558 = arith.constant 0 : i32
      %dma_start3A_559 = tpu.memref_slice %arg8[%add3A_550, %dma_start3A_558] : memref<80x128xi32, #tpu.memory_space<vmem>> -> memref<1x128xi32, #tpu.memory_space<vmem>>
      %dma_start3A_560 = tpu.memref_squeeze %dma_start3A_559 : memref<1x128xi32, #tpu.memory_space<vmem>> -> memref<128xi32, #tpu.memory_space<vmem>>
      %dma_start3A_561 = arith.constant 0 : i32
      %dma_start3A_562 = arith.constant 0 : i32
      %dma_start3A_563 = tpu.memref_slice %arg17[%dma_start3A_561, %dma_start3A_562] : memref<10008x64xbf16, #tpu.memory_space<vmem_shared>> -> memref<10008x64xbf16, #tpu.memory_space<vmem_shared>>
      tpu.enqueue_indirect_dma source(%arg12 : memref<128x64xbf16, #tpu.memory_space<vmem>>) target(%dma_start3A_563 : memref<10008x64xbf16, #tpu.memory_space<vmem_shared>>) offsets(%dma_start3A_560 : memref<128xi32, #tpu.memory_space<vmem>>) semaphore(%arg29 : memref<!tpu.dma_semaphore, #tpu.memory_space<semaphore_mem>>) {add = true}
      %dma_wait3A_564 = arith.constant 0 : i32
      %dma_wait3A_565 = arith.constant 0 : i32
      %dma_wait3A_566 = tpu.memref_slice %arg8[%dma_wait3A_564, %dma_wait3A_565] : memref<80x128xi32, #tpu.memory_space<vmem>> -> memref<1x128xi32, #tpu.memory_space<vmem>>
      %dma_wait3A_567 = tpu.memref_squeeze %dma_wait3A_566 : memref<1x128xi32, #tpu.memory_space<vmem>> -> memref<128xi32, #tpu.memory_space<vmem>>
      %dma_wait3A_568 = arith.constant 0 : i32
      %dma_wait3A_569 = arith.constant 0 : i32
      %dma_wait3A_570 = tpu.memref_slice %arg17[%dma_wait3A_568, %dma_wait3A_569] : memref<10008x64xbf16, #tpu.memory_space<vmem_shared>> -> memref<10008x64xbf16, #tpu.memory_space<vmem_shared>>
      tpu.wait_indirect_dma semaphore(%arg29 : memref<!tpu.dma_semaphore, #tpu.memory_space<semaphore_mem>>) src(%arg12 : memref<128x64xbf16, #tpu.memory_space<vmem>>) dst(%dma_wait3A_570 : memref<10008x64xbf16, #tpu.memory_space<vmem_shared>>)
      %add3A_571 = arith.constant 8 : i32
      %add3A_572 = arith.addi %add3A_550, %add3A_571 : i32
      %dma_start3A_573 = arith.constant 0 : i32
      %dma_start3A_574 = tpu.memref_slice %arg7[%add3A_572, %dma_start3A_573] : memref<80x128xi32, #tpu.memory_space<vmem>> -> memref<1x128xi32, #tpu.memory_space<vmem>>
      %dma_start3A_575 = tpu.memref_squeeze %dma_start3A_574 : memref<1x128xi32, #tpu.memory_space<vmem>> -> memref<128xi32, #tpu.memory_space<vmem>>
      %dma_start3A_576 = arith.constant 0 : i32
      %dma_start3A_577 = arith.constant 0 : i32
      %dma_start3A_578 = tpu.memref_slice %arg2[%dma_start3A_576, %dma_start3A_577] : memref<10000x64xbf16, #tpu.memory_space<hbm>> -> memref<10000x64xbf16, #tpu.memory_space<hbm>>
      tpu.enqueue_indirect_dma source(%dma_start3A_578 : memref<10000x64xbf16, #tpu.memory_space<hbm>>) target(%arg12 : memref<128x64xbf16, #tpu.memory_space<vmem>>) offsets(%dma_start3A_575 : memref<128xi32, #tpu.memory_space<vmem>>) semaphore(%arg21 : memref<!tpu.dma_semaphore, #tpu.memory_space<semaphore_mem>>)
      %add3A_579 = arith.constant 4 : i32
      %add3A_580 = arith.addi %add3A_458, %add3A_579 : i32
      %dma_wait3A_581 = arith.constant 0 : i32
      %dma_wait3A_582 = arith.constant 0 : i32
      %dma_wait3A_583 = tpu.memref_slice %arg7[%dma_wait3A_581, %dma_wait3A_582] : memref<80x128xi32, #tpu.memory_space<vmem>> -> memref<1x128xi32, #tpu.memory_space<vmem>>
      %dma_wait3A_584 = tpu.memref_squeeze %dma_wait3A_583 : memref<1x128xi32, #tpu.memory_space<vmem>> -> memref<128xi32, #tpu.memory_space<vmem>>
      %dma_wait3A_585 = arith.constant 0 : i32
      %dma_wait3A_586 = arith.constant 0 : i32
      %dma_wait3A_587 = tpu.memref_slice %arg2[%dma_wait3A_585, %dma_wait3A_586] : memref<10000x64xbf16, #tpu.memory_space<hbm>> -> memref<10000x64xbf16, #tpu.memory_space<hbm>>
      tpu.wait_indirect_dma semaphore(%arg22 : memref<!tpu.dma_semaphore, #tpu.memory_space<semaphore_mem>>) src(%dma_wait3A_587 : memref<10000x64xbf16, #tpu.memory_space<hbm>>) dst(%arg13 : memref<128x64xbf16, #tpu.memory_space<vmem>>)
      %dma_start3A_588 = arith.constant 0 : i32
      %dma_start3A_589 = tpu.memref_slice %arg8[%add3A_580, %dma_start3A_588] : memref<80x128xi32, #tpu.memory_space<vmem>> -> memref<1x128xi32, #tpu.memory_space<vmem>>
      %dma_start3A_590 = tpu.memref_squeeze %dma_start3A_589 : memref<1x128xi32, #tpu.memory_space<vmem>> -> memref<128xi32, #tpu.memory_space<vmem>>
      %dma_start3A_591 = arith.constant 0 : i32
      %dma_start3A_592 = arith.constant 0 : i32
      %dma_start3A_593 = tpu.memref_slice %arg17[%dma_start3A_591, %dma_start3A_592] : memref<10008x64xbf16, #tpu.memory_space<vmem_shared>> -> memref<10008x64xbf16, #tpu.memory_space<vmem_shared>>
      tpu.enqueue_indirect_dma source(%arg13 : memref<128x64xbf16, #tpu.memory_space<vmem>>) target(%dma_start3A_593 : memref<10008x64xbf16, #tpu.memory_space<vmem_shared>>) offsets(%dma_start3A_590 : memref<128xi32, #tpu.memory_space<vmem>>) semaphore(%arg30 : memref<!tpu.dma_semaphore, #tpu.memory_space<semaphore_mem>>) {add = true}
      %dma_wait3A_594 = arith.constant 0 : i32
      %dma_wait3A_595 = arith.constant 0 : i32
      %dma_wait3A_596 = tpu.memref_slice %arg8[%dma_wait3A_594, %dma_wait3A_595] : memref<80x128xi32, #tpu.memory_space<vmem>> -> memref<1x128xi32, #tpu.memory_space<vmem>>
      %dma_wait3A_597 = tpu.memref_squeeze %dma_wait3A_596 : memref<1x128xi32, #tpu.memory_space<vmem>> -> memref<128xi32, #tpu.memory_space<vmem>>
      %dma_wait3A_598 = arith.constant 0 : i32
      %dma_wait3A_599 = arith.constant 0 : i32
      %dma_wait3A_600 = tpu.memref_slice %arg17[%dma_wait3A_598, %dma_wait3A_599] : memref<10008x64xbf16, #tpu.memory_space<vmem_shared>> -> memref<10008x64xbf16, #tpu.memory_space<vmem_shared>>
      tpu.wait_indirect_dma semaphore(%arg30 : memref<!tpu.dma_semaphore, #tpu.memory_space<semaphore_mem>>) src(%arg13 : memref<128x64xbf16, #tpu.memory_space<vmem>>) dst(%dma_wait3A_600 : memref<10008x64xbf16, #tpu.memory_space<vmem_shared>>)
      %add3A_601 = arith.constant 8 : i32
      %add3A_602 = arith.addi %add3A_580, %add3A_601 : i32
      %dma_start3A_603 = arith.constant 0 : i32
      %dma_start3A_604 = tpu.memref_slice %arg7[%add3A_602, %dma_start3A_603] : memref<80x128xi32, #tpu.memory_space<vmem>> -> memref<1x128xi32, #tpu.memory_space<vmem>>
      %dma_start3A_605 = tpu.memref_squeeze %dma_start3A_604 : memref<1x128xi32, #tpu.memory_space<vmem>> -> memref<128xi32, #tpu.memory_space<vmem>>
      %dma_start3A_606 = arith.constant 0 : i32
      %dma_start3A_607 = arith.constant 0 : i32
      %dma_start3A_608 = tpu.memref_slice %arg2[%dma_start3A_606, %dma_start3A_607] : memref<10000x64xbf16, #tpu.memory_space<hbm>> -> memref<10000x64xbf16, #tpu.memory_space<hbm>>
      tpu.enqueue_indirect_dma source(%dma_start3A_608 : memref<10000x64xbf16, #tpu.memory_space<hbm>>) target(%arg13 : memref<128x64xbf16, #tpu.memory_space<vmem>>) offsets(%dma_start3A_605 : memref<128xi32, #tpu.memory_space<vmem>>) semaphore(%arg22 : memref<!tpu.dma_semaphore, #tpu.memory_space<semaphore_mem>>)
      %add3A_609 = arith.constant 5 : i32
      %add3A_610 = arith.addi %add3A_458, %add3A_609 : i32
      %dma_wait3A_611 = arith.constant 0 : i32
      %dma_wait3A_612 = arith.constant 0 : i32
      %dma_wait3A_613 = tpu.memref_slice %arg7[%dma_wait3A_611, %dma_wait3A_612] : memref<80x128xi32, #tpu.memory_space<vmem>> -> memref<1x128xi32, #tpu.memory_space<vmem>>
      %dma_wait3A_614 = tpu.memref_squeeze %dma_wait3A_613 : memref<1x128xi32, #tpu.memory_space<vmem>> -> memref<128xi32, #tpu.memory_space<vmem>>
      %dma_wait3A_615 = arith.constant 0 : i32
      %dma_wait3A_616 = arith.constant 0 : i32
      %dma_wait3A_617 = tpu.memref_slice %arg2[%dma_wait3A_615, %dma_wait3A_616] : memref<10000x64xbf16, #tpu.memory_space<hbm>> -> memref<10000x64xbf16, #tpu.memory_space<hbm>>
      tpu.wait_indirect_dma semaphore(%arg23 : memref<!tpu.dma_semaphore, #tpu.memory_space<semaphore_mem>>) src(%dma_wait3A_617 : memref<10000x64xbf16, #tpu.memory_space<hbm>>) dst(%arg14 : memref<128x64xbf16, #tpu.memory_space<vmem>>)
      %dma_start3A_618 = arith.constant 0 : i32
      %dma_start3A_619 = tpu.memref_slice %arg8[%add3A_610, %dma_start3A_618] : memref<80x128xi32, #tpu.memory_space<vmem>> -> memref<1x128xi32, #tpu.memory_space<vmem>>
      %dma_start3A_620 = tpu.memref_squeeze %dma_start3A_619 : memref<1x128xi32, #tpu.memory_space<vmem>> -> memref<128xi32, #tpu.memory_space<vmem>>
      %dma_start3A_621 = arith.constant 0 : i32
      %dma_start3A_622 = arith.constant 0 : i32
      %dma_start3A_623 = tpu.memref_slice %arg17[%dma_start3A_621, %dma_start3A_622] : memref<10008x64xbf16, #tpu.memory_space<vmem_shared>> -> memref<10008x64xbf16, #tpu.memory_space<vmem_shared>>
      tpu.enqueue_indirect_dma source(%arg14 : memref<128x64xbf16, #tpu.memory_space<vmem>>) target(%dma_start3A_623 : memref<10008x64xbf16, #tpu.memory_space<vmem_shared>>) offsets(%dma_start3A_620 : memref<128xi32, #tpu.memory_space<vmem>>) semaphore(%arg31 : memref<!tpu.dma_semaphore, #tpu.memory_space<semaphore_mem>>) {add = true}
      %dma_wait3A_624 = arith.constant 0 : i32
      %dma_wait3A_625 = arith.constant 0 : i32
      %dma_wait3A_626 = tpu.memref_slice %arg8[%dma_wait3A_624, %dma_wait3A_625] : memref<80x128xi32, #tpu.memory_space<vmem>> -> memref<1x128xi32, #tpu.memory_space<vmem>>
      %dma_wait3A_627 = tpu.memref_squeeze %dma_wait3A_626 : memref<1x128xi32, #tpu.memory_space<vmem>> -> memref<128xi32, #tpu.memory_space<vmem>>
      %dma_wait3A_628 = arith.constant 0 : i32
      %dma_wait3A_629 = arith.constant 0 : i32
      %dma_wait3A_630 = tpu.memref_slice %arg17[%dma_wait3A_628, %dma_wait3A_629] : memref<10008x64xbf16, #tpu.memory_space<vmem_shared>> -> memref<10008x64xbf16, #tpu.memory_space<vmem_shared>>
      tpu.wait_indirect_dma semaphore(%arg31 : memref<!tpu.dma_semaphore, #tpu.memory_space<semaphore_mem>>) src(%arg14 : memref<128x64xbf16, #tpu.memory_space<vmem>>) dst(%dma_wait3A_630 : memref<10008x64xbf16, #tpu.memory_space<vmem_shared>>)
      %add3A_631 = arith.constant 8 : i32
      %add3A_632 = arith.addi %add3A_610, %add3A_631 : i32
      %dma_start3A_633 = arith.constant 0 : i32
      %dma_start3A_634 = tpu.memref_slice %arg7[%add3A_632, %dma_start3A_633] : memref<80x128xi32, #tpu.memory_space<vmem>> -> memref<1x128xi32, #tpu.memory_space<vmem>>
      %dma_start3A_635 = tpu.memref_squeeze %dma_start3A_634 : memref<1x128xi32, #tpu.memory_space<vmem>> -> memref<128xi32, #tpu.memory_space<vmem>>
      %dma_start3A_636 = arith.constant 0 : i32
      %dma_start3A_637 = arith.constant 0 : i32
      %dma_start3A_638 = tpu.memref_slice %arg2[%dma_start3A_636, %dma_start3A_637] : memref<10000x64xbf16, #tpu.memory_space<hbm>> -> memref<10000x64xbf16, #tpu.memory_space<hbm>>
      tpu.enqueue_indirect_dma source(%dma_start3A_638 : memref<10000x64xbf16, #tpu.memory_space<hbm>>) target(%arg14 : memref<128x64xbf16, #tpu.memory_space<vmem>>) offsets(%dma_start3A_635 : memref<128xi32, #tpu.memory_space<vmem>>) semaphore(%arg23 : memref<!tpu.dma_semaphore, #tpu.memory_space<semaphore_mem>>)
      %add3A_639 = arith.constant 6 : i32
      %add3A_640 = arith.addi %add3A_458, %add3A_639 : i32
      %dma_wait3A_641 = arith.constant 0 : i32
      %dma_wait3A_642 = arith.constant 0 : i32
      %dma_wait3A_643 = tpu.memref_slice %arg7[%dma_wait3A_641, %dma_wait3A_642] : memref<80x128xi32, #tpu.memory_space<vmem>> -> memref<1x128xi32, #tpu.memory_space<vmem>>
      %dma_wait3A_644 = tpu.memref_squeeze %dma_wait3A_643 : memref<1x128xi32, #tpu.memory_space<vmem>> -> memref<128xi32, #tpu.memory_space<vmem>>
      %dma_wait3A_645 = arith.constant 0 : i32
      %dma_wait3A_646 = arith.constant 0 : i32
      %dma_wait3A_647 = tpu.memref_slice %arg2[%dma_wait3A_645, %dma_wait3A_646] : memref<10000x64xbf16, #tpu.memory_space<hbm>> -> memref<10000x64xbf16, #tpu.memory_space<hbm>>
      tpu.wait_indirect_dma semaphore(%arg24 : memref<!tpu.dma_semaphore, #tpu.memory_space<semaphore_mem>>) src(%dma_wait3A_647 : memref<10000x64xbf16, #tpu.memory_space<hbm>>) dst(%arg15 : memref<128x64xbf16, #tpu.memory_space<vmem>>)
      %dma_start3A_648 = arith.constant 0 : i32
      %dma_start3A_649 = tpu.memref_slice %arg8[%add3A_640, %dma_start3A_648] : memref<80x128xi32, #tpu.memory_space<vmem>> -> memref<1x128xi32, #tpu.memory_space<vmem>>
      %dma_start3A_650 = tpu.memref_squeeze %dma_start3A_649 : memref<1x128xi32, #tpu.memory_space<vmem>> -> memref<128xi32, #tpu.memory_space<vmem>>
      %dma_start3A_651 = arith.constant 0 : i32
      %dma_start3A_652 = arith.constant 0 : i32
      %dma_start3A_653 = tpu.memref_slice %arg17[%dma_start3A_651, %dma_start3A_652] : memref<10008x64xbf16, #tpu.memory_space<vmem_shared>> -> memref<10008x64xbf16, #tpu.memory_space<vmem_shared>>
      tpu.enqueue_indirect_dma source(%arg15 : memref<128x64xbf16, #tpu.memory_space<vmem>>) target(%dma_start3A_653 : memref<10008x64xbf16, #tpu.memory_space<vmem_shared>>) offsets(%dma_start3A_650 : memref<128xi32, #tpu.memory_space<vmem>>) semaphore(%arg32 : memref<!tpu.dma_semaphore, #tpu.memory_space<semaphore_mem>>) {add = true}
      %dma_wait3A_654 = arith.constant 0 : i32
      %dma_wait3A_655 = arith.constant 0 : i32
      %dma_wait3A_656 = tpu.memref_slice %arg8[%dma_wait3A_654, %dma_wait3A_655] : memref<80x128xi32, #tpu.memory_space<vmem>> -> memref<1x128xi32, #tpu.memory_space<vmem>>
      %dma_wait3A_657 = tpu.memref_squeeze %dma_wait3A_656 : memref<1x128xi32, #tpu.memory_space<vmem>> -> memref<128xi32, #tpu.memory_space<vmem>>
      %dma_wait3A_658 = arith.constant 0 : i32
      %dma_wait3A_659 = arith.constant 0 : i32
      %dma_wait3A_660 = tpu.memref_slice %arg17[%dma_wait3A_658, %dma_wait3A_659] : memref<10008x64xbf16, #tpu.memory_space<vmem_shared>> -> memref<10008x64xbf16, #tpu.memory_space<vmem_shared>>
      tpu.wait_indirect_dma semaphore(%arg32 : memref<!tpu.dma_semaphore, #tpu.memory_space<semaphore_mem>>) src(%arg15 : memref<128x64xbf16, #tpu.memory_space<vmem>>) dst(%dma_wait3A_660 : memref<10008x64xbf16, #tpu.memory_space<vmem_shared>>)
      %add3A_661 = arith.constant 8 : i32
      %add3A_662 = arith.addi %add3A_640, %add3A_661 : i32
      %dma_start3A_663 = arith.constant 0 : i32
      %dma_start3A_664 = tpu.memref_slice %arg7[%add3A_662, %dma_start3A_663] : memref<80x128xi32, #tpu.memory_space<vmem>> -> memref<1x128xi32, #tpu.memory_space<vmem>>
      %dma_start3A_665 = tpu.memref_squeeze %dma_start3A_664 : memref<1x128xi32, #tpu.memory_space<vmem>> -> memref<128xi32, #tpu.memory_space<vmem>>
      %dma_start3A_666 = arith.constant 0 : i32
      %dma_start3A_667 = arith.constant 0 : i32
      %dma_start3A_668 = tpu.memref_slice %arg2[%dma_start3A_666, %dma_start3A_667] : memref<10000x64xbf16, #tpu.memory_space<hbm>> -> memref<10000x64xbf16, #tpu.memory_space<hbm>>
      tpu.enqueue_indirect_dma source(%dma_start3A_668 : memref<10000x64xbf16, #tpu.memory_space<hbm>>) target(%arg15 : memref<128x64xbf16, #tpu.memory_space<vmem>>) offsets(%dma_start3A_665 : memref<128xi32, #tpu.memory_space<vmem>>) semaphore(%arg24 : memref<!tpu.dma_semaphore, #tpu.memory_space<semaphore_mem>>)
      %add3A_669 = arith.constant 7 : i32
      %add3A_670 = arith.addi %add3A_458, %add3A_669 : i32
      %dma_wait3A_671 = arith.constant 0 : i32
      %dma_wait3A_672 = arith.constant 0 : i32
      %dma_wait3A_673 = tpu.memref_slice %arg7[%dma_wait3A_671, %dma_wait3A_672] : memref<80x128xi32, #tpu.memory_space<vmem>> -> memref<1x128xi32, #tpu.memory_space<vmem>>
      %dma_wait3A_674 = tpu.memref_squeeze %dma_wait3A_673 : memref<1x128xi32, #tpu.memory_space<vmem>> -> memref<128xi32, #tpu.memory_space<vmem>>
      %dma_wait3A_675 = arith.constant 0 : i32
      %dma_wait3A_676 = arith.constant 0 : i32
      %dma_wait3A_677 = tpu.memref_slice %arg2[%dma_wait3A_675, %dma_wait3A_676] : memref<10000x64xbf16, #tpu.memory_space<hbm>> -> memref<10000x64xbf16, #tpu.memory_space<hbm>>
      tpu.wait_indirect_dma semaphore(%arg25 : memref<!tpu.dma_semaphore, #tpu.memory_space<semaphore_mem>>) src(%dma_wait3A_677 : memref<10000x64xbf16, #tpu.memory_space<hbm>>) dst(%arg16 : memref<128x64xbf16, #tpu.memory_space<vmem>>)
      %dma_start3A_678 = arith.constant 0 : i32
      %dma_start3A_679 = tpu.memref_slice %arg8[%add3A_670, %dma_start3A_678] : memref<80x128xi32, #tpu.memory_space<vmem>> -> memref<1x128xi32, #tpu.memory_space<vmem>>
      %dma_start3A_680 = tpu.memref_squeeze %dma_start3A_679 : memref<1x128xi32, #tpu.memory_space<vmem>> -> memref<128xi32, #tpu.memory_space<vmem>>
      %dma_start3A_681 = arith.constant 0 : i32
      %dma_start3A_682 = arith.constant 0 : i32
      %dma_start3A_683 = tpu.memref_slice %arg17[%dma_start3A_681, %dma_start3A_682] : memref<10008x64xbf16, #tpu.memory_space<vmem_shared>> -> memref<10008x64xbf16, #tpu.memory_space<vmem_shared>>
      tpu.enqueue_indirect_dma source(%arg16 : memref<128x64xbf16, #tpu.memory_space<vmem>>) target(%dma_start3A_683 : memref<10008x64xbf16, #tpu.memory_space<vmem_shared>>) offsets(%dma_start3A_680 : memref<128xi32, #tpu.memory_space<vmem>>) semaphore(%arg33 : memref<!tpu.dma_semaphore, #tpu.memory_space<semaphore_mem>>) {add = true}
      %dma_wait3A_684 = arith.constant 0 : i32
      %dma_wait3A_685 = arith.constant 0 : i32
      %dma_wait3A_686 = tpu.memref_slice %arg8[%dma_wait3A_684, %dma_wait3A_685] : memref<80x128xi32, #tpu.memory_space<vmem>> -> memref<1x128xi32, #tpu.memory_space<vmem>>
      %dma_wait3A_687 = tpu.memref_squeeze %dma_wait3A_686 : memref<1x128xi32, #tpu.memory_space<vmem>> -> memref<128xi32, #tpu.memory_space<vmem>>
      %dma_wait3A_688 = arith.constant 0 : i32
      %dma_wait3A_689 = arith.constant 0 : i32
      %dma_wait3A_690 = tpu.memref_slice %arg17[%dma_wait3A_688, %dma_wait3A_689] : memref<10008x64xbf16, #tpu.memory_space<vmem_shared>> -> memref<10008x64xbf16, #tpu.memory_space<vmem_shared>>
      tpu.wait_indirect_dma semaphore(%arg33 : memref<!tpu.dma_semaphore, #tpu.memory_space<semaphore_mem>>) src(%arg16 : memref<128x64xbf16, #tpu.memory_space<vmem>>) dst(%dma_wait3A_690 : memref<10008x64xbf16, #tpu.memory_space<vmem_shared>>)
      %add3A_691 = arith.constant 8 : i32
      %add3A_692 = arith.addi %add3A_670, %add3A_691 : i32
      %dma_start3A_693 = arith.constant 0 : i32
      %dma_start3A_694 = tpu.memref_slice %arg7[%add3A_692, %dma_start3A_693] : memref<80x128xi32, #tpu.memory_space<vmem>> -> memref<1x128xi32, #tpu.memory_space<vmem>>
      %dma_start3A_695 = tpu.memref_squeeze %dma_start3A_694 : memref<1x128xi32, #tpu.memory_space<vmem>> -> memref<128xi32, #tpu.memory_space<vmem>>
      %dma_start3A_696 = arith.constant 0 : i32
      %dma_start3A_697 = arith.constant 0 : i32
      %dma_start3A_698 = tpu.memref_slice %arg2[%dma_start3A_696, %dma_start3A_697] : memref<10000x64xbf16, #tpu.memory_space<hbm>> -> memref<10000x64xbf16, #tpu.memory_space<hbm>>
      tpu.enqueue_indirect_dma source(%dma_start3A_698 : memref<10000x64xbf16, #tpu.memory_space<hbm>>) target(%arg16 : memref<128x64xbf16, #tpu.memory_space<vmem>>) offsets(%dma_start3A_695 : memref<128xi32, #tpu.memory_space<vmem>>) semaphore(%arg25 : memref<!tpu.dma_semaphore, #tpu.memory_space<semaphore_mem>>)
    }
    %scan3A_61 = arith.constant 8 : i32
    %dma_wait3A = arith.constant 0 : i32
    %dma_wait3A_62 = arith.constant 0 : i32
    %dma_wait3A_63 = tpu.memref_slice %arg7[%dma_wait3A, %dma_wait3A_62] : memref<80x128xi32, #tpu.memory_space<vmem>> -> memref<1x128xi32, #tpu.memory_space<vmem>>
    %dma_wait3A_64 = tpu.memref_squeeze %dma_wait3A_63 : memref<1x128xi32, #tpu.memory_space<vmem>> -> memref<128xi32, #tpu.memory_space<vmem>>
    %dma_wait3A_65 = arith.constant 0 : i32
    %dma_wait3A_66 = arith.constant 0 : i32
    %dma_wait3A_67 = tpu.memref_slice %arg2[%dma_wait3A_65, %dma_wait3A_66] : memref<10000x64xbf16, #tpu.memory_space<hbm>> -> memref<10000x64xbf16, #tpu.memory_space<hbm>>
    tpu.wait_indirect_dma semaphore(%arg18 : memref<!tpu.dma_semaphore, #tpu.memory_space<semaphore_mem>>) src(%dma_wait3A_67 : memref<10000x64xbf16, #tpu.memory_space<hbm>>) dst(%arg9 : memref<128x64xbf16, #tpu.memory_space<vmem>>)
    %dma_start3A_68 = arith.constant 64 : i32
    %dma_start3A_69 = arith.constant 0 : i32
    %dma_start3A_70 = tpu.memref_slice %arg8[%dma_start3A_68, %dma_start3A_69] : memref<80x128xi32, #tpu.memory_space<vmem>> -> memref<1x128xi32, #tpu.memory_space<vmem>>
    %dma_start3A_71 = tpu.memref_squeeze %dma_start3A_70 : memref<1x128xi32, #tpu.memory_space<vmem>> -> memref<128xi32, #tpu.memory_space<vmem>>
    %dma_start3A_72 = arith.constant 0 : i32
    %dma_start3A_73 = arith.constant 0 : i32
    %dma_start3A_74 = tpu.memref_slice %arg17[%dma_start3A_72, %dma_start3A_73] : memref<10008x64xbf16, #tpu.memory_space<vmem_shared>> -> memref<10008x64xbf16, #tpu.memory_space<vmem_shared>>
    tpu.enqueue_indirect_dma source(%arg9 : memref<128x64xbf16, #tpu.memory_space<vmem>>) target(%dma_start3A_74 : memref<10008x64xbf16, #tpu.memory_space<vmem_shared>>) offsets(%dma_start3A_71 : memref<128xi32, #tpu.memory_space<vmem>>) semaphore(%arg26 : memref<!tpu.dma_semaphore, #tpu.memory_space<semaphore_mem>>) {add = true}
    %dma_wait3A_75 = arith.constant 0 : i32
    %dma_wait3A_76 = arith.constant 0 : i32
    %dma_wait3A_77 = tpu.memref_slice %arg8[%dma_wait3A_75, %dma_wait3A_76] : memref<80x128xi32, #tpu.memory_space<vmem>> -> memref<1x128xi32, #tpu.memory_space<vmem>>
    %dma_wait3A_78 = tpu.memref_squeeze %dma_wait3A_77 : memref<1x128xi32, #tpu.memory_space<vmem>> -> memref<128xi32, #tpu.memory_space<vmem>>
    %dma_wait3A_79 = arith.constant 0 : i32
    %dma_wait3A_80 = arith.constant 0 : i32
    %dma_wait3A_81 = tpu.memref_slice %arg17[%dma_wait3A_79, %dma_wait3A_80] : memref<10008x64xbf16, #tpu.memory_space<vmem_shared>> -> memref<10008x64xbf16, #tpu.memory_space<vmem_shared>>
    tpu.wait_indirect_dma semaphore(%arg26 : memref<!tpu.dma_semaphore, #tpu.memory_space<semaphore_mem>>) src(%arg9 : memref<128x64xbf16, #tpu.memory_space<vmem>>) dst(%dma_wait3A_81 : memref<10008x64xbf16, #tpu.memory_space<vmem_shared>>)
    %dma_start3A_82 = arith.constant 72 : i32
    %dma_start3A_83 = arith.constant 0 : i32
    %dma_start3A_84 = tpu.memref_slice %arg7[%dma_start3A_82, %dma_start3A_83] : memref<80x128xi32, #tpu.memory_space<vmem>> -> memref<1x128xi32, #tpu.memory_space<vmem>>
    %dma_start3A_85 = tpu.memref_squeeze %dma_start3A_84 : memref<1x128xi32, #tpu.memory_space<vmem>> -> memref<128xi32, #tpu.memory_space<vmem>>
    %dma_start3A_86 = arith.constant 0 : i32
    %dma_start3A_87 = arith.constant 0 : i32
    %dma_start3A_88 = tpu.memref_slice %arg2[%dma_start3A_86, %dma_start3A_87] : memref<10000x64xbf16, #tpu.memory_space<hbm>> -> memref<10000x64xbf16, #tpu.memory_space<hbm>>
    tpu.enqueue_indirect_dma source(%dma_start3A_88 : memref<10000x64xbf16, #tpu.memory_space<hbm>>) target(%arg9 : memref<128x64xbf16, #tpu.memory_space<vmem>>) offsets(%dma_start3A_85 : memref<128xi32, #tpu.memory_space<vmem>>) semaphore(%arg18 : memref<!tpu.dma_semaphore, #tpu.memory_space<semaphore_mem>>)
    %dma_wait3A_89 = arith.constant 0 : i32
    %dma_wait3A_90 = arith.constant 0 : i32
    %dma_wait3A_91 = tpu.memref_slice %arg7[%dma_wait3A_89, %dma_wait3A_90] : memref<80x128xi32, #tpu.memory_space<vmem>> -> memref<1x128xi32, #tpu.memory_space<vmem>>
    %dma_wait3A_92 = tpu.memref_squeeze %dma_wait3A_91 : memref<1x128xi32, #tpu.memory_space<vmem>> -> memref<128xi32, #tpu.memory_space<vmem>>
    %dma_wait3A_93 = arith.constant 0 : i32
    %dma_wait3A_94 = arith.constant 0 : i32
    %dma_wait3A_95 = tpu.memref_slice %arg2[%dma_wait3A_93, %dma_wait3A_94] : memref<10000x64xbf16, #tpu.memory_space<hbm>> -> memref<10000x64xbf16, #tpu.memory_space<hbm>>
    tpu.wait_indirect_dma semaphore(%arg19 : memref<!tpu.dma_semaphore, #tpu.memory_space<semaphore_mem>>) src(%dma_wait3A_95 : memref<10000x64xbf16, #tpu.memory_space<hbm>>) dst(%arg10 : memref<128x64xbf16, #tpu.memory_space<vmem>>)
    %dma_start3A_96 = arith.constant 65 : i32
    %dma_start3A_97 = arith.constant 0 : i32
    %dma_start3A_98 = tpu.memref_slice %arg8[%dma_start3A_96, %dma_start3A_97] : memref<80x128xi32, #tpu.memory_space<vmem>> -> memref<1x128xi32, #tpu.memory_space<vmem>>
    %dma_start3A_99 = tpu.memref_squeeze %dma_start3A_98 : memref<1x128xi32, #tpu.memory_space<vmem>> -> memref<128xi32, #tpu.memory_space<vmem>>
    %dma_start3A_100 = arith.constant 0 : i32
    %dma_start3A_101 = arith.constant 0 : i32
    %dma_start3A_102 = tpu.memref_slice %arg17[%dma_start3A_100, %dma_start3A_101] : memref<10008x64xbf16, #tpu.memory_space<vmem_shared>> -> memref<10008x64xbf16, #tpu.memory_space<vmem_shared>>
    tpu.enqueue_indirect_dma source(%arg10 : memref<128x64xbf16, #tpu.memory_space<vmem>>) target(%dma_start3A_102 : memref<10008x64xbf16, #tpu.memory_space<vmem_shared>>) offsets(%dma_start3A_99 : memref<128xi32, #tpu.memory_space<vmem>>) semaphore(%arg27 : memref<!tpu.dma_semaphore, #tpu.memory_space<semaphore_mem>>) {add = true}
    %dma_wait3A_103 = arith.constant 0 : i32
    %dma_wait3A_104 = arith.constant 0 : i32
    %dma_wait3A_105 = tpu.memref_slice %arg8[%dma_wait3A_103, %dma_wait3A_104] : memref<80x128xi32, #tpu.memory_space<vmem>> -> memref<1x128xi32, #tpu.memory_space<vmem>>
    %dma_wait3A_106 = tpu.memref_squeeze %dma_wait3A_105 : memref<1x128xi32, #tpu.memory_space<vmem>> -> memref<128xi32, #tpu.memory_space<vmem>>
    %dma_wait3A_107 = arith.constant 0 : i32
    %dma_wait3A_108 = arith.constant 0 : i32
    %dma_wait3A_109 = tpu.memref_slice %arg17[%dma_wait3A_107, %dma_wait3A_108] : memref<10008x64xbf16, #tpu.memory_space<vmem_shared>> -> memref<10008x64xbf16, #tpu.memory_space<vmem_shared>>
    tpu.wait_indirect_dma semaphore(%arg27 : memref<!tpu.dma_semaphore, #tpu.memory_space<semaphore_mem>>) src(%arg10 : memref<128x64xbf16, #tpu.memory_space<vmem>>) dst(%dma_wait3A_109 : memref<10008x64xbf16, #tpu.memory_space<vmem_shared>>)
    %dma_start3A_110 = arith.constant 73 : i32
    %dma_start3A_111 = arith.constant 0 : i32
    %dma_start3A_112 = tpu.memref_slice %arg7[%dma_start3A_110, %dma_start3A_111] : memref<80x128xi32, #tpu.memory_space<vmem>> -> memref<1x128xi32, #tpu.memory_space<vmem>>
    %dma_start3A_113 = tpu.memref_squeeze %dma_start3A_112 : memref<1x128xi32, #tpu.memory_space<vmem>> -> memref<128xi32, #tpu.memory_space<vmem>>
    %dma_start3A_114 = arith.constant 0 : i32
    %dma_start3A_115 = arith.constant 0 : i32
    %dma_start3A_116 = tpu.memref_slice %arg2[%dma_start3A_114, %dma_start3A_115] : memref<10000x64xbf16, #tpu.memory_space<hbm>> -> memref<10000x64xbf16, #tpu.memory_space<hbm>>
    tpu.enqueue_indirect_dma source(%dma_start3A_116 : memref<10000x64xbf16, #tpu.memory_space<hbm>>) target(%arg10 : memref<128x64xbf16, #tpu.memory_space<vmem>>) offsets(%dma_start3A_113 : memref<128xi32, #tpu.memory_space<vmem>>) semaphore(%arg19 : memref<!tpu.dma_semaphore, #tpu.memory_space<semaphore_mem>>)
    %dma_wait3A_117 = arith.constant 0 : i32
    %dma_wait3A_118 = arith.constant 0 : i32
    %dma_wait3A_119 = tpu.memref_slice %arg7[%dma_wait3A_117, %dma_wait3A_118] : memref<80x128xi32, #tpu.memory_space<vmem>> -> memref<1x128xi32, #tpu.memory_space<vmem>>
    %dma_wait3A_120 = tpu.memref_squeeze %dma_wait3A_119 : memref<1x128xi32, #tpu.memory_space<vmem>> -> memref<128xi32, #tpu.memory_space<vmem>>
    %dma_wait3A_121 = arith.constant 0 : i32
    %dma_wait3A_122 = arith.constant 0 : i32
    %dma_wait3A_123 = tpu.memref_slice %arg2[%dma_wait3A_121, %dma_wait3A_122] : memref<10000x64xbf16, #tpu.memory_space<hbm>> -> memref<10000x64xbf16, #tpu.memory_space<hbm>>
    tpu.wait_indirect_dma semaphore(%arg20 : memref<!tpu.dma_semaphore, #tpu.memory_space<semaphore_mem>>) src(%dma_wait3A_123 : memref<10000x64xbf16, #tpu.memory_space<hbm>>) dst(%arg11 : memref<128x64xbf16, #tpu.memory_space<vmem>>)
    %dma_start3A_124 = arith.constant 66 : i32
    %dma_start3A_125 = arith.constant 0 : i32
    %dma_start3A_126 = tpu.memref_slice %arg8[%dma_start3A_124, %dma_start3A_125] : memref<80x128xi32, #tpu.memory_space<vmem>> -> memref<1x128xi32, #tpu.memory_space<vmem>>
    %dma_start3A_127 = tpu.memref_squeeze %dma_start3A_126 : memref<1x128xi32, #tpu.memory_space<vmem>> -> memref<128xi32, #tpu.memory_space<vmem>>
    %dma_start3A_128 = arith.constant 0 : i32
    %dma_start3A_129 = arith.constant 0 : i32
    %dma_start3A_130 = tpu.memref_slice %arg17[%dma_start3A_128, %dma_start3A_129] : memref<10008x64xbf16, #tpu.memory_space<vmem_shared>> -> memref<10008x64xbf16, #tpu.memory_space<vmem_shared>>
    tpu.enqueue_indirect_dma source(%arg11 : memref<128x64xbf16, #tpu.memory_space<vmem>>) target(%dma_start3A_130 : memref<10008x64xbf16, #tpu.memory_space<vmem_shared>>) offsets(%dma_start3A_127 : memref<128xi32, #tpu.memory_space<vmem>>) semaphore(%arg28 : memref<!tpu.dma_semaphore, #tpu.memory_space<semaphore_mem>>) {add = true}
    %dma_wait3A_131 = arith.constant 0 : i32
    %dma_wait3A_132 = arith.constant 0 : i32
    %dma_wait3A_133 = tpu.memref_slice %arg8[%dma_wait3A_131, %dma_wait3A_132] : memref<80x128xi32, #tpu.memory_space<vmem>> -> memref<1x128xi32, #tpu.memory_space<vmem>>
    %dma_wait3A_134 = tpu.memref_squeeze %dma_wait3A_133 : memref<1x128xi32, #tpu.memory_space<vmem>> -> memref<128xi32, #tpu.memory_space<vmem>>
    %dma_wait3A_135 = arith.constant 0 : i32
    %dma_wait3A_136 = arith.constant 0 : i32
    %dma_wait3A_137 = tpu.memref_slice %arg17[%dma_wait3A_135, %dma_wait3A_136] : memref<10008x64xbf16, #tpu.memory_space<vmem_shared>> -> memref<10008x64xbf16, #tpu.memory_space<vmem_shared>>
    tpu.wait_indirect_dma semaphore(%arg28 : memref<!tpu.dma_semaphore, #tpu.memory_space<semaphore_mem>>) src(%arg11 : memref<128x64xbf16, #tpu.memory_space<vmem>>) dst(%dma_wait3A_137 : memref<10008x64xbf16, #tpu.memory_space<vmem_shared>>)
    %dma_start3A_138 = arith.constant 74 : i32
    %dma_start3A_139 = arith.constant 0 : i32
    %dma_start3A_140 = tpu.memref_slice %arg7[%dma_start3A_138, %dma_start3A_139] : memref<80x128xi32, #tpu.memory_space<vmem>> -> memref<1x128xi32, #tpu.memory_space<vmem>>
    %dma_start3A_141 = tpu.memref_squeeze %dma_start3A_140 : memref<1x128xi32, #tpu.memory_space<vmem>> -> memref<128xi32, #tpu.memory_space<vmem>>
    %dma_start3A_142 = arith.constant 0 : i32
    %dma_start3A_143 = arith.constant 0 : i32
    %dma_start3A_144 = tpu.memref_slice %arg2[%dma_start3A_142, %dma_start3A_143] : memref<10000x64xbf16, #tpu.memory_space<hbm>> -> memref<10000x64xbf16, #tpu.memory_space<hbm>>
    tpu.enqueue_indirect_dma source(%dma_start3A_144 : memref<10000x64xbf16, #tpu.memory_space<hbm>>) target(%arg11 : memref<128x64xbf16, #tpu.memory_space<vmem>>) offsets(%dma_start3A_141 : memref<128xi32, #tpu.memory_space<vmem>>) semaphore(%arg20 : memref<!tpu.dma_semaphore, #tpu.memory_space<semaphore_mem>>)
    %dma_wait3A_145 = arith.constant 0 : i32
    %dma_wait3A_146 = arith.constant 0 : i32
    %dma_wait3A_147 = tpu.memref_slice %arg7[%dma_wait3A_145, %dma_wait3A_146] : memref<80x128xi32, #tpu.memory_space<vmem>> -> memref<1x128xi32, #tpu.memory_space<vmem>>
    %dma_wait3A_148 = tpu.memref_squeeze %dma_wait3A_147 : memref<1x128xi32, #tpu.memory_space<vmem>> -> memref<128xi32, #tpu.memory_space<vmem>>
    %dma_wait3A_149 = arith.constant 0 : i32
    %dma_wait3A_150 = arith.constant 0 : i32
    %dma_wait3A_151 = tpu.memref_slice %arg2[%dma_wait3A_149, %dma_wait3A_150] : memref<10000x64xbf16, #tpu.memory_space<hbm>> -> memref<10000x64xbf16, #tpu.memory_space<hbm>>
    tpu.wait_indirect_dma semaphore(%arg21 : memref<!tpu.dma_semaphore, #tpu.memory_space<semaphore_mem>>) src(%dma_wait3A_151 : memref<10000x64xbf16, #tpu.memory_space<hbm>>) dst(%arg12 : memref<128x64xbf16, #tpu.memory_space<vmem>>)
    %dma_start3A_152 = arith.constant 67 : i32
    %dma_start3A_153 = arith.constant 0 : i32
    %dma_start3A_154 = tpu.memref_slice %arg8[%dma_start3A_152, %dma_start3A_153] : memref<80x128xi32, #tpu.memory_space<vmem>> -> memref<1x128xi32, #tpu.memory_space<vmem>>
    %dma_start3A_155 = tpu.memref_squeeze %dma_start3A_154 : memref<1x128xi32, #tpu.memory_space<vmem>> -> memref<128xi32, #tpu.memory_space<vmem>>
    %dma_start3A_156 = arith.constant 0 : i32
    %dma_start3A_157 = arith.constant 0 : i32
    %dma_start3A_158 = tpu.memref_slice %arg17[%dma_start3A_156, %dma_start3A_157] : memref<10008x64xbf16, #tpu.memory_space<vmem_shared>> -> memref<10008x64xbf16, #tpu.memory_space<vmem_shared>>
    tpu.enqueue_indirect_dma source(%arg12 : memref<128x64xbf16, #tpu.memory_space<vmem>>) target(%dma_start3A_158 : memref<10008x64xbf16, #tpu.memory_space<vmem_shared>>) offsets(%dma_start3A_155 : memref<128xi32, #tpu.memory_space<vmem>>) semaphore(%arg29 : memref<!tpu.dma_semaphore, #tpu.memory_space<semaphore_mem>>) {add = true}
    %dma_wait3A_159 = arith.constant 0 : i32
    %dma_wait3A_160 = arith.constant 0 : i32
    %dma_wait3A_161 = tpu.memref_slice %arg8[%dma_wait3A_159, %dma_wait3A_160] : memref<80x128xi32, #tpu.memory_space<vmem>> -> memref<1x128xi32, #tpu.memory_space<vmem>>
    %dma_wait3A_162 = tpu.memref_squeeze %dma_wait3A_161 : memref<1x128xi32, #tpu.memory_space<vmem>> -> memref<128xi32, #tpu.memory_space<vmem>>
    %dma_wait3A_163 = arith.constant 0 : i32
    %dma_wait3A_164 = arith.constant 0 : i32
    %dma_wait3A_165 = tpu.memref_slice %arg17[%dma_wait3A_163, %dma_wait3A_164] : memref<10008x64xbf16, #tpu.memory_space<vmem_shared>> -> memref<10008x64xbf16, #tpu.memory_space<vmem_shared>>
    tpu.wait_indirect_dma semaphore(%arg29 : memref<!tpu.dma_semaphore, #tpu.memory_space<semaphore_mem>>) src(%arg12 : memref<128x64xbf16, #tpu.memory_space<vmem>>) dst(%dma_wait3A_165 : memref<10008x64xbf16, #tpu.memory_space<vmem_shared>>)
    %dma_start3A_166 = arith.constant 75 : i32
    %dma_start3A_167 = arith.constant 0 : i32
    %dma_start3A_168 = tpu.memref_slice %arg7[%dma_start3A_166, %dma_start3A_167] : memref<80x128xi32, #tpu.memory_space<vmem>> -> memref<1x128xi32, #tpu.memory_space<vmem>>
    %dma_start3A_169 = tpu.memref_squeeze %dma_start3A_168 : memref<1x128xi32, #tpu.memory_space<vmem>> -> memref<128xi32, #tpu.memory_space<vmem>>
    %dma_start3A_170 = arith.constant 0 : i32
    %dma_start3A_171 = arith.constant 0 : i32
    %dma_start3A_172 = tpu.memref_slice %arg2[%dma_start3A_170, %dma_start3A_171] : memref<10000x64xbf16, #tpu.memory_space<hbm>> -> memref<10000x64xbf16, #tpu.memory_space<hbm>>
    tpu.enqueue_indirect_dma source(%dma_start3A_172 : memref<10000x64xbf16, #tpu.memory_space<hbm>>) target(%arg12 : memref<128x64xbf16, #tpu.memory_space<vmem>>) offsets(%dma_start3A_169 : memref<128xi32, #tpu.memory_space<vmem>>) semaphore(%arg21 : memref<!tpu.dma_semaphore, #tpu.memory_space<semaphore_mem>>)
    %dma_wait3A_173 = arith.constant 0 : i32
    %dma_wait3A_174 = arith.constant 0 : i32
    %dma_wait3A_175 = tpu.memref_slice %arg7[%dma_wait3A_173, %dma_wait3A_174] : memref<80x128xi32, #tpu.memory_space<vmem>> -> memref<1x128xi32, #tpu.memory_space<vmem>>
    %dma_wait3A_176 = tpu.memref_squeeze %dma_wait3A_175 : memref<1x128xi32, #tpu.memory_space<vmem>> -> memref<128xi32, #tpu.memory_space<vmem>>
    %dma_wait3A_177 = arith.constant 0 : i32
    %dma_wait3A_178 = arith.constant 0 : i32
    %dma_wait3A_179 = tpu.memref_slice %arg2[%dma_wait3A_177, %dma_wait3A_178] : memref<10000x64xbf16, #tpu.memory_space<hbm>> -> memref<10000x64xbf16, #tpu.memory_space<hbm>>
    tpu.wait_indirect_dma semaphore(%arg22 : memref<!tpu.dma_semaphore, #tpu.memory_space<semaphore_mem>>) src(%dma_wait3A_179 : memref<10000x64xbf16, #tpu.memory_space<hbm>>) dst(%arg13 : memref<128x64xbf16, #tpu.memory_space<vmem>>)
    %dma_start3A_180 = arith.constant 68 : i32
    %dma_start3A_181 = arith.constant 0 : i32
    %dma_start3A_182 = tpu.memref_slice %arg8[%dma_start3A_180, %dma_start3A_181] : memref<80x128xi32, #tpu.memory_space<vmem>> -> memref<1x128xi32, #tpu.memory_space<vmem>>
    %dma_start3A_183 = tpu.memref_squeeze %dma_start3A_182 : memref<1x128xi32, #tpu.memory_space<vmem>> -> memref<128xi32, #tpu.memory_space<vmem>>
    %dma_start3A_184 = arith.constant 0 : i32
    %dma_start3A_185 = arith.constant 0 : i32
    %dma_start3A_186 = tpu.memref_slice %arg17[%dma_start3A_184, %dma_start3A_185] : memref<10008x64xbf16, #tpu.memory_space<vmem_shared>> -> memref<10008x64xbf16, #tpu.memory_space<vmem_shared>>
    tpu.enqueue_indirect_dma source(%arg13 : memref<128x64xbf16, #tpu.memory_space<vmem>>) target(%dma_start3A_186 : memref<10008x64xbf16, #tpu.memory_space<vmem_shared>>) offsets(%dma_start3A_183 : memref<128xi32, #tpu.memory_space<vmem>>) semaphore(%arg30 : memref<!tpu.dma_semaphore, #tpu.memory_space<semaphore_mem>>) {add = true}
    %dma_wait3A_187 = arith.constant 0 : i32
    %dma_wait3A_188 = arith.constant 0 : i32
    %dma_wait3A_189 = tpu.memref_slice %arg8[%dma_wait3A_187, %dma_wait3A_188] : memref<80x128xi32, #tpu.memory_space<vmem>> -> memref<1x128xi32, #tpu.memory_space<vmem>>
    %dma_wait3A_190 = tpu.memref_squeeze %dma_wait3A_189 : memref<1x128xi32, #tpu.memory_space<vmem>> -> memref<128xi32, #tpu.memory_space<vmem>>
    %dma_wait3A_191 = arith.constant 0 : i32
    %dma_wait3A_192 = arith.constant 0 : i32
    %dma_wait3A_193 = tpu.memref_slice %arg17[%dma_wait3A_191, %dma_wait3A_192] : memref<10008x64xbf16, #tpu.memory_space<vmem_shared>> -> memref<10008x64xbf16, #tpu.memory_space<vmem_shared>>
    tpu.wait_indirect_dma semaphore(%arg30 : memref<!tpu.dma_semaphore, #tpu.memory_space<semaphore_mem>>) src(%arg13 : memref<128x64xbf16, #tpu.memory_space<vmem>>) dst(%dma_wait3A_193 : memref<10008x64xbf16, #tpu.memory_space<vmem_shared>>)
    %dma_start3A_194 = arith.constant 76 : i32
    %dma_start3A_195 = arith.constant 0 : i32
    %dma_start3A_196 = tpu.memref_slice %arg7[%dma_start3A_194, %dma_start3A_195] : memref<80x128xi32, #tpu.memory_space<vmem>> -> memref<1x128xi32, #tpu.memory_space<vmem>>
    %dma_start3A_197 = tpu.memref_squeeze %dma_start3A_196 : memref<1x128xi32, #tpu.memory_space<vmem>> -> memref<128xi32, #tpu.memory_space<vmem>>
    %dma_start3A_198 = arith.constant 0 : i32
    %dma_start3A_199 = arith.constant 0 : i32
    %dma_start3A_200 = tpu.memref_slice %arg2[%dma_start3A_198, %dma_start3A_199] : memref<10000x64xbf16, #tpu.memory_space<hbm>> -> memref<10000x64xbf16, #tpu.memory_space<hbm>>
    tpu.enqueue_indirect_dma source(%dma_start3A_200 : memref<10000x64xbf16, #tpu.memory_space<hbm>>) target(%arg13 : memref<128x64xbf16, #tpu.memory_space<vmem>>) offsets(%dma_start3A_197 : memref<128xi32, #tpu.memory_space<vmem>>) semaphore(%arg22 : memref<!tpu.dma_semaphore, #tpu.memory_space<semaphore_mem>>)
    %dma_wait3A_201 = arith.constant 0 : i32
    %dma_wait3A_202 = arith.constant 0 : i32
    %dma_wait3A_203 = tpu.memref_slice %arg7[%dma_wait3A_201, %dma_wait3A_202] : memref<80x128xi32, #tpu.memory_space<vmem>> -> memref<1x128xi32, #tpu.memory_space<vmem>>
    %dma_wait3A_204 = tpu.memref_squeeze %dma_wait3A_203 : memref<1x128xi32, #tpu.memory_space<vmem>> -> memref<128xi32, #tpu.memory_space<vmem>>
    %dma_wait3A_205 = arith.constant 0 : i32
    %dma_wait3A_206 = arith.constant 0 : i32
    %dma_wait3A_207 = tpu.memref_slice %arg2[%dma_wait3A_205, %dma_wait3A_206] : memref<10000x64xbf16, #tpu.memory_space<hbm>> -> memref<10000x64xbf16, #tpu.memory_space<hbm>>
    tpu.wait_indirect_dma semaphore(%arg23 : memref<!tpu.dma_semaphore, #tpu.memory_space<semaphore_mem>>) src(%dma_wait3A_207 : memref<10000x64xbf16, #tpu.memory_space<hbm>>) dst(%arg14 : memref<128x64xbf16, #tpu.memory_space<vmem>>)
    %dma_start3A_208 = arith.constant 69 : i32
    %dma_start3A_209 = arith.constant 0 : i32
    %dma_start3A_210 = tpu.memref_slice %arg8[%dma_start3A_208, %dma_start3A_209] : memref<80x128xi32, #tpu.memory_space<vmem>> -> memref<1x128xi32, #tpu.memory_space<vmem>>
    %dma_start3A_211 = tpu.memref_squeeze %dma_start3A_210 : memref<1x128xi32, #tpu.memory_space<vmem>> -> memref<128xi32, #tpu.memory_space<vmem>>
    %dma_start3A_212 = arith.constant 0 : i32
    %dma_start3A_213 = arith.constant 0 : i32
    %dma_start3A_214 = tpu.memref_slice %arg17[%dma_start3A_212, %dma_start3A_213] : memref<10008x64xbf16, #tpu.memory_space<vmem_shared>> -> memref<10008x64xbf16, #tpu.memory_space<vmem_shared>>
    tpu.enqueue_indirect_dma source(%arg14 : memref<128x64xbf16, #tpu.memory_space<vmem>>) target(%dma_start3A_214 : memref<10008x64xbf16, #tpu.memory_space<vmem_shared>>) offsets(%dma_start3A_211 : memref<128xi32, #tpu.memory_space<vmem>>) semaphore(%arg31 : memref<!tpu.dma_semaphore, #tpu.memory_space<semaphore_mem>>) {add = true}
    %dma_wait3A_215 = arith.constant 0 : i32
    %dma_wait3A_216 = arith.constant 0 : i32
    %dma_wait3A_217 = tpu.memref_slice %arg8[%dma_wait3A_215, %dma_wait3A_216] : memref<80x128xi32, #tpu.memory_space<vmem>> -> memref<1x128xi32, #tpu.memory_space<vmem>>
    %dma_wait3A_218 = tpu.memref_squeeze %dma_wait3A_217 : memref<1x128xi32, #tpu.memory_space<vmem>> -> memref<128xi32, #tpu.memory_space<vmem>>
    %dma_wait3A_219 = arith.constant 0 : i32
    %dma_wait3A_220 = arith.constant 0 : i32
    %dma_wait3A_221 = tpu.memref_slice %arg17[%dma_wait3A_219, %dma_wait3A_220] : memref<10008x64xbf16, #tpu.memory_space<vmem_shared>> -> memref<10008x64xbf16, #tpu.memory_space<vmem_shared>>
    tpu.wait_indirect_dma semaphore(%arg31 : memref<!tpu.dma_semaphore, #tpu.memory_space<semaphore_mem>>) src(%arg14 : memref<128x64xbf16, #tpu.memory_space<vmem>>) dst(%dma_wait3A_221 : memref<10008x64xbf16, #tpu.memory_space<vmem_shared>>)
    %dma_start3A_222 = arith.constant 77 : i32
    %dma_start3A_223 = arith.constant 0 : i32
    %dma_start3A_224 = tpu.memref_slice %arg7[%dma_start3A_222, %dma_start3A_223] : memref<80x128xi32, #tpu.memory_space<vmem>> -> memref<1x128xi32, #tpu.memory_space<vmem>>
    %dma_start3A_225 = tpu.memref_squeeze %dma_start3A_224 : memref<1x128xi32, #tpu.memory_space<vmem>> -> memref<128xi32, #tpu.memory_space<vmem>>
    %dma_start3A_226 = arith.constant 0 : i32
    %dma_start3A_227 = arith.constant 0 : i32
    %dma_start3A_228 = tpu.memref_slice %arg2[%dma_start3A_226, %dma_start3A_227] : memref<10000x64xbf16, #tpu.memory_space<hbm>> -> memref<10000x64xbf16, #tpu.memory_space<hbm>>
    tpu.enqueue_indirect_dma source(%dma_start3A_228 : memref<10000x64xbf16, #tpu.memory_space<hbm>>) target(%arg14 : memref<128x64xbf16, #tpu.memory_space<vmem>>) offsets(%dma_start3A_225 : memref<128xi32, #tpu.memory_space<vmem>>) semaphore(%arg23 : memref<!tpu.dma_semaphore, #tpu.memory_space<semaphore_mem>>)
    %dma_wait3A_229 = arith.constant 0 : i32
    %dma_wait3A_230 = arith.constant 0 : i32
    %dma_wait3A_231 = tpu.memref_slice %arg7[%dma_wait3A_229, %dma_wait3A_230] : memref<80x128xi32, #tpu.memory_space<vmem>> -> memref<1x128xi32, #tpu.memory_space<vmem>>
    %dma_wait3A_232 = tpu.memref_squeeze %dma_wait3A_231 : memref<1x128xi32, #tpu.memory_space<vmem>> -> memref<128xi32, #tpu.memory_space<vmem>>
    %dma_wait3A_233 = arith.constant 0 : i32
    %dma_wait3A_234 = arith.constant 0 : i32
    %dma_wait3A_235 = tpu.memref_slice %arg2[%dma_wait3A_233, %dma_wait3A_234] : memref<10000x64xbf16, #tpu.memory_space<hbm>> -> memref<10000x64xbf16, #tpu.memory_space<hbm>>
    tpu.wait_indirect_dma semaphore(%arg24 : memref<!tpu.dma_semaphore, #tpu.memory_space<semaphore_mem>>) src(%dma_wait3A_235 : memref<10000x64xbf16, #tpu.memory_space<hbm>>) dst(%arg15 : memref<128x64xbf16, #tpu.memory_space<vmem>>)
    %dma_start3A_236 = arith.constant 70 : i32
    %dma_start3A_237 = arith.constant 0 : i32
    %dma_start3A_238 = tpu.memref_slice %arg8[%dma_start3A_236, %dma_start3A_237] : memref<80x128xi32, #tpu.memory_space<vmem>> -> memref<1x128xi32, #tpu.memory_space<vmem>>
    %dma_start3A_239 = tpu.memref_squeeze %dma_start3A_238 : memref<1x128xi32, #tpu.memory_space<vmem>> -> memref<128xi32, #tpu.memory_space<vmem>>
    %dma_start3A_240 = arith.constant 0 : i32
    %dma_start3A_241 = arith.constant 0 : i32
    %dma_start3A_242 = tpu.memref_slice %arg17[%dma_start3A_240, %dma_start3A_241] : memref<10008x64xbf16, #tpu.memory_space<vmem_shared>> -> memref<10008x64xbf16, #tpu.memory_space<vmem_shared>>
    tpu.enqueue_indirect_dma source(%arg15 : memref<128x64xbf16, #tpu.memory_space<vmem>>) target(%dma_start3A_242 : memref<10008x64xbf16, #tpu.memory_space<vmem_shared>>) offsets(%dma_start3A_239 : memref<128xi32, #tpu.memory_space<vmem>>) semaphore(%arg32 : memref<!tpu.dma_semaphore, #tpu.memory_space<semaphore_mem>>) {add = true}
    %dma_wait3A_243 = arith.constant 0 : i32
    %dma_wait3A_244 = arith.constant 0 : i32
    %dma_wait3A_245 = tpu.memref_slice %arg8[%dma_wait3A_243, %dma_wait3A_244] : memref<80x128xi32, #tpu.memory_space<vmem>> -> memref<1x128xi32, #tpu.memory_space<vmem>>
    %dma_wait3A_246 = tpu.memref_squeeze %dma_wait3A_245 : memref<1x128xi32, #tpu.memory_space<vmem>> -> memref<128xi32, #tpu.memory_space<vmem>>
    %dma_wait3A_247 = arith.constant 0 : i32
    %dma_wait3A_248 = arith.constant 0 : i32
    %dma_wait3A_249 = tpu.memref_slice %arg17[%dma_wait3A_247, %dma_wait3A_248] : memref<10008x64xbf16, #tpu.memory_space<vmem_shared>> -> memref<10008x64xbf16, #tpu.memory_space<vmem_shared>>
    tpu.wait_indirect_dma semaphore(%arg32 : memref<!tpu.dma_semaphore, #tpu.memory_space<semaphore_mem>>) src(%arg15 : memref<128x64xbf16, #tpu.memory_space<vmem>>) dst(%dma_wait3A_249 : memref<10008x64xbf16, #tpu.memory_space<vmem_shared>>)
    %dma_start3A_250 = arith.constant 78 : i32
    %dma_start3A_251 = arith.constant 0 : i32
    %dma_start3A_252 = tpu.memref_slice %arg7[%dma_start3A_250, %dma_start3A_251] : memref<80x128xi32, #tpu.memory_space<vmem>> -> memref<1x128xi32, #tpu.memory_space<vmem>>
    %dma_start3A_253 = tpu.memref_squeeze %dma_start3A_252 : memref<1x128xi32, #tpu.memory_space<vmem>> -> memref<128xi32, #tpu.memory_space<vmem>>
    %dma_start3A_254 = arith.constant 0 : i32
    %dma_start3A_255 = arith.constant 0 : i32
    %dma_start3A_256 = tpu.memref_slice %arg2[%dma_start3A_254, %dma_start3A_255] : memref<10000x64xbf16, #tpu.memory_space<hbm>> -> memref<10000x64xbf16, #tpu.memory_space<hbm>>
    tpu.enqueue_indirect_dma source(%dma_start3A_256 : memref<10000x64xbf16, #tpu.memory_space<hbm>>) target(%arg15 : memref<128x64xbf16, #tpu.memory_space<vmem>>) offsets(%dma_start3A_253 : memref<128xi32, #tpu.memory_space<vmem>>) semaphore(%arg24 : memref<!tpu.dma_semaphore, #tpu.memory_space<semaphore_mem>>)
    %dma_wait3A_257 = arith.constant 0 : i32
    %dma_wait3A_258 = arith.constant 0 : i32
    %dma_wait3A_259 = tpu.memref_slice %arg7[%dma_wait3A_257, %dma_wait3A_258] : memref<80x128xi32, #tpu.memory_space<vmem>> -> memref<1x128xi32, #tpu.memory_space<vmem>>
    %dma_wait3A_260 = tpu.memref_squeeze %dma_wait3A_259 : memref<1x128xi32, #tpu.memory_space<vmem>> -> memref<128xi32, #tpu.memory_space<vmem>>
    %dma_wait3A_261 = arith.constant 0 : i32
    %dma_wait3A_262 = arith.constant 0 : i32
    %dma_wait3A_263 = tpu.memref_slice %arg2[%dma_wait3A_261, %dma_wait3A_262] : memref<10000x64xbf16, #tpu.memory_space<hbm>> -> memref<10000x64xbf16, #tpu.memory_space<hbm>>
    tpu.wait_indirect_dma semaphore(%arg25 : memref<!tpu.dma_semaphore, #tpu.memory_space<semaphore_mem>>) src(%dma_wait3A_263 : memref<10000x64xbf16, #tpu.memory_space<hbm>>) dst(%arg16 : memref<128x64xbf16, #tpu.memory_space<vmem>>)
    %dma_start3A_264 = arith.constant 71 : i32
    %dma_start3A_265 = arith.constant 0 : i32
    %dma_start3A_266 = tpu.memref_slice %arg8[%dma_start3A_264, %dma_start3A_265] : memref<80x128xi32, #tpu.memory_space<vmem>> -> memref<1x128xi32, #tpu.memory_space<vmem>>
    %dma_start3A_267 = tpu.memref_squeeze %dma_start3A_266 : memref<1x128xi32, #tpu.memory_space<vmem>> -> memref<128xi32, #tpu.memory_space<vmem>>
    %dma_start3A_268 = arith.constant 0 : i32
    %dma_start3A_269 = arith.constant 0 : i32
    %dma_start3A_270 = tpu.memref_slice %arg17[%dma_start3A_268, %dma_start3A_269] : memref<10008x64xbf16, #tpu.memory_space<vmem_shared>> -> memref<10008x64xbf16, #tpu.memory_space<vmem_shared>>
    tpu.enqueue_indirect_dma source(%arg16 : memref<128x64xbf16, #tpu.memory_space<vmem>>) target(%dma_start3A_270 : memref<10008x64xbf16, #tpu.memory_space<vmem_shared>>) offsets(%dma_start3A_267 : memref<128xi32, #tpu.memory_space<vmem>>) semaphore(%arg33 : memref<!tpu.dma_semaphore, #tpu.memory_space<semaphore_mem>>) {add = true}
    %dma_wait3A_271 = arith.constant 0 : i32
    %dma_wait3A_272 = arith.constant 0 : i32
    %dma_wait3A_273 = tpu.memref_slice %arg8[%dma_wait3A_271, %dma_wait3A_272] : memref<80x128xi32, #tpu.memory_space<vmem>> -> memref<1x128xi32, #tpu.memory_space<vmem>>
    %dma_wait3A_274 = tpu.memref_squeeze %dma_wait3A_273 : memref<1x128xi32, #tpu.memory_space<vmem>> -> memref<128xi32, #tpu.memory_space<vmem>>
    %dma_wait3A_275 = arith.constant 0 : i32
    %dma_wait3A_276 = arith.constant 0 : i32
    %dma_wait3A_277 = tpu.memref_slice %arg17[%dma_wait3A_275, %dma_wait3A_276] : memref<10008x64xbf16, #tpu.memory_space<vmem_shared>> -> memref<10008x64xbf16, #tpu.memory_space<vmem_shared>>
    tpu.wait_indirect_dma semaphore(%arg33 : memref<!tpu.dma_semaphore, #tpu.memory_space<semaphore_mem>>) src(%arg16 : memref<128x64xbf16, #tpu.memory_space<vmem>>) dst(%dma_wait3A_277 : memref<10008x64xbf16, #tpu.memory_space<vmem_shared>>)
    %dma_start3A_278 = arith.constant 79 : i32
    %dma_start3A_279 = arith.constant 0 : i32
    %dma_start3A_280 = tpu.memref_slice %arg7[%dma_start3A_278, %dma_start3A_279] : memref<80x128xi32, #tpu.memory_space<vmem>> -> memref<1x128xi32, #tpu.memory_space<vmem>>
    %dma_start3A_281 = tpu.memref_squeeze %dma_start3A_280 : memref<1x128xi32, #tpu.memory_space<vmem>> -> memref<128xi32, #tpu.memory_space<vmem>>
    %dma_start3A_282 = arith.constant 0 : i32
    %dma_start3A_283 = arith.constant 0 : i32
    %dma_start3A_284 = tpu.memref_slice %arg2[%dma_start3A_282, %dma_start3A_283] : memref<10000x64xbf16, #tpu.memory_space<hbm>> -> memref<10000x64xbf16, #tpu.memory_space<hbm>>
    tpu.enqueue_indirect_dma source(%dma_start3A_284 : memref<10000x64xbf16, #tpu.memory_space<hbm>>) target(%arg16 : memref<128x64xbf16, #tpu.memory_space<vmem>>) offsets(%dma_start3A_281 : memref<128xi32, #tpu.memory_space<vmem>>) semaphore(%arg25 : memref<!tpu.dma_semaphore, #tpu.memory_space<semaphore_mem>>)
    %dma_wait3A_285 = arith.constant 0 : i32
    %dma_wait3A_286 = arith.constant 0 : i32
    %dma_wait3A_287 = tpu.memref_slice %arg7[%dma_wait3A_285, %dma_wait3A_286] : memref<80x128xi32, #tpu.memory_space<vmem>> -> memref<1x128xi32, #tpu.memory_space<vmem>>
    %dma_wait3A_288 = tpu.memref_squeeze %dma_wait3A_287 : memref<1x128xi32, #tpu.memory_space<vmem>> -> memref<128xi32, #tpu.memory_space<vmem>>
    %dma_wait3A_289 = arith.constant 0 : i32
    %dma_wait3A_290 = arith.constant 0 : i32
    %dma_wait3A_291 = tpu.memref_slice %arg2[%dma_wait3A_289, %dma_wait3A_290] : memref<10000x64xbf16, #tpu.memory_space<hbm>> -> memref<10000x64xbf16, #tpu.memory_space<hbm>>
    tpu.wait_indirect_dma semaphore(%arg18 : memref<!tpu.dma_semaphore, #tpu.memory_space<semaphore_mem>>) src(%dma_wait3A_291 : memref<10000x64xbf16, #tpu.memory_space<hbm>>) dst(%arg9 : memref<128x64xbf16, #tpu.memory_space<vmem>>)
    %dma_start3A_292 = arith.constant 72 : i32
    %dma_start3A_293 = arith.constant 0 : i32
    %dma_start3A_294 = tpu.memref_slice %arg8[%dma_start3A_292, %dma_start3A_293] : memref<80x128xi32, #tpu.memory_space<vmem>> -> memref<1x128xi32, #tpu.memory_space<vmem>>
    %dma_start3A_295 = tpu.memref_squeeze %dma_start3A_294 : memref<1x128xi32, #tpu.memory_space<vmem>> -> memref<128xi32, #tpu.memory_space<vmem>>
    %dma_start3A_296 = arith.constant 0 : i32
    %dma_start3A_297 = arith.constant 0 : i32
    %dma_start3A_298 = tpu.memref_slice %arg17[%dma_start3A_296, %dma_start3A_297] : memref<10008x64xbf16, #tpu.memory_space<vmem_shared>> -> memref<10008x64xbf16, #tpu.memory_space<vmem_shared>>
    tpu.enqueue_indirect_dma source(%arg9 : memref<128x64xbf16, #tpu.memory_space<vmem>>) target(%dma_start3A_298 : memref<10008x64xbf16, #tpu.memory_space<vmem_shared>>) offsets(%dma_start3A_295 : memref<128xi32, #tpu.memory_space<vmem>>) semaphore(%arg26 : memref<!tpu.dma_semaphore, #tpu.memory_space<semaphore_mem>>) {add = true}
    %dma_wait3A_299 = arith.constant 0 : i32
    %dma_wait3A_300 = arith.constant 0 : i32
    %dma_wait3A_301 = tpu.memref_slice %arg8[%dma_wait3A_299, %dma_wait3A_300] : memref<80x128xi32, #tpu.memory_space<vmem>> -> memref<1x128xi32, #tpu.memory_space<vmem>>
    %dma_wait3A_302 = tpu.memref_squeeze %dma_wait3A_301 : memref<1x128xi32, #tpu.memory_space<vmem>> -> memref<128xi32, #tpu.memory_space<vmem>>
    %dma_wait3A_303 = arith.constant 0 : i32
    %dma_wait3A_304 = arith.constant 0 : i32
    %dma_wait3A_305 = tpu.memref_slice %arg17[%dma_wait3A_303, %dma_wait3A_304] : memref<10008x64xbf16, #tpu.memory_space<vmem_shared>> -> memref<10008x64xbf16, #tpu.memory_space<vmem_shared>>
    tpu.wait_indirect_dma semaphore(%arg26 : memref<!tpu.dma_semaphore, #tpu.memory_space<semaphore_mem>>) src(%arg9 : memref<128x64xbf16, #tpu.memory_space<vmem>>) dst(%dma_wait3A_305 : memref<10008x64xbf16, #tpu.memory_space<vmem_shared>>)
    %dma_wait3A_306 = arith.constant 0 : i32
    %dma_wait3A_307 = arith.constant 0 : i32
    %dma_wait3A_308 = tpu.memref_slice %arg7[%dma_wait3A_306, %dma_wait3A_307] : memref<80x128xi32, #tpu.memory_space<vmem>> -> memref<1x128xi32, #tpu.memory_space<vmem>>
    %dma_wait3A_309 = tpu.memref_squeeze %dma_wait3A_308 : memref<1x128xi32, #tpu.memory_space<vmem>> -> memref<128xi32, #tpu.memory_space<vmem>>
    %dma_wait3A_310 = arith.constant 0 : i32
    %dma_wait3A_311 = arith.constant 0 : i32
    %dma_wait3A_312 = tpu.memref_slice %arg2[%dma_wait3A_310, %dma_wait3A_311] : memref<10000x64xbf16, #tpu.memory_space<hbm>> -> memref<10000x64xbf16, #tpu.memory_space<hbm>>
    tpu.wait_indirect_dma semaphore(%arg19 : memref<!tpu.dma_semaphore, #tpu.memory_space<semaphore_mem>>) src(%dma_wait3A_312 : memref<10000x64xbf16, #tpu.memory_space<hbm>>) dst(%arg10 : memref<128x64xbf16, #tpu.memory_space<vmem>>)
    %dma_start3A_313 = arith.constant 73 : i32
    %dma_start3A_314 = arith.constant 0 : i32
    %dma_start3A_315 = tpu.memref_slice %arg8[%dma_start3A_313, %dma_start3A_314] : memref<80x128xi32, #tpu.memory_space<vmem>> -> memref<1x128xi32, #tpu.memory_space<vmem>>
    %dma_start3A_316 = tpu.memref_squeeze %dma_start3A_315 : memref<1x128xi32, #tpu.memory_space<vmem>> -> memref<128xi32, #tpu.memory_space<vmem>>
    %dma_start3A_317 = arith.constant 0 : i32
    %dma_start3A_318 = arith.constant 0 : i32
    %dma_start3A_319 = tpu.memref_slice %arg17[%dma_start3A_317, %dma_start3A_318] : memref<10008x64xbf16, #tpu.memory_space<vmem_shared>> -> memref<10008x64xbf16, #tpu.memory_space<vmem_shared>>
    tpu.enqueue_indirect_dma source(%arg10 : memref<128x64xbf16, #tpu.memory_space<vmem>>) target(%dma_start3A_319 : memref<10008x64xbf16, #tpu.memory_space<vmem_shared>>) offsets(%dma_start3A_316 : memref<128xi32, #tpu.memory_space<vmem>>) semaphore(%arg27 : memref<!tpu.dma_semaphore, #tpu.memory_space<semaphore_mem>>) {add = true}
    %dma_wait3A_320 = arith.constant 0 : i32
    %dma_wait3A_321 = arith.constant 0 : i32
    %dma_wait3A_322 = tpu.memref_slice %arg8[%dma_wait3A_320, %dma_wait3A_321] : memref<80x128xi32, #tpu.memory_space<vmem>> -> memref<1x128xi32, #tpu.memory_space<vmem>>
    %dma_wait3A_323 = tpu.memref_squeeze %dma_wait3A_322 : memref<1x128xi32, #tpu.memory_space<vmem>> -> memref<128xi32, #tpu.memory_space<vmem>>
    %dma_wait3A_324 = arith.constant 0 : i32
    %dma_wait3A_325 = arith.constant 0 : i32
    %dma_wait3A_326 = tpu.memref_slice %arg17[%dma_wait3A_324, %dma_wait3A_325] : memref<10008x64xbf16, #tpu.memory_space<vmem_shared>> -> memref<10008x64xbf16, #tpu.memory_space<vmem_shared>>
    tpu.wait_indirect_dma semaphore(%arg27 : memref<!tpu.dma_semaphore, #tpu.memory_space<semaphore_mem>>) src(%arg10 : memref<128x64xbf16, #tpu.memory_space<vmem>>) dst(%dma_wait3A_326 : memref<10008x64xbf16, #tpu.memory_space<vmem_shared>>)
    %dma_wait3A_327 = arith.constant 0 : i32
    %dma_wait3A_328 = arith.constant 0 : i32
    %dma_wait3A_329 = tpu.memref_slice %arg7[%dma_wait3A_327, %dma_wait3A_328] : memref<80x128xi32, #tpu.memory_space<vmem>> -> memref<1x128xi32, #tpu.memory_space<vmem>>
    %dma_wait3A_330 = tpu.memref_squeeze %dma_wait3A_329 : memref<1x128xi32, #tpu.memory_space<vmem>> -> memref<128xi32, #tpu.memory_space<vmem>>
    %dma_wait3A_331 = arith.constant 0 : i32
    %dma_wait3A_332 = arith.constant 0 : i32
    %dma_wait3A_333 = tpu.memref_slice %arg2[%dma_wait3A_331, %dma_wait3A_332] : memref<10000x64xbf16, #tpu.memory_space<hbm>> -> memref<10000x64xbf16, #tpu.memory_space<hbm>>
    tpu.wait_indirect_dma semaphore(%arg20 : memref<!tpu.dma_semaphore, #tpu.memory_space<semaphore_mem>>) src(%dma_wait3A_333 : memref<10000x64xbf16, #tpu.memory_space<hbm>>) dst(%arg11 : memref<128x64xbf16, #tpu.memory_space<vmem>>)
    %dma_start3A_334 = arith.constant 74 : i32
    %dma_start3A_335 = arith.constant 0 : i32
    %dma_start3A_336 = tpu.memref_slice %arg8[%dma_start3A_334, %dma_start3A_335] : memref<80x128xi32, #tpu.memory_space<vmem>> -> memref<1x128xi32, #tpu.memory_space<vmem>>
    %dma_start3A_337 = tpu.memref_squeeze %dma_start3A_336 : memref<1x128xi32, #tpu.memory_space<vmem>> -> memref<128xi32, #tpu.memory_space<vmem>>
    %dma_start3A_338 = arith.constant 0 : i32
    %dma_start3A_339 = arith.constant 0 : i32
    %dma_start3A_340 = tpu.memref_slice %arg17[%dma_start3A_338, %dma_start3A_339] : memref<10008x64xbf16, #tpu.memory_space<vmem_shared>> -> memref<10008x64xbf16, #tpu.memory_space<vmem_shared>>
    tpu.enqueue_indirect_dma source(%arg11 : memref<128x64xbf16, #tpu.memory_space<vmem>>) target(%dma_start3A_340 : memref<10008x64xbf16, #tpu.memory_space<vmem_shared>>) offsets(%dma_start3A_337 : memref<128xi32, #tpu.memory_space<vmem>>) semaphore(%arg28 : memref<!tpu.dma_semaphore, #tpu.memory_space<semaphore_mem>>) {add = true}
    %dma_wait3A_341 = arith.constant 0 : i32
    %dma_wait3A_342 = arith.constant 0 : i32
    %dma_wait3A_343 = tpu.memref_slice %arg8[%dma_wait3A_341, %dma_wait3A_342] : memref<80x128xi32, #tpu.memory_space<vmem>> -> memref<1x128xi32, #tpu.memory_space<vmem>>
    %dma_wait3A_344 = tpu.memref_squeeze %dma_wait3A_343 : memref<1x128xi32, #tpu.memory_space<vmem>> -> memref<128xi32, #tpu.memory_space<vmem>>
    %dma_wait3A_345 = arith.constant 0 : i32
    %dma_wait3A_346 = arith.constant 0 : i32
    %dma_wait3A_347 = tpu.memref_slice %arg17[%dma_wait3A_345, %dma_wait3A_346] : memref<10008x64xbf16, #tpu.memory_space<vmem_shared>> -> memref<10008x64xbf16, #tpu.memory_space<vmem_shared>>
    tpu.wait_indirect_dma semaphore(%arg28 : memref<!tpu.dma_semaphore, #tpu.memory_space<semaphore_mem>>) src(%arg11 : memref<128x64xbf16, #tpu.memory_space<vmem>>) dst(%dma_wait3A_347 : memref<10008x64xbf16, #tpu.memory_space<vmem_shared>>)
    %dma_wait3A_348 = arith.constant 0 : i32
    %dma_wait3A_349 = arith.constant 0 : i32
    %dma_wait3A_350 = tpu.memref_slice %arg7[%dma_wait3A_348, %dma_wait3A_349] : memref<80x128xi32, #tpu.memory_space<vmem>> -> memref<1x128xi32, #tpu.memory_space<vmem>>
    %dma_wait3A_351 = tpu.memref_squeeze %dma_wait3A_350 : memref<1x128xi32, #tpu.memory_space<vmem>> -> memref<128xi32, #tpu.memory_space<vmem>>
    %dma_wait3A_352 = arith.constant 0 : i32
    %dma_wait3A_353 = arith.constant 0 : i32
    %dma_wait3A_354 = tpu.memref_slice %arg2[%dma_wait3A_352, %dma_wait3A_353] : memref<10000x64xbf16, #tpu.memory_space<hbm>> -> memref<10000x64xbf16, #tpu.memory_space<hbm>>
    tpu.wait_indirect_dma semaphore(%arg21 : memref<!tpu.dma_semaphore, #tpu.memory_space<semaphore_mem>>) src(%dma_wait3A_354 : memref<10000x64xbf16, #tpu.memory_space<hbm>>) dst(%arg12 : memref<128x64xbf16, #tpu.memory_space<vmem>>)
    %dma_start3A_355 = arith.constant 75 : i32
    %dma_start3A_356 = arith.constant 0 : i32
    %dma_start3A_357 = tpu.memref_slice %arg8[%dma_start3A_355, %dma_start3A_356] : memref<80x128xi32, #tpu.memory_space<vmem>> -> memref<1x128xi32, #tpu.memory_space<vmem>>
    %dma_start3A_358 = tpu.memref_squeeze %dma_start3A_357 : memref<1x128xi32, #tpu.memory_space<vmem>> -> memref<128xi32, #tpu.memory_space<vmem>>
    %dma_start3A_359 = arith.constant 0 : i32
    %dma_start3A_360 = arith.constant 0 : i32
    %dma_start3A_361 = tpu.memref_slice %arg17[%dma_start3A_359, %dma_start3A_360] : memref<10008x64xbf16, #tpu.memory_space<vmem_shared>> -> memref<10008x64xbf16, #tpu.memory_space<vmem_shared>>
    tpu.enqueue_indirect_dma source(%arg12 : memref<128x64xbf16, #tpu.memory_space<vmem>>) target(%dma_start3A_361 : memref<10008x64xbf16, #tpu.memory_space<vmem_shared>>) offsets(%dma_start3A_358 : memref<128xi32, #tpu.memory_space<vmem>>) semaphore(%arg29 : memref<!tpu.dma_semaphore, #tpu.memory_space<semaphore_mem>>) {add = true}
    %dma_wait3A_362 = arith.constant 0 : i32
    %dma_wait3A_363 = arith.constant 0 : i32
    %dma_wait3A_364 = tpu.memref_slice %arg8[%dma_wait3A_362, %dma_wait3A_363] : memref<80x128xi32, #tpu.memory_space<vmem>> -> memref<1x128xi32, #tpu.memory_space<vmem>>
    %dma_wait3A_365 = tpu.memref_squeeze %dma_wait3A_364 : memref<1x128xi32, #tpu.memory_space<vmem>> -> memref<128xi32, #tpu.memory_space<vmem>>
    %dma_wait3A_366 = arith.constant 0 : i32
    %dma_wait3A_367 = arith.constant 0 : i32
    %dma_wait3A_368 = tpu.memref_slice %arg17[%dma_wait3A_366, %dma_wait3A_367] : memref<10008x64xbf16, #tpu.memory_space<vmem_shared>> -> memref<10008x64xbf16, #tpu.memory_space<vmem_shared>>
    tpu.wait_indirect_dma semaphore(%arg29 : memref<!tpu.dma_semaphore, #tpu.memory_space<semaphore_mem>>) src(%arg12 : memref<128x64xbf16, #tpu.memory_space<vmem>>) dst(%dma_wait3A_368 : memref<10008x64xbf16, #tpu.memory_space<vmem_shared>>)
    %dma_wait3A_369 = arith.constant 0 : i32
    %dma_wait3A_370 = arith.constant 0 : i32
    %dma_wait3A_371 = tpu.memref_slice %arg7[%dma_wait3A_369, %dma_wait3A_370] : memref<80x128xi32, #tpu.memory_space<vmem>> -> memref<1x128xi32, #tpu.memory_space<vmem>>
    %dma_wait3A_372 = tpu.memref_squeeze %dma_wait3A_371 : memref<1x128xi32, #tpu.memory_space<vmem>> -> memref<128xi32, #tpu.memory_space<vmem>>
    %dma_wait3A_373 = arith.constant 0 : i32
    %dma_wait3A_374 = arith.constant 0 : i32
    %dma_wait3A_375 = tpu.memref_slice %arg2[%dma_wait3A_373, %dma_wait3A_374] : memref<10000x64xbf16, #tpu.memory_space<hbm>> -> memref<10000x64xbf16, #tpu.memory_space<hbm>>
    tpu.wait_indirect_dma semaphore(%arg22 : memref<!tpu.dma_semaphore, #tpu.memory_space<semaphore_mem>>) src(%dma_wait3A_375 : memref<10000x64xbf16, #tpu.memory_space<hbm>>) dst(%arg13 : memref<128x64xbf16, #tpu.memory_space<vmem>>)
    %dma_start3A_376 = arith.constant 76 : i32
    %dma_start3A_377 = arith.constant 0 : i32
    %dma_start3A_378 = tpu.memref_slice %arg8[%dma_start3A_376, %dma_start3A_377] : memref<80x128xi32, #tpu.memory_space<vmem>> -> memref<1x128xi32, #tpu.memory_space<vmem>>
    %dma_start3A_379 = tpu.memref_squeeze %dma_start3A_378 : memref<1x128xi32, #tpu.memory_space<vmem>> -> memref<128xi32, #tpu.memory_space<vmem>>
    %dma_start3A_380 = arith.constant 0 : i32
    %dma_start3A_381 = arith.constant 0 : i32
    %dma_start3A_382 = tpu.memref_slice %arg17[%dma_start3A_380, %dma_start3A_381] : memref<10008x64xbf16, #tpu.memory_space<vmem_shared>> -> memref<10008x64xbf16, #tpu.memory_space<vmem_shared>>
    tpu.enqueue_indirect_dma source(%arg13 : memref<128x64xbf16, #tpu.memory_space<vmem>>) target(%dma_start3A_382 : memref<10008x64xbf16, #tpu.memory_space<vmem_shared>>) offsets(%dma_start3A_379 : memref<128xi32, #tpu.memory_space<vmem>>) semaphore(%arg30 : memref<!tpu.dma_semaphore, #tpu.memory_space<semaphore_mem>>) {add = true}
    %dma_wait3A_383 = arith.constant 0 : i32
    %dma_wait3A_384 = arith.constant 0 : i32
    %dma_wait3A_385 = tpu.memref_slice %arg8[%dma_wait3A_383, %dma_wait3A_384] : memref<80x128xi32, #tpu.memory_space<vmem>> -> memref<1x128xi32, #tpu.memory_space<vmem>>
    %dma_wait3A_386 = tpu.memref_squeeze %dma_wait3A_385 : memref<1x128xi32, #tpu.memory_space<vmem>> -> memref<128xi32, #tpu.memory_space<vmem>>
    %dma_wait3A_387 = arith.constant 0 : i32
    %dma_wait3A_388 = arith.constant 0 : i32
    %dma_wait3A_389 = tpu.memref_slice %arg17[%dma_wait3A_387, %dma_wait3A_388] : memref<10008x64xbf16, #tpu.memory_space<vmem_shared>> -> memref<10008x64xbf16, #tpu.memory_space<vmem_shared>>
    tpu.wait_indirect_dma semaphore(%arg30 : memref<!tpu.dma_semaphore, #tpu.memory_space<semaphore_mem>>) src(%arg13 : memref<128x64xbf16, #tpu.memory_space<vmem>>) dst(%dma_wait3A_389 : memref<10008x64xbf16, #tpu.memory_space<vmem_shared>>)
    %dma_wait3A_390 = arith.constant 0 : i32
    %dma_wait3A_391 = arith.constant 0 : i32
    %dma_wait3A_392 = tpu.memref_slice %arg7[%dma_wait3A_390, %dma_wait3A_391] : memref<80x128xi32, #tpu.memory_space<vmem>> -> memref<1x128xi32, #tpu.memory_space<vmem>>
    %dma_wait3A_393 = tpu.memref_squeeze %dma_wait3A_392 : memref<1x128xi32, #tpu.memory_space<vmem>> -> memref<128xi32, #tpu.memory_space<vmem>>
    %dma_wait3A_394 = arith.constant 0 : i32
    %dma_wait3A_395 = arith.constant 0 : i32
    %dma_wait3A_396 = tpu.memref_slice %arg2[%dma_wait3A_394, %dma_wait3A_395] : memref<10000x64xbf16, #tpu.memory_space<hbm>> -> memref<10000x64xbf16, #tpu.memory_space<hbm>>
    tpu.wait_indirect_dma semaphore(%arg23 : memref<!tpu.dma_semaphore, #tpu.memory_space<semaphore_mem>>) src(%dma_wait3A_396 : memref<10000x64xbf16, #tpu.memory_space<hbm>>) dst(%arg14 : memref<128x64xbf16, #tpu.memory_space<vmem>>)
    %dma_start3A_397 = arith.constant 77 : i32
    %dma_start3A_398 = arith.constant 0 : i32
    %dma_start3A_399 = tpu.memref_slice %arg8[%dma_start3A_397, %dma_start3A_398] : memref<80x128xi32, #tpu.memory_space<vmem>> -> memref<1x128xi32, #tpu.memory_space<vmem>>
    %dma_start3A_400 = tpu.memref_squeeze %dma_start3A_399 : memref<1x128xi32, #tpu.memory_space<vmem>> -> memref<128xi32, #tpu.memory_space<vmem>>
    %dma_start3A_401 = arith.constant 0 : i32
    %dma_start3A_402 = arith.constant 0 : i32
    %dma_start3A_403 = tpu.memref_slice %arg17[%dma_start3A_401, %dma_start3A_402] : memref<10008x64xbf16, #tpu.memory_space<vmem_shared>> -> memref<10008x64xbf16, #tpu.memory_space<vmem_shared>>
    tpu.enqueue_indirect_dma source(%arg14 : memref<128x64xbf16, #tpu.memory_space<vmem>>) target(%dma_start3A_403 : memref<10008x64xbf16, #tpu.memory_space<vmem_shared>>) offsets(%dma_start3A_400 : memref<128xi32, #tpu.memory_space<vmem>>) semaphore(%arg31 : memref<!tpu.dma_semaphore, #tpu.memory_space<semaphore_mem>>) {add = true}
    %dma_wait3A_404 = arith.constant 0 : i32
    %dma_wait3A_405 = arith.constant 0 : i32
    %dma_wait3A_406 = tpu.memref_slice %arg8[%dma_wait3A_404, %dma_wait3A_405] : memref<80x128xi32, #tpu.memory_space<vmem>> -> memref<1x128xi32, #tpu.memory_space<vmem>>
    %dma_wait3A_407 = tpu.memref_squeeze %dma_wait3A_406 : memref<1x128xi32, #tpu.memory_space<vmem>> -> memref<128xi32, #tpu.memory_space<vmem>>
    %dma_wait3A_408 = arith.constant 0 : i32
    %dma_wait3A_409 = arith.constant 0 : i32
    %dma_wait3A_410 = tpu.memref_slice %arg17[%dma_wait3A_408, %dma_wait3A_409] : memref<10008x64xbf16, #tpu.memory_space<vmem_shared>> -> memref<10008x64xbf16, #tpu.memory_space<vmem_shared>>
    tpu.wait_indirect_dma semaphore(%arg31 : memref<!tpu.dma_semaphore, #tpu.memory_space<semaphore_mem>>) src(%arg14 : memref<128x64xbf16, #tpu.memory_space<vmem>>) dst(%dma_wait3A_410 : memref<10008x64xbf16, #tpu.memory_space<vmem_shared>>)
    %dma_wait3A_411 = arith.constant 0 : i32
    %dma_wait3A_412 = arith.constant 0 : i32
    %dma_wait3A_413 = tpu.memref_slice %arg7[%dma_wait3A_411, %dma_wait3A_412] : memref<80x128xi32, #tpu.memory_space<vmem>> -> memref<1x128xi32, #tpu.memory_space<vmem>>
    %dma_wait3A_414 = tpu.memref_squeeze %dma_wait3A_413 : memref<1x128xi32, #tpu.memory_space<vmem>> -> memref<128xi32, #tpu.memory_space<vmem>>
    %dma_wait3A_415 = arith.constant 0 : i32
    %dma_wait3A_416 = arith.constant 0 : i32
    %dma_wait3A_417 = tpu.memref_slice %arg2[%dma_wait3A_415, %dma_wait3A_416] : memref<10000x64xbf16, #tpu.memory_space<hbm>> -> memref<10000x64xbf16, #tpu.memory_space<hbm>>
    tpu.wait_indirect_dma semaphore(%arg24 : memref<!tpu.dma_semaphore, #tpu.memory_space<semaphore_mem>>) src(%dma_wait3A_417 : memref<10000x64xbf16, #tpu.memory_space<hbm>>) dst(%arg15 : memref<128x64xbf16, #tpu.memory_space<vmem>>)
    %dma_start3A_418 = arith.constant 78 : i32
    %dma_start3A_419 = arith.constant 0 : i32
    %dma_start3A_420 = tpu.memref_slice %arg8[%dma_start3A_418, %dma_start3A_419] : memref<80x128xi32, #tpu.memory_space<vmem>> -> memref<1x128xi32, #tpu.memory_space<vmem>>
    %dma_start3A_421 = tpu.memref_squeeze %dma_start3A_420 : memref<1x128xi32, #tpu.memory_space<vmem>> -> memref<128xi32, #tpu.memory_space<vmem>>
    %dma_start3A_422 = arith.constant 0 : i32
    %dma_start3A_423 = arith.constant 0 : i32
    %dma_start3A_424 = tpu.memref_slice %arg17[%dma_start3A_422, %dma_start3A_423] : memref<10008x64xbf16, #tpu.memory_space<vmem_shared>> -> memref<10008x64xbf16, #tpu.memory_space<vmem_shared>>
    tpu.enqueue_indirect_dma source(%arg15 : memref<128x64xbf16, #tpu.memory_space<vmem>>) target(%dma_start3A_424 : memref<10008x64xbf16, #tpu.memory_space<vmem_shared>>) offsets(%dma_start3A_421 : memref<128xi32, #tpu.memory_space<vmem>>) semaphore(%arg32 : memref<!tpu.dma_semaphore, #tpu.memory_space<semaphore_mem>>) {add = true}
    %dma_wait3A_425 = arith.constant 0 : i32
    %dma_wait3A_426 = arith.constant 0 : i32
    %dma_wait3A_427 = tpu.memref_slice %arg8[%dma_wait3A_425, %dma_wait3A_426] : memref<80x128xi32, #tpu.memory_space<vmem>> -> memref<1x128xi32, #tpu.memory_space<vmem>>
    %dma_wait3A_428 = tpu.memref_squeeze %dma_wait3A_427 : memref<1x128xi32, #tpu.memory_space<vmem>> -> memref<128xi32, #tpu.memory_space<vmem>>
    %dma_wait3A_429 = arith.constant 0 : i32
    %dma_wait3A_430 = arith.constant 0 : i32
    %dma_wait3A_431 = tpu.memref_slice %arg17[%dma_wait3A_429, %dma_wait3A_430] : memref<10008x64xbf16, #tpu.memory_space<vmem_shared>> -> memref<10008x64xbf16, #tpu.memory_space<vmem_shared>>
    tpu.wait_indirect_dma semaphore(%arg32 : memref<!tpu.dma_semaphore, #tpu.memory_space<semaphore_mem>>) src(%arg15 : memref<128x64xbf16, #tpu.memory_space<vmem>>) dst(%dma_wait3A_431 : memref<10008x64xbf16, #tpu.memory_space<vmem_shared>>)
    %dma_wait3A_432 = arith.constant 0 : i32
    %dma_wait3A_433 = arith.constant 0 : i32
    %dma_wait3A_434 = tpu.memref_slice %arg7[%dma_wait3A_432, %dma_wait3A_433] : memref<80x128xi32, #tpu.memory_space<vmem>> -> memref<1x128xi32, #tpu.memory_space<vmem>>
    %dma_wait3A_435 = tpu.memref_squeeze %dma_wait3A_434 : memref<1x128xi32, #tpu.memory_space<vmem>> -> memref<128xi32, #tpu.memory_space<vmem>>
    %dma_wait3A_436 = arith.constant 0 : i32
    %dma_wait3A_437 = arith.constant 0 : i32
    %dma_wait3A_438 = tpu.memref_slice %arg2[%dma_wait3A_436, %dma_wait3A_437] : memref<10000x64xbf16, #tpu.memory_space<hbm>> -> memref<10000x64xbf16, #tpu.memory_space<hbm>>
    tpu.wait_indirect_dma semaphore(%arg25 : memref<!tpu.dma_semaphore, #tpu.memory_space<semaphore_mem>>) src(%dma_wait3A_438 : memref<10000x64xbf16, #tpu.memory_space<hbm>>) dst(%arg16 : memref<128x64xbf16, #tpu.memory_space<vmem>>)
    %dma_start3A_439 = arith.constant 79 : i32
    %dma_start3A_440 = arith.constant 0 : i32
    %dma_start3A_441 = tpu.memref_slice %arg8[%dma_start3A_439, %dma_start3A_440] : memref<80x128xi32, #tpu.memory_space<vmem>> -> memref<1x128xi32, #tpu.memory_space<vmem>>
    %dma_start3A_442 = tpu.memref_squeeze %dma_start3A_441 : memref<1x128xi32, #tpu.memory_space<vmem>> -> memref<128xi32, #tpu.memory_space<vmem>>
    %dma_start3A_443 = arith.constant 0 : i32
    %dma_start3A_444 = arith.constant 0 : i32
    %dma_start3A_445 = tpu.memref_slice %arg17[%dma_start3A_443, %dma_start3A_444] : memref<10008x64xbf16, #tpu.memory_space<vmem_shared>> -> memref<10008x64xbf16, #tpu.memory_space<vmem_shared>>
    tpu.enqueue_indirect_dma source(%arg16 : memref<128x64xbf16, #tpu.memory_space<vmem>>) target(%dma_start3A_445 : memref<10008x64xbf16, #tpu.memory_space<vmem_shared>>) offsets(%dma_start3A_442 : memref<128xi32, #tpu.memory_space<vmem>>) semaphore(%arg33 : memref<!tpu.dma_semaphore, #tpu.memory_space<semaphore_mem>>) {add = true}
    %dma_wait3A_446 = arith.constant 0 : i32
    %dma_wait3A_447 = arith.constant 0 : i32
    %dma_wait3A_448 = tpu.memref_slice %arg8[%dma_wait3A_446, %dma_wait3A_447] : memref<80x128xi32, #tpu.memory_space<vmem>> -> memref<1x128xi32, #tpu.memory_space<vmem>>
    %dma_wait3A_449 = tpu.memref_squeeze %dma_wait3A_448 : memref<1x128xi32, #tpu.memory_space<vmem>> -> memref<128xi32, #tpu.memory_space<vmem>>
    %dma_wait3A_450 = arith.constant 0 : i32
    %dma_wait3A_451 = arith.constant 0 : i32
    %dma_wait3A_452 = tpu.memref_slice %arg17[%dma_wait3A_450, %dma_wait3A_451] : memref<10008x64xbf16, #tpu.memory_space<vmem_shared>> -> memref<10008x64xbf16, #tpu.memory_space<vmem_shared>>
    tpu.wait_indirect_dma semaphore(%arg33 : memref<!tpu.dma_semaphore, #tpu.memory_space<semaphore_mem>>) src(%arg16 : memref<128x64xbf16, #tpu.memory_space<vmem>>) dst(%dma_wait3A_452 : memref<10008x64xbf16, #tpu.memory_space<vmem_shared>>)
    %barrier3A_453 = arith.constant 0 : index
    tpu.barrier barrier_id(%barrier3A_453)
    "tpu.region"() ({
      %run_scoped3A = tpu.sem_alloc : memref<!tpu.dma_semaphore, #tpu.memory_space<semaphore_mem>>
      %dma_start3A_454 = arith.constant 0 : i32
      %dma_start3A_455 = arith.constant 0 : i32
      %dma_start3A_456 = tpu.memref_slice %arg6[%arg0, %arg1, %dma_start3A_454, %dma_start3A_455] : memref<2x16x625x64xbf16, #tpu.memory_space<hbm>> -> memref<1x1x625x64xbf16, #tpu.memory_space<hbm>>
      %dma_start3A_457 = tpu.memref_squeeze %dma_start3A_456 : memref<1x1x625x64xbf16, #tpu.memory_space<hbm>> -> memref<625x64xbf16, #tpu.memory_space<hbm>>
      %dma_start3A_458 = arith.constant 0 : i32
      %dma_start3A_459 = tpu.memref_slice %arg17[%mul3A_57, %dma_start3A_458] : memref<10008x64xbf16, #tpu.memory_space<vmem_shared>> -> memref<625x64xbf16, #tpu.memory_space<vmem_shared>>
      tpu.enqueue_dma source(%dma_start3A_459 : memref<625x64xbf16, #tpu.memory_space<vmem_shared>>) target(%dma_start3A_457 : memref<625x64xbf16, #tpu.memory_space<hbm>>) target_semaphore(%run_scoped3A : memref<!tpu.dma_semaphore, #tpu.memory_space<semaphore_mem>>)
      %dma_wait3A_460 = arith.constant 0 : i32
      %dma_wait3A_461 = arith.constant 0 : i32
      %dma_wait3A_462 = tpu.memref_slice %arg6[%arg0, %arg1, %dma_wait3A_460, %dma_wait3A_461] : memref<2x16x625x64xbf16, #tpu.memory_space<hbm>> -> memref<1x1x625x64xbf16, #tpu.memory_space<hbm>>
      %dma_wait3A_463 = tpu.memref_squeeze %dma_wait3A_462 : memref<1x1x625x64xbf16, #tpu.memory_space<hbm>> -> memref<625x64xbf16, #tpu.memory_space<hbm>>
      %dma_wait3A_464 = arith.constant 0 : i32
      %dma_wait3A_465 = tpu.memref_slice %arg17[%mul3A_57, %dma_wait3A_464] : memref<10008x64xbf16, #tpu.memory_space<vmem_shared>> -> memref<625x64xbf16, #tpu.memory_space<vmem_shared>>
      tpu.wait_dma2 semaphore(%run_scoped3A : memref<!tpu.dma_semaphore, #tpu.memory_space<semaphore_mem>>) src(%dma_wait3A_465 : memref<625x64xbf16, #tpu.memory_space<vmem_shared>>) dst(%dma_wait3A_463 : memref<625x64xbf16, #tpu.memory_space<hbm>>)
      tpu.yield
    }) : () -> ()
    return
  }
}

#map = affine_map<(d0, d1) -> (0, 0)>
#map1 = affine_map<(d0, d1) -> (0, 0, 0)>
#map2 = affine_map<(d0, d1) -> (0, 0, 0, 0)>
module attributes {stable_mosaic.version = 14 : i64} {
  func.func @k(%arg0: i32, %arg1: i32, %arg2: memref<10000x16xf32, #tpu.memory_space<hbm>>, %arg3: memref<32x80x128xi32, #tpu.memory_space<hbm>>, %arg4: memref<32x80x128xi32, #tpu.memory_space<hbm>>, %arg5: memref<16x625x16xf32, #tpu.memory_space<hbm>>, %arg6: memref<2x16x625x16xf32, #tpu.memory_space<hbm>>, %arg7: memref<80x128xi32, #tpu.memory_space<vmem>>, %arg8: memref<80x128xi32, #tpu.memory_space<vmem>>, %arg9: memref<128x16xf32, #tpu.memory_space<vmem>>, %arg10: memref<128x16xf32, #tpu.memory_space<vmem>>, %arg11: memref<128x16xf32, #tpu.memory_space<vmem>>, %arg12: memref<128x16xf32, #tpu.memory_space<vmem>>, %arg13: memref<128x16xf32, #tpu.memory_space<vmem>>, %arg14: memref<128x16xf32, #tpu.memory_space<vmem>>, %arg15: memref<128x16xf32, #tpu.memory_space<vmem>>, %arg16: memref<128x16xf32, #tpu.memory_space<vmem>>, %arg17: memref<10008x16xf32, #tpu.memory_space<vmem_shared>>, %arg18: memref<!tpu.dma_semaphore, #tpu.memory_space<semaphore_mem>>, %arg19: memref<!tpu.dma_semaphore, #tpu.memory_space<semaphore_mem>>, %arg20: memref<!tpu.dma_semaphore, #tpu.memory_space<semaphore_mem>>, %arg21: memref<!tpu.dma_semaphore, #tpu.memory_space<semaphore_mem>>, %arg22: memref<!tpu.dma_semaphore, #tpu.memory_space<semaphore_mem>>, %arg23: memref<!tpu.dma_semaphore, #tpu.memory_space<semaphore_mem>>, %arg24: memref<!tpu.dma_semaphore, #tpu.memory_space<semaphore_mem>>, %arg25: memref<!tpu.dma_semaphore, #tpu.memory_space<semaphore_mem>>, %arg26: memref<!tpu.dma_semaphore, #tpu.memory_space<semaphore_mem>>, %arg27: memref<!tpu.dma_semaphore, #tpu.memory_space<semaphore_mem>>, %arg28: memref<!tpu.dma_semaphore, #tpu.memory_space<semaphore_mem>>, %arg29: memref<!tpu.dma_semaphore, #tpu.memory_space<semaphore_mem>>, %arg30: memref<!tpu.dma_semaphore, #tpu.memory_space<semaphore_mem>>, %arg31: memref<!tpu.dma_semaphore, #tpu.memory_space<semaphore_mem>>, %arg32: memref<!tpu.dma_semaphore, #tpu.memory_space<semaphore_mem>>, %arg33: memref<!tpu.dma_semaphore, #tpu.memory_space<semaphore_mem>>) attributes {dimension_semantics = [#tpu.dimension_semantics<core_parallel>, #tpu.dimension_semantics<subcore_parallel>], iteration_bounds = array<i64: 2, 16>, scalar_prefetch = 0 : i64, scratch_operands = 27 : i64, tpu.core_type = #tpu.core_type<sc_vector_subcore>, window_params = [{transform_indices = #map}, {transform_indices = #map1}, {transform_indices = #map1}, {transform_indices = #map1}, {transform_indices = #map2}]} {
    %mul3A = arith.constant 2 : i32
    %mul3A_0 = arith.muli %arg1, %mul3A : i32
    %add3A = arith.addi %mul3A_0, %arg0 : i32
    "tpu.region"() ({
      %run_scoped3A = tpu.sem_alloc : memref<!tpu.dma_semaphore, #tpu.memory_space<semaphore_mem>>
      %dma_start3A_454 = arith.constant 0 : i32
      %dma_start3A_455 = arith.constant 0 : i32
      %dma_start3A_456 = tpu.memref_slice %arg3[%add3A, %dma_start3A_454, %dma_start3A_455] : memref<32x80x128xi32, #tpu.memory_space<hbm>> -> memref<1x80x128xi32, #tpu.memory_space<hbm>>
      %dma_start3A_457 = tpu.memref_squeeze %dma_start3A_456 : memref<1x80x128xi32, #tpu.memory_space<hbm>> -> memref<80x128xi32, #tpu.memory_space<hbm>>
      %dma_start3A_458 = arith.constant 0 : i32
      %dma_start3A_459 = arith.constant 0 : i32
      %dma_start3A_460 = tpu.memref_slice %arg3[%add3A, %dma_start3A_458, %dma_start3A_459] : memref<32x80x128xi32, #tpu.memory_space<hbm>> -> memref<1x80x128xi32, #tpu.memory_space<hbm>>
      %dma_start3A_461 = tpu.memref_squeeze %dma_start3A_460 : memref<1x80x128xi32, #tpu.memory_space<hbm>> -> memref<80x128xi32, #tpu.memory_space<hbm>>
      tpu.enqueue_dma source(%dma_start3A_461 : memref<80x128xi32, #tpu.memory_space<hbm>>) target(%arg7 : memref<80x128xi32, #tpu.memory_space<vmem>>) target_semaphore(%run_scoped3A : memref<!tpu.dma_semaphore, #tpu.memory_space<semaphore_mem>>)
      %dma_wait3A_462 = arith.constant 0 : i32
      %dma_wait3A_463 = arith.constant 0 : i32
      %dma_wait3A_464 = tpu.memref_slice %arg3[%add3A, %dma_wait3A_462, %dma_wait3A_463] : memref<32x80x128xi32, #tpu.memory_space<hbm>> -> memref<1x80x128xi32, #tpu.memory_space<hbm>>
      %dma_wait3A_465 = tpu.memref_squeeze %dma_wait3A_464 : memref<1x80x128xi32, #tpu.memory_space<hbm>> -> memref<80x128xi32, #tpu.memory_space<hbm>>
      %dma_wait3A_466 = arith.constant 0 : i32
      %dma_wait3A_467 = arith.constant 0 : i32
      %dma_wait3A_468 = tpu.memref_slice %arg3[%add3A, %dma_wait3A_466, %dma_wait3A_467] : memref<32x80x128xi32, #tpu.memory_space<hbm>> -> memref<1x80x128xi32, #tpu.memory_space<hbm>>
      %dma_wait3A_469 = tpu.memref_squeeze %dma_wait3A_468 : memref<1x80x128xi32, #tpu.memory_space<hbm>> -> memref<80x128xi32, #tpu.memory_space<hbm>>
      tpu.wait_dma2 semaphore(%run_scoped3A : memref<!tpu.dma_semaphore, #tpu.memory_space<semaphore_mem>>) src(%dma_wait3A_469 : memref<80x128xi32, #tpu.memory_space<hbm>>) dst(%arg7 : memref<80x128xi32, #tpu.memory_space<vmem>>)
      tpu.yield
    }) : () -> ()
    "tpu.region"() ({
      %run_scoped3A = tpu.sem_alloc : memref<!tpu.dma_semaphore, #tpu.memory_space<semaphore_mem>>
      %dma_start3A_454 = arith.constant 0 : i32
      %dma_start3A_455 = arith.constant 0 : i32
      %dma_start3A_456 = tpu.memref_slice %arg4[%add3A, %dma_start3A_454, %dma_start3A_455] : memref<32x80x128xi32, #tpu.memory_space<hbm>> -> memref<1x80x128xi32, #tpu.memory_space<hbm>>
      %dma_start3A_457 = tpu.memref_squeeze %dma_start3A_456 : memref<1x80x128xi32, #tpu.memory_space<hbm>> -> memref<80x128xi32, #tpu.memory_space<hbm>>
      %dma_start3A_458 = arith.constant 0 : i32
      %dma_start3A_459 = arith.constant 0 : i32
      %dma_start3A_460 = tpu.memref_slice %arg4[%add3A, %dma_start3A_458, %dma_start3A_459] : memref<32x80x128xi32, #tpu.memory_space<hbm>> -> memref<1x80x128xi32, #tpu.memory_space<hbm>>
      %dma_start3A_461 = tpu.memref_squeeze %dma_start3A_460 : memref<1x80x128xi32, #tpu.memory_space<hbm>> -> memref<80x128xi32, #tpu.memory_space<hbm>>
      tpu.enqueue_dma source(%dma_start3A_461 : memref<80x128xi32, #tpu.memory_space<hbm>>) target(%arg8 : memref<80x128xi32, #tpu.memory_space<vmem>>) target_semaphore(%run_scoped3A : memref<!tpu.dma_semaphore, #tpu.memory_space<semaphore_mem>>)
      %dma_wait3A_462 = arith.constant 0 : i32
      %dma_wait3A_463 = arith.constant 0 : i32
      %dma_wait3A_464 = tpu.memref_slice %arg4[%add3A, %dma_wait3A_462, %dma_wait3A_463] : memref<32x80x128xi32, #tpu.memory_space<hbm>> -> memref<1x80x128xi32, #tpu.memory_space<hbm>>
      %dma_wait3A_465 = tpu.memref_squeeze %dma_wait3A_464 : memref<1x80x128xi32, #tpu.memory_space<hbm>> -> memref<80x128xi32, #tpu.memory_space<hbm>>
      %dma_wait3A_466 = arith.constant 0 : i32
      %dma_wait3A_467 = arith.constant 0 : i32
      %dma_wait3A_468 = tpu.memref_slice %arg4[%add3A, %dma_wait3A_466, %dma_wait3A_467] : memref<32x80x128xi32, #tpu.memory_space<hbm>> -> memref<1x80x128xi32, #tpu.memory_space<hbm>>
      %dma_wait3A_469 = tpu.memref_squeeze %dma_wait3A_468 : memref<1x80x128xi32, #tpu.memory_space<hbm>> -> memref<80x128xi32, #tpu.memory_space<hbm>>
      tpu.wait_dma2 semaphore(%run_scoped3A : memref<!tpu.dma_semaphore, #tpu.memory_space<semaphore_mem>>) src(%dma_wait3A_469 : memref<80x128xi32, #tpu.memory_space<hbm>>) dst(%arg8 : memref<80x128xi32, #tpu.memory_space<vmem>>)
      tpu.yield
    }) : () -> ()
    %dma_start3A = arith.constant 0 : i32
    %dma_start3A_1 = arith.constant 0 : i32
    %dma_start3A_2 = tpu.memref_slice %arg7[%dma_start3A, %dma_start3A_1] : memref<80x128xi32, #tpu.memory_space<vmem>> -> memref<1x128xi32, #tpu.memory_space<vmem>>
    %dma_start3A_3 = tpu.memref_squeeze %dma_start3A_2 : memref<1x128xi32, #tpu.memory_space<vmem>> -> memref<128xi32, #tpu.memory_space<vmem>>
    %dma_start3A_4 = arith.constant 0 : i32
    %dma_start3A_5 = arith.constant 0 : i32
    %dma_start3A_6 = tpu.memref_slice %arg2[%dma_start3A_4, %dma_start3A_5] : memref<10000x16xf32, #tpu.memory_space<hbm>> -> memref<10000x16xf32, #tpu.memory_space<hbm>>
    tpu.enqueue_indirect_dma source(%dma_start3A_6 : memref<10000x16xf32, #tpu.memory_space<hbm>>) target(%arg9 : memref<128x16xf32, #tpu.memory_space<vmem>>) offsets(%dma_start3A_3 : memref<128xi32, #tpu.memory_space<vmem>>) semaphore(%arg18 : memref<!tpu.dma_semaphore, #tpu.memory_space<semaphore_mem>>)
    %dma_start3A_7 = arith.constant 1 : i32
    %dma_start3A_8 = arith.constant 0 : i32
    %dma_start3A_9 = tpu.memref_slice %arg7[%dma_start3A_7, %dma_start3A_8] : memref<80x128xi32, #tpu.memory_space<vmem>> -> memref<1x128xi32, #tpu.memory_space<vmem>>
    %dma_start3A_10 = tpu.memref_squeeze %dma_start3A_9 : memref<1x128xi32, #tpu.memory_space<vmem>> -> memref<128xi32, #tpu.memory_space<vmem>>
    %dma_start3A_11 = arith.constant 0 : i32
    %dma_start3A_12 = arith.constant 0 : i32
    %dma_start3A_13 = tpu.memref_slice %arg2[%dma_start3A_11, %dma_start3A_12] : memref<10000x16xf32, #tpu.memory_space<hbm>> -> memref<10000x16xf32, #tpu.memory_space<hbm>>
    tpu.enqueue_indirect_dma source(%dma_start3A_13 : memref<10000x16xf32, #tpu.memory_space<hbm>>) target(%arg10 : memref<128x16xf32, #tpu.memory_space<vmem>>) offsets(%dma_start3A_10 : memref<128xi32, #tpu.memory_space<vmem>>) semaphore(%arg19 : memref<!tpu.dma_semaphore, #tpu.memory_space<semaphore_mem>>)
    %dma_start3A_14 = arith.constant 2 : i32
    %dma_start3A_15 = arith.constant 0 : i32
    %dma_start3A_16 = tpu.memref_slice %arg7[%dma_start3A_14, %dma_start3A_15] : memref<80x128xi32, #tpu.memory_space<vmem>> -> memref<1x128xi32, #tpu.memory_space<vmem>>
    %dma_start3A_17 = tpu.memref_squeeze %dma_start3A_16 : memref<1x128xi32, #tpu.memory_space<vmem>> -> memref<128xi32, #tpu.memory_space<vmem>>
    %dma_start3A_18 = arith.constant 0 : i32
    %dma_start3A_19 = arith.constant 0 : i32
    %dma_start3A_20 = tpu.memref_slice %arg2[%dma_start3A_18, %dma_start3A_19] : memref<10000x16xf32, #tpu.memory_space<hbm>> -> memref<10000x16xf32, #tpu.memory_space<hbm>>
    tpu.enqueue_indirect_dma source(%dma_start3A_20 : memref<10000x16xf32, #tpu.memory_space<hbm>>) target(%arg11 : memref<128x16xf32, #tpu.memory_space<vmem>>) offsets(%dma_start3A_17 : memref<128xi32, #tpu.memory_space<vmem>>) semaphore(%arg20 : memref<!tpu.dma_semaphore, #tpu.memory_space<semaphore_mem>>)
    %dma_start3A_21 = arith.constant 3 : i32
    %dma_start3A_22 = arith.constant 0 : i32
    %dma_start3A_23 = tpu.memref_slice %arg7[%dma_start3A_21, %dma_start3A_22] : memref<80x128xi32, #tpu.memory_space<vmem>> -> memref<1x128xi32, #tpu.memory_space<vmem>>
    %dma_start3A_24 = tpu.memref_squeeze %dma_start3A_23 : memref<1x128xi32, #tpu.memory_space<vmem>> -> memref<128xi32, #tpu.memory_space<vmem>>
    %dma_start3A_25 = arith.constant 0 : i32
    %dma_start3A_26 = arith.constant 0 : i32
    %dma_start3A_27 = tpu.memref_slice %arg2[%dma_start3A_25, %dma_start3A_26] : memref<10000x16xf32, #tpu.memory_space<hbm>> -> memref<10000x16xf32, #tpu.memory_space<hbm>>
    tpu.enqueue_indirect_dma source(%dma_start3A_27 : memref<10000x16xf32, #tpu.memory_space<hbm>>) target(%arg12 : memref<128x16xf32, #tpu.memory_space<vmem>>) offsets(%dma_start3A_24 : memref<128xi32, #tpu.memory_space<vmem>>) semaphore(%arg21 : memref<!tpu.dma_semaphore, #tpu.memory_space<semaphore_mem>>)
    %dma_start3A_28 = arith.constant 4 : i32
    %dma_start3A_29 = arith.constant 0 : i32
    %dma_start3A_30 = tpu.memref_slice %arg7[%dma_start3A_28, %dma_start3A_29] : memref<80x128xi32, #tpu.memory_space<vmem>> -> memref<1x128xi32, #tpu.memory_space<vmem>>
    %dma_start3A_31 = tpu.memref_squeeze %dma_start3A_30 : memref<1x128xi32, #tpu.memory_space<vmem>> -> memref<128xi32, #tpu.memory_space<vmem>>
    %dma_start3A_32 = arith.constant 0 : i32
    %dma_start3A_33 = arith.constant 0 : i32
    %dma_start3A_34 = tpu.memref_slice %arg2[%dma_start3A_32, %dma_start3A_33] : memref<10000x16xf32, #tpu.memory_space<hbm>> -> memref<10000x16xf32, #tpu.memory_space<hbm>>
    tpu.enqueue_indirect_dma source(%dma_start3A_34 : memref<10000x16xf32, #tpu.memory_space<hbm>>) target(%arg13 : memref<128x16xf32, #tpu.memory_space<vmem>>) offsets(%dma_start3A_31 : memref<128xi32, #tpu.memory_space<vmem>>) semaphore(%arg22 : memref<!tpu.dma_semaphore, #tpu.memory_space<semaphore_mem>>)
    %dma_start3A_35 = arith.constant 5 : i32
    %dma_start3A_36 = arith.constant 0 : i32
    %dma_start3A_37 = tpu.memref_slice %arg7[%dma_start3A_35, %dma_start3A_36] : memref<80x128xi32, #tpu.memory_space<vmem>> -> memref<1x128xi32, #tpu.memory_space<vmem>>
    %dma_start3A_38 = tpu.memref_squeeze %dma_start3A_37 : memref<1x128xi32, #tpu.memory_space<vmem>> -> memref<128xi32, #tpu.memory_space<vmem>>
    %dma_start3A_39 = arith.constant 0 : i32
    %dma_start3A_40 = arith.constant 0 : i32
    %dma_start3A_41 = tpu.memref_slice %arg2[%dma_start3A_39, %dma_start3A_40] : memref<10000x16xf32, #tpu.memory_space<hbm>> -> memref<10000x16xf32, #tpu.memory_space<hbm>>
    tpu.enqueue_indirect_dma source(%dma_start3A_41 : memref<10000x16xf32, #tpu.memory_space<hbm>>) target(%arg14 : memref<128x16xf32, #tpu.memory_space<vmem>>) offsets(%dma_start3A_38 : memref<128xi32, #tpu.memory_space<vmem>>) semaphore(%arg23 : memref<!tpu.dma_semaphore, #tpu.memory_space<semaphore_mem>>)
    %dma_start3A_42 = arith.constant 6 : i32
    %dma_start3A_43 = arith.constant 0 : i32
    %dma_start3A_44 = tpu.memref_slice %arg7[%dma_start3A_42, %dma_start3A_43] : memref<80x128xi32, #tpu.memory_space<vmem>> -> memref<1x128xi32, #tpu.memory_space<vmem>>
    %dma_start3A_45 = tpu.memref_squeeze %dma_start3A_44 : memref<1x128xi32, #tpu.memory_space<vmem>> -> memref<128xi32, #tpu.memory_space<vmem>>
    %dma_start3A_46 = arith.constant 0 : i32
    %dma_start3A_47 = arith.constant 0 : i32
    %dma_start3A_48 = tpu.memref_slice %arg2[%dma_start3A_46, %dma_start3A_47] : memref<10000x16xf32, #tpu.memory_space<hbm>> -> memref<10000x16xf32, #tpu.memory_space<hbm>>
    tpu.enqueue_indirect_dma source(%dma_start3A_48 : memref<10000x16xf32, #tpu.memory_space<hbm>>) target(%arg15 : memref<128x16xf32, #tpu.memory_space<vmem>>) offsets(%dma_start3A_45 : memref<128xi32, #tpu.memory_space<vmem>>) semaphore(%arg24 : memref<!tpu.dma_semaphore, #tpu.memory_space<semaphore_mem>>)
    %dma_start3A_49 = arith.constant 7 : i32
    %dma_start3A_50 = arith.constant 0 : i32
    %dma_start3A_51 = tpu.memref_slice %arg7[%dma_start3A_49, %dma_start3A_50] : memref<80x128xi32, #tpu.memory_space<vmem>> -> memref<1x128xi32, #tpu.memory_space<vmem>>
    %dma_start3A_52 = tpu.memref_squeeze %dma_start3A_51 : memref<1x128xi32, #tpu.memory_space<vmem>> -> memref<128xi32, #tpu.memory_space<vmem>>
    %dma_start3A_53 = arith.constant 0 : i32
    %dma_start3A_54 = arith.constant 0 : i32
    %dma_start3A_55 = tpu.memref_slice %arg2[%dma_start3A_53, %dma_start3A_54] : memref<10000x16xf32, #tpu.memory_space<hbm>> -> memref<10000x16xf32, #tpu.memory_space<hbm>>
    tpu.enqueue_indirect_dma source(%dma_start3A_55 : memref<10000x16xf32, #tpu.memory_space<hbm>>) target(%arg16 : memref<128x16xf32, #tpu.memory_space<vmem>>) offsets(%dma_start3A_52 : memref<128xi32, #tpu.memory_space<vmem>>) semaphore(%arg25 : memref<!tpu.dma_semaphore, #tpu.memory_space<semaphore_mem>>)
    %mul3A_56 = arith.constant 625 : i32
    %mul3A_57 = arith.muli %arg1, %mul3A_56 : i32
    "tpu.region"() ({
      %run_scoped3A = tpu.sem_alloc : memref<!tpu.dma_semaphore, #tpu.memory_space<semaphore_mem>>
      %dma_start3A_454 = arith.constant 0 : i32
      %dma_start3A_455 = tpu.memref_slice %arg17[%mul3A_57, %dma_start3A_454] : memref<10008x16xf32, #tpu.memory_space<vmem_shared>> -> memref<625x16xf32, #tpu.memory_space<vmem_shared>>
      %dma_start3A_456 = arith.constant 0 : i32
      %dma_start3A_457 = arith.constant 0 : i32
      %dma_start3A_458 = tpu.memref_slice %arg5[%arg1, %dma_start3A_456, %dma_start3A_457] : memref<16x625x16xf32, #tpu.memory_space<hbm>> -> memref<1x625x16xf32, #tpu.memory_space<hbm>>
      %dma_start3A_459 = tpu.memref_squeeze %dma_start3A_458 : memref<1x625x16xf32, #tpu.memory_space<hbm>> -> memref<625x16xf32, #tpu.memory_space<hbm>>
      tpu.enqueue_dma source(%dma_start3A_459 : memref<625x16xf32, #tpu.memory_space<hbm>>) target(%dma_start3A_455 : memref<625x16xf32, #tpu.memory_space<vmem_shared>>) target_semaphore(%run_scoped3A : memref<!tpu.dma_semaphore, #tpu.memory_space<semaphore_mem>>)
      %dma_wait3A_460 = arith.constant 0 : i32
      %dma_wait3A_461 = tpu.memref_slice %arg17[%mul3A_57, %dma_wait3A_460] : memref<10008x16xf32, #tpu.memory_space<vmem_shared>> -> memref<625x16xf32, #tpu.memory_space<vmem_shared>>
      %dma_wait3A_462 = arith.constant 0 : i32
      %dma_wait3A_463 = arith.constant 0 : i32
      %dma_wait3A_464 = tpu.memref_slice %arg5[%arg1, %dma_wait3A_462, %dma_wait3A_463] : memref<16x625x16xf32, #tpu.memory_space<hbm>> -> memref<1x625x16xf32, #tpu.memory_space<hbm>>
      %dma_wait3A_465 = tpu.memref_squeeze %dma_wait3A_464 : memref<1x625x16xf32, #tpu.memory_space<hbm>> -> memref<625x16xf32, #tpu.memory_space<hbm>>
      tpu.wait_dma2 semaphore(%run_scoped3A : memref<!tpu.dma_semaphore, #tpu.memory_space<semaphore_mem>>) src(%dma_wait3A_465 : memref<625x16xf32, #tpu.memory_space<hbm>>) dst(%dma_wait3A_461 : memref<625x16xf32, #tpu.memory_space<vmem_shared>>)
      tpu.yield
    }) : () -> ()
    %barrier3A = arith.constant 0 : index
    tpu.barrier barrier_id(%barrier3A)
    %scan3A = arith.constant 0 : i32
    %scan3A_58 = arith.constant 8 : i32
    %scan3A_59 = arith.addi %scan3A, %scan3A_58 : i32
    %scan3A_60 = arith.constant 1 : i32
    scf.for %scan3A_454 = %scan3A to %scan3A_59 step %scan3A_60  : i32 {
      %mul3A_455 = arith.constant 8 : i32
      %mul3A_456 = arith.muli %scan3A_454, %mul3A_455 : i32
      %add3A_457 = arith.constant 0 : i32
      %add3A_458 = arith.addi %add3A_457, %mul3A_456 : i32
      %add3A_459 = arith.constant 0 : i32
      %add3A_460 = arith.addi %add3A_458, %add3A_459 : i32
      %dma_wait3A_461 = arith.constant 0 : i32
      %dma_wait3A_462 = arith.constant 0 : i32
      %dma_wait3A_463 = tpu.memref_slice %arg7[%dma_wait3A_461, %dma_wait3A_462] : memref<80x128xi32, #tpu.memory_space<vmem>> -> memref<1x128xi32, #tpu.memory_space<vmem>>
      %dma_wait3A_464 = tpu.memref_squeeze %dma_wait3A_463 : memref<1x128xi32, #tpu.memory_space<vmem>> -> memref<128xi32, #tpu.memory_space<vmem>>
      %dma_wait3A_465 = arith.constant 0 : i32
      %dma_wait3A_466 = arith.constant 0 : i32
      %dma_wait3A_467 = tpu.memref_slice %arg2[%dma_wait3A_465, %dma_wait3A_466] : memref<10000x16xf32, #tpu.memory_space<hbm>> -> memref<10000x16xf32, #tpu.memory_space<hbm>>
      tpu.wait_indirect_dma semaphore(%arg18 : memref<!tpu.dma_semaphore, #tpu.memory_space<semaphore_mem>>) src(%dma_wait3A_467 : memref<10000x16xf32, #tpu.memory_space<hbm>>) dst(%arg9 : memref<128x16xf32, #tpu.memory_space<vmem>>)
      %dma_start3A_468 = arith.constant 0 : i32
      %dma_start3A_469 = tpu.memref_slice %arg8[%add3A_460, %dma_start3A_468] : memref<80x128xi32, #tpu.memory_space<vmem>> -> memref<1x128xi32, #tpu.memory_space<vmem>>
      %dma_start3A_470 = tpu.memref_squeeze %dma_start3A_469 : memref<1x128xi32, #tpu.memory_space<vmem>> -> memref<128xi32, #tpu.memory_space<vmem>>
      %dma_start3A_471 = arith.constant 0 : i32
      %dma_start3A_472 = arith.constant 0 : i32
      %dma_start3A_473 = tpu.memref_slice %arg17[%dma_start3A_471, %dma_start3A_472] : memref<10008x16xf32, #tpu.memory_space<vmem_shared>> -> memref<10008x16xf32, #tpu.memory_space<vmem_shared>>
      tpu.enqueue_indirect_dma source(%arg9 : memref<128x16xf32, #tpu.memory_space<vmem>>) target(%dma_start3A_473 : memref<10008x16xf32, #tpu.memory_space<vmem_shared>>) offsets(%dma_start3A_470 : memref<128xi32, #tpu.memory_space<vmem>>) semaphore(%arg26 : memref<!tpu.dma_semaphore, #tpu.memory_space<semaphore_mem>>) {add = true}
      %dma_wait3A_474 = arith.constant 0 : i32
      %dma_wait3A_475 = arith.constant 0 : i32
      %dma_wait3A_476 = tpu.memref_slice %arg8[%dma_wait3A_474, %dma_wait3A_475] : memref<80x128xi32, #tpu.memory_space<vmem>> -> memref<1x128xi32, #tpu.memory_space<vmem>>
      %dma_wait3A_477 = tpu.memref_squeeze %dma_wait3A_476 : memref<1x128xi32, #tpu.memory_space<vmem>> -> memref<128xi32, #tpu.memory_space<vmem>>
      %dma_wait3A_478 = arith.constant 0 : i32
      %dma_wait3A_479 = arith.constant 0 : i32
      %dma_wait3A_480 = tpu.memref_slice %arg17[%dma_wait3A_478, %dma_wait3A_479] : memref<10008x16xf32, #tpu.memory_space<vmem_shared>> -> memref<10008x16xf32, #tpu.memory_space<vmem_shared>>
      tpu.wait_indirect_dma semaphore(%arg26 : memref<!tpu.dma_semaphore, #tpu.memory_space<semaphore_mem>>) src(%arg9 : memref<128x16xf32, #tpu.memory_space<vmem>>) dst(%dma_wait3A_480 : memref<10008x16xf32, #tpu.memory_space<vmem_shared>>)
      %add3A_481 = arith.constant 8 : i32
      %add3A_482 = arith.addi %add3A_460, %add3A_481 : i32
      %dma_start3A_483 = arith.constant 0 : i32
      %dma_start3A_484 = tpu.memref_slice %arg7[%add3A_482, %dma_start3A_483] : memref<80x128xi32, #tpu.memory_space<vmem>> -> memref<1x128xi32, #tpu.memory_space<vmem>>
      %dma_start3A_485 = tpu.memref_squeeze %dma_start3A_484 : memref<1x128xi32, #tpu.memory_space<vmem>> -> memref<128xi32, #tpu.memory_space<vmem>>
      %dma_start3A_486 = arith.constant 0 : i32
      %dma_start3A_487 = arith.constant 0 : i32
      %dma_start3A_488 = tpu.memref_slice %arg2[%dma_start3A_486, %dma_start3A_487] : memref<10000x16xf32, #tpu.memory_space<hbm>> -> memref<10000x16xf32, #tpu.memory_space<hbm>>
      tpu.enqueue_indirect_dma source(%dma_start3A_488 : memref<10000x16xf32, #tpu.memory_space<hbm>>) target(%arg9 : memref<128x16xf32, #tpu.memory_space<vmem>>) offsets(%dma_start3A_485 : memref<128xi32, #tpu.memory_space<vmem>>) semaphore(%arg18 : memref<!tpu.dma_semaphore, #tpu.memory_space<semaphore_mem>>)
      %add3A_489 = arith.constant 1 : i32
      %add3A_490 = arith.addi %add3A_458, %add3A_489 : i32
      %dma_wait3A_491 = arith.constant 0 : i32
      %dma_wait3A_492 = arith.constant 0 : i32
      %dma_wait3A_493 = tpu.memref_slice %arg7[%dma_wait3A_491, %dma_wait3A_492] : memref<80x128xi32, #tpu.memory_space<vmem>> -> memref<1x128xi32, #tpu.memory_space<vmem>>
      %dma_wait3A_494 = tpu.memref_squeeze %dma_wait3A_493 : memref<1x128xi32, #tpu.memory_space<vmem>> -> memref<128xi32, #tpu.memory_space<vmem>>
      %dma_wait3A_495 = arith.constant 0 : i32
      %dma_wait3A_496 = arith.constant 0 : i32
      %dma_wait3A_497 = tpu.memref_slice %arg2[%dma_wait3A_495, %dma_wait3A_496] : memref<10000x16xf32, #tpu.memory_space<hbm>> -> memref<10000x16xf32, #tpu.memory_space<hbm>>
      tpu.wait_indirect_dma semaphore(%arg19 : memref<!tpu.dma_semaphore, #tpu.memory_space<semaphore_mem>>) src(%dma_wait3A_497 : memref<10000x16xf32, #tpu.memory_space<hbm>>) dst(%arg10 : memref<128x16xf32, #tpu.memory_space<vmem>>)
      %dma_start3A_498 = arith.constant 0 : i32
      %dma_start3A_499 = tpu.memref_slice %arg8[%add3A_490, %dma_start3A_498] : memref<80x128xi32, #tpu.memory_space<vmem>> -> memref<1x128xi32, #tpu.memory_space<vmem>>
      %dma_start3A_500 = tpu.memref_squeeze %dma_start3A_499 : memref<1x128xi32, #tpu.memory_space<vmem>> -> memref<128xi32, #tpu.memory_space<vmem>>
      %dma_start3A_501 = arith.constant 0 : i32
      %dma_start3A_502 = arith.constant 0 : i32
      %dma_start3A_503 = tpu.memref_slice %arg17[%dma_start3A_501, %dma_start3A_502] : memref<10008x16xf32, #tpu.memory_space<vmem_shared>> -> memref<10008x16xf32, #tpu.memory_space<vmem_shared>>
      tpu.enqueue_indirect_dma source(%arg10 : memref<128x16xf32, #tpu.memory_space<vmem>>) target(%dma_start3A_503 : memref<10008x16xf32, #tpu.memory_space<vmem_shared>>) offsets(%dma_start3A_500 : memref<128xi32, #tpu.memory_space<vmem>>) semaphore(%arg27 : memref<!tpu.dma_semaphore, #tpu.memory_space<semaphore_mem>>) {add = true}
      %dma_wait3A_504 = arith.constant 0 : i32
      %dma_wait3A_505 = arith.constant 0 : i32
      %dma_wait3A_506 = tpu.memref_slice %arg8[%dma_wait3A_504, %dma_wait3A_505] : memref<80x128xi32, #tpu.memory_space<vmem>> -> memref<1x128xi32, #tpu.memory_space<vmem>>
      %dma_wait3A_507 = tpu.memref_squeeze %dma_wait3A_506 : memref<1x128xi32, #tpu.memory_space<vmem>> -> memref<128xi32, #tpu.memory_space<vmem>>
      %dma_wait3A_508 = arith.constant 0 : i32
      %dma_wait3A_509 = arith.constant 0 : i32
      %dma_wait3A_510 = tpu.memref_slice %arg17[%dma_wait3A_508, %dma_wait3A_509] : memref<10008x16xf32, #tpu.memory_space<vmem_shared>> -> memref<10008x16xf32, #tpu.memory_space<vmem_shared>>
      tpu.wait_indirect_dma semaphore(%arg27 : memref<!tpu.dma_semaphore, #tpu.memory_space<semaphore_mem>>) src(%arg10 : memref<128x16xf32, #tpu.memory_space<vmem>>) dst(%dma_wait3A_510 : memref<10008x16xf32, #tpu.memory_space<vmem_shared>>)
      %add3A_511 = arith.constant 8 : i32
      %add3A_512 = arith.addi %add3A_490, %add3A_511 : i32
      %dma_start3A_513 = arith.constant 0 : i32
      %dma_start3A_514 = tpu.memref_slice %arg7[%add3A_512, %dma_start3A_513] : memref<80x128xi32, #tpu.memory_space<vmem>> -> memref<1x128xi32, #tpu.memory_space<vmem>>
      %dma_start3A_515 = tpu.memref_squeeze %dma_start3A_514 : memref<1x128xi32, #tpu.memory_space<vmem>> -> memref<128xi32, #tpu.memory_space<vmem>>
      %dma_start3A_516 = arith.constant 0 : i32
      %dma_start3A_517 = arith.constant 0 : i32
      %dma_start3A_518 = tpu.memref_slice %arg2[%dma_start3A_516, %dma_start3A_517] : memref<10000x16xf32, #tpu.memory_space<hbm>> -> memref<10000x16xf32, #tpu.memory_space<hbm>>
      tpu.enqueue_indirect_dma source(%dma_start3A_518 : memref<10000x16xf32, #tpu.memory_space<hbm>>) target(%arg10 : memref<128x16xf32, #tpu.memory_space<vmem>>) offsets(%dma_start3A_515 : memref<128xi32, #tpu.memory_space<vmem>>) semaphore(%arg19 : memref<!tpu.dma_semaphore, #tpu.memory_space<semaphore_mem>>)
      %add3A_519 = arith.constant 2 : i32
      %add3A_520 = arith.addi %add3A_458, %add3A_519 : i32
      %dma_wait3A_521 = arith.constant 0 : i32
      %dma_wait3A_522 = arith.constant 0 : i32
      %dma_wait3A_523 = tpu.memref_slice %arg7[%dma_wait3A_521, %dma_wait3A_522] : memref<80x128xi32, #tpu.memory_space<vmem>> -> memref<1x128xi32, #tpu.memory_space<vmem>>
      %dma_wait3A_524 = tpu.memref_squeeze %dma_wait3A_523 : memref<1x128xi32, #tpu.memory_space<vmem>> -> memref<128xi32, #tpu.memory_space<vmem>>
      %dma_wait3A_525 = arith.constant 0 : i32
      %dma_wait3A_526 = arith.constant 0 : i32
      %dma_wait3A_527 = tpu.memref_slice %arg2[%dma_wait3A_525, %dma_wait3A_526] : memref<10000x16xf32, #tpu.memory_space<hbm>> -> memref<10000x16xf32, #tpu.memory_space<hbm>>
      tpu.wait_indirect_dma semaphore(%arg20 : memref<!tpu.dma_semaphore, #tpu.memory_space<semaphore_mem>>) src(%dma_wait3A_527 : memref<10000x16xf32, #tpu.memory_space<hbm>>) dst(%arg11 : memref<128x16xf32, #tpu.memory_space<vmem>>)
      %dma_start3A_528 = arith.constant 0 : i32
      %dma_start3A_529 = tpu.memref_slice %arg8[%add3A_520, %dma_start3A_528] : memref<80x128xi32, #tpu.memory_space<vmem>> -> memref<1x128xi32, #tpu.memory_space<vmem>>
      %dma_start3A_530 = tpu.memref_squeeze %dma_start3A_529 : memref<1x128xi32, #tpu.memory_space<vmem>> -> memref<128xi32, #tpu.memory_space<vmem>>
      %dma_start3A_531 = arith.constant 0 : i32
      %dma_start3A_532 = arith.constant 0 : i32
      %dma_start3A_533 = tpu.memref_slice %arg17[%dma_start3A_531, %dma_start3A_532] : memref<10008x16xf32, #tpu.memory_space<vmem_shared>> -> memref<10008x16xf32, #tpu.memory_space<vmem_shared>>
      tpu.enqueue_indirect_dma source(%arg11 : memref<128x16xf32, #tpu.memory_space<vmem>>) target(%dma_start3A_533 : memref<10008x16xf32, #tpu.memory_space<vmem_shared>>) offsets(%dma_start3A_530 : memref<128xi32, #tpu.memory_space<vmem>>) semaphore(%arg28 : memref<!tpu.dma_semaphore, #tpu.memory_space<semaphore_mem>>) {add = true}
      %dma_wait3A_534 = arith.constant 0 : i32
      %dma_wait3A_535 = arith.constant 0 : i32
      %dma_wait3A_536 = tpu.memref_slice %arg8[%dma_wait3A_534, %dma_wait3A_535] : memref<80x128xi32, #tpu.memory_space<vmem>> -> memref<1x128xi32, #tpu.memory_space<vmem>>
      %dma_wait3A_537 = tpu.memref_squeeze %dma_wait3A_536 : memref<1x128xi32, #tpu.memory_space<vmem>> -> memref<128xi32, #tpu.memory_space<vmem>>
      %dma_wait3A_538 = arith.constant 0 : i32
      %dma_wait3A_539 = arith.constant 0 : i32
      %dma_wait3A_540 = tpu.memref_slice %arg17[%dma_wait3A_538, %dma_wait3A_539] : memref<10008x16xf32, #tpu.memory_space<vmem_shared>> -> memref<10008x16xf32, #tpu.memory_space<vmem_shared>>
      tpu.wait_indirect_dma semaphore(%arg28 : memref<!tpu.dma_semaphore, #tpu.memory_space<semaphore_mem>>) src(%arg11 : memref<128x16xf32, #tpu.memory_space<vmem>>) dst(%dma_wait3A_540 : memref<10008x16xf32, #tpu.memory_space<vmem_shared>>)
      %add3A_541 = arith.constant 8 : i32
      %add3A_542 = arith.addi %add3A_520, %add3A_541 : i32
      %dma_start3A_543 = arith.constant 0 : i32
      %dma_start3A_544 = tpu.memref_slice %arg7[%add3A_542, %dma_start3A_543] : memref<80x128xi32, #tpu.memory_space<vmem>> -> memref<1x128xi32, #tpu.memory_space<vmem>>
      %dma_start3A_545 = tpu.memref_squeeze %dma_start3A_544 : memref<1x128xi32, #tpu.memory_space<vmem>> -> memref<128xi32, #tpu.memory_space<vmem>>
      %dma_start3A_546 = arith.constant 0 : i32
      %dma_start3A_547 = arith.constant 0 : i32
      %dma_start3A_548 = tpu.memref_slice %arg2[%dma_start3A_546, %dma_start3A_547] : memref<10000x16xf32, #tpu.memory_space<hbm>> -> memref<10000x16xf32, #tpu.memory_space<hbm>>
      tpu.enqueue_indirect_dma source(%dma_start3A_548 : memref<10000x16xf32, #tpu.memory_space<hbm>>) target(%arg11 : memref<128x16xf32, #tpu.memory_space<vmem>>) offsets(%dma_start3A_545 : memref<128xi32, #tpu.memory_space<vmem>>) semaphore(%arg20 : memref<!tpu.dma_semaphore, #tpu.memory_space<semaphore_mem>>)
      %add3A_549 = arith.constant 3 : i32
      %add3A_550 = arith.addi %add3A_458, %add3A_549 : i32
      %dma_wait3A_551 = arith.constant 0 : i32
      %dma_wait3A_552 = arith.constant 0 : i32
      %dma_wait3A_553 = tpu.memref_slice %arg7[%dma_wait3A_551, %dma_wait3A_552] : memref<80x128xi32, #tpu.memory_space<vmem>> -> memref<1x128xi32, #tpu.memory_space<vmem>>
      %dma_wait3A_554 = tpu.memref_squeeze %dma_wait3A_553 : memref<1x128xi32, #tpu.memory_space<vmem>> -> memref<128xi32, #tpu.memory_space<vmem>>
      %dma_wait3A_555 = arith.constant 0 : i32
      %dma_wait3A_556 = arith.constant 0 : i32
      %dma_wait3A_557 = tpu.memref_slice %arg2[%dma_wait3A_555, %dma_wait3A_556] : memref<10000x16xf32, #tpu.memory_space<hbm>> -> memref<10000x16xf32, #tpu.memory_space<hbm>>
      tpu.wait_indirect_dma semaphore(%arg21 : memref<!tpu.dma_semaphore, #tpu.memory_space<semaphore_mem>>) src(%dma_wait3A_557 : memref<10000x16xf32, #tpu.memory_space<hbm>>) dst(%arg12 : memref<128x16xf32, #tpu.memory_space<vmem>>)
      %dma_start3A_558 = arith.constant 0 : i32
      %dma_start3A_559 = tpu.memref_slice %arg8[%add3A_550, %dma_start3A_558] : memref<80x128xi32, #tpu.memory_space<vmem>> -> memref<1x128xi32, #tpu.memory_space<vmem>>
      %dma_start3A_560 = tpu.memref_squeeze %dma_start3A_559 : memref<1x128xi32, #tpu.memory_space<vmem>> -> memref<128xi32, #tpu.memory_space<vmem>>
      %dma_start3A_561 = arith.constant 0 : i32
      %dma_start3A_562 = arith.constant 0 : i32
      %dma_start3A_563 = tpu.memref_slice %arg17[%dma_start3A_561, %dma_start3A_562] : memref<10008x16xf32, #tpu.memory_space<vmem_shared>> -> memref<10008x16xf32, #tpu.memory_space<vmem_shared>>
      tpu.enqueue_indirect_dma source(%arg12 : memref<128x16xf32, #tpu.memory_space<vmem>>) target(%dma_start3A_563 : memref<10008x16xf32, #tpu.memory_space<vmem_shared>>) offsets(%dma_start3A_560 : memref<128xi32, #tpu.memory_space<vmem>>) semaphore(%arg29 : memref<!tpu.dma_semaphore, #tpu.memory_space<semaphore_mem>>) {add = true}
      %dma_wait3A_564 = arith.constant 0 : i32
      %dma_wait3A_565 = arith.constant 0 : i32
      %dma_wait3A_566 = tpu.memref_slice %arg8[%dma_wait3A_564, %dma_wait3A_565] : memref<80x128xi32, #tpu.memory_space<vmem>> -> memref<1x128xi32, #tpu.memory_space<vmem>>
      %dma_wait3A_567 = tpu.memref_squeeze %dma_wait3A_566 : memref<1x128xi32, #tpu.memory_space<vmem>> -> memref<128xi32, #tpu.memory_space<vmem>>
      %dma_wait3A_568 = arith.constant 0 : i32
      %dma_wait3A_569 = arith.constant 0 : i32
      %dma_wait3A_570 = tpu.memref_slice %arg17[%dma_wait3A_568, %dma_wait3A_569] : memref<10008x16xf32, #tpu.memory_space<vmem_shared>> -> memref<10008x16xf32, #tpu.memory_space<vmem_shared>>
      tpu.wait_indirect_dma semaphore(%arg29 : memref<!tpu.dma_semaphore, #tpu.memory_space<semaphore_mem>>) src(%arg12 : memref<128x16xf32, #tpu.memory_space<vmem>>) dst(%dma_wait3A_570 : memref<10008x16xf32, #tpu.memory_space<vmem_shared>>)
      %add3A_571 = arith.constant 8 : i32
      %add3A_572 = arith.addi %add3A_550, %add3A_571 : i32
      %dma_start3A_573 = arith.constant 0 : i32
      %dma_start3A_574 = tpu.memref_slice %arg7[%add3A_572, %dma_start3A_573] : memref<80x128xi32, #tpu.memory_space<vmem>> -> memref<1x128xi32, #tpu.memory_space<vmem>>
      %dma_start3A_575 = tpu.memref_squeeze %dma_start3A_574 : memref<1x128xi32, #tpu.memory_space<vmem>> -> memref<128xi32, #tpu.memory_space<vmem>>
      %dma_start3A_576 = arith.constant 0 : i32
      %dma_start3A_577 = arith.constant 0 : i32
      %dma_start3A_578 = tpu.memref_slice %arg2[%dma_start3A_576, %dma_start3A_577] : memref<10000x16xf32, #tpu.memory_space<hbm>> -> memref<10000x16xf32, #tpu.memory_space<hbm>>
      tpu.enqueue_indirect_dma source(%dma_start3A_578 : memref<10000x16xf32, #tpu.memory_space<hbm>>) target(%arg12 : memref<128x16xf32, #tpu.memory_space<vmem>>) offsets(%dma_start3A_575 : memref<128xi32, #tpu.memory_space<vmem>>) semaphore(%arg21 : memref<!tpu.dma_semaphore, #tpu.memory_space<semaphore_mem>>)
      %add3A_579 = arith.constant 4 : i32
      %add3A_580 = arith.addi %add3A_458, %add3A_579 : i32
      %dma_wait3A_581 = arith.constant 0 : i32
      %dma_wait3A_582 = arith.constant 0 : i32
      %dma_wait3A_583 = tpu.memref_slice %arg7[%dma_wait3A_581, %dma_wait3A_582] : memref<80x128xi32, #tpu.memory_space<vmem>> -> memref<1x128xi32, #tpu.memory_space<vmem>>
      %dma_wait3A_584 = tpu.memref_squeeze %dma_wait3A_583 : memref<1x128xi32, #tpu.memory_space<vmem>> -> memref<128xi32, #tpu.memory_space<vmem>>
      %dma_wait3A_585 = arith.constant 0 : i32
      %dma_wait3A_586 = arith.constant 0 : i32
      %dma_wait3A_587 = tpu.memref_slice %arg2[%dma_wait3A_585, %dma_wait3A_586] : memref<10000x16xf32, #tpu.memory_space<hbm>> -> memref<10000x16xf32, #tpu.memory_space<hbm>>
      tpu.wait_indirect_dma semaphore(%arg22 : memref<!tpu.dma_semaphore, #tpu.memory_space<semaphore_mem>>) src(%dma_wait3A_587 : memref<10000x16xf32, #tpu.memory_space<hbm>>) dst(%arg13 : memref<128x16xf32, #tpu.memory_space<vmem>>)
      %dma_start3A_588 = arith.constant 0 : i32
      %dma_start3A_589 = tpu.memref_slice %arg8[%add3A_580, %dma_start3A_588] : memref<80x128xi32, #tpu.memory_space<vmem>> -> memref<1x128xi32, #tpu.memory_space<vmem>>
      %dma_start3A_590 = tpu.memref_squeeze %dma_start3A_589 : memref<1x128xi32, #tpu.memory_space<vmem>> -> memref<128xi32, #tpu.memory_space<vmem>>
      %dma_start3A_591 = arith.constant 0 : i32
      %dma_start3A_592 = arith.constant 0 : i32
      %dma_start3A_593 = tpu.memref_slice %arg17[%dma_start3A_591, %dma_start3A_592] : memref<10008x16xf32, #tpu.memory_space<vmem_shared>> -> memref<10008x16xf32, #tpu.memory_space<vmem_shared>>
      tpu.enqueue_indirect_dma source(%arg13 : memref<128x16xf32, #tpu.memory_space<vmem>>) target(%dma_start3A_593 : memref<10008x16xf32, #tpu.memory_space<vmem_shared>>) offsets(%dma_start3A_590 : memref<128xi32, #tpu.memory_space<vmem>>) semaphore(%arg30 : memref<!tpu.dma_semaphore, #tpu.memory_space<semaphore_mem>>) {add = true}
      %dma_wait3A_594 = arith.constant 0 : i32
      %dma_wait3A_595 = arith.constant 0 : i32
      %dma_wait3A_596 = tpu.memref_slice %arg8[%dma_wait3A_594, %dma_wait3A_595] : memref<80x128xi32, #tpu.memory_space<vmem>> -> memref<1x128xi32, #tpu.memory_space<vmem>>
      %dma_wait3A_597 = tpu.memref_squeeze %dma_wait3A_596 : memref<1x128xi32, #tpu.memory_space<vmem>> -> memref<128xi32, #tpu.memory_space<vmem>>
      %dma_wait3A_598 = arith.constant 0 : i32
      %dma_wait3A_599 = arith.constant 0 : i32
      %dma_wait3A_600 = tpu.memref_slice %arg17[%dma_wait3A_598, %dma_wait3A_599] : memref<10008x16xf32, #tpu.memory_space<vmem_shared>> -> memref<10008x16xf32, #tpu.memory_space<vmem_shared>>
      tpu.wait_indirect_dma semaphore(%arg30 : memref<!tpu.dma_semaphore, #tpu.memory_space<semaphore_mem>>) src(%arg13 : memref<128x16xf32, #tpu.memory_space<vmem>>) dst(%dma_wait3A_600 : memref<10008x16xf32, #tpu.memory_space<vmem_shared>>)
      %add3A_601 = arith.constant 8 : i32
      %add3A_602 = arith.addi %add3A_580, %add3A_601 : i32
      %dma_start3A_603 = arith.constant 0 : i32
      %dma_start3A_604 = tpu.memref_slice %arg7[%add3A_602, %dma_start3A_603] : memref<80x128xi32, #tpu.memory_space<vmem>> -> memref<1x128xi32, #tpu.memory_space<vmem>>
      %dma_start3A_605 = tpu.memref_squeeze %dma_start3A_604 : memref<1x128xi32, #tpu.memory_space<vmem>> -> memref<128xi32, #tpu.memory_space<vmem>>
      %dma_start3A_606 = arith.constant 0 : i32
      %dma_start3A_607 = arith.constant 0 : i32
      %dma_start3A_608 = tpu.memref_slice %arg2[%dma_start3A_606, %dma_start3A_607] : memref<10000x16xf32, #tpu.memory_space<hbm>> -> memref<10000x16xf32, #tpu.memory_space<hbm>>
      tpu.enqueue_indirect_dma source(%dma_start3A_608 : memref<10000x16xf32, #tpu.memory_space<hbm>>) target(%arg13 : memref<128x16xf32, #tpu.memory_space<vmem>>) offsets(%dma_start3A_605 : memref<128xi32, #tpu.memory_space<vmem>>) semaphore(%arg22 : memref<!tpu.dma_semaphore, #tpu.memory_space<semaphore_mem>>)
      %add3A_609 = arith.constant 5 : i32
      %add3A_610 = arith.addi %add3A_458, %add3A_609 : i32
      %dma_wait3A_611 = arith.constant 0 : i32
      %dma_wait3A_612 = arith.constant 0 : i32
      %dma_wait3A_613 = tpu.memref_slice %arg7[%dma_wait3A_611, %dma_wait3A_612] : memref<80x128xi32, #tpu.memory_space<vmem>> -> memref<1x128xi32, #tpu.memory_space<vmem>>
      %dma_wait3A_614 = tpu.memref_squeeze %dma_wait3A_613 : memref<1x128xi32, #tpu.memory_space<vmem>> -> memref<128xi32, #tpu.memory_space<vmem>>
      %dma_wait3A_615 = arith.constant 0 : i32
      %dma_wait3A_616 = arith.constant 0 : i32
      %dma_wait3A_617 = tpu.memref_slice %arg2[%dma_wait3A_615, %dma_wait3A_616] : memref<10000x16xf32, #tpu.memory_space<hbm>> -> memref<10000x16xf32, #tpu.memory_space<hbm>>
      tpu.wait_indirect_dma semaphore(%arg23 : memref<!tpu.dma_semaphore, #tpu.memory_space<semaphore_mem>>) src(%dma_wait3A_617 : memref<10000x16xf32, #tpu.memory_space<hbm>>) dst(%arg14 : memref<128x16xf32, #tpu.memory_space<vmem>>)
      %dma_start3A_618 = arith.constant 0 : i32
      %dma_start3A_619 = tpu.memref_slice %arg8[%add3A_610, %dma_start3A_618] : memref<80x128xi32, #tpu.memory_space<vmem>> -> memref<1x128xi32, #tpu.memory_space<vmem>>
      %dma_start3A_620 = tpu.memref_squeeze %dma_start3A_619 : memref<1x128xi32, #tpu.memory_space<vmem>> -> memref<128xi32, #tpu.memory_space<vmem>>
      %dma_start3A_621 = arith.constant 0 : i32
      %dma_start3A_622 = arith.constant 0 : i32
      %dma_start3A_623 = tpu.memref_slice %arg17[%dma_start3A_621, %dma_start3A_622] : memref<10008x16xf32, #tpu.memory_space<vmem_shared>> -> memref<10008x16xf32, #tpu.memory_space<vmem_shared>>
      tpu.enqueue_indirect_dma source(%arg14 : memref<128x16xf32, #tpu.memory_space<vmem>>) target(%dma_start3A_623 : memref<10008x16xf32, #tpu.memory_space<vmem_shared>>) offsets(%dma_start3A_620 : memref<128xi32, #tpu.memory_space<vmem>>) semaphore(%arg31 : memref<!tpu.dma_semaphore, #tpu.memory_space<semaphore_mem>>) {add = true}
      %dma_wait3A_624 = arith.constant 0 : i32
      %dma_wait3A_625 = arith.constant 0 : i32
      %dma_wait3A_626 = tpu.memref_slice %arg8[%dma_wait3A_624, %dma_wait3A_625] : memref<80x128xi32, #tpu.memory_space<vmem>> -> memref<1x128xi32, #tpu.memory_space<vmem>>
      %dma_wait3A_627 = tpu.memref_squeeze %dma_wait3A_626 : memref<1x128xi32, #tpu.memory_space<vmem>> -> memref<128xi32, #tpu.memory_space<vmem>>
      %dma_wait3A_628 = arith.constant 0 : i32
      %dma_wait3A_629 = arith.constant 0 : i32
      %dma_wait3A_630 = tpu.memref_slice %arg17[%dma_wait3A_628, %dma_wait3A_629] : memref<10008x16xf32, #tpu.memory_space<vmem_shared>> -> memref<10008x16xf32, #tpu.memory_space<vmem_shared>>
      tpu.wait_indirect_dma semaphore(%arg31 : memref<!tpu.dma_semaphore, #tpu.memory_space<semaphore_mem>>) src(%arg14 : memref<128x16xf32, #tpu.memory_space<vmem>>) dst(%dma_wait3A_630 : memref<10008x16xf32, #tpu.memory_space<vmem_shared>>)
      %add3A_631 = arith.constant 8 : i32
      %add3A_632 = arith.addi %add3A_610, %add3A_631 : i32
      %dma_start3A_633 = arith.constant 0 : i32
      %dma_start3A_634 = tpu.memref_slice %arg7[%add3A_632, %dma_start3A_633] : memref<80x128xi32, #tpu.memory_space<vmem>> -> memref<1x128xi32, #tpu.memory_space<vmem>>
      %dma_start3A_635 = tpu.memref_squeeze %dma_start3A_634 : memref<1x128xi32, #tpu.memory_space<vmem>> -> memref<128xi32, #tpu.memory_space<vmem>>
      %dma_start3A_636 = arith.constant 0 : i32
      %dma_start3A_637 = arith.constant 0 : i32
      %dma_start3A_638 = tpu.memref_slice %arg2[%dma_start3A_636, %dma_start3A_637] : memref<10000x16xf32, #tpu.memory_space<hbm>> -> memref<10000x16xf32, #tpu.memory_space<hbm>>
      tpu.enqueue_indirect_dma source(%dma_start3A_638 : memref<10000x16xf32, #tpu.memory_space<hbm>>) target(%arg14 : memref<128x16xf32, #tpu.memory_space<vmem>>) offsets(%dma_start3A_635 : memref<128xi32, #tpu.memory_space<vmem>>) semaphore(%arg23 : memref<!tpu.dma_semaphore, #tpu.memory_space<semaphore_mem>>)
      %add3A_639 = arith.constant 6 : i32
      %add3A_640 = arith.addi %add3A_458, %add3A_639 : i32
      %dma_wait3A_641 = arith.constant 0 : i32
      %dma_wait3A_642 = arith.constant 0 : i32
      %dma_wait3A_643 = tpu.memref_slice %arg7[%dma_wait3A_641, %dma_wait3A_642] : memref<80x128xi32, #tpu.memory_space<vmem>> -> memref<1x128xi32, #tpu.memory_space<vmem>>
      %dma_wait3A_644 = tpu.memref_squeeze %dma_wait3A_643 : memref<1x128xi32, #tpu.memory_space<vmem>> -> memref<128xi32, #tpu.memory_space<vmem>>
      %dma_wait3A_645 = arith.constant 0 : i32
      %dma_wait3A_646 = arith.constant 0 : i32
      %dma_wait3A_647 = tpu.memref_slice %arg2[%dma_wait3A_645, %dma_wait3A_646] : memref<10000x16xf32, #tpu.memory_space<hbm>> -> memref<10000x16xf32, #tpu.memory_space<hbm>>
      tpu.wait_indirect_dma semaphore(%arg24 : memref<!tpu.dma_semaphore, #tpu.memory_space<semaphore_mem>>) src(%dma_wait3A_647 : memref<10000x16xf32, #tpu.memory_space<hbm>>) dst(%arg15 : memref<128x16xf32, #tpu.memory_space<vmem>>)
      %dma_start3A_648 = arith.constant 0 : i32
      %dma_start3A_649 = tpu.memref_slice %arg8[%add3A_640, %dma_start3A_648] : memref<80x128xi32, #tpu.memory_space<vmem>> -> memref<1x128xi32, #tpu.memory_space<vmem>>
      %dma_start3A_650 = tpu.memref_squeeze %dma_start3A_649 : memref<1x128xi32, #tpu.memory_space<vmem>> -> memref<128xi32, #tpu.memory_space<vmem>>
      %dma_start3A_651 = arith.constant 0 : i32
      %dma_start3A_652 = arith.constant 0 : i32
      %dma_start3A_653 = tpu.memref_slice %arg17[%dma_start3A_651, %dma_start3A_652] : memref<10008x16xf32, #tpu.memory_space<vmem_shared>> -> memref<10008x16xf32, #tpu.memory_space<vmem_shared>>
      tpu.enqueue_indirect_dma source(%arg15 : memref<128x16xf32, #tpu.memory_space<vmem>>) target(%dma_start3A_653 : memref<10008x16xf32, #tpu.memory_space<vmem_shared>>) offsets(%dma_start3A_650 : memref<128xi32, #tpu.memory_space<vmem>>) semaphore(%arg32 : memref<!tpu.dma_semaphore, #tpu.memory_space<semaphore_mem>>) {add = true}
      %dma_wait3A_654 = arith.constant 0 : i32
      %dma_wait3A_655 = arith.constant 0 : i32
      %dma_wait3A_656 = tpu.memref_slice %arg8[%dma_wait3A_654, %dma_wait3A_655] : memref<80x128xi32, #tpu.memory_space<vmem>> -> memref<1x128xi32, #tpu.memory_space<vmem>>
      %dma_wait3A_657 = tpu.memref_squeeze %dma_wait3A_656 : memref<1x128xi32, #tpu.memory_space<vmem>> -> memref<128xi32, #tpu.memory_space<vmem>>
      %dma_wait3A_658 = arith.constant 0 : i32
      %dma_wait3A_659 = arith.constant 0 : i32
      %dma_wait3A_660 = tpu.memref_slice %arg17[%dma_wait3A_658, %dma_wait3A_659] : memref<10008x16xf32, #tpu.memory_space<vmem_shared>> -> memref<10008x16xf32, #tpu.memory_space<vmem_shared>>
      tpu.wait_indirect_dma semaphore(%arg32 : memref<!tpu.dma_semaphore, #tpu.memory_space<semaphore_mem>>) src(%arg15 : memref<128x16xf32, #tpu.memory_space<vmem>>) dst(%dma_wait3A_660 : memref<10008x16xf32, #tpu.memory_space<vmem_shared>>)
      %add3A_661 = arith.constant 8 : i32
      %add3A_662 = arith.addi %add3A_640, %add3A_661 : i32
      %dma_start3A_663 = arith.constant 0 : i32
      %dma_start3A_664 = tpu.memref_slice %arg7[%add3A_662, %dma_start3A_663] : memref<80x128xi32, #tpu.memory_space<vmem>> -> memref<1x128xi32, #tpu.memory_space<vmem>>
      %dma_start3A_665 = tpu.memref_squeeze %dma_start3A_664 : memref<1x128xi32, #tpu.memory_space<vmem>> -> memref<128xi32, #tpu.memory_space<vmem>>
      %dma_start3A_666 = arith.constant 0 : i32
      %dma_start3A_667 = arith.constant 0 : i32
      %dma_start3A_668 = tpu.memref_slice %arg2[%dma_start3A_666, %dma_start3A_667] : memref<10000x16xf32, #tpu.memory_space<hbm>> -> memref<10000x16xf32, #tpu.memory_space<hbm>>
      tpu.enqueue_indirect_dma source(%dma_start3A_668 : memref<10000x16xf32, #tpu.memory_space<hbm>>) target(%arg15 : memref<128x16xf32, #tpu.memory_space<vmem>>) offsets(%dma_start3A_665 : memref<128xi32, #tpu.memory_space<vmem>>) semaphore(%arg24 : memref<!tpu.dma_semaphore, #tpu.memory_space<semaphore_mem>>)
      %add3A_669 = arith.constant 7 : i32
      %add3A_670 = arith.addi %add3A_458, %add3A_669 : i32
      %dma_wait3A_671 = arith.constant 0 : i32
      %dma_wait3A_672 = arith.constant 0 : i32
      %dma_wait3A_673 = tpu.memref_slice %arg7[%dma_wait3A_671, %dma_wait3A_672] : memref<80x128xi32, #tpu.memory_space<vmem>> -> memref<1x128xi32, #tpu.memory_space<vmem>>
      %dma_wait3A_674 = tpu.memref_squeeze %dma_wait3A_673 : memref<1x128xi32, #tpu.memory_space<vmem>> -> memref<128xi32, #tpu.memory_space<vmem>>
      %dma_wait3A_675 = arith.constant 0 : i32
      %dma_wait3A_676 = arith.constant 0 : i32
      %dma_wait3A_677 = tpu.memref_slice %arg2[%dma_wait3A_675, %dma_wait3A_676] : memref<10000x16xf32, #tpu.memory_space<hbm>> -> memref<10000x16xf32, #tpu.memory_space<hbm>>
      tpu.wait_indirect_dma semaphore(%arg25 : memref<!tpu.dma_semaphore, #tpu.memory_space<semaphore_mem>>) src(%dma_wait3A_677 : memref<10000x16xf32, #tpu.memory_space<hbm>>) dst(%arg16 : memref<128x16xf32, #tpu.memory_space<vmem>>)
      %dma_start3A_678 = arith.constant 0 : i32
      %dma_start3A_679 = tpu.memref_slice %arg8[%add3A_670, %dma_start3A_678] : memref<80x128xi32, #tpu.memory_space<vmem>> -> memref<1x128xi32, #tpu.memory_space<vmem>>
      %dma_start3A_680 = tpu.memref_squeeze %dma_start3A_679 : memref<1x128xi32, #tpu.memory_space<vmem>> -> memref<128xi32, #tpu.memory_space<vmem>>
      %dma_start3A_681 = arith.constant 0 : i32
      %dma_start3A_682 = arith.constant 0 : i32
      %dma_start3A_683 = tpu.memref_slice %arg17[%dma_start3A_681, %dma_start3A_682] : memref<10008x16xf32, #tpu.memory_space<vmem_shared>> -> memref<10008x16xf32, #tpu.memory_space<vmem_shared>>
      tpu.enqueue_indirect_dma source(%arg16 : memref<128x16xf32, #tpu.memory_space<vmem>>) target(%dma_start3A_683 : memref<10008x16xf32, #tpu.memory_space<vmem_shared>>) offsets(%dma_start3A_680 : memref<128xi32, #tpu.memory_space<vmem>>) semaphore(%arg33 : memref<!tpu.dma_semaphore, #tpu.memory_space<semaphore_mem>>) {add = true}
      %dma_wait3A_684 = arith.constant 0 : i32
      %dma_wait3A_685 = arith.constant 0 : i32
      %dma_wait3A_686 = tpu.memref_slice %arg8[%dma_wait3A_684, %dma_wait3A_685] : memref<80x128xi32, #tpu.memory_space<vmem>> -> memref<1x128xi32, #tpu.memory_space<vmem>>
      %dma_wait3A_687 = tpu.memref_squeeze %dma_wait3A_686 : memref<1x128xi32, #tpu.memory_space<vmem>> -> memref<128xi32, #tpu.memory_space<vmem>>
      %dma_wait3A_688 = arith.constant 0 : i32
      %dma_wait3A_689 = arith.constant 0 : i32
      %dma_wait3A_690 = tpu.memref_slice %arg17[%dma_wait3A_688, %dma_wait3A_689] : memref<10008x16xf32, #tpu.memory_space<vmem_shared>> -> memref<10008x16xf32, #tpu.memory_space<vmem_shared>>
      tpu.wait_indirect_dma semaphore(%arg33 : memref<!tpu.dma_semaphore, #tpu.memory_space<semaphore_mem>>) src(%arg16 : memref<128x16xf32, #tpu.memory_space<vmem>>) dst(%dma_wait3A_690 : memref<10008x16xf32, #tpu.memory_space<vmem_shared>>)
      %add3A_691 = arith.constant 8 : i32
      %add3A_692 = arith.addi %add3A_670, %add3A_691 : i32
      %dma_start3A_693 = arith.constant 0 : i32
      %dma_start3A_694 = tpu.memref_slice %arg7[%add3A_692, %dma_start3A_693] : memref<80x128xi32, #tpu.memory_space<vmem>> -> memref<1x128xi32, #tpu.memory_space<vmem>>
      %dma_start3A_695 = tpu.memref_squeeze %dma_start3A_694 : memref<1x128xi32, #tpu.memory_space<vmem>> -> memref<128xi32, #tpu.memory_space<vmem>>
      %dma_start3A_696 = arith.constant 0 : i32
      %dma_start3A_697 = arith.constant 0 : i32
      %dma_start3A_698 = tpu.memref_slice %arg2[%dma_start3A_696, %dma_start3A_697] : memref<10000x16xf32, #tpu.memory_space<hbm>> -> memref<10000x16xf32, #tpu.memory_space<hbm>>
      tpu.enqueue_indirect_dma source(%dma_start3A_698 : memref<10000x16xf32, #tpu.memory_space<hbm>>) target(%arg16 : memref<128x16xf32, #tpu.memory_space<vmem>>) offsets(%dma_start3A_695 : memref<128xi32, #tpu.memory_space<vmem>>) semaphore(%arg25 : memref<!tpu.dma_semaphore, #tpu.memory_space<semaphore_mem>>)
    }
    %scan3A_61 = arith.constant 8 : i32
    %dma_wait3A = arith.constant 0 : i32
    %dma_wait3A_62 = arith.constant 0 : i32
    %dma_wait3A_63 = tpu.memref_slice %arg7[%dma_wait3A, %dma_wait3A_62] : memref<80x128xi32, #tpu.memory_space<vmem>> -> memref<1x128xi32, #tpu.memory_space<vmem>>
    %dma_wait3A_64 = tpu.memref_squeeze %dma_wait3A_63 : memref<1x128xi32, #tpu.memory_space<vmem>> -> memref<128xi32, #tpu.memory_space<vmem>>
    %dma_wait3A_65 = arith.constant 0 : i32
    %dma_wait3A_66 = arith.constant 0 : i32
    %dma_wait3A_67 = tpu.memref_slice %arg2[%dma_wait3A_65, %dma_wait3A_66] : memref<10000x16xf32, #tpu.memory_space<hbm>> -> memref<10000x16xf32, #tpu.memory_space<hbm>>
    tpu.wait_indirect_dma semaphore(%arg18 : memref<!tpu.dma_semaphore, #tpu.memory_space<semaphore_mem>>) src(%dma_wait3A_67 : memref<10000x16xf32, #tpu.memory_space<hbm>>) dst(%arg9 : memref<128x16xf32, #tpu.memory_space<vmem>>)
    %dma_start3A_68 = arith.constant 64 : i32
    %dma_start3A_69 = arith.constant 0 : i32
    %dma_start3A_70 = tpu.memref_slice %arg8[%dma_start3A_68, %dma_start3A_69] : memref<80x128xi32, #tpu.memory_space<vmem>> -> memref<1x128xi32, #tpu.memory_space<vmem>>
    %dma_start3A_71 = tpu.memref_squeeze %dma_start3A_70 : memref<1x128xi32, #tpu.memory_space<vmem>> -> memref<128xi32, #tpu.memory_space<vmem>>
    %dma_start3A_72 = arith.constant 0 : i32
    %dma_start3A_73 = arith.constant 0 : i32
    %dma_start3A_74 = tpu.memref_slice %arg17[%dma_start3A_72, %dma_start3A_73] : memref<10008x16xf32, #tpu.memory_space<vmem_shared>> -> memref<10008x16xf32, #tpu.memory_space<vmem_shared>>
    tpu.enqueue_indirect_dma source(%arg9 : memref<128x16xf32, #tpu.memory_space<vmem>>) target(%dma_start3A_74 : memref<10008x16xf32, #tpu.memory_space<vmem_shared>>) offsets(%dma_start3A_71 : memref<128xi32, #tpu.memory_space<vmem>>) semaphore(%arg26 : memref<!tpu.dma_semaphore, #tpu.memory_space<semaphore_mem>>) {add = true}
    %dma_wait3A_75 = arith.constant 0 : i32
    %dma_wait3A_76 = arith.constant 0 : i32
    %dma_wait3A_77 = tpu.memref_slice %arg8[%dma_wait3A_75, %dma_wait3A_76] : memref<80x128xi32, #tpu.memory_space<vmem>> -> memref<1x128xi32, #tpu.memory_space<vmem>>
    %dma_wait3A_78 = tpu.memref_squeeze %dma_wait3A_77 : memref<1x128xi32, #tpu.memory_space<vmem>> -> memref<128xi32, #tpu.memory_space<vmem>>
    %dma_wait3A_79 = arith.constant 0 : i32
    %dma_wait3A_80 = arith.constant 0 : i32
    %dma_wait3A_81 = tpu.memref_slice %arg17[%dma_wait3A_79, %dma_wait3A_80] : memref<10008x16xf32, #tpu.memory_space<vmem_shared>> -> memref<10008x16xf32, #tpu.memory_space<vmem_shared>>
    tpu.wait_indirect_dma semaphore(%arg26 : memref<!tpu.dma_semaphore, #tpu.memory_space<semaphore_mem>>) src(%arg9 : memref<128x16xf32, #tpu.memory_space<vmem>>) dst(%dma_wait3A_81 : memref<10008x16xf32, #tpu.memory_space<vmem_shared>>)
    %dma_start3A_82 = arith.constant 72 : i32
    %dma_start3A_83 = arith.constant 0 : i32
    %dma_start3A_84 = tpu.memref_slice %arg7[%dma_start3A_82, %dma_start3A_83] : memref<80x128xi32, #tpu.memory_space<vmem>> -> memref<1x128xi32, #tpu.memory_space<vmem>>
    %dma_start3A_85 = tpu.memref_squeeze %dma_start3A_84 : memref<1x128xi32, #tpu.memory_space<vmem>> -> memref<128xi32, #tpu.memory_space<vmem>>
    %dma_start3A_86 = arith.constant 0 : i32
    %dma_start3A_87 = arith.constant 0 : i32
    %dma_start3A_88 = tpu.memref_slice %arg2[%dma_start3A_86, %dma_start3A_87] : memref<10000x16xf32, #tpu.memory_space<hbm>> -> memref<10000x16xf32, #tpu.memory_space<hbm>>
    tpu.enqueue_indirect_dma source(%dma_start3A_88 : memref<10000x16xf32, #tpu.memory_space<hbm>>) target(%arg9 : memref<128x16xf32, #tpu.memory_space<vmem>>) offsets(%dma_start3A_85 : memref<128xi32, #tpu.memory_space<vmem>>) semaphore(%arg18 : memref<!tpu.dma_semaphore, #tpu.memory_space<semaphore_mem>>)
    %dma_wait3A_89 = arith.constant 0 : i32
    %dma_wait3A_90 = arith.constant 0 : i32
    %dma_wait3A_91 = tpu.memref_slice %arg7[%dma_wait3A_89, %dma_wait3A_90] : memref<80x128xi32, #tpu.memory_space<vmem>> -> memref<1x128xi32, #tpu.memory_space<vmem>>
    %dma_wait3A_92 = tpu.memref_squeeze %dma_wait3A_91 : memref<1x128xi32, #tpu.memory_space<vmem>> -> memref<128xi32, #tpu.memory_space<vmem>>
    %dma_wait3A_93 = arith.constant 0 : i32
    %dma_wait3A_94 = arith.constant 0 : i32
    %dma_wait3A_95 = tpu.memref_slice %arg2[%dma_wait3A_93, %dma_wait3A_94] : memref<10000x16xf32, #tpu.memory_space<hbm>> -> memref<10000x16xf32, #tpu.memory_space<hbm>>
    tpu.wait_indirect_dma semaphore(%arg19 : memref<!tpu.dma_semaphore, #tpu.memory_space<semaphore_mem>>) src(%dma_wait3A_95 : memref<10000x16xf32, #tpu.memory_space<hbm>>) dst(%arg10 : memref<128x16xf32, #tpu.memory_space<vmem>>)
    %dma_start3A_96 = arith.constant 65 : i32
    %dma_start3A_97 = arith.constant 0 : i32
    %dma_start3A_98 = tpu.memref_slice %arg8[%dma_start3A_96, %dma_start3A_97] : memref<80x128xi32, #tpu.memory_space<vmem>> -> memref<1x128xi32, #tpu.memory_space<vmem>>
    %dma_start3A_99 = tpu.memref_squeeze %dma_start3A_98 : memref<1x128xi32, #tpu.memory_space<vmem>> -> memref<128xi32, #tpu.memory_space<vmem>>
    %dma_start3A_100 = arith.constant 0 : i32
    %dma_start3A_101 = arith.constant 0 : i32
    %dma_start3A_102 = tpu.memref_slice %arg17[%dma_start3A_100, %dma_start3A_101] : memref<10008x16xf32, #tpu.memory_space<vmem_shared>> -> memref<10008x16xf32, #tpu.memory_space<vmem_shared>>
    tpu.enqueue_indirect_dma source(%arg10 : memref<128x16xf32, #tpu.memory_space<vmem>>) target(%dma_start3A_102 : memref<10008x16xf32, #tpu.memory_space<vmem_shared>>) offsets(%dma_start3A_99 : memref<128xi32, #tpu.memory_space<vmem>>) semaphore(%arg27 : memref<!tpu.dma_semaphore, #tpu.memory_space<semaphore_mem>>) {add = true}
    %dma_wait3A_103 = arith.constant 0 : i32
    %dma_wait3A_104 = arith.constant 0 : i32
    %dma_wait3A_105 = tpu.memref_slice %arg8[%dma_wait3A_103, %dma_wait3A_104] : memref<80x128xi32, #tpu.memory_space<vmem>> -> memref<1x128xi32, #tpu.memory_space<vmem>>
    %dma_wait3A_106 = tpu.memref_squeeze %dma_wait3A_105 : memref<1x128xi32, #tpu.memory_space<vmem>> -> memref<128xi32, #tpu.memory_space<vmem>>
    %dma_wait3A_107 = arith.constant 0 : i32
    %dma_wait3A_108 = arith.constant 0 : i32
    %dma_wait3A_109 = tpu.memref_slice %arg17[%dma_wait3A_107, %dma_wait3A_108] : memref<10008x16xf32, #tpu.memory_space<vmem_shared>> -> memref<10008x16xf32, #tpu.memory_space<vmem_shared>>
    tpu.wait_indirect_dma semaphore(%arg27 : memref<!tpu.dma_semaphore, #tpu.memory_space<semaphore_mem>>) src(%arg10 : memref<128x16xf32, #tpu.memory_space<vmem>>) dst(%dma_wait3A_109 : memref<10008x16xf32, #tpu.memory_space<vmem_shared>>)
    %dma_start3A_110 = arith.constant 73 : i32
    %dma_start3A_111 = arith.constant 0 : i32
    %dma_start3A_112 = tpu.memref_slice %arg7[%dma_start3A_110, %dma_start3A_111] : memref<80x128xi32, #tpu.memory_space<vmem>> -> memref<1x128xi32, #tpu.memory_space<vmem>>
    %dma_start3A_113 = tpu.memref_squeeze %dma_start3A_112 : memref<1x128xi32, #tpu.memory_space<vmem>> -> memref<128xi32, #tpu.memory_space<vmem>>
    %dma_start3A_114 = arith.constant 0 : i32
    %dma_start3A_115 = arith.constant 0 : i32
    %dma_start3A_116 = tpu.memref_slice %arg2[%dma_start3A_114, %dma_start3A_115] : memref<10000x16xf32, #tpu.memory_space<hbm>> -> memref<10000x16xf32, #tpu.memory_space<hbm>>
    tpu.enqueue_indirect_dma source(%dma_start3A_116 : memref<10000x16xf32, #tpu.memory_space<hbm>>) target(%arg10 : memref<128x16xf32, #tpu.memory_space<vmem>>) offsets(%dma_start3A_113 : memref<128xi32, #tpu.memory_space<vmem>>) semaphore(%arg19 : memref<!tpu.dma_semaphore, #tpu.memory_space<semaphore_mem>>)
    %dma_wait3A_117 = arith.constant 0 : i32
    %dma_wait3A_118 = arith.constant 0 : i32
    %dma_wait3A_119 = tpu.memref_slice %arg7[%dma_wait3A_117, %dma_wait3A_118] : memref<80x128xi32, #tpu.memory_space<vmem>> -> memref<1x128xi32, #tpu.memory_space<vmem>>
    %dma_wait3A_120 = tpu.memref_squeeze %dma_wait3A_119 : memref<1x128xi32, #tpu.memory_space<vmem>> -> memref<128xi32, #tpu.memory_space<vmem>>
    %dma_wait3A_121 = arith.constant 0 : i32
    %dma_wait3A_122 = arith.constant 0 : i32
    %dma_wait3A_123 = tpu.memref_slice %arg2[%dma_wait3A_121, %dma_wait3A_122] : memref<10000x16xf32, #tpu.memory_space<hbm>> -> memref<10000x16xf32, #tpu.memory_space<hbm>>
    tpu.wait_indirect_dma semaphore(%arg20 : memref<!tpu.dma_semaphore, #tpu.memory_space<semaphore_mem>>) src(%dma_wait3A_123 : memref<10000x16xf32, #tpu.memory_space<hbm>>) dst(%arg11 : memref<128x16xf32, #tpu.memory_space<vmem>>)
    %dma_start3A_124 = arith.constant 66 : i32
    %dma_start3A_125 = arith.constant 0 : i32
    %dma_start3A_126 = tpu.memref_slice %arg8[%dma_start3A_124, %dma_start3A_125] : memref<80x128xi32, #tpu.memory_space<vmem>> -> memref<1x128xi32, #tpu.memory_space<vmem>>
    %dma_start3A_127 = tpu.memref_squeeze %dma_start3A_126 : memref<1x128xi32, #tpu.memory_space<vmem>> -> memref<128xi32, #tpu.memory_space<vmem>>
    %dma_start3A_128 = arith.constant 0 : i32
    %dma_start3A_129 = arith.constant 0 : i32
    %dma_start3A_130 = tpu.memref_slice %arg17[%dma_start3A_128, %dma_start3A_129] : memref<10008x16xf32, #tpu.memory_space<vmem_shared>> -> memref<10008x16xf32, #tpu.memory_space<vmem_shared>>
    tpu.enqueue_indirect_dma source(%arg11 : memref<128x16xf32, #tpu.memory_space<vmem>>) target(%dma_start3A_130 : memref<10008x16xf32, #tpu.memory_space<vmem_shared>>) offsets(%dma_start3A_127 : memref<128xi32, #tpu.memory_space<vmem>>) semaphore(%arg28 : memref<!tpu.dma_semaphore, #tpu.memory_space<semaphore_mem>>) {add = true}
    %dma_wait3A_131 = arith.constant 0 : i32
    %dma_wait3A_132 = arith.constant 0 : i32
    %dma_wait3A_133 = tpu.memref_slice %arg8[%dma_wait3A_131, %dma_wait3A_132] : memref<80x128xi32, #tpu.memory_space<vmem>> -> memref<1x128xi32, #tpu.memory_space<vmem>>
    %dma_wait3A_134 = tpu.memref_squeeze %dma_wait3A_133 : memref<1x128xi32, #tpu.memory_space<vmem>> -> memref<128xi32, #tpu.memory_space<vmem>>
    %dma_wait3A_135 = arith.constant 0 : i32
    %dma_wait3A_136 = arith.constant 0 : i32
    %dma_wait3A_137 = tpu.memref_slice %arg17[%dma_wait3A_135, %dma_wait3A_136] : memref<10008x16xf32, #tpu.memory_space<vmem_shared>> -> memref<10008x16xf32, #tpu.memory_space<vmem_shared>>
    tpu.wait_indirect_dma semaphore(%arg28 : memref<!tpu.dma_semaphore, #tpu.memory_space<semaphore_mem>>) src(%arg11 : memref<128x16xf32, #tpu.memory_space<vmem>>) dst(%dma_wait3A_137 : memref<10008x16xf32, #tpu.memory_space<vmem_shared>>)
    %dma_start3A_138 = arith.constant 74 : i32
    %dma_start3A_139 = arith.constant 0 : i32
    %dma_start3A_140 = tpu.memref_slice %arg7[%dma_start3A_138, %dma_start3A_139] : memref<80x128xi32, #tpu.memory_space<vmem>> -> memref<1x128xi32, #tpu.memory_space<vmem>>
    %dma_start3A_141 = tpu.memref_squeeze %dma_start3A_140 : memref<1x128xi32, #tpu.memory_space<vmem>> -> memref<128xi32, #tpu.memory_space<vmem>>
    %dma_start3A_142 = arith.constant 0 : i32
    %dma_start3A_143 = arith.constant 0 : i32
    %dma_start3A_144 = tpu.memref_slice %arg2[%dma_start3A_142, %dma_start3A_143] : memref<10000x16xf32, #tpu.memory_space<hbm>> -> memref<10000x16xf32, #tpu.memory_space<hbm>>
    tpu.enqueue_indirect_dma source(%dma_start3A_144 : memref<10000x16xf32, #tpu.memory_space<hbm>>) target(%arg11 : memref<128x16xf32, #tpu.memory_space<vmem>>) offsets(%dma_start3A_141 : memref<128xi32, #tpu.memory_space<vmem>>) semaphore(%arg20 : memref<!tpu.dma_semaphore, #tpu.memory_space<semaphore_mem>>)
    %dma_wait3A_145 = arith.constant 0 : i32
    %dma_wait3A_146 = arith.constant 0 : i32
    %dma_wait3A_147 = tpu.memref_slice %arg7[%dma_wait3A_145, %dma_wait3A_146] : memref<80x128xi32, #tpu.memory_space<vmem>> -> memref<1x128xi32, #tpu.memory_space<vmem>>
    %dma_wait3A_148 = tpu.memref_squeeze %dma_wait3A_147 : memref<1x128xi32, #tpu.memory_space<vmem>> -> memref<128xi32, #tpu.memory_space<vmem>>
    %dma_wait3A_149 = arith.constant 0 : i32
    %dma_wait3A_150 = arith.constant 0 : i32
    %dma_wait3A_151 = tpu.memref_slice %arg2[%dma_wait3A_149, %dma_wait3A_150] : memref<10000x16xf32, #tpu.memory_space<hbm>> -> memref<10000x16xf32, #tpu.memory_space<hbm>>
    tpu.wait_indirect_dma semaphore(%arg21 : memref<!tpu.dma_semaphore, #tpu.memory_space<semaphore_mem>>) src(%dma_wait3A_151 : memref<10000x16xf32, #tpu.memory_space<hbm>>) dst(%arg12 : memref<128x16xf32, #tpu.memory_space<vmem>>)
    %dma_start3A_152 = arith.constant 67 : i32
    %dma_start3A_153 = arith.constant 0 : i32
    %dma_start3A_154 = tpu.memref_slice %arg8[%dma_start3A_152, %dma_start3A_153] : memref<80x128xi32, #tpu.memory_space<vmem>> -> memref<1x128xi32, #tpu.memory_space<vmem>>
    %dma_start3A_155 = tpu.memref_squeeze %dma_start3A_154 : memref<1x128xi32, #tpu.memory_space<vmem>> -> memref<128xi32, #tpu.memory_space<vmem>>
    %dma_start3A_156 = arith.constant 0 : i32
    %dma_start3A_157 = arith.constant 0 : i32
    %dma_start3A_158 = tpu.memref_slice %arg17[%dma_start3A_156, %dma_start3A_157] : memref<10008x16xf32, #tpu.memory_space<vmem_shared>> -> memref<10008x16xf32, #tpu.memory_space<vmem_shared>>
    tpu.enqueue_indirect_dma source(%arg12 : memref<128x16xf32, #tpu.memory_space<vmem>>) target(%dma_start3A_158 : memref<10008x16xf32, #tpu.memory_space<vmem_shared>>) offsets(%dma_start3A_155 : memref<128xi32, #tpu.memory_space<vmem>>) semaphore(%arg29 : memref<!tpu.dma_semaphore, #tpu.memory_space<semaphore_mem>>) {add = true}
    %dma_wait3A_159 = arith.constant 0 : i32
    %dma_wait3A_160 = arith.constant 0 : i32
    %dma_wait3A_161 = tpu.memref_slice %arg8[%dma_wait3A_159, %dma_wait3A_160] : memref<80x128xi32, #tpu.memory_space<vmem>> -> memref<1x128xi32, #tpu.memory_space<vmem>>
    %dma_wait3A_162 = tpu.memref_squeeze %dma_wait3A_161 : memref<1x128xi32, #tpu.memory_space<vmem>> -> memref<128xi32, #tpu.memory_space<vmem>>
    %dma_wait3A_163 = arith.constant 0 : i32
    %dma_wait3A_164 = arith.constant 0 : i32
    %dma_wait3A_165 = tpu.memref_slice %arg17[%dma_wait3A_163, %dma_wait3A_164] : memref<10008x16xf32, #tpu.memory_space<vmem_shared>> -> memref<10008x16xf32, #tpu.memory_space<vmem_shared>>
    tpu.wait_indirect_dma semaphore(%arg29 : memref<!tpu.dma_semaphore, #tpu.memory_space<semaphore_mem>>) src(%arg12 : memref<128x16xf32, #tpu.memory_space<vmem>>) dst(%dma_wait3A_165 : memref<10008x16xf32, #tpu.memory_space<vmem_shared>>)
    %dma_start3A_166 = arith.constant 75 : i32
    %dma_start3A_167 = arith.constant 0 : i32
    %dma_start3A_168 = tpu.memref_slice %arg7[%dma_start3A_166, %dma_start3A_167] : memref<80x128xi32, #tpu.memory_space<vmem>> -> memref<1x128xi32, #tpu.memory_space<vmem>>
    %dma_start3A_169 = tpu.memref_squeeze %dma_start3A_168 : memref<1x128xi32, #tpu.memory_space<vmem>> -> memref<128xi32, #tpu.memory_space<vmem>>
    %dma_start3A_170 = arith.constant 0 : i32
    %dma_start3A_171 = arith.constant 0 : i32
    %dma_start3A_172 = tpu.memref_slice %arg2[%dma_start3A_170, %dma_start3A_171] : memref<10000x16xf32, #tpu.memory_space<hbm>> -> memref<10000x16xf32, #tpu.memory_space<hbm>>
    tpu.enqueue_indirect_dma source(%dma_start3A_172 : memref<10000x16xf32, #tpu.memory_space<hbm>>) target(%arg12 : memref<128x16xf32, #tpu.memory_space<vmem>>) offsets(%dma_start3A_169 : memref<128xi32, #tpu.memory_space<vmem>>) semaphore(%arg21 : memref<!tpu.dma_semaphore, #tpu.memory_space<semaphore_mem>>)
    %dma_wait3A_173 = arith.constant 0 : i32
    %dma_wait3A_174 = arith.constant 0 : i32
    %dma_wait3A_175 = tpu.memref_slice %arg7[%dma_wait3A_173, %dma_wait3A_174] : memref<80x128xi32, #tpu.memory_space<vmem>> -> memref<1x128xi32, #tpu.memory_space<vmem>>
    %dma_wait3A_176 = tpu.memref_squeeze %dma_wait3A_175 : memref<1x128xi32, #tpu.memory_space<vmem>> -> memref<128xi32, #tpu.memory_space<vmem>>
    %dma_wait3A_177 = arith.constant 0 : i32
    %dma_wait3A_178 = arith.constant 0 : i32
    %dma_wait3A_179 = tpu.memref_slice %arg2[%dma_wait3A_177, %dma_wait3A_178] : memref<10000x16xf32, #tpu.memory_space<hbm>> -> memref<10000x16xf32, #tpu.memory_space<hbm>>
    tpu.wait_indirect_dma semaphore(%arg22 : memref<!tpu.dma_semaphore, #tpu.memory_space<semaphore_mem>>) src(%dma_wait3A_179 : memref<10000x16xf32, #tpu.memory_space<hbm>>) dst(%arg13 : memref<128x16xf32, #tpu.memory_space<vmem>>)
    %dma_start3A_180 = arith.constant 68 : i32
    %dma_start3A_181 = arith.constant 0 : i32
    %dma_start3A_182 = tpu.memref_slice %arg8[%dma_start3A_180, %dma_start3A_181] : memref<80x128xi32, #tpu.memory_space<vmem>> -> memref<1x128xi32, #tpu.memory_space<vmem>>
    %dma_start3A_183 = tpu.memref_squeeze %dma_start3A_182 : memref<1x128xi32, #tpu.memory_space<vmem>> -> memref<128xi32, #tpu.memory_space<vmem>>
    %dma_start3A_184 = arith.constant 0 : i32
    %dma_start3A_185 = arith.constant 0 : i32
    %dma_start3A_186 = tpu.memref_slice %arg17[%dma_start3A_184, %dma_start3A_185] : memref<10008x16xf32, #tpu.memory_space<vmem_shared>> -> memref<10008x16xf32, #tpu.memory_space<vmem_shared>>
    tpu.enqueue_indirect_dma source(%arg13 : memref<128x16xf32, #tpu.memory_space<vmem>>) target(%dma_start3A_186 : memref<10008x16xf32, #tpu.memory_space<vmem_shared>>) offsets(%dma_start3A_183 : memref<128xi32, #tpu.memory_space<vmem>>) semaphore(%arg30 : memref<!tpu.dma_semaphore, #tpu.memory_space<semaphore_mem>>) {add = true}
    %dma_wait3A_187 = arith.constant 0 : i32
    %dma_wait3A_188 = arith.constant 0 : i32
    %dma_wait3A_189 = tpu.memref_slice %arg8[%dma_wait3A_187, %dma_wait3A_188] : memref<80x128xi32, #tpu.memory_space<vmem>> -> memref<1x128xi32, #tpu.memory_space<vmem>>
    %dma_wait3A_190 = tpu.memref_squeeze %dma_wait3A_189 : memref<1x128xi32, #tpu.memory_space<vmem>> -> memref<128xi32, #tpu.memory_space<vmem>>
    %dma_wait3A_191 = arith.constant 0 : i32
    %dma_wait3A_192 = arith.constant 0 : i32
    %dma_wait3A_193 = tpu.memref_slice %arg17[%dma_wait3A_191, %dma_wait3A_192] : memref<10008x16xf32, #tpu.memory_space<vmem_shared>> -> memref<10008x16xf32, #tpu.memory_space<vmem_shared>>
    tpu.wait_indirect_dma semaphore(%arg30 : memref<!tpu.dma_semaphore, #tpu.memory_space<semaphore_mem>>) src(%arg13 : memref<128x16xf32, #tpu.memory_space<vmem>>) dst(%dma_wait3A_193 : memref<10008x16xf32, #tpu.memory_space<vmem_shared>>)
    %dma_start3A_194 = arith.constant 76 : i32
    %dma_start3A_195 = arith.constant 0 : i32
    %dma_start3A_196 = tpu.memref_slice %arg7[%dma_start3A_194, %dma_start3A_195] : memref<80x128xi32, #tpu.memory_space<vmem>> -> memref<1x128xi32, #tpu.memory_space<vmem>>
    %dma_start3A_197 = tpu.memref_squeeze %dma_start3A_196 : memref<1x128xi32, #tpu.memory_space<vmem>> -> memref<128xi32, #tpu.memory_space<vmem>>
    %dma_start3A_198 = arith.constant 0 : i32
    %dma_start3A_199 = arith.constant 0 : i32
    %dma_start3A_200 = tpu.memref_slice %arg2[%dma_start3A_198, %dma_start3A_199] : memref<10000x16xf32, #tpu.memory_space<hbm>> -> memref<10000x16xf32, #tpu.memory_space<hbm>>
    tpu.enqueue_indirect_dma source(%dma_start3A_200 : memref<10000x16xf32, #tpu.memory_space<hbm>>) target(%arg13 : memref<128x16xf32, #tpu.memory_space<vmem>>) offsets(%dma_start3A_197 : memref<128xi32, #tpu.memory_space<vmem>>) semaphore(%arg22 : memref<!tpu.dma_semaphore, #tpu.memory_space<semaphore_mem>>)
    %dma_wait3A_201 = arith.constant 0 : i32
    %dma_wait3A_202 = arith.constant 0 : i32
    %dma_wait3A_203 = tpu.memref_slice %arg7[%dma_wait3A_201, %dma_wait3A_202] : memref<80x128xi32, #tpu.memory_space<vmem>> -> memref<1x128xi32, #tpu.memory_space<vmem>>
    %dma_wait3A_204 = tpu.memref_squeeze %dma_wait3A_203 : memref<1x128xi32, #tpu.memory_space<vmem>> -> memref<128xi32, #tpu.memory_space<vmem>>
    %dma_wait3A_205 = arith.constant 0 : i32
    %dma_wait3A_206 = arith.constant 0 : i32
    %dma_wait3A_207 = tpu.memref_slice %arg2[%dma_wait3A_205, %dma_wait3A_206] : memref<10000x16xf32, #tpu.memory_space<hbm>> -> memref<10000x16xf32, #tpu.memory_space<hbm>>
    tpu.wait_indirect_dma semaphore(%arg23 : memref<!tpu.dma_semaphore, #tpu.memory_space<semaphore_mem>>) src(%dma_wait3A_207 : memref<10000x16xf32, #tpu.memory_space<hbm>>) dst(%arg14 : memref<128x16xf32, #tpu.memory_space<vmem>>)
    %dma_start3A_208 = arith.constant 69 : i32
    %dma_start3A_209 = arith.constant 0 : i32
    %dma_start3A_210 = tpu.memref_slice %arg8[%dma_start3A_208, %dma_start3A_209] : memref<80x128xi32, #tpu.memory_space<vmem>> -> memref<1x128xi32, #tpu.memory_space<vmem>>
    %dma_start3A_211 = tpu.memref_squeeze %dma_start3A_210 : memref<1x128xi32, #tpu.memory_space<vmem>> -> memref<128xi32, #tpu.memory_space<vmem>>
    %dma_start3A_212 = arith.constant 0 : i32
    %dma_start3A_213 = arith.constant 0 : i32
    %dma_start3A_214 = tpu.memref_slice %arg17[%dma_start3A_212, %dma_start3A_213] : memref<10008x16xf32, #tpu.memory_space<vmem_shared>> -> memref<10008x16xf32, #tpu.memory_space<vmem_shared>>
    tpu.enqueue_indirect_dma source(%arg14 : memref<128x16xf32, #tpu.memory_space<vmem>>) target(%dma_start3A_214 : memref<10008x16xf32, #tpu.memory_space<vmem_shared>>) offsets(%dma_start3A_211 : memref<128xi32, #tpu.memory_space<vmem>>) semaphore(%arg31 : memref<!tpu.dma_semaphore, #tpu.memory_space<semaphore_mem>>) {add = true}
    %dma_wait3A_215 = arith.constant 0 : i32
    %dma_wait3A_216 = arith.constant 0 : i32
    %dma_wait3A_217 = tpu.memref_slice %arg8[%dma_wait3A_215, %dma_wait3A_216] : memref<80x128xi32, #tpu.memory_space<vmem>> -> memref<1x128xi32, #tpu.memory_space<vmem>>
    %dma_wait3A_218 = tpu.memref_squeeze %dma_wait3A_217 : memref<1x128xi32, #tpu.memory_space<vmem>> -> memref<128xi32, #tpu.memory_space<vmem>>
    %dma_wait3A_219 = arith.constant 0 : i32
    %dma_wait3A_220 = arith.constant 0 : i32
    %dma_wait3A_221 = tpu.memref_slice %arg17[%dma_wait3A_219, %dma_wait3A_220] : memref<10008x16xf32, #tpu.memory_space<vmem_shared>> -> memref<10008x16xf32, #tpu.memory_space<vmem_shared>>
    tpu.wait_indirect_dma semaphore(%arg31 : memref<!tpu.dma_semaphore, #tpu.memory_space<semaphore_mem>>) src(%arg14 : memref<128x16xf32, #tpu.memory_space<vmem>>) dst(%dma_wait3A_221 : memref<10008x16xf32, #tpu.memory_space<vmem_shared>>)
    %dma_start3A_222 = arith.constant 77 : i32
    %dma_start3A_223 = arith.constant 0 : i32
    %dma_start3A_224 = tpu.memref_slice %arg7[%dma_start3A_222, %dma_start3A_223] : memref<80x128xi32, #tpu.memory_space<vmem>> -> memref<1x128xi32, #tpu.memory_space<vmem>>
    %dma_start3A_225 = tpu.memref_squeeze %dma_start3A_224 : memref<1x128xi32, #tpu.memory_space<vmem>> -> memref<128xi32, #tpu.memory_space<vmem>>
    %dma_start3A_226 = arith.constant 0 : i32
    %dma_start3A_227 = arith.constant 0 : i32
    %dma_start3A_228 = tpu.memref_slice %arg2[%dma_start3A_226, %dma_start3A_227] : memref<10000x16xf32, #tpu.memory_space<hbm>> -> memref<10000x16xf32, #tpu.memory_space<hbm>>
    tpu.enqueue_indirect_dma source(%dma_start3A_228 : memref<10000x16xf32, #tpu.memory_space<hbm>>) target(%arg14 : memref<128x16xf32, #tpu.memory_space<vmem>>) offsets(%dma_start3A_225 : memref<128xi32, #tpu.memory_space<vmem>>) semaphore(%arg23 : memref<!tpu.dma_semaphore, #tpu.memory_space<semaphore_mem>>)
    %dma_wait3A_229 = arith.constant 0 : i32
    %dma_wait3A_230 = arith.constant 0 : i32
    %dma_wait3A_231 = tpu.memref_slice %arg7[%dma_wait3A_229, %dma_wait3A_230] : memref<80x128xi32, #tpu.memory_space<vmem>> -> memref<1x128xi32, #tpu.memory_space<vmem>>
    %dma_wait3A_232 = tpu.memref_squeeze %dma_wait3A_231 : memref<1x128xi32, #tpu.memory_space<vmem>> -> memref<128xi32, #tpu.memory_space<vmem>>
    %dma_wait3A_233 = arith.constant 0 : i32
    %dma_wait3A_234 = arith.constant 0 : i32
    %dma_wait3A_235 = tpu.memref_slice %arg2[%dma_wait3A_233, %dma_wait3A_234] : memref<10000x16xf32, #tpu.memory_space<hbm>> -> memref<10000x16xf32, #tpu.memory_space<hbm>>
    tpu.wait_indirect_dma semaphore(%arg24 : memref<!tpu.dma_semaphore, #tpu.memory_space<semaphore_mem>>) src(%dma_wait3A_235 : memref<10000x16xf32, #tpu.memory_space<hbm>>) dst(%arg15 : memref<128x16xf32, #tpu.memory_space<vmem>>)
    %dma_start3A_236 = arith.constant 70 : i32
    %dma_start3A_237 = arith.constant 0 : i32
    %dma_start3A_238 = tpu.memref_slice %arg8[%dma_start3A_236, %dma_start3A_237] : memref<80x128xi32, #tpu.memory_space<vmem>> -> memref<1x128xi32, #tpu.memory_space<vmem>>
    %dma_start3A_239 = tpu.memref_squeeze %dma_start3A_238 : memref<1x128xi32, #tpu.memory_space<vmem>> -> memref<128xi32, #tpu.memory_space<vmem>>
    %dma_start3A_240 = arith.constant 0 : i32
    %dma_start3A_241 = arith.constant 0 : i32
    %dma_start3A_242 = tpu.memref_slice %arg17[%dma_start3A_240, %dma_start3A_241] : memref<10008x16xf32, #tpu.memory_space<vmem_shared>> -> memref<10008x16xf32, #tpu.memory_space<vmem_shared>>
    tpu.enqueue_indirect_dma source(%arg15 : memref<128x16xf32, #tpu.memory_space<vmem>>) target(%dma_start3A_242 : memref<10008x16xf32, #tpu.memory_space<vmem_shared>>) offsets(%dma_start3A_239 : memref<128xi32, #tpu.memory_space<vmem>>) semaphore(%arg32 : memref<!tpu.dma_semaphore, #tpu.memory_space<semaphore_mem>>) {add = true}
    %dma_wait3A_243 = arith.constant 0 : i32
    %dma_wait3A_244 = arith.constant 0 : i32
    %dma_wait3A_245 = tpu.memref_slice %arg8[%dma_wait3A_243, %dma_wait3A_244] : memref<80x128xi32, #tpu.memory_space<vmem>> -> memref<1x128xi32, #tpu.memory_space<vmem>>
    %dma_wait3A_246 = tpu.memref_squeeze %dma_wait3A_245 : memref<1x128xi32, #tpu.memory_space<vmem>> -> memref<128xi32, #tpu.memory_space<vmem>>
    %dma_wait3A_247 = arith.constant 0 : i32
    %dma_wait3A_248 = arith.constant 0 : i32
    %dma_wait3A_249 = tpu.memref_slice %arg17[%dma_wait3A_247, %dma_wait3A_248] : memref<10008x16xf32, #tpu.memory_space<vmem_shared>> -> memref<10008x16xf32, #tpu.memory_space<vmem_shared>>
    tpu.wait_indirect_dma semaphore(%arg32 : memref<!tpu.dma_semaphore, #tpu.memory_space<semaphore_mem>>) src(%arg15 : memref<128x16xf32, #tpu.memory_space<vmem>>) dst(%dma_wait3A_249 : memref<10008x16xf32, #tpu.memory_space<vmem_shared>>)
    %dma_start3A_250 = arith.constant 78 : i32
    %dma_start3A_251 = arith.constant 0 : i32
    %dma_start3A_252 = tpu.memref_slice %arg7[%dma_start3A_250, %dma_start3A_251] : memref<80x128xi32, #tpu.memory_space<vmem>> -> memref<1x128xi32, #tpu.memory_space<vmem>>
    %dma_start3A_253 = tpu.memref_squeeze %dma_start3A_252 : memref<1x128xi32, #tpu.memory_space<vmem>> -> memref<128xi32, #tpu.memory_space<vmem>>
    %dma_start3A_254 = arith.constant 0 : i32
    %dma_start3A_255 = arith.constant 0 : i32
    %dma_start3A_256 = tpu.memref_slice %arg2[%dma_start3A_254, %dma_start3A_255] : memref<10000x16xf32, #tpu.memory_space<hbm>> -> memref<10000x16xf32, #tpu.memory_space<hbm>>
    tpu.enqueue_indirect_dma source(%dma_start3A_256 : memref<10000x16xf32, #tpu.memory_space<hbm>>) target(%arg15 : memref<128x16xf32, #tpu.memory_space<vmem>>) offsets(%dma_start3A_253 : memref<128xi32, #tpu.memory_space<vmem>>) semaphore(%arg24 : memref<!tpu.dma_semaphore, #tpu.memory_space<semaphore_mem>>)
    %dma_wait3A_257 = arith.constant 0 : i32
    %dma_wait3A_258 = arith.constant 0 : i32
    %dma_wait3A_259 = tpu.memref_slice %arg7[%dma_wait3A_257, %dma_wait3A_258] : memref<80x128xi32, #tpu.memory_space<vmem>> -> memref<1x128xi32, #tpu.memory_space<vmem>>
    %dma_wait3A_260 = tpu.memref_squeeze %dma_wait3A_259 : memref<1x128xi32, #tpu.memory_space<vmem>> -> memref<128xi32, #tpu.memory_space<vmem>>
    %dma_wait3A_261 = arith.constant 0 : i32
    %dma_wait3A_262 = arith.constant 0 : i32
    %dma_wait3A_263 = tpu.memref_slice %arg2[%dma_wait3A_261, %dma_wait3A_262] : memref<10000x16xf32, #tpu.memory_space<hbm>> -> memref<10000x16xf32, #tpu.memory_space<hbm>>
    tpu.wait_indirect_dma semaphore(%arg25 : memref<!tpu.dma_semaphore, #tpu.memory_space<semaphore_mem>>) src(%dma_wait3A_263 : memref<10000x16xf32, #tpu.memory_space<hbm>>) dst(%arg16 : memref<128x16xf32, #tpu.memory_space<vmem>>)
    %dma_start3A_264 = arith.constant 71 : i32
    %dma_start3A_265 = arith.constant 0 : i32
    %dma_start3A_266 = tpu.memref_slice %arg8[%dma_start3A_264, %dma_start3A_265] : memref<80x128xi32, #tpu.memory_space<vmem>> -> memref<1x128xi32, #tpu.memory_space<vmem>>
    %dma_start3A_267 = tpu.memref_squeeze %dma_start3A_266 : memref<1x128xi32, #tpu.memory_space<vmem>> -> memref<128xi32, #tpu.memory_space<vmem>>
    %dma_start3A_268 = arith.constant 0 : i32
    %dma_start3A_269 = arith.constant 0 : i32
    %dma_start3A_270 = tpu.memref_slice %arg17[%dma_start3A_268, %dma_start3A_269] : memref<10008x16xf32, #tpu.memory_space<vmem_shared>> -> memref<10008x16xf32, #tpu.memory_space<vmem_shared>>
    tpu.enqueue_indirect_dma source(%arg16 : memref<128x16xf32, #tpu.memory_space<vmem>>) target(%dma_start3A_270 : memref<10008x16xf32, #tpu.memory_space<vmem_shared>>) offsets(%dma_start3A_267 : memref<128xi32, #tpu.memory_space<vmem>>) semaphore(%arg33 : memref<!tpu.dma_semaphore, #tpu.memory_space<semaphore_mem>>) {add = true}
    %dma_wait3A_271 = arith.constant 0 : i32
    %dma_wait3A_272 = arith.constant 0 : i32
    %dma_wait3A_273 = tpu.memref_slice %arg8[%dma_wait3A_271, %dma_wait3A_272] : memref<80x128xi32, #tpu.memory_space<vmem>> -> memref<1x128xi32, #tpu.memory_space<vmem>>
    %dma_wait3A_274 = tpu.memref_squeeze %dma_wait3A_273 : memref<1x128xi32, #tpu.memory_space<vmem>> -> memref<128xi32, #tpu.memory_space<vmem>>
    %dma_wait3A_275 = arith.constant 0 : i32
    %dma_wait3A_276 = arith.constant 0 : i32
    %dma_wait3A_277 = tpu.memref_slice %arg17[%dma_wait3A_275, %dma_wait3A_276] : memref<10008x16xf32, #tpu.memory_space<vmem_shared>> -> memref<10008x16xf32, #tpu.memory_space<vmem_shared>>
    tpu.wait_indirect_dma semaphore(%arg33 : memref<!tpu.dma_semaphore, #tpu.memory_space<semaphore_mem>>) src(%arg16 : memref<128x16xf32, #tpu.memory_space<vmem>>) dst(%dma_wait3A_277 : memref<10008x16xf32, #tpu.memory_space<vmem_shared>>)
    %dma_start3A_278 = arith.constant 79 : i32
    %dma_start3A_279 = arith.constant 0 : i32
    %dma_start3A_280 = tpu.memref_slice %arg7[%dma_start3A_278, %dma_start3A_279] : memref<80x128xi32, #tpu.memory_space<vmem>> -> memref<1x128xi32, #tpu.memory_space<vmem>>
    %dma_start3A_281 = tpu.memref_squeeze %dma_start3A_280 : memref<1x128xi32, #tpu.memory_space<vmem>> -> memref<128xi32, #tpu.memory_space<vmem>>
    %dma_start3A_282 = arith.constant 0 : i32
    %dma_start3A_283 = arith.constant 0 : i32
    %dma_start3A_284 = tpu.memref_slice %arg2[%dma_start3A_282, %dma_start3A_283] : memref<10000x16xf32, #tpu.memory_space<hbm>> -> memref<10000x16xf32, #tpu.memory_space<hbm>>
    tpu.enqueue_indirect_dma source(%dma_start3A_284 : memref<10000x16xf32, #tpu.memory_space<hbm>>) target(%arg16 : memref<128x16xf32, #tpu.memory_space<vmem>>) offsets(%dma_start3A_281 : memref<128xi32, #tpu.memory_space<vmem>>) semaphore(%arg25 : memref<!tpu.dma_semaphore, #tpu.memory_space<semaphore_mem>>)
    %dma_wait3A_285 = arith.constant 0 : i32
    %dma_wait3A_286 = arith.constant 0 : i32
    %dma_wait3A_287 = tpu.memref_slice %arg7[%dma_wait3A_285, %dma_wait3A_286] : memref<80x128xi32, #tpu.memory_space<vmem>> -> memref<1x128xi32, #tpu.memory_space<vmem>>
    %dma_wait3A_288 = tpu.memref_squeeze %dma_wait3A_287 : memref<1x128xi32, #tpu.memory_space<vmem>> -> memref<128xi32, #tpu.memory_space<vmem>>
    %dma_wait3A_289 = arith.constant 0 : i32
    %dma_wait3A_290 = arith.constant 0 : i32
    %dma_wait3A_291 = tpu.memref_slice %arg2[%dma_wait3A_289, %dma_wait3A_290] : memref<10000x16xf32, #tpu.memory_space<hbm>> -> memref<10000x16xf32, #tpu.memory_space<hbm>>
    tpu.wait_indirect_dma semaphore(%arg18 : memref<!tpu.dma_semaphore, #tpu.memory_space<semaphore_mem>>) src(%dma_wait3A_291 : memref<10000x16xf32, #tpu.memory_space<hbm>>) dst(%arg9 : memref<128x16xf32, #tpu.memory_space<vmem>>)
    %dma_start3A_292 = arith.constant 72 : i32
    %dma_start3A_293 = arith.constant 0 : i32
    %dma_start3A_294 = tpu.memref_slice %arg8[%dma_start3A_292, %dma_start3A_293] : memref<80x128xi32, #tpu.memory_space<vmem>> -> memref<1x128xi32, #tpu.memory_space<vmem>>
    %dma_start3A_295 = tpu.memref_squeeze %dma_start3A_294 : memref<1x128xi32, #tpu.memory_space<vmem>> -> memref<128xi32, #tpu.memory_space<vmem>>
    %dma_start3A_296 = arith.constant 0 : i32
    %dma_start3A_297 = arith.constant 0 : i32
    %dma_start3A_298 = tpu.memref_slice %arg17[%dma_start3A_296, %dma_start3A_297] : memref<10008x16xf32, #tpu.memory_space<vmem_shared>> -> memref<10008x16xf32, #tpu.memory_space<vmem_shared>>
    tpu.enqueue_indirect_dma source(%arg9 : memref<128x16xf32, #tpu.memory_space<vmem>>) target(%dma_start3A_298 : memref<10008x16xf32, #tpu.memory_space<vmem_shared>>) offsets(%dma_start3A_295 : memref<128xi32, #tpu.memory_space<vmem>>) semaphore(%arg26 : memref<!tpu.dma_semaphore, #tpu.memory_space<semaphore_mem>>) {add = true}
    %dma_wait3A_299 = arith.constant 0 : i32
    %dma_wait3A_300 = arith.constant 0 : i32
    %dma_wait3A_301 = tpu.memref_slice %arg8[%dma_wait3A_299, %dma_wait3A_300] : memref<80x128xi32, #tpu.memory_space<vmem>> -> memref<1x128xi32, #tpu.memory_space<vmem>>
    %dma_wait3A_302 = tpu.memref_squeeze %dma_wait3A_301 : memref<1x128xi32, #tpu.memory_space<vmem>> -> memref<128xi32, #tpu.memory_space<vmem>>
    %dma_wait3A_303 = arith.constant 0 : i32
    %dma_wait3A_304 = arith.constant 0 : i32
    %dma_wait3A_305 = tpu.memref_slice %arg17[%dma_wait3A_303, %dma_wait3A_304] : memref<10008x16xf32, #tpu.memory_space<vmem_shared>> -> memref<10008x16xf32, #tpu.memory_space<vmem_shared>>
    tpu.wait_indirect_dma semaphore(%arg26 : memref<!tpu.dma_semaphore, #tpu.memory_space<semaphore_mem>>) src(%arg9 : memref<128x16xf32, #tpu.memory_space<vmem>>) dst(%dma_wait3A_305 : memref<10008x16xf32, #tpu.memory_space<vmem_shared>>)
    %dma_wait3A_306 = arith.constant 0 : i32
    %dma_wait3A_307 = arith.constant 0 : i32
    %dma_wait3A_308 = tpu.memref_slice %arg7[%dma_wait3A_306, %dma_wait3A_307] : memref<80x128xi32, #tpu.memory_space<vmem>> -> memref<1x128xi32, #tpu.memory_space<vmem>>
    %dma_wait3A_309 = tpu.memref_squeeze %dma_wait3A_308 : memref<1x128xi32, #tpu.memory_space<vmem>> -> memref<128xi32, #tpu.memory_space<vmem>>
    %dma_wait3A_310 = arith.constant 0 : i32
    %dma_wait3A_311 = arith.constant 0 : i32
    %dma_wait3A_312 = tpu.memref_slice %arg2[%dma_wait3A_310, %dma_wait3A_311] : memref<10000x16xf32, #tpu.memory_space<hbm>> -> memref<10000x16xf32, #tpu.memory_space<hbm>>
    tpu.wait_indirect_dma semaphore(%arg19 : memref<!tpu.dma_semaphore, #tpu.memory_space<semaphore_mem>>) src(%dma_wait3A_312 : memref<10000x16xf32, #tpu.memory_space<hbm>>) dst(%arg10 : memref<128x16xf32, #tpu.memory_space<vmem>>)
    %dma_start3A_313 = arith.constant 73 : i32
    %dma_start3A_314 = arith.constant 0 : i32
    %dma_start3A_315 = tpu.memref_slice %arg8[%dma_start3A_313, %dma_start3A_314] : memref<80x128xi32, #tpu.memory_space<vmem>> -> memref<1x128xi32, #tpu.memory_space<vmem>>
    %dma_start3A_316 = tpu.memref_squeeze %dma_start3A_315 : memref<1x128xi32, #tpu.memory_space<vmem>> -> memref<128xi32, #tpu.memory_space<vmem>>
    %dma_start3A_317 = arith.constant 0 : i32
    %dma_start3A_318 = arith.constant 0 : i32
    %dma_start3A_319 = tpu.memref_slice %arg17[%dma_start3A_317, %dma_start3A_318] : memref<10008x16xf32, #tpu.memory_space<vmem_shared>> -> memref<10008x16xf32, #tpu.memory_space<vmem_shared>>
    tpu.enqueue_indirect_dma source(%arg10 : memref<128x16xf32, #tpu.memory_space<vmem>>) target(%dma_start3A_319 : memref<10008x16xf32, #tpu.memory_space<vmem_shared>>) offsets(%dma_start3A_316 : memref<128xi32, #tpu.memory_space<vmem>>) semaphore(%arg27 : memref<!tpu.dma_semaphore, #tpu.memory_space<semaphore_mem>>) {add = true}
    %dma_wait3A_320 = arith.constant 0 : i32
    %dma_wait3A_321 = arith.constant 0 : i32
    %dma_wait3A_322 = tpu.memref_slice %arg8[%dma_wait3A_320, %dma_wait3A_321] : memref<80x128xi32, #tpu.memory_space<vmem>> -> memref<1x128xi32, #tpu.memory_space<vmem>>
    %dma_wait3A_323 = tpu.memref_squeeze %dma_wait3A_322 : memref<1x128xi32, #tpu.memory_space<vmem>> -> memref<128xi32, #tpu.memory_space<vmem>>
    %dma_wait3A_324 = arith.constant 0 : i32
    %dma_wait3A_325 = arith.constant 0 : i32
    %dma_wait3A_326 = tpu.memref_slice %arg17[%dma_wait3A_324, %dma_wait3A_325] : memref<10008x16xf32, #tpu.memory_space<vmem_shared>> -> memref<10008x16xf32, #tpu.memory_space<vmem_shared>>
    tpu.wait_indirect_dma semaphore(%arg27 : memref<!tpu.dma_semaphore, #tpu.memory_space<semaphore_mem>>) src(%arg10 : memref<128x16xf32, #tpu.memory_space<vmem>>) dst(%dma_wait3A_326 : memref<10008x16xf32, #tpu.memory_space<vmem_shared>>)
    %dma_wait3A_327 = arith.constant 0 : i32
    %dma_wait3A_328 = arith.constant 0 : i32
    %dma_wait3A_329 = tpu.memref_slice %arg7[%dma_wait3A_327, %dma_wait3A_328] : memref<80x128xi32, #tpu.memory_space<vmem>> -> memref<1x128xi32, #tpu.memory_space<vmem>>
    %dma_wait3A_330 = tpu.memref_squeeze %dma_wait3A_329 : memref<1x128xi32, #tpu.memory_space<vmem>> -> memref<128xi32, #tpu.memory_space<vmem>>
    %dma_wait3A_331 = arith.constant 0 : i32
    %dma_wait3A_332 = arith.constant 0 : i32
    %dma_wait3A_333 = tpu.memref_slice %arg2[%dma_wait3A_331, %dma_wait3A_332] : memref<10000x16xf32, #tpu.memory_space<hbm>> -> memref<10000x16xf32, #tpu.memory_space<hbm>>
    tpu.wait_indirect_dma semaphore(%arg20 : memref<!tpu.dma_semaphore, #tpu.memory_space<semaphore_mem>>) src(%dma_wait3A_333 : memref<10000x16xf32, #tpu.memory_space<hbm>>) dst(%arg11 : memref<128x16xf32, #tpu.memory_space<vmem>>)
    %dma_start3A_334 = arith.constant 74 : i32
    %dma_start3A_335 = arith.constant 0 : i32
    %dma_start3A_336 = tpu.memref_slice %arg8[%dma_start3A_334, %dma_start3A_335] : memref<80x128xi32, #tpu.memory_space<vmem>> -> memref<1x128xi32, #tpu.memory_space<vmem>>
    %dma_start3A_337 = tpu.memref_squeeze %dma_start3A_336 : memref<1x128xi32, #tpu.memory_space<vmem>> -> memref<128xi32, #tpu.memory_space<vmem>>
    %dma_start3A_338 = arith.constant 0 : i32
    %dma_start3A_339 = arith.constant 0 : i32
    %dma_start3A_340 = tpu.memref_slice %arg17[%dma_start3A_338, %dma_start3A_339] : memref<10008x16xf32, #tpu.memory_space<vmem_shared>> -> memref<10008x16xf32, #tpu.memory_space<vmem_shared>>
    tpu.enqueue_indirect_dma source(%arg11 : memref<128x16xf32, #tpu.memory_space<vmem>>) target(%dma_start3A_340 : memref<10008x16xf32, #tpu.memory_space<vmem_shared>>) offsets(%dma_start3A_337 : memref<128xi32, #tpu.memory_space<vmem>>) semaphore(%arg28 : memref<!tpu.dma_semaphore, #tpu.memory_space<semaphore_mem>>) {add = true}
    %dma_wait3A_341 = arith.constant 0 : i32
    %dma_wait3A_342 = arith.constant 0 : i32
    %dma_wait3A_343 = tpu.memref_slice %arg8[%dma_wait3A_341, %dma_wait3A_342] : memref<80x128xi32, #tpu.memory_space<vmem>> -> memref<1x128xi32, #tpu.memory_space<vmem>>
    %dma_wait3A_344 = tpu.memref_squeeze %dma_wait3A_343 : memref<1x128xi32, #tpu.memory_space<vmem>> -> memref<128xi32, #tpu.memory_space<vmem>>
    %dma_wait3A_345 = arith.constant 0 : i32
    %dma_wait3A_346 = arith.constant 0 : i32
    %dma_wait3A_347 = tpu.memref_slice %arg17[%dma_wait3A_345, %dma_wait3A_346] : memref<10008x16xf32, #tpu.memory_space<vmem_shared>> -> memref<10008x16xf32, #tpu.memory_space<vmem_shared>>
    tpu.wait_indirect_dma semaphore(%arg28 : memref<!tpu.dma_semaphore, #tpu.memory_space<semaphore_mem>>) src(%arg11 : memref<128x16xf32, #tpu.memory_space<vmem>>) dst(%dma_wait3A_347 : memref<10008x16xf32, #tpu.memory_space<vmem_shared>>)
    %dma_wait3A_348 = arith.constant 0 : i32
    %dma_wait3A_349 = arith.constant 0 : i32
    %dma_wait3A_350 = tpu.memref_slice %arg7[%dma_wait3A_348, %dma_wait3A_349] : memref<80x128xi32, #tpu.memory_space<vmem>> -> memref<1x128xi32, #tpu.memory_space<vmem>>
    %dma_wait3A_351 = tpu.memref_squeeze %dma_wait3A_350 : memref<1x128xi32, #tpu.memory_space<vmem>> -> memref<128xi32, #tpu.memory_space<vmem>>
    %dma_wait3A_352 = arith.constant 0 : i32
    %dma_wait3A_353 = arith.constant 0 : i32
    %dma_wait3A_354 = tpu.memref_slice %arg2[%dma_wait3A_352, %dma_wait3A_353] : memref<10000x16xf32, #tpu.memory_space<hbm>> -> memref<10000x16xf32, #tpu.memory_space<hbm>>
    tpu.wait_indirect_dma semaphore(%arg21 : memref<!tpu.dma_semaphore, #tpu.memory_space<semaphore_mem>>) src(%dma_wait3A_354 : memref<10000x16xf32, #tpu.memory_space<hbm>>) dst(%arg12 : memref<128x16xf32, #tpu.memory_space<vmem>>)
    %dma_start3A_355 = arith.constant 75 : i32
    %dma_start3A_356 = arith.constant 0 : i32
    %dma_start3A_357 = tpu.memref_slice %arg8[%dma_start3A_355, %dma_start3A_356] : memref<80x128xi32, #tpu.memory_space<vmem>> -> memref<1x128xi32, #tpu.memory_space<vmem>>
    %dma_start3A_358 = tpu.memref_squeeze %dma_start3A_357 : memref<1x128xi32, #tpu.memory_space<vmem>> -> memref<128xi32, #tpu.memory_space<vmem>>
    %dma_start3A_359 = arith.constant 0 : i32
    %dma_start3A_360 = arith.constant 0 : i32
    %dma_start3A_361 = tpu.memref_slice %arg17[%dma_start3A_359, %dma_start3A_360] : memref<10008x16xf32, #tpu.memory_space<vmem_shared>> -> memref<10008x16xf32, #tpu.memory_space<vmem_shared>>
    tpu.enqueue_indirect_dma source(%arg12 : memref<128x16xf32, #tpu.memory_space<vmem>>) target(%dma_start3A_361 : memref<10008x16xf32, #tpu.memory_space<vmem_shared>>) offsets(%dma_start3A_358 : memref<128xi32, #tpu.memory_space<vmem>>) semaphore(%arg29 : memref<!tpu.dma_semaphore, #tpu.memory_space<semaphore_mem>>) {add = true}
    %dma_wait3A_362 = arith.constant 0 : i32
    %dma_wait3A_363 = arith.constant 0 : i32
    %dma_wait3A_364 = tpu.memref_slice %arg8[%dma_wait3A_362, %dma_wait3A_363] : memref<80x128xi32, #tpu.memory_space<vmem>> -> memref<1x128xi32, #tpu.memory_space<vmem>>
    %dma_wait3A_365 = tpu.memref_squeeze %dma_wait3A_364 : memref<1x128xi32, #tpu.memory_space<vmem>> -> memref<128xi32, #tpu.memory_space<vmem>>
    %dma_wait3A_366 = arith.constant 0 : i32
    %dma_wait3A_367 = arith.constant 0 : i32
    %dma_wait3A_368 = tpu.memref_slice %arg17[%dma_wait3A_366, %dma_wait3A_367] : memref<10008x16xf32, #tpu.memory_space<vmem_shared>> -> memref<10008x16xf32, #tpu.memory_space<vmem_shared>>
    tpu.wait_indirect_dma semaphore(%arg29 : memref<!tpu.dma_semaphore, #tpu.memory_space<semaphore_mem>>) src(%arg12 : memref<128x16xf32, #tpu.memory_space<vmem>>) dst(%dma_wait3A_368 : memref<10008x16xf32, #tpu.memory_space<vmem_shared>>)
    %dma_wait3A_369 = arith.constant 0 : i32
    %dma_wait3A_370 = arith.constant 0 : i32
    %dma_wait3A_371 = tpu.memref_slice %arg7[%dma_wait3A_369, %dma_wait3A_370] : memref<80x128xi32, #tpu.memory_space<vmem>> -> memref<1x128xi32, #tpu.memory_space<vmem>>
    %dma_wait3A_372 = tpu.memref_squeeze %dma_wait3A_371 : memref<1x128xi32, #tpu.memory_space<vmem>> -> memref<128xi32, #tpu.memory_space<vmem>>
    %dma_wait3A_373 = arith.constant 0 : i32
    %dma_wait3A_374 = arith.constant 0 : i32
    %dma_wait3A_375 = tpu.memref_slice %arg2[%dma_wait3A_373, %dma_wait3A_374] : memref<10000x16xf32, #tpu.memory_space<hbm>> -> memref<10000x16xf32, #tpu.memory_space<hbm>>
    tpu.wait_indirect_dma semaphore(%arg22 : memref<!tpu.dma_semaphore, #tpu.memory_space<semaphore_mem>>) src(%dma_wait3A_375 : memref<10000x16xf32, #tpu.memory_space<hbm>>) dst(%arg13 : memref<128x16xf32, #tpu.memory_space<vmem>>)
    %dma_start3A_376 = arith.constant 76 : i32
    %dma_start3A_377 = arith.constant 0 : i32
    %dma_start3A_378 = tpu.memref_slice %arg8[%dma_start3A_376, %dma_start3A_377] : memref<80x128xi32, #tpu.memory_space<vmem>> -> memref<1x128xi32, #tpu.memory_space<vmem>>
    %dma_start3A_379 = tpu.memref_squeeze %dma_start3A_378 : memref<1x128xi32, #tpu.memory_space<vmem>> -> memref<128xi32, #tpu.memory_space<vmem>>
    %dma_start3A_380 = arith.constant 0 : i32
    %dma_start3A_381 = arith.constant 0 : i32
    %dma_start3A_382 = tpu.memref_slice %arg17[%dma_start3A_380, %dma_start3A_381] : memref<10008x16xf32, #tpu.memory_space<vmem_shared>> -> memref<10008x16xf32, #tpu.memory_space<vmem_shared>>
    tpu.enqueue_indirect_dma source(%arg13 : memref<128x16xf32, #tpu.memory_space<vmem>>) target(%dma_start3A_382 : memref<10008x16xf32, #tpu.memory_space<vmem_shared>>) offsets(%dma_start3A_379 : memref<128xi32, #tpu.memory_space<vmem>>) semaphore(%arg30 : memref<!tpu.dma_semaphore, #tpu.memory_space<semaphore_mem>>) {add = true}
    %dma_wait3A_383 = arith.constant 0 : i32
    %dma_wait3A_384 = arith.constant 0 : i32
    %dma_wait3A_385 = tpu.memref_slice %arg8[%dma_wait3A_383, %dma_wait3A_384] : memref<80x128xi32, #tpu.memory_space<vmem>> -> memref<1x128xi32, #tpu.memory_space<vmem>>
    %dma_wait3A_386 = tpu.memref_squeeze %dma_wait3A_385 : memref<1x128xi32, #tpu.memory_space<vmem>> -> memref<128xi32, #tpu.memory_space<vmem>>
    %dma_wait3A_387 = arith.constant 0 : i32
    %dma_wait3A_388 = arith.constant 0 : i32
    %dma_wait3A_389 = tpu.memref_slice %arg17[%dma_wait3A_387, %dma_wait3A_388] : memref<10008x16xf32, #tpu.memory_space<vmem_shared>> -> memref<10008x16xf32, #tpu.memory_space<vmem_shared>>
    tpu.wait_indirect_dma semaphore(%arg30 : memref<!tpu.dma_semaphore, #tpu.memory_space<semaphore_mem>>) src(%arg13 : memref<128x16xf32, #tpu.memory_space<vmem>>) dst(%dma_wait3A_389 : memref<10008x16xf32, #tpu.memory_space<vmem_shared>>)
    %dma_wait3A_390 = arith.constant 0 : i32
    %dma_wait3A_391 = arith.constant 0 : i32
    %dma_wait3A_392 = tpu.memref_slice %arg7[%dma_wait3A_390, %dma_wait3A_391] : memref<80x128xi32, #tpu.memory_space<vmem>> -> memref<1x128xi32, #tpu.memory_space<vmem>>
    %dma_wait3A_393 = tpu.memref_squeeze %dma_wait3A_392 : memref<1x128xi32, #tpu.memory_space<vmem>> -> memref<128xi32, #tpu.memory_space<vmem>>
    %dma_wait3A_394 = arith.constant 0 : i32
    %dma_wait3A_395 = arith.constant 0 : i32
    %dma_wait3A_396 = tpu.memref_slice %arg2[%dma_wait3A_394, %dma_wait3A_395] : memref<10000x16xf32, #tpu.memory_space<hbm>> -> memref<10000x16xf32, #tpu.memory_space<hbm>>
    tpu.wait_indirect_dma semaphore(%arg23 : memref<!tpu.dma_semaphore, #tpu.memory_space<semaphore_mem>>) src(%dma_wait3A_396 : memref<10000x16xf32, #tpu.memory_space<hbm>>) dst(%arg14 : memref<128x16xf32, #tpu.memory_space<vmem>>)
    %dma_start3A_397 = arith.constant 77 : i32
    %dma_start3A_398 = arith.constant 0 : i32
    %dma_start3A_399 = tpu.memref_slice %arg8[%dma_start3A_397, %dma_start3A_398] : memref<80x128xi32, #tpu.memory_space<vmem>> -> memref<1x128xi32, #tpu.memory_space<vmem>>
    %dma_start3A_400 = tpu.memref_squeeze %dma_start3A_399 : memref<1x128xi32, #tpu.memory_space<vmem>> -> memref<128xi32, #tpu.memory_space<vmem>>
    %dma_start3A_401 = arith.constant 0 : i32
    %dma_start3A_402 = arith.constant 0 : i32
    %dma_start3A_403 = tpu.memref_slice %arg17[%dma_start3A_401, %dma_start3A_402] : memref<10008x16xf32, #tpu.memory_space<vmem_shared>> -> memref<10008x16xf32, #tpu.memory_space<vmem_shared>>
    tpu.enqueue_indirect_dma source(%arg14 : memref<128x16xf32, #tpu.memory_space<vmem>>) target(%dma_start3A_403 : memref<10008x16xf32, #tpu.memory_space<vmem_shared>>) offsets(%dma_start3A_400 : memref<128xi32, #tpu.memory_space<vmem>>) semaphore(%arg31 : memref<!tpu.dma_semaphore, #tpu.memory_space<semaphore_mem>>) {add = true}
    %dma_wait3A_404 = arith.constant 0 : i32
    %dma_wait3A_405 = arith.constant 0 : i32
    %dma_wait3A_406 = tpu.memref_slice %arg8[%dma_wait3A_404, %dma_wait3A_405] : memref<80x128xi32, #tpu.memory_space<vmem>> -> memref<1x128xi32, #tpu.memory_space<vmem>>
    %dma_wait3A_407 = tpu.memref_squeeze %dma_wait3A_406 : memref<1x128xi32, #tpu.memory_space<vmem>> -> memref<128xi32, #tpu.memory_space<vmem>>
    %dma_wait3A_408 = arith.constant 0 : i32
    %dma_wait3A_409 = arith.constant 0 : i32
    %dma_wait3A_410 = tpu.memref_slice %arg17[%dma_wait3A_408, %dma_wait3A_409] : memref<10008x16xf32, #tpu.memory_space<vmem_shared>> -> memref<10008x16xf32, #tpu.memory_space<vmem_shared>>
    tpu.wait_indirect_dma semaphore(%arg31 : memref<!tpu.dma_semaphore, #tpu.memory_space<semaphore_mem>>) src(%arg14 : memref<128x16xf32, #tpu.memory_space<vmem>>) dst(%dma_wait3A_410 : memref<10008x16xf32, #tpu.memory_space<vmem_shared>>)
    %dma_wait3A_411 = arith.constant 0 : i32
    %dma_wait3A_412 = arith.constant 0 : i32
    %dma_wait3A_413 = tpu.memref_slice %arg7[%dma_wait3A_411, %dma_wait3A_412] : memref<80x128xi32, #tpu.memory_space<vmem>> -> memref<1x128xi32, #tpu.memory_space<vmem>>
    %dma_wait3A_414 = tpu.memref_squeeze %dma_wait3A_413 : memref<1x128xi32, #tpu.memory_space<vmem>> -> memref<128xi32, #tpu.memory_space<vmem>>
    %dma_wait3A_415 = arith.constant 0 : i32
    %dma_wait3A_416 = arith.constant 0 : i32
    %dma_wait3A_417 = tpu.memref_slice %arg2[%dma_wait3A_415, %dma_wait3A_416] : memref<10000x16xf32, #tpu.memory_space<hbm>> -> memref<10000x16xf32, #tpu.memory_space<hbm>>
    tpu.wait_indirect_dma semaphore(%arg24 : memref<!tpu.dma_semaphore, #tpu.memory_space<semaphore_mem>>) src(%dma_wait3A_417 : memref<10000x16xf32, #tpu.memory_space<hbm>>) dst(%arg15 : memref<128x16xf32, #tpu.memory_space<vmem>>)
    %dma_start3A_418 = arith.constant 78 : i32
    %dma_start3A_419 = arith.constant 0 : i32
    %dma_start3A_420 = tpu.memref_slice %arg8[%dma_start3A_418, %dma_start3A_419] : memref<80x128xi32, #tpu.memory_space<vmem>> -> memref<1x128xi32, #tpu.memory_space<vmem>>
    %dma_start3A_421 = tpu.memref_squeeze %dma_start3A_420 : memref<1x128xi32, #tpu.memory_space<vmem>> -> memref<128xi32, #tpu.memory_space<vmem>>
    %dma_start3A_422 = arith.constant 0 : i32
    %dma_start3A_423 = arith.constant 0 : i32
    %dma_start3A_424 = tpu.memref_slice %arg17[%dma_start3A_422, %dma_start3A_423] : memref<10008x16xf32, #tpu.memory_space<vmem_shared>> -> memref<10008x16xf32, #tpu.memory_space<vmem_shared>>
    tpu.enqueue_indirect_dma source(%arg15 : memref<128x16xf32, #tpu.memory_space<vmem>>) target(%dma_start3A_424 : memref<10008x16xf32, #tpu.memory_space<vmem_shared>>) offsets(%dma_start3A_421 : memref<128xi32, #tpu.memory_space<vmem>>) semaphore(%arg32 : memref<!tpu.dma_semaphore, #tpu.memory_space<semaphore_mem>>) {add = true}
    %dma_wait3A_425 = arith.constant 0 : i32
    %dma_wait3A_426 = arith.constant 0 : i32
    %dma_wait3A_427 = tpu.memref_slice %arg8[%dma_wait3A_425, %dma_wait3A_426] : memref<80x128xi32, #tpu.memory_space<vmem>> -> memref<1x128xi32, #tpu.memory_space<vmem>>
    %dma_wait3A_428 = tpu.memref_squeeze %dma_wait3A_427 : memref<1x128xi32, #tpu.memory_space<vmem>> -> memref<128xi32, #tpu.memory_space<vmem>>
    %dma_wait3A_429 = arith.constant 0 : i32
    %dma_wait3A_430 = arith.constant 0 : i32
    %dma_wait3A_431 = tpu.memref_slice %arg17[%dma_wait3A_429, %dma_wait3A_430] : memref<10008x16xf32, #tpu.memory_space<vmem_shared>> -> memref<10008x16xf32, #tpu.memory_space<vmem_shared>>
    tpu.wait_indirect_dma semaphore(%arg32 : memref<!tpu.dma_semaphore, #tpu.memory_space<semaphore_mem>>) src(%arg15 : memref<128x16xf32, #tpu.memory_space<vmem>>) dst(%dma_wait3A_431 : memref<10008x16xf32, #tpu.memory_space<vmem_shared>>)
    %dma_wait3A_432 = arith.constant 0 : i32
    %dma_wait3A_433 = arith.constant 0 : i32
    %dma_wait3A_434 = tpu.memref_slice %arg7[%dma_wait3A_432, %dma_wait3A_433] : memref<80x128xi32, #tpu.memory_space<vmem>> -> memref<1x128xi32, #tpu.memory_space<vmem>>
    %dma_wait3A_435 = tpu.memref_squeeze %dma_wait3A_434 : memref<1x128xi32, #tpu.memory_space<vmem>> -> memref<128xi32, #tpu.memory_space<vmem>>
    %dma_wait3A_436 = arith.constant 0 : i32
    %dma_wait3A_437 = arith.constant 0 : i32
    %dma_wait3A_438 = tpu.memref_slice %arg2[%dma_wait3A_436, %dma_wait3A_437] : memref<10000x16xf32, #tpu.memory_space<hbm>> -> memref<10000x16xf32, #tpu.memory_space<hbm>>
    tpu.wait_indirect_dma semaphore(%arg25 : memref<!tpu.dma_semaphore, #tpu.memory_space<semaphore_mem>>) src(%dma_wait3A_438 : memref<10000x16xf32, #tpu.memory_space<hbm>>) dst(%arg16 : memref<128x16xf32, #tpu.memory_space<vmem>>)
    %dma_start3A_439 = arith.constant 79 : i32
    %dma_start3A_440 = arith.constant 0 : i32
    %dma_start3A_441 = tpu.memref_slice %arg8[%dma_start3A_439, %dma_start3A_440] : memref<80x128xi32, #tpu.memory_space<vmem>> -> memref<1x128xi32, #tpu.memory_space<vmem>>
    %dma_start3A_442 = tpu.memref_squeeze %dma_start3A_441 : memref<1x128xi32, #tpu.memory_space<vmem>> -> memref<128xi32, #tpu.memory_space<vmem>>
    %dma_start3A_443 = arith.constant 0 : i32
    %dma_start3A_444 = arith.constant 0 : i32
    %dma_start3A_445 = tpu.memref_slice %arg17[%dma_start3A_443, %dma_start3A_444] : memref<10008x16xf32, #tpu.memory_space<vmem_shared>> -> memref<10008x16xf32, #tpu.memory_space<vmem_shared>>
    tpu.enqueue_indirect_dma source(%arg16 : memref<128x16xf32, #tpu.memory_space<vmem>>) target(%dma_start3A_445 : memref<10008x16xf32, #tpu.memory_space<vmem_shared>>) offsets(%dma_start3A_442 : memref<128xi32, #tpu.memory_space<vmem>>) semaphore(%arg33 : memref<!tpu.dma_semaphore, #tpu.memory_space<semaphore_mem>>) {add = true}
    %dma_wait3A_446 = arith.constant 0 : i32
    %dma_wait3A_447 = arith.constant 0 : i32
    %dma_wait3A_448 = tpu.memref_slice %arg8[%dma_wait3A_446, %dma_wait3A_447] : memref<80x128xi32, #tpu.memory_space<vmem>> -> memref<1x128xi32, #tpu.memory_space<vmem>>
    %dma_wait3A_449 = tpu.memref_squeeze %dma_wait3A_448 : memref<1x128xi32, #tpu.memory_space<vmem>> -> memref<128xi32, #tpu.memory_space<vmem>>
    %dma_wait3A_450 = arith.constant 0 : i32
    %dma_wait3A_451 = arith.constant 0 : i32
    %dma_wait3A_452 = tpu.memref_slice %arg17[%dma_wait3A_450, %dma_wait3A_451] : memref<10008x16xf32, #tpu.memory_space<vmem_shared>> -> memref<10008x16xf32, #tpu.memory_space<vmem_shared>>
    tpu.wait_indirect_dma semaphore(%arg33 : memref<!tpu.dma_semaphore, #tpu.memory_space<semaphore_mem>>) src(%arg16 : memref<128x16xf32, #tpu.memory_space<vmem>>) dst(%dma_wait3A_452 : memref<10008x16xf32, #tpu.memory_space<vmem_shared>>)
    %barrier3A_453 = arith.constant 0 : index
    tpu.barrier barrier_id(%barrier3A_453)
    "tpu.region"() ({
      %run_scoped3A = tpu.sem_alloc : memref<!tpu.dma_semaphore, #tpu.memory_space<semaphore_mem>>
      %dma_start3A_454 = arith.constant 0 : i32
      %dma_start3A_455 = arith.constant 0 : i32
      %dma_start3A_456 = tpu.memref_slice %arg6[%arg0, %arg1, %dma_start3A_454, %dma_start3A_455] : memref<2x16x625x16xf32, #tpu.memory_space<hbm>> -> memref<1x1x625x16xf32, #tpu.memory_space<hbm>>
      %dma_start3A_457 = tpu.memref_squeeze %dma_start3A_456 : memref<1x1x625x16xf32, #tpu.memory_space<hbm>> -> memref<625x16xf32, #tpu.memory_space<hbm>>
      %dma_start3A_458 = arith.constant 0 : i32
      %dma_start3A_459 = tpu.memref_slice %arg17[%mul3A_57, %dma_start3A_458] : memref<10008x16xf32, #tpu.memory_space<vmem_shared>> -> memref<625x16xf32, #tpu.memory_space<vmem_shared>>
      tpu.enqueue_dma source(%dma_start3A_459 : memref<625x16xf32, #tpu.memory_space<vmem_shared>>) target(%dma_start3A_457 : memref<625x16xf32, #tpu.memory_space<hbm>>) target_semaphore(%run_scoped3A : memref<!tpu.dma_semaphore, #tpu.memory_space<semaphore_mem>>)
      %dma_wait3A_460 = arith.constant 0 : i32
      %dma_wait3A_461 = arith.constant 0 : i32
      %dma_wait3A_462 = tpu.memref_slice %arg6[%arg0, %arg1, %dma_wait3A_460, %dma_wait3A_461] : memref<2x16x625x16xf32, #tpu.memory_space<hbm>> -> memref<1x1x625x16xf32, #tpu.memory_space<hbm>>
      %dma_wait3A_463 = tpu.memref_squeeze %dma_wait3A_462 : memref<1x1x625x16xf32, #tpu.memory_space<hbm>> -> memref<625x16xf32, #tpu.memory_space<hbm>>
      %dma_wait3A_464 = arith.constant 0 : i32
      %dma_wait3A_465 = tpu.memref_slice %arg17[%mul3A_57, %dma_wait3A_464] : memref<10008x16xf32, #tpu.memory_space<vmem_shared>> -> memref<625x16xf32, #tpu.memory_space<vmem_shared>>
      tpu.wait_dma2 semaphore(%run_scoped3A : memref<!tpu.dma_semaphore, #tpu.memory_space<semaphore_mem>>) src(%dma_wait3A_465 : memref<625x16xf32, #tpu.memory_space<vmem_shared>>) dst(%dma_wait3A_463 : memref<625x16xf32, #tpu.memory_space<hbm>>)
      tpu.yield
    }) : () -> ()
    return
  }
}

module attributes {stable_mosaic.version = 14 : i64} {
  func.func @body(%arg0: memref<10000x128xf32, #tpu.memory_space<vmem>>, %arg1: memref<128x64xf32, #tpu.memory_space<vmem>>, %arg2: memref<32x10000xf32, #tpu.memory_space<vmem>>, %arg3: memref<10000x1xf32, #tpu.memory_space<vmem>>, %arg4: memref<10000x64xbf16, #tpu.memory_space<vmem>>) attributes {dimension_semantics = [], scalar_prefetch = 0 : i64, scratch_operands = 0 : i64, tpu.core_type = #tpu.core_type<tc>} {
    %get3A = arith.constant 0 : index
    %get3A_0 = arith.constant 0 : index
    %get3A_1 = vector.load %arg2[%get3A, %get3A_0] : memref<32x10000xf32, #tpu.memory_space<vmem>>, vector<32x10000xf32>
    %reduce_sum3A = arith.constant dense<0.000000e+00> : vector<10000xf32>
    %reduce_sum3A_2 = vector.multi_reduction <add>, %get3A_1, %reduce_sum3A [0] : vector<32x10000xf32> to vector<10000xf32>
    %add3A = arith.constant 1.000000e+00 : f32
    %add3A_3 = vector.broadcast %add3A : f32 to vector<10000xf32>
    %add3A_4 = arith.addf %add3A_3, %reduce_sum3A_2 : vector<10000xf32>
    %rsqrt3A = math.rsqrt %add3A_4 : vector<10000xf32>
    %broadcast_in_dim3A = vector.shape_cast %rsqrt3A : vector<10000xf32> to vector<10000x1xf32>
    %swap3A = arith.constant 0 : index
    %swap3A_5 = arith.constant 0 : index
    %swap3A_6 = vector.load %arg3[%swap3A, %swap3A_5] : memref<10000x1xf32, #tpu.memory_space<vmem>>, vector<10000x1xf32>
    tpu.vector_store %arg3[%swap3A, %swap3A_5], %broadcast_in_dim3A {strides = array<i32>} : memref<10000x1xf32, #tpu.memory_space<vmem>>, vector<10000x1xf32>,
    %get3A_7 = arith.constant 0 : index
    %get3A_8 = arith.constant 0 : index
    %get3A_9 = vector.load %arg0[%get3A_7, %get3A_8] : memref<10000x128xf32, #tpu.memory_space<vmem>>, vector<10000x128xf32>
    %get3A_10 = arith.constant 0 : index
    %get3A_11 = arith.constant 0 : index
    %get3A_12 = vector.load %arg1[%get3A_10, %get3A_11] : memref<128x64xf32, #tpu.memory_space<vmem>>, vector<128x64xf32>
    %dot_general3A = arith.constant dense<0.000000e+00> : vector<10000x64xf32>
    %dot_general3A_13 = tpu.matmul %get3A_9, %get3A_12, %dot_general3A {dimension_numbers = #tpu.dot_dimension_numbers<[1], [0], [0], [1], [0, 0, 1, 1], [], []>, transpose_lhs_hint = false} : vector<10000x128xf32>, vector<128x64xf32>, vector<10000x64xf32> -> vector<10000x64xf32>
    %mul3A = vector.broadcast %broadcast_in_dim3A : vector<10000x1xf32> to vector<10000x64xf32>
    %mul3A_14 = arith.mulf %dot_general3A_13, %mul3A : vector<10000x64xf32>
    %convert_element_type3A = arith.truncf %mul3A_14 : vector<10000x64xf32> to vector<10000x64xbf16>
    %swap3A_15 = arith.constant 0 : index
    %swap3A_16 = arith.constant 0 : index
    %swap3A_17 = vector.load %arg4[%swap3A_15, %swap3A_16] : memref<10000x64xbf16, #tpu.memory_space<vmem>>, vector<10000x64xbf16>
    tpu.vector_store %arg4[%swap3A_15, %swap3A_16], %convert_element_type3A {strides = array<i32>} : memref<10000x64xbf16, #tpu.memory_space<vmem>>, vector<10000x64xbf16>,
    return
  }
}

module attributes {stable_mosaic.version = 14 : i64} {
  func.func @body(%arg0: memref<2x10000x64xbf16, #tpu.memory_space<vmem>>, %arg1: memref<10000x64xbf16, #tpu.memory_space<vmem>>, %arg2: memref<10000x1xf32, #tpu.memory_space<vmem>>, %arg3: memref<1x64xf32, #tpu.memory_space<vmem>>, %arg4: memref<64x64xf32, #tpu.memory_space<vmem>>, %arg5: memref<10000x64xbf16, #tpu.memory_space<vmem>>) attributes {dimension_semantics = [], scalar_prefetch = 0 : i64, scratch_operands = 0 : i64, tpu.core_type = #tpu.core_type<tc>} {
    %get3A = arith.constant 0 : index
    %get3A_0 = arith.constant 0 : index
    %get3A_1 = arith.constant 0 : index
    %get3A_2 = vector.load %arg0[%get3A, %get3A_0, %get3A_1] : memref<2x10000x64xbf16, #tpu.memory_space<vmem>>, vector<1x10000x64xbf16>
    %get3A_3 = vector.shape_cast %get3A_2 : vector<1x10000x64xbf16> to vector<10000x64xbf16>
    %get3A_4 = arith.constant 1 : index
    %get3A_5 = arith.constant 0 : index
    %get3A_6 = arith.constant 0 : index
    %get3A_7 = vector.load %arg0[%get3A_4, %get3A_5, %get3A_6] : memref<2x10000x64xbf16, #tpu.memory_space<vmem>>, vector<1x10000x64xbf16>
    %get3A_8 = vector.shape_cast %get3A_7 : vector<1x10000x64xbf16> to vector<10000x64xbf16>
    %add3A = arith.addf %get3A_3, %get3A_8 : vector<10000x64xbf16>
    %convert_element_type3A = arith.extf %add3A : vector<10000x64xbf16> to vector<10000x64xf32>
    %get3A_9 = arith.constant 0 : index
    %get3A_10 = arith.constant 0 : index
    %get3A_11 = vector.load %arg1[%get3A_9, %get3A_10] : memref<10000x64xbf16, #tpu.memory_space<vmem>>, vector<10000x64xbf16>
    %convert_element_type3A_12 = arith.extf %get3A_11 : vector<10000x64xbf16> to vector<10000x64xf32>
    %add3A_13 = arith.addf %convert_element_type3A, %convert_element_type3A_12 : vector<10000x64xf32>
    %get3A_14 = arith.constant 0 : index
    %get3A_15 = arith.constant 0 : index
    %get3A_16 = vector.load %arg2[%get3A_14, %get3A_15] : memref<10000x1xf32, #tpu.memory_space<vmem>>, vector<10000x1xf32>
    %mul3A = vector.broadcast %get3A_16 : vector<10000x1xf32> to vector<10000x64xf32>
    %mul3A_17 = arith.mulf %add3A_13, %mul3A : vector<10000x64xf32>
    %get3A_18 = arith.constant 0 : index
    %get3A_19 = arith.constant 0 : index
    %get3A_20 = vector.load %arg3[%get3A_18, %get3A_19] : memref<1x64xf32, #tpu.memory_space<vmem>>, vector<1x64xf32>
    %add3A_21 = vector.broadcast %get3A_20 : vector<1x64xf32> to vector<10000x64xf32>
    %add3A_22 = arith.addf %mul3A_17, %add3A_21 : vector<10000x64xf32>
    %max3A = arith.constant 0.000000e+00 : f32
    %max3A_23 = vector.broadcast %max3A : f32 to vector<10000x64xf32>
    %max3A_24 = arith.maximumf %add3A_22, %max3A_23 : vector<10000x64xf32>
    %get3A_25 = arith.constant 0 : index
    %get3A_26 = arith.constant 0 : index
    %get3A_27 = vector.load %arg4[%get3A_25, %get3A_26] : memref<64x64xf32, #tpu.memory_space<vmem>>, vector<64x64xf32>
    %dot_general3A = arith.constant dense<0.000000e+00> : vector<10000x64xf32>
    %dot_general3A_28 = tpu.matmul %max3A_24, %get3A_27, %dot_general3A {dimension_numbers = #tpu.dot_dimension_numbers<[1], [0], [0], [1], [0, 0, 1, 1], [], []>, transpose_lhs_hint = false} : vector<10000x64xf32>, vector<64x64xf32>, vector<10000x64xf32> -> vector<10000x64xf32>
    %get3A_29 = arith.constant 0 : index
    %get3A_30 = arith.constant 0 : index
    %get3A_31 = vector.load %arg2[%get3A_29, %get3A_30] : memref<10000x1xf32, #tpu.memory_space<vmem>>, vector<10000x1xf32>
    %mul3A_32 = vector.broadcast %get3A_31 : vector<10000x1xf32> to vector<10000x64xf32>
    %mul3A_33 = arith.mulf %dot_general3A_28, %mul3A_32 : vector<10000x64xf32>
    %convert_element_type3A_34 = arith.truncf %mul3A_33 : vector<10000x64xf32> to vector<10000x64xbf16>
    %swap3A = arith.constant 0 : index
    %swap3A_35 = arith.constant 0 : index
    %swap3A_36 = vector.load %arg5[%swap3A, %swap3A_35] : memref<10000x64xbf16, #tpu.memory_space<vmem>>, vector<10000x64xbf16>
    tpu.vector_store %arg5[%swap3A, %swap3A_35], %convert_element_type3A_34 {strides = array<i32>} : memref<10000x64xbf16, #tpu.memory_space<vmem>>, vector<10000x64xbf16>,
    return
  }
}

module attributes {stable_mosaic.version = 14 : i64} {
  func.func @body(%arg0: memref<2x10000x64xbf16, #tpu.memory_space<vmem>>, %arg1: memref<10000x64xbf16, #tpu.memory_space<vmem>>, %arg2: memref<10000x1xf32, #tpu.memory_space<vmem>>, %arg3: memref<1x64xf32, #tpu.memory_space<vmem>>, %arg4: memref<64x16xf32, #tpu.memory_space<vmem>>, %arg5: memref<10000x16xf32, #tpu.memory_space<vmem>>) attributes {dimension_semantics = [], scalar_prefetch = 0 : i64, scratch_operands = 0 : i64, tpu.core_type = #tpu.core_type<tc>} {
    %get3A = arith.constant 0 : index
    %get3A_0 = arith.constant 0 : index
    %get3A_1 = arith.constant 0 : index
    %get3A_2 = vector.load %arg0[%get3A, %get3A_0, %get3A_1] : memref<2x10000x64xbf16, #tpu.memory_space<vmem>>, vector<1x10000x64xbf16>
    %get3A_3 = vector.shape_cast %get3A_2 : vector<1x10000x64xbf16> to vector<10000x64xbf16>
    %get3A_4 = arith.constant 1 : index
    %get3A_5 = arith.constant 0 : index
    %get3A_6 = arith.constant 0 : index
    %get3A_7 = vector.load %arg0[%get3A_4, %get3A_5, %get3A_6] : memref<2x10000x64xbf16, #tpu.memory_space<vmem>>, vector<1x10000x64xbf16>
    %get3A_8 = vector.shape_cast %get3A_7 : vector<1x10000x64xbf16> to vector<10000x64xbf16>
    %add3A = arith.addf %get3A_3, %get3A_8 : vector<10000x64xbf16>
    %convert_element_type3A = arith.extf %add3A : vector<10000x64xbf16> to vector<10000x64xf32>
    %get3A_9 = arith.constant 0 : index
    %get3A_10 = arith.constant 0 : index
    %get3A_11 = vector.load %arg1[%get3A_9, %get3A_10] : memref<10000x64xbf16, #tpu.memory_space<vmem>>, vector<10000x64xbf16>
    %convert_element_type3A_12 = arith.extf %get3A_11 : vector<10000x64xbf16> to vector<10000x64xf32>
    %add3A_13 = arith.addf %convert_element_type3A, %convert_element_type3A_12 : vector<10000x64xf32>
    %get3A_14 = arith.constant 0 : index
    %get3A_15 = arith.constant 0 : index
    %get3A_16 = vector.load %arg2[%get3A_14, %get3A_15] : memref<10000x1xf32, #tpu.memory_space<vmem>>, vector<10000x1xf32>
    %mul3A = vector.broadcast %get3A_16 : vector<10000x1xf32> to vector<10000x64xf32>
    %mul3A_17 = arith.mulf %add3A_13, %mul3A : vector<10000x64xf32>
    %get3A_18 = arith.constant 0 : index
    %get3A_19 = arith.constant 0 : index
    %get3A_20 = vector.load %arg3[%get3A_18, %get3A_19] : memref<1x64xf32, #tpu.memory_space<vmem>>, vector<1x64xf32>
    %add3A_21 = vector.broadcast %get3A_20 : vector<1x64xf32> to vector<10000x64xf32>
    %add3A_22 = arith.addf %mul3A_17, %add3A_21 : vector<10000x64xf32>
    %max3A = arith.constant 0.000000e+00 : f32
    %max3A_23 = vector.broadcast %max3A : f32 to vector<10000x64xf32>
    %max3A_24 = arith.maximumf %add3A_22, %max3A_23 : vector<10000x64xf32>
    %get3A_25 = arith.constant 0 : index
    %get3A_26 = arith.constant 0 : index
    %get3A_27 = vector.load %arg4[%get3A_25, %get3A_26] : memref<64x16xf32, #tpu.memory_space<vmem>>, vector<64x16xf32>
    %dot_general3A = arith.constant dense<0.000000e+00> : vector<10000x16xf32>
    %dot_general3A_28 = tpu.matmul %max3A_24, %get3A_27, %dot_general3A {dimension_numbers = #tpu.dot_dimension_numbers<[1], [0], [0], [1], [0, 0, 1, 1], [], []>, transpose_lhs_hint = false} : vector<10000x64xf32>, vector<64x16xf32>, vector<10000x16xf32> -> vector<10000x16xf32>
    %get3A_29 = arith.constant 0 : index
    %get3A_30 = arith.constant 0 : index
    %get3A_31 = vector.load %arg2[%get3A_29, %get3A_30] : memref<10000x1xf32, #tpu.memory_space<vmem>>, vector<10000x1xf32>
    %mul3A_32 = vector.broadcast %get3A_31 : vector<10000x1xf32> to vector<10000x16xf32>
    %mul3A_33 = arith.mulf %dot_general3A_28, %mul3A_32 : vector<10000x16xf32>
    %swap3A = arith.constant 0 : index
    %swap3A_34 = arith.constant 0 : index
    %swap3A_35 = vector.load %arg5[%swap3A, %swap3A_34] : memref<10000x16xf32, #tpu.memory_space<vmem>>, vector<10000x16xf32>
    tpu.vector_store %arg5[%swap3A, %swap3A_34], %mul3A_33 {strides = array<i32>} : memref<10000x16xf32, #tpu.memory_space<vmem>>, vector<10000x16xf32>,
    return
  }
}

module attributes {stable_mosaic.version = 14 : i64} {
  func.func @body(%arg0: memref<2x10000x16xf32, #tpu.memory_space<vmem>>, %arg1: memref<10000x16xf32, #tpu.memory_space<vmem>>, %arg2: memref<10000x1xf32, #tpu.memory_space<vmem>>, %arg3: memref<1x16xf32, #tpu.memory_space<vmem>>, %arg4: memref<10000x16xf32, #tpu.memory_space<vmem>>) attributes {dimension_semantics = [], scalar_prefetch = 0 : i64, scratch_operands = 0 : i64, tpu.core_type = #tpu.core_type<tc>} {
    %get3A = arith.constant 0 : index
    %get3A_0 = arith.constant 0 : index
    %get3A_1 = arith.constant 0 : index
    %get3A_2 = vector.load %arg0[%get3A, %get3A_0, %get3A_1] : memref<2x10000x16xf32, #tpu.memory_space<vmem>>, vector<1x10000x16xf32>
    %get3A_3 = vector.shape_cast %get3A_2 : vector<1x10000x16xf32> to vector<10000x16xf32>
    %get3A_4 = arith.constant 1 : index
    %get3A_5 = arith.constant 0 : index
    %get3A_6 = arith.constant 0 : index
    %get3A_7 = vector.load %arg0[%get3A_4, %get3A_5, %get3A_6] : memref<2x10000x16xf32, #tpu.memory_space<vmem>>, vector<1x10000x16xf32>
    %get3A_8 = vector.shape_cast %get3A_7 : vector<1x10000x16xf32> to vector<10000x16xf32>
    %add3A = arith.addf %get3A_3, %get3A_8 : vector<10000x16xf32>
    %get3A_9 = arith.constant 0 : index
    %get3A_10 = arith.constant 0 : index
    %get3A_11 = vector.load %arg1[%get3A_9, %get3A_10] : memref<10000x16xf32, #tpu.memory_space<vmem>>, vector<10000x16xf32>
    %add3A_12 = arith.addf %add3A, %get3A_11 : vector<10000x16xf32>
    %get3A_13 = arith.constant 0 : index
    %get3A_14 = arith.constant 0 : index
    %get3A_15 = vector.load %arg2[%get3A_13, %get3A_14] : memref<10000x1xf32, #tpu.memory_space<vmem>>, vector<10000x1xf32>
    %mul3A = vector.broadcast %get3A_15 : vector<10000x1xf32> to vector<10000x16xf32>
    %mul3A_16 = arith.mulf %add3A_12, %mul3A : vector<10000x16xf32>
    %get3A_17 = arith.constant 0 : index
    %get3A_18 = arith.constant 0 : index
    %get3A_19 = vector.load %arg3[%get3A_17, %get3A_18] : memref<1x16xf32, #tpu.memory_space<vmem>>, vector<1x16xf32>
    %add3A_20 = vector.broadcast %get3A_19 : vector<1x16xf32> to vector<10000x16xf32>
    %add3A_21 = arith.addf %mul3A_16, %add3A_20 : vector<10000x16xf32>
    %swap3A = arith.constant 0 : index
    %swap3A_22 = arith.constant 0 : index
    %swap3A_23 = vector.load %arg4[%swap3A, %swap3A_22] : memref<10000x16xf32, #tpu.memory_space<vmem>>, vector<10000x16xf32>
    tpu.vector_store %arg4[%swap3A, %swap3A_22], %add3A_21 {strides = array<i32>} : memref<10000x16xf32, #tpu.memory_space<vmem>>, vector<10000x16xf32>,
    return
  }
}

</mosaic_0001>

<sc_bundles>
// kernel: kernel.10.cloned.1.call-start
scs
__scs_entry_jumppad:
0x0: {  	(pc) =	sbr.rel $0x88, $3  }
0x1: {  	(tag) =	ssettag $0x0;
	lr =	simm.s32 $0x1  }
0x2: {  	[smem:$0x3F99] =	sst lr;
	_ =	strace $0xD0000000  }
0x3: {  	_ = 	snop  }
0x4: {  	_ = 	snop  }
0x5: {  	_ = 	snop  }
0x6: {  	_ = 	snop  }
0x7: {  	_ = 	snop  }
__scs_overlays_trampoline_lowered:
0x8: {  	[smem:$0x3FA8] =	sst s0  }
0x9: {  	[smem:$0x3FA9] =	sst s1  }
0xa: {  	[smem:$0x3FAA] =	sst s2  }
0xb: {  	[smem:$0x3FAB] =	sst s3  }
0xc: {  	[smem:$0x3FAC] =	sst s4  }
0xd: {  	[smem:$0x3FAD] =	sst s5  }
0xe: {  	[smem:$0x3FAE] =	sst s6  }
0xf: {  	[smem:$0x3FAF] =	sst s7  }
0x10: {  	[smem:$0x3FB0] =	sst s8  }
0x11: {  	[smem:$0x3FB1] =	sst s9;
	s0 =	simm.s32 @!p0 $0x0  }
0x12: {  	s1 =	sld [smem:$0x3F97];
	s0 =	simm.s32 @p0 $0x1  }
0x13: {  	[smem:$0x3FB2] =	sst s0;
	s0 =	simm.s32 @!p1 $0x0  }
0x14: {  	s2 =	sld [smem:$0x3F96];
	s0 =	simm.s32 @p1 $0x1  }
0x15: {  	[smem:$0x3FB3] =	sst s0;
	s0 =	simm.s32 @!p2 $0x0  }
0x16: {  	s3 =	sld [smem:$0x3FDB];
	s0 =	simm.s32 @p2 $0x1  }
0x17: {  	s4 =	simm.s32 $0x1BF5;
	[smem:$0x3FB5] =	sst s0  }
0x18: {  	s0 =	sld [smem:$0x3F98];
	_ =	swait.ge [sflag:s4], $0x0  }
0x19: {  	s7 =	sld [smem:$0x3F99]  }
0x1a: {  	s8 =	sadd.s32 $0xFFFFE003, lr  }
0x1b: {  	s9 =	sadd.s32 $0xFFFFFEF7, lr;
	s5 =	simm.s32 $0xFFFFFFFF;
	p2 =	slt.u32 s8, $0xFFFFF086  }
0x1c: {  	p1 =	slt.u32 s9, $0xF7A;
	s5 =	simm.s32 @!p2 $0x0  }
0x1d: {  	s5 =	simm.s32 @p1 $0x1;
	p0 =	seq.s32 s7, s2  }
0x1e: {  	s7 =	smul.u32 @!p0 $0xF7A, s2;
	p2 =	seq.s32 @!p0 s5, $0x0  }
0x1f: {  	s9 =	smul.u32 $0xF7A, s1;
	s8 =	simm.s32 @!p0 $0x1BF5;
	p2 =	por !p2, p0  }
0x20: {  	[sflag:s8] =	ssyncset.s32 @!p0 $0xFFFFF086;
	s6 =	sadd.s32 @!p0 s3, s7;
	s7 =	simm.s32 @!p0 $0x108  }
0x21: {  	s3 =	sadd.s32 s3, s9;
	s6 =	sadd.s32 @!p0 $0x88, s6;
	s7 =	simm.s32 @p2 $0x1082  }
0x22: {  	[simem:s7], [sflag:s8] =	dma.local @!p0 [hbm:s6], $0xF7A  }
0x23: {  	s9 =	sor.u32 $0xD0000000, s2;
	s6 =	simm.s32 $0x108;
	_ =	swait.ge @!p0 [sflag:s8], $0x0  }
0x24: {  	s3 =	sadd.s32 $0x88, s3;
	s6 =	simm.s32 @!p1 $0x1082;
	[sflag:s4] =	ssyncset.s32 $0xFFFFF086  }
0x25: {  	[simem:s6], [sflag:s4] =	dma.local [hbm:s3], $0xF7A  }
0x26: {  	[smem:$0x3F99] =	sst s1;
	(tag) =	ssettag s2;
	_ =	strace s9  }
0x27: {  	s1 =	sld [smem:$0x3FA9]  }
0x28: {  	s2 =	sld [smem:$0x3FAA]  }
0x29: {  	s4 =	sld [smem:$0x3FAC]  }
0x2a: {  	p0 =	seq.s32 s5, $0x0;
	s5 =	sld [smem:$0x3FAD]  }
0x2b: {  	s6 =	sld [smem:$0x3FAE]  }
0x2c: {  	s7 =	sld [smem:$0x3FAF]  }
0x2d: {  	s3 =	simm.s32 $0x108;
	s8 =	sld [smem:$0x3FB0]  }
0x2e: {  	s3 =	simm.s32 @!p0 $0x1082;
	s9 =	sld [smem:$0x3FB1]  }
0x2f: {  	lr =	sadd.s32 s0, s3;
	s0 =	sld [smem:$0x3FA8]  }
0x30: {  	s3 =	sld [smem:$0x3FAB]  }
0x31: {  	[smem:$0x3FB4] =	sst s10  }
0x32: {  	s10 =	sld [smem:$0x3FB2];
	_ =	sdelay $0x3  }
0x33: {  	p0 =	seq.s32 s10, $0x1;
	s10 =	sld [smem:$0x3FB4];
	_ =	sdelay $0x3  }
0x34: {  	[smem:$0x3FB4] =	sst s10  }
0x35: {  	s10 =	sld [smem:$0x3FB3];
	_ =	sdelay $0x3  }
0x36: {  	p1 =	seq.s32 s10, $0x1;
	s10 =	sld [smem:$0x3FB4];
	_ =	sdelay $0x3  }
0x37: {  	[smem:$0x3FB4] =	sst s10  }
0x38: {  	s10 =	sld [smem:$0x3FB5]  }
0x39: {  	_ = 	snop;
	(pc) =	sbr.ind lr, $3  }
0x3a: {  	_ = 	snop  }
0x3b: {  	_ = 	snop  }
0x3c: {  	p2 =	seq.s32 s10, $0x1;
	s10 =	sld [smem:$0x3FB4]  }
0x3d: {  	_ =	shalt  }
0x3e: {  	_ =	shalt  }
0x3f: {  	_ =	shalt  }
0x40: {  	_ =	shalt  }
0x41: {  	_ =	shalt  }
0x42: {  	_ =	shalt  }
0x43: {  	_ =	shalt  }
0x44: {  	_ =	shalt  }
0x45: {  	_ =	shalt  }
0x46: {  	_ =	shalt  }
0x47: {  	_ =	shalt  }
0x48: {  	_ =	shalt  }
0x49: {  	_ =	shalt  }
0x4a: {  	_ =	shalt  }
0x4b: {  	_ =	shalt  }
0x4c: {  	_ =	shalt  }
0x4d: {  	_ =	shalt  }
0x4e: {  	_ =	shalt  }
0x4f: {  	_ =	shalt  }
0x50: {  	_ =	shalt  }
0x51: {  	_ =	shalt  }
0x52: {  	_ =	shalt  }
0x53: {  	_ =	shalt  }
0x54: {  	_ =	shalt  }
0x55: {  	_ =	shalt  }
0x56: {  	_ =	shalt  }
0x57: {  	_ =	shalt  }
0x58: {  	_ =	shalt  }
0x59: {  	_ =	shalt  }
0x5a: {  	_ =	shalt  }
0x5b: {  	_ =	shalt  }
0x5c: {  	_ =	shalt  }
0x5d: {  	_ =	shalt  }
0x5e: {  	_ =	shalt  }
0x5f: {  	_ =	shalt  }
0x60: {  	_ =	shalt  }
0x61: {  	_ =	shalt  }
0x62: {  	_ =	shalt  }
0x63: {  	_ =	shalt  }
0x64: {  	_ =	shalt  }
0x65: {  	_ =	shalt  }
0x66: {  	_ =	shalt  }
0x67: {  	_ =	shalt  }
0x68: {  	_ =	shalt  }
0x69: {  	_ =	shalt  }
0x6a: {  	_ =	shalt  }
0x6b: {  	_ =	shalt  }
0x6c: {  	_ =	shalt  }
0x6d: {  	_ =	shalt  }
0x6e: {  	_ =	shalt  }
0x6f: {  	_ =	shalt  }
0x70: {  	_ =	shalt  }
0x71: {  	_ =	shalt  }
0x72: {  	_ =	shalt  }
0x73: {  	_ =	shalt  }
0x74: {  	_ =	shalt  }
0x75: {  	_ =	shalt  }
0x76: {  	_ =	shalt  }
0x77: {  	_ =	shalt  }
0x78: {  	_ =	shalt  }
0x79: {  	_ =	shalt  }
0x7a: {  	_ =	shalt  }
0x7b: {  	_ =	shalt  }
0x7c: {  	_ =	shalt  }
0x7d: {  	_ =	shalt  }
0x7e: {  	_ =	shalt  }
0x7f: {  	_ =	shalt  }
0x80: {  	_ =	shalt  }
0x81: {  	_ =	shalt  }
0x82: {  	_ =	shalt  }
0x83: {  	_ =	shalt  }
0x84: {  	_ =	shalt  }
0x85: {  	_ =	shalt  }
0x86: {  	_ =	shalt  }
0x87: {  	_ =	shalt  }
.Lfunc_end0:
.L_simem_size_0:
called_computation_lowered:
.L_overlay_start_0:
0x88: {  	s2 =	sld [smem:$0x3FD9]  }
0x89: {  	s3 =	sld [smem:$0x3FFE];
	_ =	sdelay $0x1  }
0x8a: {  	s1 =	srdreg.scid  }
0x8b: {  	s0 =	sand.u32 $0x1, s1  }
0x8c: {  	s16 =	sshll.u32 s0, $0xA;
	s2 =	sadd.s32 s3, s2  }
0x8d: {  	s2 =	sadd.s32 s2, s16  }
0x8e: {  	[smem:$0x3FC0] =	sst s2  }
0x8f: {  	_ = 	snop  }
0x90: {  	(tm) =	ssettm $0x1  }
0x91: {  	s17 =	sld [smem:$0x3FFB];
	_ =	sdelay $0x3  }
0x92: {  	_ =	strace s17  }
0x93: {  	s2 =	sld [smem:$0x3FFC];
	_ =	sdelay $0x3  }
0x94: {  	_ =	strace s2  }
0x95: {  	s2 =	sld [smem:$0x3FFD];
	_ =	sdelay $0x3  }
0x96: {  	_ =	strace s2  }
0x97: {  	_ =	strace $0x8FFFFFFF  }
0x98: {  	s18 =	sld [smem:$0x3FDB];
	_ =	sdelay $0x1  }
0x99: {  	s19 =	simm.s32 $_scs_section_size  }
0x9a: {  	s4 =	simm.s32 $_size__tile_overlayer_lowered;
	s5 =	simm.s32 $_tile_overlayer_lowered  }
0x9b: {  	s22 =	simm.s32 $0x1BFF;
	s21 =	sshll.u32 s5, $0x1;
	s2 =	sadd.s32 s19, s18  }
0x9c: {  	s6 =	simm.s32 $0x0;
	s20 =	sshll.u32 s4, $0x1;
	s4 =	sadd.s32 s21, s2  }
0x9d: {  	[timem:s6], [sflag:s22] =	dma.local [hbm:s4], s20  }
0x9e: {  	_ =	swait.ge [sflag:s22], s20  }
0x9f: {  	s3 =	ssub.s32 $0x0, s20;
	[sflag:s22] =	ssyncset.done $0x0  }
0xa0: {  	[sflag:s22] =	ssyncadd.s32 s3;
	_ =	sdelay $0x1  }
0xa1: {  	s23 =	simm.s32 $0x1B8B  }
0xa2: {  	_ =	swait.ge [sflag:s23], $0x1  }
0xa3: {  	[sflag:s23] =	ssyncset.done $0x0  }
0xa4: {  	s25 =	simm.s32 $0x1B8E;
	s24 =	sld [smem:$0x3FFE];
	[sflag:s23] =	ssyncadd.s32 $0xFFFFFFFF  }
0xa5: {  	s26 =	simm.s32 $execute0_lowered;
	[smem:$0x3FD2] =	sst s25  }
0xa6: {  	s4 =	sshll.u32 s26, $0x1;
	_ =	strace $0x80000046;
	[dreg:$0x1] =	wrdreg $0xFFFFFFFF  }
0xa7: {  	s28 =	simm.s32 $_size_execute0_lowered;
	s2 =	sadd.s32 s2, s4;
	[dreg:$0x0] =	wrdreg $0x0  }
0xa8: {  	s4 =	sshll.u32 s28, $0x1;
	[dreg:$0x2] =	wrdreg s2  }
0xa9: {  	[dreg:$0x3] =	wrdreg s4  }
0xaa: {  	[dreg:$0x4] =	wrdreg $0xC0  }
0xab: {  	_ =	task [dreg:s6], $0x5FFFF  }
0xac: {  	[dreg:$0x1] =	wrdreg $0xFFFFFFFF  }
0xad: {  	[dreg:$0x0] =	wrdreg $0x60  }
0xae: {  	[dreg:$0x2] =	wrdreg s24  }
0xaf: {  	[dreg:$0x3] =	wrdreg $0x9  }
0xb0: {  	_ =	task.clear_ibuf [dreg:s6], $0x4FFFF;
	_ =	strace $0x90000046  }
0xb1: {  	s29 =	simm.s32 $0x9;
	_ =	strace $0x80000048  }
0xb2: {  	_ =	swait.ge [sflag:s29], $0x1  }
0xb3: {  	[sflag:s29] =	ssyncadd.s32 $0xFFFFFFFF  }
0xb4: {  	_ =	strace $0x90000048  }
0xb5: {  	_ =	sfence  }
0xb6: {  	s30 =	sld [smem:$0x0];
	_ =	sdelay $0x2  }
0xb7: {  	s31 =	sshll.u32 s1, $0xD;
	s1 =	sshrl.u32 s1, $0x2  }
0xb8: {  	s3 =	sand.u32 $0x4000, s31;
	s1 =	sadd.s32 s1, s30  }
0xb9: {  	s0 =	sor.u32 s3, s0;
	s1 =	sshll.u32 s1, $0x11  }
0xba: {  	s0 =	sor.u32 s1, s0  }
0xbb: {  	s0 =	sadd.s32 $0x8F2B, s0  }
0xbc: {  	[sflag:s0] =	ssyncadd.remote.s32 $0x1  }
0xbd: {  	_ =	sfence.sel $0xFFFF  }
0xbe: {  	[dreg:$0x0] =	wrdreg $0xFFFFFFFF;
	(pc) =	sbr.abs _section_cstart, $3  }
0xbf: {  	[dreg:$0x1] =	wrdreg $0xFFFFFFFF  }
0xc0: {  	_ =	task.clear_ibuf [dreg:s6], $0x2FFFF;
	_ =	strace $0x9FFFFFFF  }
0xc1: {  	(tm) =	ssettm $0x7FFFFFFF  }
tec
execute0_lowered:
.L_overlay_start_1:
0x0: {  	(tag) =	ssettag $0x1  }
0x1: {  	s1 =	srdreg.scid;
	s0 =	stileid.u32  }
0x2: {  	s4 =	sand.u32 $0x1, s1;
	s2 =	sshll.u32 s0, $0x1  }
0x3: {  	s3 =	rddreg [dreg:$0x0];
	s5 =	sor.u32 s4, s2  }
0x4: {  	s7 =	simm.s32 $0x1;
	s8 =	simm.s32 $0x0;
	s5 =	smul.u32 $0x4E2, s5  }
0x5: {  	s1 =	rddreg [dreg:$0x1];
	s2 =	simm.s32 $0x0;
	s4 =	ssub.s32 $0x2, s4  }
0x6: {  	[smem:$0x7FF] =	sst s2;
	s6 =	sshrl.u32 s4, $0x1;
	s5 =	sadd.s32 s5, s3  }
0x7: {  	_ =	strace $0x80000047;
	s6 =	ssub.s32 s4, s6;
	s3 =	sadd.s32 $0x2000, s5  }
0x8: {  	v0 =	vimm.f32 $0.0e+00;
	v1 =	vimm.f32 $1.000000000e+00;
	s4 =	sadd.s32 $0xBE00, s5;
	s5 =	smax.u32 s6, $0x1;
	s6 =	simm.s32 $0x2710  }
.LBB2_1:
0x9: {  	[tilespmem:s6], [sflag:$0x1] =	stream.linear.gather [hbm4b:s3+s2], $0x2710, $0x38;
	[tilespmem:$0x4E20] =	vst v63  }
0xa: {  	_ =	swait.ge [sflag:s7], $0x2710  }
0xb: {  	[sflag:s7] =	ssyncset.done $0x0  }
0xc: {  	s9 =	simm.s32 $0x0;
	[sflag:s7] =	ssyncadd.s32 $0xFFFFD8F0  }
.LBB2_2:
0xd: {  	p0 =	sne.s32 s9, $0x9C00  }
.Ltmp0:
0xe: {  	_ = 	snop;
	(pc) =	sbr.rel @p0 .LBB2_2-.Ltmp0, $3  }
0xf: {  	_ =	sdelay $0x1  }
0x10: {  	s10 =	sshra.s32 s9, $0x2  }
0x11: {  	s9 =	sadd.s32 $0x40, s9;
	[tilespmem:s10+$0x0] =	vst v0  }
0x12: {  	s10 =	simm.s32 $0x0;
	s9 =	simm.s32 $0x40  }
.LBB2_4:
0x13: {  	p0 =	sne.s32 s9, $0x9C00;
	v2 =	vld [tilespmem:s10+$0x2710];
	_ =	sdelay $0x3  }
.Ltmp1:
0x14: {  	(pc) =	sbr.rel @p0 .LBB2_4-.Ltmp1, $2  }
0x15: {  	_ =	sdelay $0x2  }
0x16: {  	s10 =	sshra.s32 s9, $0x2;
	s9 =	sadd.s32 $0x40, s9;
	[tilespmem:v2+s2+$0x0] =	vst.idx.add.f32.msk $0xffff, v1  }
0x17: {  	v2 =	vld [tilespmem:s10+$0x2710];
	_ =	sdelay $0x5  }
0x18: {  	s8 =	sadd.s32 $0x1, s8  }
0x19: {  	p0 =	sne.s32 s8, s5  }
.Ltmp2:
0x1a: {  	[tilespmem:v2+s2+$0x0] =	vst.idx.add.f32.msk $0xffff, v1;
	(pc) =	sbr.rel @p0 .LBB2_1-.Ltmp2, $4  }
0x1b: {  	[hbm4b:s4+s2] =	stream.linear.scatter [tilespmem:s2], [sflag:$0x1], $0x2710, $0x38;
	[tilespmem:$0x4E20] =	vst v63  }
0x1c: {  	_ =	swait.ge [sflag:s7], $0x2710  }
0x1d: {  	[sflag:s7] =	ssyncset.done $0x0  }
0x1e: {  	[sflag:s7] =	ssyncadd.s32 $0xFFFFD8F0  }
0x1f: {  	_ =	sfence.sel $0x180000  }
0x20: {  	[bflag:$0x0] =	sbarrier.arrive $0xFFFF  }
0x21: {  	p0 =	sne.s32 s0, $0x0;
	_ =	strace $0x90000047  }
0x22: {  	s0 =	sadd.s32 @!p0 $0x100000, s1;
	[bflag:$0x2] =	sbarrier.arrive $0xFFFF  }
0x23: {  	[sflag:s0] =	ssyncadd.tile.s32 @!p0 $0x1;
	_ =	shalt  }
.Lfunc_end2:
_tile_overlayer_lowered:
.L_overlay_start_2:
0x24: {  	(tag) =	ssettag $0x2  }
0x25: {  	s0 =	rddreg [dreg:$0x0];
	s2 =	stileid.u32  }
0x26: {  	s1 =	rddreg [dreg:$0x1];
	p0 =	sne.s32 s2, $0x0  }
0x27: {  	s3 =	rddreg [dreg:$0x2];
	[bflag:$0x3] =	sbarrier.arrive $0xFFFF;
	s2 =	simm.s32 @!p0 $0x1C01  }
0x28: {  	[timem:s3], [sflag:s2] =	dma.local @!p0 [hbm:s0], s1  }
0x29: {  	s0 =	simm.s32 @!p0 $0x1  }
0x2a: {  	_ =	swait.ge @!p0 [sflag:s0], s1  }
0x2b: {  	s1 =	ssub.s32 @!p0 $0x0, s1;
	[sflag:s0] =	ssyncset.done @!p0 $0x0  }
0x2c: {  	[sflag:s0] =	ssyncadd.s32 @!p0 s1  }
0x2d: {  	[bflag:$0x3] =	sbarrier.arrive $0xFFFF  }
0x2e: {  	_ =	shalt  }

// kernel: kernel.13.cloned.1.call-start
scs
__scs_entry_jumppad:
0x0: {  	(pc) =	sbr.rel $0x88, $3  }
0x1: {  	(tag) =	ssettag $0x0;
	lr =	simm.s32 $0x1  }
0x2: {  	[smem:$0x3F99] =	sst lr;
	_ =	strace $0xD0000000  }
0x3: {  	_ = 	snop  }
0x4: {  	_ = 	snop  }
0x5: {  	_ = 	snop  }
0x6: {  	_ = 	snop  }
0x7: {  	_ = 	snop  }
__scs_overlays_trampoline_lowered:
0x8: {  	[smem:$0x3FA8] =	sst s0  }
0x9: {  	[smem:$0x3FA9] =	sst s1  }
0xa: {  	[smem:$0x3FAA] =	sst s2  }
0xb: {  	[smem:$0x3FAB] =	sst s3  }
0xc: {  	[smem:$0x3FAC] =	sst s4  }
0xd: {  	[smem:$0x3FAD] =	sst s5  }
0xe: {  	[smem:$0x3FAE] =	sst s6  }
0xf: {  	[smem:$0x3FAF] =	sst s7  }
0x10: {  	[smem:$0x3FB0] =	sst s8  }
0x11: {  	[smem:$0x3FB1] =	sst s9;
	s0 =	simm.s32 @!p0 $0x0  }
0x12: {  	s1 =	sld [smem:$0x3F97];
	s0 =	simm.s32 @p0 $0x1  }
0x13: {  	[smem:$0x3FB2] =	sst s0;
	s0 =	simm.s32 @!p1 $0x0  }
0x14: {  	s2 =	sld [smem:$0x3F96];
	s0 =	simm.s32 @p1 $0x1  }
0x15: {  	[smem:$0x3FB3] =	sst s0;
	s0 =	simm.s32 @!p2 $0x0  }
0x16: {  	s3 =	sld [smem:$0x3FDB];
	s0 =	simm.s32 @p2 $0x1  }
0x17: {  	s4 =	simm.s32 $0x1BF5;
	[smem:$0x3FB5] =	sst s0  }
0x18: {  	s0 =	sld [smem:$0x3F98];
	_ =	swait.ge [sflag:s4], $0x0  }
0x19: {  	s7 =	sld [smem:$0x3F99]  }
0x1a: {  	s8 =	sadd.s32 $0xFFFFE003, lr  }
0x1b: {  	s9 =	sadd.s32 $0xFFFFFEF7, lr;
	s5 =	simm.s32 $0xFFFFFFFF;
	p2 =	slt.u32 s8, $0xFFFFF086  }
0x1c: {  	p1 =	slt.u32 s9, $0xF7A;
	s5 =	simm.s32 @!p2 $0x0  }
0x1d: {  	s5 =	simm.s32 @p1 $0x1;
	p0 =	seq.s32 s7, s2  }
0x1e: {  	s7 =	smul.u32 @!p0 $0xF7A, s2;
	p2 =	seq.s32 @!p0 s5, $0x0  }
0x1f: {  	s9 =	smul.u32 $0xF7A, s1;
	s8 =	simm.s32 @!p0 $0x1BF5;
	p2 =	por !p2, p0  }
0x20: {  	[sflag:s8] =	ssyncset.s32 @!p0 $0xFFFFF086;
	s6 =	sadd.s32 @!p0 s3, s7;
	s7 =	simm.s32 @!p0 $0x108  }
0x21: {  	s3 =	sadd.s32 s3, s9;
	s6 =	sadd.s32 @!p0 $0x88, s6;
	s7 =	simm.s32 @p2 $0x1082  }
0x22: {  	[simem:s7], [sflag:s8] =	dma.local @!p0 [hbm:s6], $0xF7A  }
0x23: {  	s9 =	sor.u32 $0xD0000000, s2;
	s6 =	simm.s32 $0x108;
	_ =	swait.ge @!p0 [sflag:s8], $0x0  }
0x24: {  	s3 =	sadd.s32 $0x88, s3;
	s6 =	simm.s32 @!p1 $0x1082;
	[sflag:s4] =	ssyncset.s32 $0xFFFFF086  }
0x25: {  	[simem:s6], [sflag:s4] =	dma.local [hbm:s3], $0xF7A  }
0x26: {  	[smem:$0x3F99] =	sst s1;
	(tag) =	ssettag s2;
	_ =	strace s9  }
0x27: {  	s1 =	sld [smem:$0x3FA9]  }
0x28: {  	s2 =	sld [smem:$0x3FAA]  }
0x29: {  	s4 =	sld [smem:$0x3FAC]  }
0x2a: {  	p0 =	seq.s32 s5, $0x0;
	s5 =	sld [smem:$0x3FAD]  }
0x2b: {  	s6 =	sld [smem:$0x3FAE]  }
0x2c: {  	s7 =	sld [smem:$0x3FAF]  }
0x2d: {  	s3 =	simm.s32 $0x108;
	s8 =	sld [smem:$0x3FB0]  }
0x2e: {  	s3 =	simm.s32 @!p0 $0x1082;
	s9 =	sld [smem:$0x3FB1]  }
0x2f: {  	lr =	sadd.s32 s0, s3;
	s0 =	sld [smem:$0x3FA8]  }
0x30: {  	s3 =	sld [smem:$0x3FAB]  }
0x31: {  	[smem:$0x3FB4] =	sst s10  }
0x32: {  	s10 =	sld [smem:$0x3FB2];
	_ =	sdelay $0x3  }
0x33: {  	p0 =	seq.s32 s10, $0x1;
	s10 =	sld [smem:$0x3FB4];
	_ =	sdelay $0x3  }
0x34: {  	[smem:$0x3FB4] =	sst s10  }
0x35: {  	s10 =	sld [smem:$0x3FB3];
	_ =	sdelay $0x3  }
0x36: {  	p1 =	seq.s32 s10, $0x1;
	s10 =	sld [smem:$0x3FB4];
	_ =	sdelay $0x3  }
0x37: {  	[smem:$0x3FB4] =	sst s10  }
0x38: {  	s10 =	sld [smem:$0x3FB5]  }
0x39: {  	_ = 	snop;
	(pc) =	sbr.ind lr, $3  }
0x3a: {  	_ = 	snop  }
0x3b: {  	_ = 	snop  }
0x3c: {  	p2 =	seq.s32 s10, $0x1;
	s10 =	sld [smem:$0x3FB4]  }
0x3d: {  	_ =	shalt  }
0x3e: {  	_ =	shalt  }
0x3f: {  	_ =	shalt  }
0x40: {  	_ =	shalt  }
0x41: {  	_ =	shalt  }
0x42: {  	_ =	shalt  }
0x43: {  	_ =	shalt  }
0x44: {  	_ =	shalt  }
0x45: {  	_ =	shalt  }
0x46: {  	_ =	shalt  }
0x47: {  	_ =	shalt  }
0x48: {  	_ =	shalt  }
0x49: {  	_ =	shalt  }
0x4a: {  	_ =	shalt  }
0x4b: {  	_ =	shalt  }
0x4c: {  	_ =	shalt  }
0x4d: {  	_ =	shalt  }
0x4e: {  	_ =	shalt  }
0x4f: {  	_ =	shalt  }
0x50: {  	_ =	shalt  }
0x51: {  	_ =	shalt  }
0x52: {  	_ =	shalt  }
0x53: {  	_ =	shalt  }
0x54: {  	_ =	shalt  }
0x55: {  	_ =	shalt  }
0x56: {  	_ =	shalt  }
0x57: {  	_ =	shalt  }
0x58: {  	_ =	shalt  }
0x59: {  	_ =	shalt  }
0x5a: {  	_ =	shalt  }
0x5b: {  	_ =	shalt  }
0x5c: {  	_ =	shalt  }
0x5d: {  	_ =	shalt  }
0x5e: {  	_ =	shalt  }
0x5f: {  	_ =	shalt  }
0x60: {  	_ =	shalt  }
0x61: {  	_ =	shalt  }
0x62: {  	_ =	shalt  }
0x63: {  	_ =	shalt  }
0x64: {  	_ =	shalt  }
0x65: {  	_ =	shalt  }
0x66: {  	_ =	shalt  }
0x67: {  	_ =	shalt  }
0x68: {  	_ =	shalt  }
0x69: {  	_ =	shalt  }
0x6a: {  	_ =	shalt  }
0x6b: {  	_ =	shalt  }
0x6c: {  	_ =	shalt  }
0x6d: {  	_ =	shalt  }
0x6e: {  	_ =	shalt  }
0x6f: {  	_ =	shalt  }
0x70: {  	_ =	shalt  }
0x71: {  	_ =	shalt  }
0x72: {  	_ =	shalt  }
0x73: {  	_ =	shalt  }
0x74: {  	_ =	shalt  }
0x75: {  	_ =	shalt  }
0x76: {  	_ =	shalt  }
0x77: {  	_ =	shalt  }
0x78: {  	_ =	shalt  }
0x79: {  	_ =	shalt  }
0x7a: {  	_ =	shalt  }
0x7b: {  	_ =	shalt  }
0x7c: {  	_ =	shalt  }
0x7d: {  	_ =	shalt  }
0x7e: {  	_ =	shalt  }
0x7f: {  	_ =	shalt  }
0x80: {  	_ =	shalt  }
0x81: {  	_ =	shalt  }
0x82: {  	_ =	shalt  }
0x83: {  	_ =	shalt  }
0x84: {  	_ =	shalt  }
0x85: {  	_ =	shalt  }
0x86: {  	_ =	shalt  }
0x87: {  	_ =	shalt  }
.Lfunc_end0:
.L_simem_size_0:
called_computation.1_lowered:
.L_overlay_start_0:
0x88: {  	s2 =	sld [smem:$0x3FD9]  }
0x89: {  	s3 =	sld [smem:$0x3FFE];
	_ =	sdelay $0x1  }
0x8a: {  	s1 =	srdreg.scid  }
0x8b: {  	s0 =	sand.u32 $0x1, s1  }
0x8c: {  	s16 =	sshll.u32 s0, $0xA;
	s2 =	sadd.s32 s3, s2  }
0x8d: {  	s2 =	sadd.s32 s2, s16  }
0x8e: {  	[smem:$0x3FC0] =	sst s2  }
0x8f: {  	_ = 	snop  }
0x90: {  	(tm) =	ssettm $0x1  }
0x91: {  	s17 =	sld [smem:$0x3FFB];
	_ =	sdelay $0x3  }
0x92: {  	_ =	strace s17  }
0x93: {  	s2 =	sld [smem:$0x3FFC];
	_ =	sdelay $0x3  }
0x94: {  	_ =	strace s2  }
0x95: {  	s2 =	sld [smem:$0x3FFD];
	_ =	sdelay $0x3  }
0x96: {  	_ =	strace s2  }
0x97: {  	_ =	strace $0x8FFFFFFF  }
0x98: {  	s18 =	sld [smem:$0x3FDB];
	_ =	sdelay $0x1  }
0x99: {  	s19 =	simm.s32 $_scs_section_size  }
0x9a: {  	s4 =	simm.s32 $_size__tile_overlayer_lowered;
	s5 =	simm.s32 $_tile_overlayer_lowered  }
0x9b: {  	s22 =	simm.s32 $0x1BFF;
	s21 =	sshll.u32 s5, $0x1;
	s2 =	sadd.s32 s19, s18  }
0x9c: {  	s6 =	simm.s32 $0x0;
	s20 =	sshll.u32 s4, $0x1;
	s4 =	sadd.s32 s21, s2  }
0x9d: {  	[timem:s6], [sflag:s22] =	dma.local [hbm:s4], s20  }
0x9e: {  	_ =	swait.ge [sflag:s22], s20  }
0x9f: {  	s3 =	ssub.s32 $0x0, s20;
	[sflag:s22] =	ssyncset.done $0x0  }
0xa0: {  	[sflag:s22] =	ssyncadd.s32 s3;
	_ =	sdelay $0x1  }
0xa1: {  	s23 =	simm.s32 $0x1B8B  }
0xa2: {  	_ =	swait.ge [sflag:s23], $0x1  }
0xa3: {  	[sflag:s23] =	ssyncset.done $0x0  }
0xa4: {  	s25 =	simm.s32 $0x1B8E;
	s24 =	sld [smem:$0x3FFE];
	[sflag:s23] =	ssyncadd.s32 $0xFFFFFFFF  }
0xa5: {  	s26 =	simm.s32 $execute0_lowered;
	[smem:$0x3FD2] =	sst s25  }
0xa6: {  	s4 =	sshll.u32 s26, $0x1;
	_ =	strace $0x80000049;
	[dreg:$0x1] =	wrdreg $0xFFFFFFFF  }
0xa7: {  	s28 =	simm.s32 $_size_execute0_lowered;
	s2 =	sadd.s32 s2, s4;
	[dreg:$0x0] =	wrdreg $0x0  }
0xa8: {  	s4 =	sshll.u32 s28, $0x1;
	[dreg:$0x2] =	wrdreg s2  }
0xa9: {  	[dreg:$0x3] =	wrdreg s4  }
0xaa: {  	[dreg:$0x4] =	wrdreg $0xC0  }
0xab: {  	_ =	task [dreg:s6], $0x5FFFF  }
0xac: {  	[dreg:$0x1] =	wrdreg $0xFFFFFFFF  }
0xad: {  	[dreg:$0x0] =	wrdreg $0x60  }
0xae: {  	[dreg:$0x2] =	wrdreg s24  }
0xaf: {  	[dreg:$0x3] =	wrdreg $0xD0000  }
0xb0: {  	[dreg:$0x4] =	wrdreg $0x9  }
0xb1: {  	_ =	task.clear_ibuf [dreg:s6], $0x5FFFF;
	_ =	strace $0x90000049  }
0xb2: {  	s29 =	simm.s32 $0x9;
	_ =	strace $0x8000004B  }
0xb3: {  	_ =	swait.ge [sflag:s29], $0x1  }
0xb4: {  	[sflag:s29] =	ssyncadd.s32 $0xFFFFFFFF  }
0xb5: {  	_ =	strace $0x9000004B  }
0xb6: {  	_ =	sfence  }
0xb7: {  	s30 =	sld [smem:$0x0];
	_ =	sdelay $0x2  }
0xb8: {  	s31 =	sshll.u32 s1, $0xD;
	s1 =	sshrl.u32 s1, $0x2  }
0xb9: {  	s3 =	sand.u32 $0x4000, s31;
	s1 =	sadd.s32 s1, s30  }
0xba: {  	s0 =	sor.u32 s3, s0;
	s1 =	sshll.u32 s1, $0x11  }
0xbb: {  	s0 =	sor.u32 s1, s0  }
0xbc: {  	s0 =	sadd.s32 $0x8F2B, s0  }
0xbd: {  	[sflag:s0] =	ssyncadd.remote.s32 $0x1  }
0xbe: {  	_ =	sfence.sel $0xFFFF  }
0xbf: {  	[dreg:$0x0] =	wrdreg $0xFFFFFFFF;
	(pc) =	sbr.abs _section_cstart, $3  }
0xc0: {  	[dreg:$0x1] =	wrdreg $0xFFFFFFFF  }
0xc1: {  	_ =	task.clear_ibuf [dreg:s6], $0x2FFFF;
	_ =	strace $0x9FFFFFFF  }
0xc2: {  	(tm) =	ssettm $0x7FFFFFFF  }
0xc3: {  	_ =	shalt  }
tec
execute0_lowered:
.L_overlay_start_1:
0x0: {  	(tag) =	ssettag $0x1  }
0x1: {  	s0 =	srdreg.scid;
	s3 =	rddreg [dreg:$0x0]  }
0x2: {  	s8 =	stileid.u32;
	s2 =	rddreg [dreg:$0x1]  }
0x3: {  	s4 =	simm.s32 $0x0;
	s11 =	simm.s32 $0x11;
	s13 =	simm.s32 $0x80  }
0x4: {  	s14 =	simm.s32 $0x5000;
	s15 =	simm.s32 $0x6000;
	s17 =	simm.s32 $0x7000  }
0x5: {  	s19 =	simm.s32 $0x8000;
	s28 =	simm.s32 $0xC000;
	s29 =	simm.s32 $0x1  }
0x6: {  	s30 =	simm.s32 $0x9;
	s31 =	simm.s32 $0x2;
	s12 =	simm.s32 $0x3  }
0x7: {  	s16 =	simm.s32 $0xB;
	s18 =	simm.s32 $0x4;
	s9 =	simm.s32 $0x0  }
0x8: {  	s0 =	sand.u32 $0x1, s0;
	s1 =	sshll.u32 s8, $0x1;
	s5 =	smul.u32 $0x9C40, s8  }
0x9: {  	[smem:$0x7FF] =	sst s4;
	s4 =	sadd.s32 $0x2000, s3;
	s20 =	smul.u32 $0x13880, s8  }
0xa: {  	s8 =	simm.s32 $0x10;
	s1 =	sor.u32 s0, s1;
	s6 =	smul.u32 $0x9C400, s0  }
0xb: {  	_ =	strace $0x8000004A;
	s0 =	ssub.s32 $0x2, s0;
	s1 =	smul.u32 $0x500, s1  }
0xc: {  	s7 =	sshrl.u32 s5, $0x4;
	s21 =	sshrl.u32 s0, $0x1;
	s23 =	sshrl.u32 s20, $0x2  }
0xd: {  	s20 =	simm.s32 $0xC;
	s5 =	sadd.s32 s5, s6;
	s7 =	sadd.s32 s7, s3  }
0xe: {  	s0 =	ssub.s32 s0, s21;
	s24 =	sadd.s32 s23, s2;
	s21 =	simm.s32 $0x9000  }
0xf: {  	s23 =	simm.s32 $0xA000;
	s6 =	simm.s32 $0xF;
	s1 =	sadd.s32 s1, s3  }
0x10: {  	s5 =	sshrl.u32 s5, $0x4;
	[dreg:$0x5] =	wrdreg s24;
	s25 =	sadd.s32 $0x15C00, s7  }
0x11: {  	s0 =	smax.u32 s0, $0x1;
	s24 =	simm.s32 $0xD;
	s7 =	simm.s32 $0x8  }
0x12: {  	s3 =	sadd.s32 s5, s3;
	s22 =	sadd.s32 $0x1FA00, s1;
	[dreg:$0x6] =	wrdreg s25  }
0x13: {  	s1 =	sadd.s32 $0x29A00, s1;
	[dreg:$0x8] =	wrdreg s0;
	s25 =	simm.s32 $0xB000  }
0x14: {  	s0 =	simm.s32 $0xE;
	s5 =	simm.s32 $0x7;
	[dreg:$0x3] =	wrdreg s22  }
0x15: {  	[dreg:$0x4] =	wrdreg s1;
	s26 =	sadd.s32 $0x33A00, s3;
	s1 =	simm.s32 $0xA  }
0x16: {  	s22 =	simm.s32 $0x5;
	[dreg:$0x7] =	wrdreg s26;
	s26 =	simm.s32 $0x6  }
.LBB2_1:
0x17: {  	[dreg:$0x9] =	wrdreg s9  }
0x18: {  	s3 =	simm.s32 $0x0;
	s10 =	rddreg [dreg:$0x3]  }
0x19: {  	[tilespmem:s3], [sflag:$0x11] =	stream.linear.gather [hbm4b:s10+s3], $0x2800, $0x38;
	[tilespmem:$0x11E30] =	vst v63  }
0x1a: {  	_ =	swait.ge [sflag:s11], $0x2800  }
0x1b: {  	[sflag:s11] =	ssyncset.done $0x0  }
0x1c: {  	s9 =	simm.s32 $0x2800;
	s10 =	rddreg [dreg:$0x4];
	[sflag:s11] =	ssyncadd.s32 $0xFFFFD800  }
0x1d: {  	[tilespmem:s9], [sflag:$0x11] =	stream.linear.gather [hbm4b:s10+s3], $0x2800, $0x38;
	[tilespmem:$0x11E30] =	vst v63  }
0x1e: {  	_ =	swait.ge [sflag:s11], $0x2800  }
0x1f: {  	[sflag:s11] =	ssyncset.done $0x0  }
0x20: {  	[sflag:s11] =	ssyncadd.s32 $0xFFFFD800  }
0x21: {  	[tilespmem:s14], [sflag:$0x1] =	stream.indirect.gather [hbm4b:s4+s13], $0x20, s3, s13, $0xb8;
	[tilespmem:$0x11E30] =	vst v63  }
0x22: {  	_ = 	snop  }
0x23: {  	[tilespmem:s15], [sflag:$0x2] =	stream.indirect.gather [hbm4b:s4+s13], $0x20, s13, s13, $0xb8;
	[tilespmem:$0x11E30] =	vst v63  }
0x24: {  	s9 =	simm.s32 $0x100  }
0x25: {  	[tilespmem:s17], [sflag:$0x3] =	stream.indirect.gather [hbm4b:s4+s13], $0x20, s9, s13, $0xb8;
	[tilespmem:$0x11E30] =	vst v63  }
0x26: {  	s10 =	simm.s32 $0x180  }
0x27: {  	[tilespmem:s19], [sflag:$0x4] =	stream.indirect.gather [hbm4b:s4+s13], $0x20, s10, s13, $0xb8;
	[tilespmem:$0x11E30] =	vst v63  }
0x28: {  	s9 =	simm.s32 $0x200  }
0x29: {  	[tilespmem:s21], [sflag:$0x5] =	stream.indirect.gather [hbm4b:s4+s13], $0x20, s9, s13, $0xb8;
	[tilespmem:$0x11E30] =	vst v63  }
0x2a: {  	s10 =	simm.s32 $0x280  }
0x2b: {  	[tilespmem:s23], [sflag:$0x6] =	stream.indirect.gather [hbm4b:s4+s13], $0x20, s10, s13, $0xb8;
	[tilespmem:$0x11E30] =	vst v63  }
0x2c: {  	s9 =	simm.s32 $0x300  }
0x2d: {  	[tilespmem:s25], [sflag:$0x7] =	stream.indirect.gather [hbm4b:s4+s13], $0x20, s9, s13, $0xb8;
	[tilespmem:$0x11E30] =	vst v63  }
0x2e: {  	s10 =	simm.s32 $0x380;
	s9 =	stileid.u32  }
0x2f: {  	[tilespmem:s28], [sflag:$0x8] =	stream.indirect.gather [hbm4b:s4+s13], $0x20, s10, s13, $0xb8;
	[tilespmem:$0x11E30] =	vst v63  }
0x30: {  	s3 =	sshll.u32 s9, $0x6;
	s10 =	rddreg [dreg:$0x5]  }
0x31: {  	s9 =	sor.u32 $0x1C11, s3;
	s3 =	rddreg [dreg:$0x6];
	s10 =	sshrl.u32 s10, $0x3  }
0x32: {  	[dreg:$0xa] =	wrdreg s10  }
0x33: {  	[spmem:s10], [sflag:s9] =	dma.local [hbm:s3], $0x9C4  }
0x34: {  	_ =	swait.ge [sflag:s11], $0x9C4  }
0x35: {  	[sflag:s11] =	ssyncset.done $0x0  }
0x36: {  	[sflag:s11] =	ssyncadd.s32 $0xFFFFF63C  }
0x37: {  	[bflag:$0x0] =	sbarrier.arrive $0xFFFF  }
0x38: {  	_ =	swait.ge [sflag:s29], $0x1000  }
0x39: {  	[sflag:s29] =	ssyncset.done $0x0  }
0x3a: {  	s11 =	simm.s32 $0x2800;
	[sflag:s29] =	ssyncadd.s32 $0xFFFFF000  }
0x3b: {  	[spmem:s2] =	stream.indirect.scatter.add.bf16 [tilespmem:s14], [sflag:$0x9], $0x20, s11, s13, $0xb8;
	[tilespmem:$0x11E30] =	vst v63  }
0x3c: {  	_ =	swait.ge [sflag:s30], $0x1000  }
0x3d: {  	[sflag:s30] =	ssyncset.done $0x0  }
0x3e: {  	s10 =	simm.s32 $0x400;
	[sflag:s30] =	ssyncadd.s32 $0xFFFFF000  }
0x3f: {  	[tilespmem:s14], [sflag:$0x1] =	stream.indirect.gather [hbm4b:s4+s13], $0x20, s10, s13, $0xb8;
	[tilespmem:$0x11E30] =	vst v63  }
0x40: {  	_ =	swait.ge [sflag:s31], $0x1000  }
0x41: {  	[sflag:s31] =	ssyncset.done $0x0  }
0x42: {  	s11 =	simm.s32 $0x2880;
	[sflag:s31] =	ssyncadd.s32 $0xFFFFF000  }
0x43: {  	[spmem:s2] =	stream.indirect.scatter.add.bf16 [tilespmem:s15], [sflag:$0xA], $0x20, s11, s13, $0xb8;
	[tilespmem:$0x11E30] =	vst v63  }
0x44: {  	_ =	swait.ge [sflag:s1], $0x1000  }
0x45: {  	[sflag:s1] =	ssyncset.done $0x0  }
0x46: {  	s10 =	simm.s32 $0x480;
	[sflag:s1] =	ssyncadd.s32 $0xFFFFF000  }
0x47: {  	[tilespmem:s15], [sflag:$0x2] =	stream.indirect.gather [hbm4b:s4+s13], $0x20, s10, s13, $0xb8;
	[tilespmem:$0x11E30] =	vst v63  }
0x48: {  	_ =	swait.ge [sflag:s12], $0x1000  }
0x49: {  	[sflag:s12] =	ssyncset.done $0x0  }
0x4a: {  	s11 =	simm.s32 $0x2900;
	[sflag:s12] =	ssyncadd.s32 $0xFFFFF000  }
0x4b: {  	[spmem:s2] =	stream.indirect.scatter.add.bf16 [tilespmem:s17], [sflag:$0xB], $0x20, s11, s13, $0xb8;
	[tilespmem:$0x11E30] =	vst v63  }
0x4c: {  	_ =	swait.ge [sflag:s16], $0x1000  }
0x4d: {  	[sflag:s16] =	ssyncset.done $0x0  }
0x4e: {  	s10 =	simm.s32 $0x500;
	[sflag:s16] =	ssyncadd.s32 $0xFFFFF000  }
0x4f: {  	[tilespmem:s17], [sflag:$0x3] =	stream.indirect.gather [hbm4b:s4+s13], $0x20, s10, s13, $0xb8;
	[tilespmem:$0x11E30] =	vst v63  }
0x50: {  	_ =	swait.ge [sflag:s18], $0x1000  }
0x51: {  	[sflag:s18] =	ssyncset.done $0x0  }
0x52: {  	s11 =	simm.s32 $0x2980;
	[sflag:s18] =	ssyncadd.s32 $0xFFFFF000  }
0x53: {  	[spmem:s2] =	stream.indirect.scatter.add.bf16 [tilespmem:s19], [sflag:$0xC], $0x20, s11, s13, $0xb8;
	[tilespmem:$0x11E30] =	vst v63  }
0x54: {  	_ =	swait.ge [sflag:s20], $0x1000  }
0x55: {  	[sflag:s20] =	ssyncset.done $0x0  }
0x56: {  	s10 =	simm.s32 $0x580;
	[sflag:s20] =	ssyncadd.s32 $0xFFFFF000  }
0x57: {  	[tilespmem:s19], [sflag:$0x4] =	stream.indirect.gather [hbm4b:s4+s13], $0x20, s10, s13, $0xb8;
	[tilespmem:$0x11E30] =	vst v63  }
0x58: {  	_ =	swait.ge [sflag:s22], $0x1000  }
0x59: {  	[sflag:s22] =	ssyncset.done $0x0  }
0x5a: {  	s11 =	simm.s32 $0x2A00;
	[sflag:s22] =	ssyncadd.s32 $0xFFFFF000  }
0x5b: {  	[spmem:s2] =	stream.indirect.scatter.add.bf16 [tilespmem:s21], [sflag:$0xD], $0x20, s11, s13, $0xb8;
	[tilespmem:$0x11E30] =	vst v63  }
0x5c: {  	_ =	swait.ge [sflag:s24], $0x1000  }
0x5d: {  	[sflag:s24] =	ssyncset.done $0x0  }
0x5e: {  	s10 =	simm.s32 $0x600;
	[sflag:s24] =	ssyncadd.s32 $0xFFFFF000  }
0x5f: {  	[tilespmem:s21], [sflag:$0x5] =	stream.indirect.gather [hbm4b:s4+s13], $0x20, s10, s13, $0xb8;
	[tilespmem:$0x11E30] =	vst v63  }
0x60: {  	_ =	swait.ge [sflag:s26], $0x1000  }
0x61: {  	[sflag:s26] =	ssyncset.done $0x0  }
0x62: {  	s11 =	simm.s32 $0x2A80;
	[sflag:s26] =	ssyncadd.s32 $0xFFFFF000  }
0x63: {  	[spmem:s2] =	stream.indirect.scatter.add.bf16 [tilespmem:s23], [sflag:$0xE], $0x20, s11, s13, $0xb8;
	[tilespmem:$0x11E30] =	vst v63  }
0x64: {  	_ =	swait.ge [sflag:s0], $0x1000  }
0x65: {  	[sflag:s0] =	ssyncset.done $0x0  }
0x66: {  	s10 =	simm.s32 $0x680;
	[sflag:s0] =	ssyncadd.s32 $0xFFFFF000  }
0x67: {  	[tilespmem:s23], [sflag:$0x6] =	stream.indirect.gather [hbm4b:s4+s13], $0x20, s10, s13, $0xb8;
	[tilespmem:$0x11E30] =	vst v63  }
0x68: {  	_ =	swait.ge [sflag:s5], $0x1000  }
0x69: {  	[sflag:s5] =	ssyncset.done $0x0  }
0x6a: {  	s11 =	simm.s32 $0x2B00;
	[sflag:s5] =	ssyncadd.s32 $0xFFFFF000  }
0x6b: {  	[spmem:s2] =	stream.indirect.scatter.add.bf16 [tilespmem:s25], [sflag:$0xF], $0x20, s11, s13, $0xb8;
	[tilespmem:$0x11E30] =	vst v63  }
0x6c: {  	_ =	swait.ge [sflag:s6], $0x1000  }
0x6d: {  	[sflag:s6] =	ssyncset.done $0x0  }
0x6e: {  	s10 =	simm.s32 $0x700;
	[sflag:s6] =	ssyncadd.s32 $0xFFFFF000  }
0x6f: {  	[tilespmem:s25], [sflag:$0x7] =	stream.indirect.gather [hbm4b:s4+s13], $0x20, s10, s13, $0xb8;
	[tilespmem:$0x11E30] =	vst v63  }
0x70: {  	_ =	swait.ge [sflag:s7], $0x1000  }
0x71: {  	[sflag:s7] =	ssyncset.done $0x0  }
0x72: {  	s11 =	simm.s32 $0x2B80;
	[sflag:s7] =	ssyncadd.s32 $0xFFFFF000  }
0x73: {  	[spmem:s2] =	stream.indirect.scatter.add.bf16 [tilespmem:s28], [sflag:$0x10], $0x20, s11, s13, $0xb8;
	[tilespmem:$0x11E30] =	vst v63  }
0x74: {  	_ =	swait.ge [sflag:s8], $0x1000  }
0x75: {  	[sflag:s8] =	ssyncset.done $0x0  }
0x76: {  	s3 =	simm.s32 $0x780;
	s10 =	simm.s32 $0x1000;
	[sflag:s8] =	ssyncadd.s32 $0xFFFFF000  }
.LBB2_2:
0x77: {  	[tilespmem:s28], [sflag:$0x8] =	stream.indirect.gather [hbm4b:s4+s13], $0x20, s3, s13, $0xb8;
	[tilespmem:$0x11E30] =	vst v63  }
0x78: {  	s3 =	smov.u32 s10  }
0x79: {  	p0 =	sne.s32 s10, $0x7000;
	s10 =	sadd.s32 $0x1000, s10;
	_ =	swait.ge [sflag:s29], $0x1000  }
0x7a: {  	s3 =	sshra.s32 s3, $0x2;
	[sflag:s29] =	ssyncset.done $0x0  }
0x7b: {  	s11 =	sadd.s32 $0x2800, s3;
	[sflag:s29] =	ssyncadd.s32 $0xFFFFF000  }
0x7c: {  	[spmem:s2] =	stream.indirect.scatter.add.bf16 [tilespmem:s14], [sflag:$0x9], $0x20, s11, s13, $0xb8;
	[tilespmem:$0x11E30] =	vst v63  }
0x7d: {  	_ =	swait.ge [sflag:s30], $0x1000  }
0x7e: {  	[sflag:s30] =	ssyncset.done $0x0  }
0x7f: {  	s11 =	sadd.s32 $0x400, s3;
	[sflag:s30] =	ssyncadd.s32 $0xFFFFF000  }
0x80: {  	[tilespmem:s14], [sflag:$0x1] =	stream.indirect.gather [hbm4b:s4+s13], $0x20, s11, s13, $0xb8;
	[tilespmem:$0x11E30] =	vst v63  }
0x81: {  	_ =	swait.ge [sflag:s31], $0x1000  }
0x82: {  	[sflag:s31] =	ssyncset.done $0x0  }
0x83: {  	s11 =	sadd.s32 $0x2880, s3;
	[sflag:s31] =	ssyncadd.s32 $0xFFFFF000  }
0x84: {  	[spmem:s2] =	stream.indirect.scatter.add.bf16 [tilespmem:s15], [sflag:$0xA], $0x20, s11, s13, $0xb8;
	[tilespmem:$0x11E30] =	vst v63  }
0x85: {  	_ =	swait.ge [sflag:s1], $0x1000  }
0x86: {  	[sflag:s1] =	ssyncset.done $0x0  }
0x87: {  	s11 =	sadd.s32 $0x480, s3;
	[sflag:s1] =	ssyncadd.s32 $0xFFFFF000  }
0x88: {  	[tilespmem:s15], [sflag:$0x2] =	stream.indirect.gather [hbm4b:s4+s13], $0x20, s11, s13, $0xb8;
	[tilespmem:$0x11E30] =	vst v63  }
0x89: {  	_ =	swait.ge [sflag:s12], $0x1000  }
0x8a: {  	[sflag:s12] =	ssyncset.done $0x0  }
0x8b: {  	s11 =	sadd.s32 $0x2900, s3;
	[sflag:s12] =	ssyncadd.s32 $0xFFFFF000  }
0x8c: {  	[spmem:s2] =	stream.indirect.scatter.add.bf16 [tilespmem:s17], [sflag:$0xB], $0x20, s11, s13, $0xb8;
	[tilespmem:$0x11E30] =	vst v63  }
0x8d: {  	_ =	swait.ge [sflag:s16], $0x1000  }
0x8e: {  	[sflag:s16] =	ssyncset.done $0x0  }
0x8f: {  	s11 =	sadd.s32 $0x500, s3;
	[sflag:s16] =	ssyncadd.s32 $0xFFFFF000  }
0x90: {  	[tilespmem:s17], [sflag:$0x3] =	stream.indirect.gather [hbm4b:s4+s13], $0x20, s11, s13, $0xb8;
	[tilespmem:$0x11E30] =	vst v63  }
0x91: {  	_ =	swait.ge [sflag:s18], $0x1000  }
0x92: {  	[sflag:s18] =	ssyncset.done $0x0  }
0x93: {  	s11 =	sadd.s32 $0x2980, s3;
	[sflag:s18] =	ssyncadd.s32 $0xFFFFF000  }
0x94: {  	[spmem:s2] =	stream.indirect.scatter.add.bf16 [tilespmem:s19], [sflag:$0xC], $0x20, s11, s13, $0xb8;
	[tilespmem:$0x11E30] =	vst v63  }
0x95: {  	_ =	swait.ge [sflag:s20], $0x1000  }
0x96: {  	[sflag:s20] =	ssyncset.done $0x0  }
0x97: {  	s11 =	sadd.s32 $0x580, s3;
	[sflag:s20] =	ssyncadd.s32 $0xFFFFF000  }
0x98: {  	[tilespmem:s19], [sflag:$0x4] =	stream.indirect.gather [hbm4b:s4+s13], $0x20, s11, s13, $0xb8;
	[tilespmem:$0x11E30] =	vst v63  }
0x99: {  	_ =	swait.ge [sflag:s22], $0x1000  }
0x9a: {  	[sflag:s22] =	ssyncset.done $0x0  }
0x9b: {  	s11 =	sadd.s32 $0x2A00, s3;
	[sflag:s22] =	ssyncadd.s32 $0xFFFFF000  }
0x9c: {  	[spmem:s2] =	stream.indirect.scatter.add.bf16 [tilespmem:s21], [sflag:$0xD], $0x20, s11, s13, $0xb8;
	[tilespmem:$0x11E30] =	vst v63  }
0x9d: {  	_ =	swait.ge [sflag:s24], $0x1000  }
0x9e: {  	[sflag:s24] =	ssyncset.done $0x0  }
0x9f: {  	s11 =	sadd.s32 $0x600, s3;
	[sflag:s24] =	ssyncadd.s32 $0xFFFFF000  }
0xa0: {  	[tilespmem:s21], [sflag:$0x5] =	stream.indirect.gather [hbm4b:s4+s13], $0x20, s11, s13, $0xb8;
	[tilespmem:$0x11E30] =	vst v63  }
0xa1: {  	_ =	swait.ge [sflag:s26], $0x1000  }
0xa2: {  	[sflag:s26] =	ssyncset.done $0x0  }
0xa3: {  	s11 =	sadd.s32 $0x2A80, s3;
	[sflag:s26] =	ssyncadd.s32 $0xFFFFF000  }
0xa4: {  	[spmem:s2] =	stream.indirect.scatter.add.bf16 [tilespmem:s23], [sflag:$0xE], $0x20, s11, s13, $0xb8;
	[tilespmem:$0x11E30] =	vst v63  }
0xa5: {  	_ =	swait.ge [sflag:s0], $0x1000  }
0xa6: {  	[sflag:s0] =	ssyncset.done $0x0  }
0xa7: {  	s11 =	sadd.s32 $0x680, s3;
	[sflag:s0] =	ssyncadd.s32 $0xFFFFF000  }
0xa8: {  	[tilespmem:s23], [sflag:$0x6] =	stream.indirect.gather [hbm4b:s4+s13], $0x20, s11, s13, $0xb8;
	[tilespmem:$0x11E30] =	vst v63  }
0xa9: {  	_ =	swait.ge [sflag:s5], $0x1000  }
0xaa: {  	[sflag:s5] =	ssyncset.done $0x0  }
0xab: {  	s11 =	sadd.s32 $0x2B00, s3;
	[sflag:s5] =	ssyncadd.s32 $0xFFFFF000  }
0xac: {  	[spmem:s2] =	stream.indirect.scatter.add.bf16 [tilespmem:s25], [sflag:$0xF], $0x20, s11, s13, $0xb8;
	[tilespmem:$0x11E30] =	vst v63  }
0xad: {  	_ =	swait.ge [sflag:s6], $0x1000  }
0xae: {  	[sflag:s6] =	ssyncset.done $0x0  }
0xaf: {  	s11 =	sadd.s32 $0x700, s3;
	[sflag:s6] =	ssyncadd.s32 $0xFFFFF000  }
0xb0: {  	[tilespmem:s25], [sflag:$0x7] =	stream.indirect.gather [hbm4b:s4+s13], $0x20, s11, s13, $0xb8;
	[tilespmem:$0x11E30] =	vst v63  }
0xb1: {  	_ =	swait.ge [sflag:s7], $0x1000  }
0xb2: {  	[sflag:s7] =	ssyncset.done $0x0  }
.Ltmp0:
0xb3: {  	s11 =	sadd.s32 $0x2B80, s3;
	[sflag:s7] =	ssyncadd.s32 $0xFFFFF000;
	(pc) =	sbr.rel @p0 .LBB2_2-.Ltmp0, $4  }
0xb4: {  	[spmem:s2] =	stream.indirect.scatter.add.bf16 [tilespmem:s28], [sflag:$0x10], $0x20, s11, s13, $0xb8;
	[tilespmem:$0x11E30] =	vst v63  }
0xb5: {  	_ =	swait.ge [sflag:s8], $0x1000  }
0xb6: {  	[sflag:s8] =	ssyncset.done $0x0  }
0xb7: {  	s3 =	sadd.s32 $0x780, s3;
	[sflag:s8] =	ssyncadd.s32 $0xFFFFF000  }
0xb8: {  	[tilespmem:s28], [sflag:$0x8] =	stream.indirect.gather [hbm4b:s4+s13], $0x20, s3, s13, $0xb8;
	[tilespmem:$0x11E30] =	vst v63  }
0xb9: {  	_ =	swait.ge [sflag:s29], $0x1000  }
0xba: {  	[sflag:s29] =	ssyncset.done $0x0  }
0xbb: {  	s11 =	simm.s32 $0x4800;
	[sflag:s29] =	ssyncadd.s32 $0xFFFFF000  }
0xbc: {  	[spmem:s2] =	stream.indirect.scatter.add.bf16 [tilespmem:s14], [sflag:$0x9], $0x20, s11, s13, $0xb8;
	[tilespmem:$0x11E30] =	vst v63  }
0xbd: {  	_ =	swait.ge [sflag:s30], $0x1000  }
0xbe: {  	[sflag:s30] =	ssyncset.done $0x0  }
0xbf: {  	s10 =	simm.s32 $0x2400;
	[sflag:s30] =	ssyncadd.s32 $0xFFFFF000  }
0xc0: {  	[tilespmem:s14], [sflag:$0x1] =	stream.indirect.gather [hbm4b:s4+s13], $0x20, s10, s13, $0xb8;
	[tilespmem:$0x11E30] =	vst v63  }
0xc1: {  	_ =	swait.ge [sflag:s31], $0x1000  }
0xc2: {  	[sflag:s31] =	ssyncset.done $0x0  }
0xc3: {  	s11 =	simm.s32 $0x4880;
	[sflag:s31] =	ssyncadd.s32 $0xFFFFF000  }
0xc4: {  	[spmem:s2] =	stream.indirect.scatter.add.bf16 [tilespmem:s15], [sflag:$0xA], $0x20, s11, s13, $0xb8;
	[tilespmem:$0x11E30] =	vst v63  }
0xc5: {  	_ =	swait.ge [sflag:s1], $0x1000  }
0xc6: {  	[sflag:s1] =	ssyncset.done $0x0  }
0xc7: {  	s10 =	simm.s32 $0x2480;
	[sflag:s1] =	ssyncadd.s32 $0xFFFFF000  }
0xc8: {  	[tilespmem:s15], [sflag:$0x2] =	stream.indirect.gather [hbm4b:s4+s13], $0x20, s10, s13, $0xb8;
	[tilespmem:$0x11E30] =	vst v63  }
0xc9: {  	_ =	swait.ge [sflag:s12], $0x1000  }
0xca: {  	[sflag:s12] =	ssyncset.done $0x0  }
0xcb: {  	s11 =	simm.s32 $0x4900;
	[sflag:s12] =	ssyncadd.s32 $0xFFFFF000  }
0xcc: {  	[spmem:s2] =	stream.indirect.scatter.add.bf16 [tilespmem:s17], [sflag:$0xB], $0x20, s11, s13, $0xb8;
	[tilespmem:$0x11E30] =	vst v63  }
0xcd: {  	_ =	swait.ge [sflag:s16], $0x1000  }
0xce: {  	[sflag:s16] =	ssyncset.done $0x0  }
0xcf: {  	s10 =	simm.s32 $0x2500;
	[sflag:s16] =	ssyncadd.s32 $0xFFFFF000  }
0xd0: {  	[tilespmem:s17], [sflag:$0x3] =	stream.indirect.gather [hbm4b:s4+s13], $0x20, s10, s13, $0xb8;
	[tilespmem:$0x11E30] =	vst v63  }
0xd1: {  	_ =	swait.ge [sflag:s18], $0x1000  }
0xd2: {  	[sflag:s18] =	ssyncset.done $0x0  }
0xd3: {  	s11 =	simm.s32 $0x4980;
	[sflag:s18] =	ssyncadd.s32 $0xFFFFF000  }
0xd4: {  	[spmem:s2] =	stream.indirect.scatter.add.bf16 [tilespmem:s19], [sflag:$0xC], $0x20, s11, s13, $0xb8;
	[tilespmem:$0x11E30] =	vst v63  }
0xd5: {  	_ =	swait.ge [sflag:s20], $0x1000  }
0xd6: {  	[sflag:s20] =	ssyncset.done $0x0  }
0xd7: {  	s10 =	simm.s32 $0x2580;
	[sflag:s20] =	ssyncadd.s32 $0xFFFFF000  }
0xd8: {  	[tilespmem:s19], [sflag:$0x4] =	stream.indirect.gather [hbm4b:s4+s13], $0x20, s10, s13, $0xb8;
	[tilespmem:$0x11E30] =	vst v63  }
0xd9: {  	_ =	swait.ge [sflag:s22], $0x1000  }
0xda: {  	[sflag:s22] =	ssyncset.done $0x0  }
0xdb: {  	s11 =	simm.s32 $0x4A00;
	[sflag:s22] =	ssyncadd.s32 $0xFFFFF000  }
0xdc: {  	[spmem:s2] =	stream.indirect.scatter.add.bf16 [tilespmem:s21], [sflag:$0xD], $0x20, s11, s13, $0xb8;
	[tilespmem:$0x11E30] =	vst v63  }
0xdd: {  	_ =	swait.ge [sflag:s24], $0x1000  }
0xde: {  	[sflag:s24] =	ssyncset.done $0x0  }
0xdf: {  	s10 =	simm.s32 $0x2600;
	[sflag:s24] =	ssyncadd.s32 $0xFFFFF000  }
0xe0: {  	[tilespmem:s21], [sflag:$0x5] =	stream.indirect.gather [hbm4b:s4+s13], $0x20, s10, s13, $0xb8;
	[tilespmem:$0x11E30] =	vst v63  }
0xe1: {  	_ =	swait.ge [sflag:s26], $0x1000  }
0xe2: {  	[sflag:s26] =	ssyncset.done $0x0  }
0xe3: {  	s11 =	simm.s32 $0x4A80;
	[sflag:s26] =	ssyncadd.s32 $0xFFFFF000  }
0xe4: {  	[spmem:s2] =	stream.indirect.scatter.add.bf16 [tilespmem:s23], [sflag:$0xE], $0x20, s11, s13, $0xb8;
	[tilespmem:$0x11E30] =	vst v63  }
0xe5: {  	_ =	swait.ge [sflag:s0], $0x1000  }
0xe6: {  	[sflag:s0] =	ssyncset.done $0x0  }
0xe7: {  	s10 =	simm.s32 $0x2680;
	[sflag:s0] =	ssyncadd.s32 $0xFFFFF000  }
0xe8: {  	[tilespmem:s23], [sflag:$0x6] =	stream.indirect.gather [hbm4b:s4+s13], $0x20, s10, s13, $0xb8;
	[tilespmem:$0x11E30] =	vst v63  }
0xe9: {  	_ =	swait.ge [sflag:s5], $0x1000  }
0xea: {  	[sflag:s5] =	ssyncset.done $0x0  }
0xeb: {  	s11 =	simm.s32 $0x4B00;
	[sflag:s5] =	ssyncadd.s32 $0xFFFFF000  }
0xec: {  	[spmem:s2] =	stream.indirect.scatter.add.bf16 [tilespmem:s25], [sflag:$0xF], $0x20, s11, s13, $0xb8;
	[tilespmem:$0x11E30] =	vst v63  }
0xed: {  	_ =	swait.ge [sflag:s6], $0x1000  }
0xee: {  	[sflag:s6] =	ssyncset.done $0x0  }
0xef: {  	s10 =	simm.s32 $0x2700;
	[sflag:s6] =	ssyncadd.s32 $0xFFFFF000  }
0xf0: {  	[tilespmem:s25], [sflag:$0x7] =	stream.indirect.gather [hbm4b:s4+s13], $0x20, s10, s13, $0xb8;
	[tilespmem:$0x11E30] =	vst v63  }
0xf1: {  	_ =	swait.ge [sflag:s7], $0x1000  }
0xf2: {  	[sflag:s7] =	ssyncset.done $0x0  }
0xf3: {  	s11 =	simm.s32 $0x4B80;
	[sflag:s7] =	ssyncadd.s32 $0xFFFFF000  }
0xf4: {  	[spmem:s2] =	stream.indirect.scatter.add.bf16 [tilespmem:s28], [sflag:$0x10], $0x20, s11, s13, $0xb8;
	[tilespmem:$0x11E30] =	vst v63  }
0xf5: {  	_ =	swait.ge [sflag:s8], $0x1000  }
0xf6: {  	[sflag:s8] =	ssyncset.done $0x0  }
0xf7: {  	s10 =	simm.s32 $0x2780;
	[sflag:s8] =	ssyncadd.s32 $0xFFFFF000  }
0xf8: {  	[tilespmem:s28], [sflag:$0x8] =	stream.indirect.gather [hbm4b:s4+s13], $0x20, s10, s13, $0xb8;
	[tilespmem:$0x11E30] =	vst v63  }
0xf9: {  	_ =	swait.ge [sflag:s29], $0x1000  }
0xfa: {  	[sflag:s29] =	ssyncset.done $0x0  }
0xfb: {  	s11 =	simm.s32 $0x4C00;
	[sflag:s29] =	ssyncadd.s32 $0xFFFFF000  }
0xfc: {  	[spmem:s2] =	stream.indirect.scatter.add.bf16 [tilespmem:s14], [sflag:$0x9], $0x20, s11, s13, $0xb8;
	[tilespmem:$0x11E30] =	vst v63  }
0xfd: {  	_ =	swait.ge [sflag:s30], $0x1000  }
0xfe: {  	[sflag:s30] =	ssyncset.done $0x0  }
0xff: {  	[sflag:s30] =	ssyncadd.s32 $0xFFFFF000  }
0x100: {  	_ =	swait.ge [sflag:s31], $0x1000  }
0x101: {  	[sflag:s31] =	ssyncset.done $0x0  }
0x102: {  	s10 =	simm.s32 $0x4C80;
	[sflag:s31] =	ssyncadd.s32 $0xFFFFF000  }
0x103: {  	[spmem:s2] =	stream.indirect.scatter.add.bf16 [tilespmem:s15], [sflag:$0xA], $0x20, s10, s13, $0xb8;
	[tilespmem:$0x11E30] =	vst v63  }
0x104: {  	_ =	swait.ge [sflag:s1], $0x1000  }
0x105: {  	[sflag:s1] =	ssyncset.done $0x0  }
0x106: {  	[sflag:s1] =	ssyncadd.s32 $0xFFFFF000  }
0x107: {  	_ =	swait.ge [sflag:s12], $0x1000  }
0x108: {  	[sflag:s12] =	ssyncset.done $0x0  }
0x109: {  	s11 =	simm.s32 $0x4D00;
	[sflag:s12] =	ssyncadd.s32 $0xFFFFF000  }
0x10a: {  	[spmem:s2] =	stream.indirect.scatter.add.bf16 [tilespmem:s17], [sflag:$0xB], $0x20, s11, s13, $0xb8;
	[tilespmem:$0x11E30] =	vst v63  }
0x10b: {  	_ =	swait.ge [sflag:s16], $0x1000  }
0x10c: {  	[sflag:s16] =	ssyncset.done $0x0  }
0x10d: {  	[sflag:s16] =	ssyncadd.s32 $0xFFFFF000  }
0x10e: {  	_ =	swait.ge [sflag:s18], $0x1000  }
0x10f: {  	[sflag:s18] =	ssyncset.done $0x0  }
0x110: {  	s10 =	simm.s32 $0x4D80;
	[sflag:s18] =	ssyncadd.s32 $0xFFFFF000  }
0x111: {  	[spmem:s2] =	stream.indirect.scatter.add.bf16 [tilespmem:s19], [sflag:$0xC], $0x20, s10, s13, $0xb8;
	[tilespmem:$0x11E30] =	vst v63  }
0x112: {  	_ =	swait.ge [sflag:s20], $0x1000  }
0x113: {  	[sflag:s20] =	ssyncset.done $0x0  }
0x114: {  	[sflag:s20] =	ssyncadd.s32 $0xFFFFF000  }
0x115: {  	_ =	swait.ge [sflag:s22], $0x1000  }
0x116: {  	[sflag:s22] =	ssyncset.done $0x0  }
0x117: {  	s11 =	simm.s32 $0x4E00;
	[sflag:s22] =	ssyncadd.s32 $0xFFFFF000  }
0x118: {  	[spmem:s2] =	stream.indirect.scatter.add.bf16 [tilespmem:s21], [sflag:$0xD], $0x20, s11, s13, $0xb8;
	[tilespmem:$0x11E30] =	vst v63  }
0x119: {  	_ =	swait.ge [sflag:s24], $0x1000  }
0x11a: {  	[sflag:s24] =	ssyncset.done $0x0  }
0x11b: {  	[sflag:s24] =	ssyncadd.s32 $0xFFFFF000  }
0x11c: {  	_ =	swait.ge [sflag:s26], $0x1000  }
0x11d: {  	[sflag:s26] =	ssyncset.done $0x0  }
0x11e: {  	s10 =	simm.s32 $0x4E80;
	[sflag:s26] =	ssyncadd.s32 $0xFFFFF000  }
0x11f: {  	[spmem:s2] =	stream.indirect.scatter.add.bf16 [tilespmem:s23], [sflag:$0xE], $0x20, s10, s13, $0xb8;
	[tilespmem:$0x11E30] =	vst v63  }
0x120: {  	_ =	swait.ge [sflag:s0], $0x1000  }
0x121: {  	[sflag:s0] =	ssyncset.done $0x0  }
0x122: {  	[sflag:s0] =	ssyncadd.s32 $0xFFFFF000  }
0x123: {  	_ =	swait.ge [sflag:s5], $0x1000  }
0x124: {  	[sflag:s5] =	ssyncset.done $0x0  }
0x125: {  	s11 =	simm.s32 $0x4F00;
	[sflag:s5] =	ssyncadd.s32 $0xFFFFF000  }
0x126: {  	[spmem:s2] =	stream.indirect.scatter.add.bf16 [tilespmem:s25], [sflag:$0xF], $0x20, s11, s13, $0xb8;
	[tilespmem:$0x11E30] =	vst v63  }
0x127: {  	_ =	swait.ge [sflag:s6], $0x1000  }
0x128: {  	[sflag:s6] =	ssyncset.done $0x0  }
0x129: {  	[sflag:s6] =	ssyncadd.s32 $0xFFFFF000  }
0x12a: {  	_ =	swait.ge [sflag:s7], $0x1000  }
0x12b: {  	[sflag:s7] =	ssyncset.done $0x0  }
0x12c: {  	s10 =	simm.s32 $0x4F80;
	[sflag:s7] =	ssyncadd.s32 $0xFFFFF000  }
0x12d: {  	[spmem:s2] =	stream.indirect.scatter.add.bf16 [tilespmem:s28], [sflag:$0x10], $0x20, s10, s13, $0xb8;
	[tilespmem:$0x11E30] =	vst v63  }
0x12e: {  	_ =	swait.ge [sflag:s8], $0x1000  }
0x12f: {  	[sflag:s8] =	ssyncset.done $0x0  }
0x130: {  	[sflag:s8] =	ssyncadd.s32 $0xFFFFF000  }
0x131: {  	[bflag:$0x0] =	sbarrier.arrive $0xFFFF  }
0x132: {  	s11 =	rddreg [dreg:$0x7]  }
0x133: {  	s10 =	rddreg [dreg:$0xa]  }
0x134: {  	[hbm:s11], [sflag:s9] =	dma.local [spmem:s10], $0x9C4  }
0x135: {  	s11 =	simm.s32 $0x11  }
0x136: {  	_ =	swait.ge [sflag:s11], $0x9C4  }
0x137: {  	s3 =	rddreg [dreg:$0x9]  }
0x138: {  	s10 =	rddreg [dreg:$0x8];
	s9 =	sadd.s32 $0x1, s3  }
0x139: {  	p0 =	sne.s32 s9, s10  }
.Ltmp1:
0x13a: {  	_ = 	snop;
	(pc) =	sbr.rel @p0 .LBB2_1-.Ltmp1, $3  }
0x13b: {  	_ =	sdelay $0x1  }
0x13c: {  	[sflag:s11] =	ssyncset.done $0x0  }
0x13d: {  	[sflag:s11] =	ssyncadd.s32 $0xFFFFF63C  }
0x13e: {  	_ =	sfence.sel $0x180000  }
0x13f: {  	[bflag:$0x0] =	sbarrier.arrive $0xFFFF  }
0x140: {  	_ =	strace $0x9000004A  }
0x141: {  	s0 =	stileid.u32;
	[bflag:$0x2] =	sbarrier.arrive $0xFFFF  }
0x142: {  	p0 =	sne.s32 s0, $0x0;
	s0 =	rddreg [dreg:$0x2]  }
0x143: {  	s0 =	sadd.s32 @!p0 $0x100000, s0  }
0x144: {  	[sflag:s0] =	ssyncadd.tile.s32 @!p0 $0x1;
	_ =	shalt  }
.Lfunc_end2:
_tile_overlayer_lowered:
.L_overlay_start_2:
0x145: {  	(tag) =	ssettag $0x2  }
0x146: {  	s0 =	rddreg [dreg:$0x0];
	s2 =	stileid.u32  }
0x147: {  	s1 =	rddreg [dreg:$0x1];
	p0 =	sne.s32 s2, $0x0  }
0x148: {  	s3 =	rddreg [dreg:$0x2];
	[bflag:$0x3] =	sbarrier.arrive $0xFFFF;
	s2 =	simm.s32 @!p0 $0x1C11  }
0x149: {  	[timem:s3], [sflag:s2] =	dma.local @!p0 [hbm:s0], s1  }
0x14a: {  	s0 =	simm.s32 @!p0 $0x11  }
0x14b: {  	_ =	swait.ge @!p0 [sflag:s0], s1  }
0x14c: {  	s1 =	ssub.s32 @!p0 $0x0, s1;
	[sflag:s0] =	ssyncset.done @!p0 $0x0  }
0x14d: {  	[sflag:s0] =	ssyncadd.s32 @!p0 s1  }
0x14e: {  	[bflag:$0x3] =	sbarrier.arrive $0xFFFF  }
0x14f: {  	_ =	shalt  }

// kernel: kernel.16.cloned.1.call-start
scs
__scs_entry_jumppad:
0x0: {  	(pc) =	sbr.rel $0x88, $3  }
0x1: {  	(tag) =	ssettag $0x0;
	lr =	simm.s32 $0x1  }
0x2: {  	[smem:$0x3F99] =	sst lr;
	_ =	strace $0xD0000000  }
0x3: {  	_ = 	snop  }
0x4: {  	_ = 	snop  }
0x5: {  	_ = 	snop  }
0x6: {  	_ = 	snop  }
0x7: {  	_ = 	snop  }
__scs_overlays_trampoline_lowered:
0x8: {  	[smem:$0x3FA8] =	sst s0  }
0x9: {  	[smem:$0x3FA9] =	sst s1  }
0xa: {  	[smem:$0x3FAA] =	sst s2  }
0xb: {  	[smem:$0x3FAB] =	sst s3  }
0xc: {  	[smem:$0x3FAC] =	sst s4  }
0xd: {  	[smem:$0x3FAD] =	sst s5  }
0xe: {  	[smem:$0x3FAE] =	sst s6  }
0xf: {  	[smem:$0x3FAF] =	sst s7  }
0x10: {  	[smem:$0x3FB0] =	sst s8  }
0x11: {  	[smem:$0x3FB1] =	sst s9;
	s0 =	simm.s32 @!p0 $0x0  }
0x12: {  	s1 =	sld [smem:$0x3F97];
	s0 =	simm.s32 @p0 $0x1  }
0x13: {  	[smem:$0x3FB2] =	sst s0;
	s0 =	simm.s32 @!p1 $0x0  }
0x14: {  	s2 =	sld [smem:$0x3F96];
	s0 =	simm.s32 @p1 $0x1  }
0x15: {  	[smem:$0x3FB3] =	sst s0;
	s0 =	simm.s32 @!p2 $0x0  }
0x16: {  	s3 =	sld [smem:$0x3FDB];
	s0 =	simm.s32 @p2 $0x1  }
0x17: {  	s4 =	simm.s32 $0x1BF5;
	[smem:$0x3FB5] =	sst s0  }
0x18: {  	s0 =	sld [smem:$0x3F98];
	_ =	swait.ge [sflag:s4], $0x0  }
0x19: {  	s7 =	sld [smem:$0x3F99]  }
0x1a: {  	s8 =	sadd.s32 $0xFFFFE003, lr  }
0x1b: {  	s9 =	sadd.s32 $0xFFFFFEF7, lr;
	s5 =	simm.s32 $0xFFFFFFFF;
	p2 =	slt.u32 s8, $0xFFFFF086  }
0x1c: {  	p1 =	slt.u32 s9, $0xF7A;
	s5 =	simm.s32 @!p2 $0x0  }
0x1d: {  	s5 =	simm.s32 @p1 $0x1;
	p0 =	seq.s32 s7, s2  }
0x1e: {  	s7 =	smul.u32 @!p0 $0xF7A, s2;
	p2 =	seq.s32 @!p0 s5, $0x0  }
0x1f: {  	s9 =	smul.u32 $0xF7A, s1;
	s8 =	simm.s32 @!p0 $0x1BF5;
	p2 =	por !p2, p0  }
0x20: {  	[sflag:s8] =	ssyncset.s32 @!p0 $0xFFFFF086;
	s6 =	sadd.s32 @!p0 s3, s7;
	s7 =	simm.s32 @!p0 $0x108  }
0x21: {  	s3 =	sadd.s32 s3, s9;
	s6 =	sadd.s32 @!p0 $0x88, s6;
	s7 =	simm.s32 @p2 $0x1082  }
0x22: {  	[simem:s7], [sflag:s8] =	dma.local @!p0 [hbm:s6], $0xF7A  }
0x23: {  	s9 =	sor.u32 $0xD0000000, s2;
	s6 =	simm.s32 $0x108;
	_ =	swait.ge @!p0 [sflag:s8], $0x0  }
0x24: {  	s3 =	sadd.s32 $0x88, s3;
	s6 =	simm.s32 @!p1 $0x1082;
	[sflag:s4] =	ssyncset.s32 $0xFFFFF086  }
0x25: {  	[simem:s6], [sflag:s4] =	dma.local [hbm:s3], $0xF7A  }
0x26: {  	[smem:$0x3F99] =	sst s1;
	(tag) =	ssettag s2;
	_ =	strace s9  }
0x27: {  	s1 =	sld [smem:$0x3FA9]  }
0x28: {  	s2 =	sld [smem:$0x3FAA]  }
0x29: {  	s4 =	sld [smem:$0x3FAC]  }
0x2a: {  	p0 =	seq.s32 s5, $0x0;
	s5 =	sld [smem:$0x3FAD]  }
0x2b: {  	s6 =	sld [smem:$0x3FAE]  }
0x2c: {  	s7 =	sld [smem:$0x3FAF]  }
0x2d: {  	s3 =	simm.s32 $0x108;
	s8 =	sld [smem:$0x3FB0]  }
0x2e: {  	s3 =	simm.s32 @!p0 $0x1082;
	s9 =	sld [smem:$0x3FB1]  }
0x2f: {  	lr =	sadd.s32 s0, s3;
	s0 =	sld [smem:$0x3FA8]  }
0x30: {  	s3 =	sld [smem:$0x3FAB]  }
0x31: {  	[smem:$0x3FB4] =	sst s10  }
0x32: {  	s10 =	sld [smem:$0x3FB2];
	_ =	sdelay $0x3  }
0x33: {  	p0 =	seq.s32 s10, $0x1;
	s10 =	sld [smem:$0x3FB4];
	_ =	sdelay $0x3  }
0x34: {  	[smem:$0x3FB4] =	sst s10  }
0x35: {  	s10 =	sld [smem:$0x3FB3];
	_ =	sdelay $0x3  }
0x36: {  	p1 =	seq.s32 s10, $0x1;
	s10 =	sld [smem:$0x3FB4];
	_ =	sdelay $0x3  }
0x37: {  	[smem:$0x3FB4] =	sst s10  }
0x38: {  	s10 =	sld [smem:$0x3FB5]  }
0x39: {  	_ = 	snop;
	(pc) =	sbr.ind lr, $3  }
0x3a: {  	_ = 	snop  }
0x3b: {  	_ = 	snop  }
0x3c: {  	p2 =	seq.s32 s10, $0x1;
	s10 =	sld [smem:$0x3FB4]  }
0x3d: {  	_ =	shalt  }
0x3e: {  	_ =	shalt  }
0x3f: {  	_ =	shalt  }
0x40: {  	_ =	shalt  }
0x41: {  	_ =	shalt  }
0x42: {  	_ =	shalt  }
0x43: {  	_ =	shalt  }
0x44: {  	_ =	shalt  }
0x45: {  	_ =	shalt  }
0x46: {  	_ =	shalt  }
0x47: {  	_ =	shalt  }
0x48: {  	_ =	shalt  }
0x49: {  	_ =	shalt  }
0x4a: {  	_ =	shalt  }
0x4b: {  	_ =	shalt  }
0x4c: {  	_ =	shalt  }
0x4d: {  	_ =	shalt  }
0x4e: {  	_ =	shalt  }
0x4f: {  	_ =	shalt  }
0x50: {  	_ =	shalt  }
0x51: {  	_ =	shalt  }
0x52: {  	_ =	shalt  }
0x53: {  	_ =	shalt  }
0x54: {  	_ =	shalt  }
0x55: {  	_ =	shalt  }
0x56: {  	_ =	shalt  }
0x57: {  	_ =	shalt  }
0x58: {  	_ =	shalt  }
0x59: {  	_ =	shalt  }
0x5a: {  	_ =	shalt  }
0x5b: {  	_ =	shalt  }
0x5c: {  	_ =	shalt  }
0x5d: {  	_ =	shalt  }
0x5e: {  	_ =	shalt  }
0x5f: {  	_ =	shalt  }
0x60: {  	_ =	shalt  }
0x61: {  	_ =	shalt  }
0x62: {  	_ =	shalt  }
0x63: {  	_ =	shalt  }
0x64: {  	_ =	shalt  }
0x65: {  	_ =	shalt  }
0x66: {  	_ =	shalt  }
0x67: {  	_ =	shalt  }
0x68: {  	_ =	shalt  }
0x69: {  	_ =	shalt  }
0x6a: {  	_ =	shalt  }
0x6b: {  	_ =	shalt  }
0x6c: {  	_ =	shalt  }
0x6d: {  	_ =	shalt  }
0x6e: {  	_ =	shalt  }
0x6f: {  	_ =	shalt  }
0x70: {  	_ =	shalt  }
0x71: {  	_ =	shalt  }
0x72: {  	_ =	shalt  }
0x73: {  	_ =	shalt  }
0x74: {  	_ =	shalt  }
0x75: {  	_ =	shalt  }
0x76: {  	_ =	shalt  }
0x77: {  	_ =	shalt  }
0x78: {  	_ =	shalt  }
0x79: {  	_ =	shalt  }
0x7a: {  	_ =	shalt  }
0x7b: {  	_ =	shalt  }
0x7c: {  	_ =	shalt  }
0x7d: {  	_ =	shalt  }
0x7e: {  	_ =	shalt  }
0x7f: {  	_ =	shalt  }
0x80: {  	_ =	shalt  }
0x81: {  	_ =	shalt  }
0x82: {  	_ =	shalt  }
0x83: {  	_ =	shalt  }
0x84: {  	_ =	shalt  }
0x85: {  	_ =	shalt  }
0x86: {  	_ =	shalt  }
0x87: {  	_ =	shalt  }
.Lfunc_end0:
.L_simem_size_0:
called_computation.2_lowered:
.L_overlay_start_0:
0x88: {  	s2 =	sld [smem:$0x3FD9]  }
0x89: {  	s3 =	sld [smem:$0x3FFE];
	_ =	sdelay $0x1  }
0x8a: {  	s1 =	srdreg.scid  }
0x8b: {  	s0 =	sand.u32 $0x1, s1  }
0x8c: {  	s16 =	sshll.u32 s0, $0xA;
	s2 =	sadd.s32 s3, s2  }
0x8d: {  	s2 =	sadd.s32 s2, s16  }
0x8e: {  	[smem:$0x3FC0] =	sst s2  }
0x8f: {  	_ = 	snop  }
0x90: {  	(tm) =	ssettm $0x1  }
0x91: {  	s17 =	sld [smem:$0x3FFB];
	_ =	sdelay $0x3  }
0x92: {  	_ =	strace s17  }
0x93: {  	s2 =	sld [smem:$0x3FFC];
	_ =	sdelay $0x3  }
0x94: {  	_ =	strace s2  }
0x95: {  	s2 =	sld [smem:$0x3FFD];
	_ =	sdelay $0x3  }
0x96: {  	_ =	strace s2  }
0x97: {  	_ =	strace $0x8FFFFFFF  }
0x98: {  	s18 =	sld [smem:$0x3FDB];
	_ =	sdelay $0x1  }
0x99: {  	s19 =	simm.s32 $_scs_section_size  }
0x9a: {  	s4 =	simm.s32 $_size__tile_overlayer_lowered;
	s5 =	simm.s32 $_tile_overlayer_lowered  }
0x9b: {  	s22 =	simm.s32 $0x1BFF;
	s21 =	sshll.u32 s5, $0x1;
	s2 =	sadd.s32 s19, s18  }
0x9c: {  	s6 =	simm.s32 $0x0;
	s20 =	sshll.u32 s4, $0x1;
	s4 =	sadd.s32 s21, s2  }
0x9d: {  	[timem:s6], [sflag:s22] =	dma.local [hbm:s4], s20  }
0x9e: {  	_ =	swait.ge [sflag:s22], s20  }
0x9f: {  	s3 =	ssub.s32 $0x0, s20;
	[sflag:s22] =	ssyncset.done $0x0  }
0xa0: {  	[sflag:s22] =	ssyncadd.s32 s3;
	_ =	sdelay $0x1  }
0xa1: {  	s23 =	simm.s32 $0x1B8B  }
0xa2: {  	_ =	swait.ge [sflag:s23], $0x1  }
0xa3: {  	[sflag:s23] =	ssyncset.done $0x0  }
0xa4: {  	s25 =	simm.s32 $0x1B8E;
	s24 =	sld [smem:$0x3FFE];
	[sflag:s23] =	ssyncadd.s32 $0xFFFFFFFF  }
0xa5: {  	s26 =	simm.s32 $execute0_lowered;
	[smem:$0x3FD2] =	sst s25  }
0xa6: {  	s4 =	sshll.u32 s26, $0x1;
	_ =	strace $0x8000004C;
	[dreg:$0x1] =	wrdreg $0xFFFFFFFF  }
0xa7: {  	s28 =	simm.s32 $_size_execute0_lowered;
	s2 =	sadd.s32 s2, s4;
	[dreg:$0x0] =	wrdreg $0x0  }
0xa8: {  	s4 =	sshll.u32 s28, $0x1;
	[dreg:$0x2] =	wrdreg s2  }
0xa9: {  	[dreg:$0x3] =	wrdreg s4  }
0xaa: {  	[dreg:$0x4] =	wrdreg $0xC0  }
0xab: {  	_ =	task [dreg:s6], $0x5FFFF  }
0xac: {  	[dreg:$0x1] =	wrdreg $0xFFFFFFFF  }
0xad: {  	[dreg:$0x0] =	wrdreg $0x60  }
0xae: {  	[dreg:$0x2] =	wrdreg s24  }
0xaf: {  	[dreg:$0x3] =	wrdreg $0xD0000  }
0xb0: {  	[dreg:$0x4] =	wrdreg $0x9  }
0xb1: {  	_ =	task.clear_ibuf [dreg:s6], $0x5FFFF;
	_ =	strace $0x9000004C  }
0xb2: {  	s29 =	simm.s32 $0x9;
	_ =	strace $0x8000004E  }
0xb3: {  	_ =	swait.ge [sflag:s29], $0x1  }
0xb4: {  	[sflag:s29] =	ssyncadd.s32 $0xFFFFFFFF  }
0xb5: {  	_ =	strace $0x9000004E  }
0xb6: {  	_ =	sfence  }
0xb7: {  	s30 =	sld [smem:$0x0];
	_ =	sdelay $0x2  }
0xb8: {  	s31 =	sshll.u32 s1, $0xD;
	s1 =	sshrl.u32 s1, $0x2  }
0xb9: {  	s3 =	sand.u32 $0x4000, s31;
	s1 =	sadd.s32 s1, s30  }
0xba: {  	s0 =	sor.u32 s3, s0;
	s1 =	sshll.u32 s1, $0x11  }
0xbb: {  	s0 =	sor.u32 s1, s0  }
0xbc: {  	s0 =	sadd.s32 $0x8F2B, s0  }
0xbd: {  	[sflag:s0] =	ssyncadd.remote.s32 $0x1  }
0xbe: {  	_ =	sfence.sel $0xFFFF  }
0xbf: {  	[dreg:$0x0] =	wrdreg $0xFFFFFFFF;
	(pc) =	sbr.abs _section_cstart, $3  }
0xc0: {  	[dreg:$0x1] =	wrdreg $0xFFFFFFFF  }
0xc1: {  	_ =	task.clear_ibuf [dreg:s6], $0x2FFFF;
	_ =	strace $0x9FFFFFFF  }
0xc2: {  	(tm) =	ssettm $0x7FFFFFFF  }
0xc3: {  	_ =	shalt  }
tec
execute0_lowered:
.L_overlay_start_1:
0x0: {  	(tag) =	ssettag $0x1  }
0x1: {  	s0 =	srdreg.scid;
	s3 =	rddreg [dreg:$0x0]  }
0x2: {  	s8 =	stileid.u32;
	s2 =	rddreg [dreg:$0x1]  }
0x3: {  	s4 =	simm.s32 $0x0;
	s11 =	simm.s32 $0x11;
	s13 =	simm.s32 $0x80  }
0x4: {  	s14 =	simm.s32 $0x5000;
	s15 =	simm.s32 $0x6000;
	s17 =	simm.s32 $0x7000  }
0x5: {  	s19 =	simm.s32 $0x8000;
	s28 =	simm.s32 $0xC000;
	s29 =	simm.s32 $0x1  }
0x6: {  	s30 =	simm.s32 $0x9;
	s31 =	simm.s32 $0x2;
	s12 =	simm.s32 $0x3  }
0x7: {  	s16 =	simm.s32 $0xB;
	s18 =	simm.s32 $0x4;
	s9 =	simm.s32 $0x0  }
0x8: {  	s0 =	sand.u32 $0x1, s0;
	s1 =	sshll.u32 s8, $0x1;
	s5 =	smul.u32 $0x9C40, s8  }
0x9: {  	[smem:$0x7FF] =	sst s4;
	s4 =	sadd.s32 $0x2000, s3;
	s20 =	smul.u32 $0x13880, s8  }
0xa: {  	s8 =	simm.s32 $0x10;
	s1 =	sor.u32 s0, s1;
	s6 =	smul.u32 $0x9C400, s0  }
0xb: {  	_ =	strace $0x8000004D;
	s0 =	ssub.s32 $0x2, s0;
	s1 =	smul.u32 $0x500, s1  }
0xc: {  	s7 =	sshrl.u32 s5, $0x4;
	s21 =	sshrl.u32 s0, $0x1;
	s23 =	sshrl.u32 s20, $0x2  }
0xd: {  	s20 =	simm.s32 $0xC;
	s5 =	sadd.s32 s5, s6;
	s7 =	sadd.s32 s7, s3  }
0xe: {  	s0 =	ssub.s32 s0, s21;
	s24 =	sadd.s32 s23, s2;
	s21 =	simm.s32 $0x9000  }
0xf: {  	s23 =	simm.s32 $0xA000;
	s6 =	simm.s32 $0xF;
	s1 =	sadd.s32 s1, s3  }
0x10: {  	s5 =	sshrl.u32 s5, $0x4;
	[dreg:$0x5] =	wrdreg s24;
	s25 =	sadd.s32 $0x15C00, s7  }
0x11: {  	s0 =	smax.u32 s0, $0x1;
	s24 =	simm.s32 $0xD;
	s7 =	simm.s32 $0x8  }
0x12: {  	s3 =	sadd.s32 s5, s3;
	s22 =	sadd.s32 $0x1FA00, s1;
	[dreg:$0x6] =	wrdreg s25  }
0x13: {  	s1 =	sadd.s32 $0x29A00, s1;
	[dreg:$0x8] =	wrdreg s0;
	s25 =	simm.s32 $0xB000  }
0x14: {  	s0 =	simm.s32 $0xE;
	s5 =	simm.s32 $0x7;
	[dreg:$0x3] =	wrdreg s22  }
0x15: {  	[dreg:$0x4] =	wrdreg s1;
	s26 =	sadd.s32 $0x33A00, s3;
	s1 =	simm.s32 $0xA  }
0x16: {  	s22 =	simm.s32 $0x5;
	[dreg:$0x7] =	wrdreg s26;
	s26 =	simm.s32 $0x6  }
.LBB2_1:
0x17: {  	[dreg:$0x9] =	wrdreg s9  }
0x18: {  	s3 =	simm.s32 $0x0;
	s10 =	rddreg [dreg:$0x3]  }
0x19: {  	[tilespmem:s3], [sflag:$0x11] =	stream.linear.gather [hbm4b:s10+s3], $0x2800, $0x38;
	[tilespmem:$0x11E30] =	vst v63  }
0x1a: {  	_ =	swait.ge [sflag:s11], $0x2800  }
0x1b: {  	[sflag:s11] =	ssyncset.done $0x0  }
0x1c: {  	s9 =	simm.s32 $0x2800;
	s10 =	rddreg [dreg:$0x4];
	[sflag:s11] =	ssyncadd.s32 $0xFFFFD800  }
0x1d: {  	[tilespmem:s9], [sflag:$0x11] =	stream.linear.gather [hbm4b:s10+s3], $0x2800, $0x38;
	[tilespmem:$0x11E30] =	vst v63  }
0x1e: {  	_ =	swait.ge [sflag:s11], $0x2800  }
0x1f: {  	[sflag:s11] =	ssyncset.done $0x0  }
0x20: {  	[sflag:s11] =	ssyncadd.s32 $0xFFFFD800  }
0x21: {  	[tilespmem:s14], [sflag:$0x1] =	stream.indirect.gather [hbm4b:s4+s13], $0x20, s3, s13, $0xb8;
	[tilespmem:$0x11E30] =	vst v63  }
0x22: {  	_ = 	snop  }
0x23: {  	[tilespmem:s15], [sflag:$0x2] =	stream.indirect.gather [hbm4b:s4+s13], $0x20, s13, s13, $0xb8;
	[tilespmem:$0x11E30] =	vst v63  }
0x24: {  	s9 =	simm.s32 $0x100  }
0x25: {  	[tilespmem:s17], [sflag:$0x3] =	stream.indirect.gather [hbm4b:s4+s13], $0x20, s9, s13, $0xb8;
	[tilespmem:$0x11E30] =	vst v63  }
0x26: {  	s10 =	simm.s32 $0x180  }
0x27: {  	[tilespmem:s19], [sflag:$0x4] =	stream.indirect.gather [hbm4b:s4+s13], $0x20, s10, s13, $0xb8;
	[tilespmem:$0x11E30] =	vst v63  }
0x28: {  	s9 =	simm.s32 $0x200  }
0x29: {  	[tilespmem:s21], [sflag:$0x5] =	stream.indirect.gather [hbm4b:s4+s13], $0x20, s9, s13, $0xb8;
	[tilespmem:$0x11E30] =	vst v63  }
0x2a: {  	s10 =	simm.s32 $0x280  }
0x2b: {  	[tilespmem:s23], [sflag:$0x6] =	stream.indirect.gather [hbm4b:s4+s13], $0x20, s10, s13, $0xb8;
	[tilespmem:$0x11E30] =	vst v63  }
0x2c: {  	s9 =	simm.s32 $0x300  }
0x2d: {  	[tilespmem:s25], [sflag:$0x7] =	stream.indirect.gather [hbm4b:s4+s13], $0x20, s9, s13, $0xb8;
	[tilespmem:$0x11E30] =	vst v63  }
0x2e: {  	s10 =	simm.s32 $0x380;
	s9 =	stileid.u32  }
0x2f: {  	[tilespmem:s28], [sflag:$0x8] =	stream.indirect.gather [hbm4b:s4+s13], $0x20, s10, s13, $0xb8;
	[tilespmem:$0x11E30] =	vst v63  }
0x30: {  	s3 =	sshll.u32 s9, $0x6;
	s10 =	rddreg [dreg:$0x5]  }
0x31: {  	s9 =	sor.u32 $0x1C11, s3;
	s3 =	rddreg [dreg:$0x6];
	s10 =	sshrl.u32 s10, $0x3  }
0x32: {  	[dreg:$0xa] =	wrdreg s10  }
0x33: {  	[spmem:s10], [sflag:s9] =	dma.local [hbm:s3], $0x9C4  }
0x34: {  	_ =	swait.ge [sflag:s11], $0x9C4  }
0x35: {  	[sflag:s11] =	ssyncset.done $0x0  }
0x36: {  	[sflag:s11] =	ssyncadd.s32 $0xFFFFF63C  }
0x37: {  	[bflag:$0x0] =	sbarrier.arrive $0xFFFF  }
0x38: {  	_ =	swait.ge [sflag:s29], $0x1000  }
0x39: {  	[sflag:s29] =	ssyncset.done $0x0  }
0x3a: {  	s11 =	simm.s32 $0x2800;
	[sflag:s29] =	ssyncadd.s32 $0xFFFFF000  }
0x3b: {  	[spmem:s2] =	stream.indirect.scatter.add.bf16 [tilespmem:s14], [sflag:$0x9], $0x20, s11, s13, $0xb8;
	[tilespmem:$0x11E30] =	vst v63  }
0x3c: {  	_ =	swait.ge [sflag:s30], $0x1000  }
0x3d: {  	[sflag:s30] =	ssyncset.done $0x0  }
0x3e: {  	s10 =	simm.s32 $0x400;
	[sflag:s30] =	ssyncadd.s32 $0xFFFFF000  }
0x3f: {  	[tilespmem:s14], [sflag:$0x1] =	stream.indirect.gather [hbm4b:s4+s13], $0x20, s10, s13, $0xb8;
	[tilespmem:$0x11E30] =	vst v63  }
0x40: {  	_ =	swait.ge [sflag:s31], $0x1000  }
0x41: {  	[sflag:s31] =	ssyncset.done $0x0  }
0x42: {  	s11 =	simm.s32 $0x2880;
	[sflag:s31] =	ssyncadd.s32 $0xFFFFF000  }
0x43: {  	[spmem:s2] =	stream.indirect.scatter.add.bf16 [tilespmem:s15], [sflag:$0xA], $0x20, s11, s13, $0xb8;
	[tilespmem:$0x11E30] =	vst v63  }
0x44: {  	_ =	swait.ge [sflag:s1], $0x1000  }
0x45: {  	[sflag:s1] =	ssyncset.done $0x0  }
0x46: {  	s10 =	simm.s32 $0x480;
	[sflag:s1] =	ssyncadd.s32 $0xFFFFF000  }
0x47: {  	[tilespmem:s15], [sflag:$0x2] =	stream.indirect.gather [hbm4b:s4+s13], $0x20, s10, s13, $0xb8;
	[tilespmem:$0x11E30] =	vst v63  }
0x48: {  	_ =	swait.ge [sflag:s12], $0x1000  }
0x49: {  	[sflag:s12] =	ssyncset.done $0x0  }
0x4a: {  	s11 =	simm.s32 $0x2900;
	[sflag:s12] =	ssyncadd.s32 $0xFFFFF000  }
0x4b: {  	[spmem:s2] =	stream.indirect.scatter.add.bf16 [tilespmem:s17], [sflag:$0xB], $0x20, s11, s13, $0xb8;
	[tilespmem:$0x11E30] =	vst v63  }
0x4c: {  	_ =	swait.ge [sflag:s16], $0x1000  }
0x4d: {  	[sflag:s16] =	ssyncset.done $0x0  }
0x4e: {  	s10 =	simm.s32 $0x500;
	[sflag:s16] =	ssyncadd.s32 $0xFFFFF000  }
0x4f: {  	[tilespmem:s17], [sflag:$0x3] =	stream.indirect.gather [hbm4b:s4+s13], $0x20, s10, s13, $0xb8;
	[tilespmem:$0x11E30] =	vst v63  }
0x50: {  	_ =	swait.ge [sflag:s18], $0x1000  }
0x51: {  	[sflag:s18] =	ssyncset.done $0x0  }
0x52: {  	s11 =	simm.s32 $0x2980;
	[sflag:s18] =	ssyncadd.s32 $0xFFFFF000  }
0x53: {  	[spmem:s2] =	stream.indirect.scatter.add.bf16 [tilespmem:s19], [sflag:$0xC], $0x20, s11, s13, $0xb8;
	[tilespmem:$0x11E30] =	vst v63  }
0x54: {  	_ =	swait.ge [sflag:s20], $0x1000  }
0x55: {  	[sflag:s20] =	ssyncset.done $0x0  }
0x56: {  	s10 =	simm.s32 $0x580;
	[sflag:s20] =	ssyncadd.s32 $0xFFFFF000  }
0x57: {  	[tilespmem:s19], [sflag:$0x4] =	stream.indirect.gather [hbm4b:s4+s13], $0x20, s10, s13, $0xb8;
	[tilespmem:$0x11E30] =	vst v63  }
0x58: {  	_ =	swait.ge [sflag:s22], $0x1000  }
0x59: {  	[sflag:s22] =	ssyncset.done $0x0  }
0x5a: {  	s11 =	simm.s32 $0x2A00;
	[sflag:s22] =	ssyncadd.s32 $0xFFFFF000  }
0x5b: {  	[spmem:s2] =	stream.indirect.scatter.add.bf16 [tilespmem:s21], [sflag:$0xD], $0x20, s11, s13, $0xb8;
	[tilespmem:$0x11E30] =	vst v63  }
0x5c: {  	_ =	swait.ge [sflag:s24], $0x1000  }
0x5d: {  	[sflag:s24] =	ssyncset.done $0x0  }
0x5e: {  	s10 =	simm.s32 $0x600;
	[sflag:s24] =	ssyncadd.s32 $0xFFFFF000  }
0x5f: {  	[tilespmem:s21], [sflag:$0x5] =	stream.indirect.gather [hbm4b:s4+s13], $0x20, s10, s13, $0xb8;
	[tilespmem:$0x11E30] =	vst v63  }
0x60: {  	_ =	swait.ge [sflag:s26], $0x1000  }
0x61: {  	[sflag:s26] =	ssyncset.done $0x0  }
0x62: {  	s11 =	simm.s32 $0x2A80;
	[sflag:s26] =	ssyncadd.s32 $0xFFFFF000  }
0x63: {  	[spmem:s2] =	stream.indirect.scatter.add.bf16 [tilespmem:s23], [sflag:$0xE], $0x20, s11, s13, $0xb8;
	[tilespmem:$0x11E30] =	vst v63  }
0x64: {  	_ =	swait.ge [sflag:s0], $0x1000  }
0x65: {  	[sflag:s0] =	ssyncset.done $0x0  }
0x66: {  	s10 =	simm.s32 $0x680;
	[sflag:s0] =	ssyncadd.s32 $0xFFFFF000  }
0x67: {  	[tilespmem:s23], [sflag:$0x6] =	stream.indirect.gather [hbm4b:s4+s13], $0x20, s10, s13, $0xb8;
	[tilespmem:$0x11E30] =	vst v63  }
0x68: {  	_ =	swait.ge [sflag:s5], $0x1000  }
0x69: {  	[sflag:s5] =	ssyncset.done $0x0  }
0x6a: {  	s11 =	simm.s32 $0x2B00;
	[sflag:s5] =	ssyncadd.s32 $0xFFFFF000  }
0x6b: {  	[spmem:s2] =	stream.indirect.scatter.add.bf16 [tilespmem:s25], [sflag:$0xF], $0x20, s11, s13, $0xb8;
	[tilespmem:$0x11E30] =	vst v63  }
0x6c: {  	_ =	swait.ge [sflag:s6], $0x1000  }
0x6d: {  	[sflag:s6] =	ssyncset.done $0x0  }
0x6e: {  	s10 =	simm.s32 $0x700;
	[sflag:s6] =	ssyncadd.s32 $0xFFFFF000  }
0x6f: {  	[tilespmem:s25], [sflag:$0x7] =	stream.indirect.gather [hbm4b:s4+s13], $0x20, s10, s13, $0xb8;
	[tilespmem:$0x11E30] =	vst v63  }
0x70: {  	_ =	swait.ge [sflag:s7], $0x1000  }
0x71: {  	[sflag:s7] =	ssyncset.done $0x0  }
0x72: {  	s11 =	simm.s32 $0x2B80;
	[sflag:s7] =	ssyncadd.s32 $0xFFFFF000  }
0x73: {  	[spmem:s2] =	stream.indirect.scatter.add.bf16 [tilespmem:s28], [sflag:$0x10], $0x20, s11, s13, $0xb8;
	[tilespmem:$0x11E30] =	vst v63  }
0x74: {  	_ =	swait.ge [sflag:s8], $0x1000  }
0x75: {  	[sflag:s8] =	ssyncset.done $0x0  }
0x76: {  	s3 =	simm.s32 $0x780;
	s10 =	simm.s32 $0x1000;
	[sflag:s8] =	ssyncadd.s32 $0xFFFFF000  }
.LBB2_2:
0x77: {  	[tilespmem:s28], [sflag:$0x8] =	stream.indirect.gather [hbm4b:s4+s13], $0x20, s3, s13, $0xb8;
	[tilespmem:$0x11E30] =	vst v63  }
0x78: {  	s3 =	smov.u32 s10  }
0x79: {  	p0 =	sne.s32 s10, $0x7000;
	s10 =	sadd.s32 $0x1000, s10;
	_ =	swait.ge [sflag:s29], $0x1000  }
0x7a: {  	s3 =	sshra.s32 s3, $0x2;
	[sflag:s29] =	ssyncset.done $0x0  }
0x7b: {  	s11 =	sadd.s32 $0x2800, s3;
	[sflag:s29] =	ssyncadd.s32 $0xFFFFF000  }
0x7c: {  	[spmem:s2] =	stream.indirect.scatter.add.bf16 [tilespmem:s14], [sflag:$0x9], $0x20, s11, s13, $0xb8;
	[tilespmem:$0x11E30] =	vst v63  }
0x7d: {  	_ =	swait.ge [sflag:s30], $0x1000  }
0x7e: {  	[sflag:s30] =	ssyncset.done $0x0  }
0x7f: {  	s11 =	sadd.s32 $0x400, s3;
	[sflag:s30] =	ssyncadd.s32 $0xFFFFF000  }
0x80: {  	[tilespmem:s14], [sflag:$0x1] =	stream.indirect.gather [hbm4b:s4+s13], $0x20, s11, s13, $0xb8;
	[tilespmem:$0x11E30] =	vst v63  }
0x81: {  	_ =	swait.ge [sflag:s31], $0x1000  }
0x82: {  	[sflag:s31] =	ssyncset.done $0x0  }
0x83: {  	s11 =	sadd.s32 $0x2880, s3;
	[sflag:s31] =	ssyncadd.s32 $0xFFFFF000  }
0x84: {  	[spmem:s2] =	stream.indirect.scatter.add.bf16 [tilespmem:s15], [sflag:$0xA], $0x20, s11, s13, $0xb8;
	[tilespmem:$0x11E30] =	vst v63  }
0x85: {  	_ =	swait.ge [sflag:s1], $0x1000  }
0x86: {  	[sflag:s1] =	ssyncset.done $0x0  }
0x87: {  	s11 =	sadd.s32 $0x480, s3;
	[sflag:s1] =	ssyncadd.s32 $0xFFFFF000  }
0x88: {  	[tilespmem:s15], [sflag:$0x2] =	stream.indirect.gather [hbm4b:s4+s13], $0x20, s11, s13, $0xb8;
	[tilespmem:$0x11E30] =	vst v63  }
0x89: {  	_ =	swait.ge [sflag:s12], $0x1000  }
0x8a: {  	[sflag:s12] =	ssyncset.done $0x0  }
0x8b: {  	s11 =	sadd.s32 $0x2900, s3;
	[sflag:s12] =	ssyncadd.s32 $0xFFFFF000  }
0x8c: {  	[spmem:s2] =	stream.indirect.scatter.add.bf16 [tilespmem:s17], [sflag:$0xB], $0x20, s11, s13, $0xb8;
	[tilespmem:$0x11E30] =	vst v63  }
0x8d: {  	_ =	swait.ge [sflag:s16], $0x1000  }
0x8e: {  	[sflag:s16] =	ssyncset.done $0x0  }
0x8f: {  	s11 =	sadd.s32 $0x500, s3;
	[sflag:s16] =	ssyncadd.s32 $0xFFFFF000  }
0x90: {  	[tilespmem:s17], [sflag:$0x3] =	stream.indirect.gather [hbm4b:s4+s13], $0x20, s11, s13, $0xb8;
	[tilespmem:$0x11E30] =	vst v63  }
0x91: {  	_ =	swait.ge [sflag:s18], $0x1000  }
0x92: {  	[sflag:s18] =	ssyncset.done $0x0  }
0x93: {  	s11 =	sadd.s32 $0x2980, s3;
	[sflag:s18] =	ssyncadd.s32 $0xFFFFF000  }
0x94: {  	[spmem:s2] =	stream.indirect.scatter.add.bf16 [tilespmem:s19], [sflag:$0xC], $0x20, s11, s13, $0xb8;
	[tilespmem:$0x11E30] =	vst v63  }
0x95: {  	_ =	swait.ge [sflag:s20], $0x1000  }
0x96: {  	[sflag:s20] =	ssyncset.done $0x0  }
0x97: {  	s11 =	sadd.s32 $0x580, s3;
	[sflag:s20] =	ssyncadd.s32 $0xFFFFF000  }
0x98: {  	[tilespmem:s19], [sflag:$0x4] =	stream.indirect.gather [hbm4b:s4+s13], $0x20, s11, s13, $0xb8;
	[tilespmem:$0x11E30] =	vst v63  }
0x99: {  	_ =	swait.ge [sflag:s22], $0x1000  }
0x9a: {  	[sflag:s22] =	ssyncset.done $0x0  }
0x9b: {  	s11 =	sadd.s32 $0x2A00, s3;
	[sflag:s22] =	ssyncadd.s32 $0xFFFFF000  }
0x9c: {  	[spmem:s2] =	stream.indirect.scatter.add.bf16 [tilespmem:s21], [sflag:$0xD], $0x20, s11, s13, $0xb8;
	[tilespmem:$0x11E30] =	vst v63  }
0x9d: {  	_ =	swait.ge [sflag:s24], $0x1000  }
0x9e: {  	[sflag:s24] =	ssyncset.done $0x0  }
0x9f: {  	s11 =	sadd.s32 $0x600, s3;
	[sflag:s24] =	ssyncadd.s32 $0xFFFFF000  }
0xa0: {  	[tilespmem:s21], [sflag:$0x5] =	stream.indirect.gather [hbm4b:s4+s13], $0x20, s11, s13, $0xb8;
	[tilespmem:$0x11E30] =	vst v63  }
0xa1: {  	_ =	swait.ge [sflag:s26], $0x1000  }
0xa2: {  	[sflag:s26] =	ssyncset.done $0x0  }
0xa3: {  	s11 =	sadd.s32 $0x2A80, s3;
	[sflag:s26] =	ssyncadd.s32 $0xFFFFF000  }
0xa4: {  	[spmem:s2] =	stream.indirect.scatter.add.bf16 [tilespmem:s23], [sflag:$0xE], $0x20, s11, s13, $0xb8;
	[tilespmem:$0x11E30] =	vst v63  }
0xa5: {  	_ =	swait.ge [sflag:s0], $0x1000  }
0xa6: {  	[sflag:s0] =	ssyncset.done $0x0  }
0xa7: {  	s11 =	sadd.s32 $0x680, s3;
	[sflag:s0] =	ssyncadd.s32 $0xFFFFF000  }
0xa8: {  	[tilespmem:s23], [sflag:$0x6] =	stream.indirect.gather [hbm4b:s4+s13], $0x20, s11, s13, $0xb8;
	[tilespmem:$0x11E30] =	vst v63  }
0xa9: {  	_ =	swait.ge [sflag:s5], $0x1000  }
0xaa: {  	[sflag:s5] =	ssyncset.done $0x0  }
0xab: {  	s11 =	sadd.s32 $0x2B00, s3;
	[sflag:s5] =	ssyncadd.s32 $0xFFFFF000  }
0xac: {  	[spmem:s2] =	stream.indirect.scatter.add.bf16 [tilespmem:s25], [sflag:$0xF], $0x20, s11, s13, $0xb8;
	[tilespmem:$0x11E30] =	vst v63  }
0xad: {  	_ =	swait.ge [sflag:s6], $0x1000  }
0xae: {  	[sflag:s6] =	ssyncset.done $0x0  }
0xaf: {  	s11 =	sadd.s32 $0x700, s3;
	[sflag:s6] =	ssyncadd.s32 $0xFFFFF000  }
0xb0: {  	[tilespmem:s25], [sflag:$0x7] =	stream.indirect.gather [hbm4b:s4+s13], $0x20, s11, s13, $0xb8;
	[tilespmem:$0x11E30] =	vst v63  }
0xb1: {  	_ =	swait.ge [sflag:s7], $0x1000  }
0xb2: {  	[sflag:s7] =	ssyncset.done $0x0  }
.Ltmp0:
0xb3: {  	s11 =	sadd.s32 $0x2B80, s3;
	[sflag:s7] =	ssyncadd.s32 $0xFFFFF000;
	(pc) =	sbr.rel @p0 .LBB2_2-.Ltmp0, $4  }
0xb4: {  	[spmem:s2] =	stream.indirect.scatter.add.bf16 [tilespmem:s28], [sflag:$0x10], $0x20, s11, s13, $0xb8;
	[tilespmem:$0x11E30] =	vst v63  }
0xb5: {  	_ =	swait.ge [sflag:s8], $0x1000  }
0xb6: {  	[sflag:s8] =	ssyncset.done $0x0  }
0xb7: {  	s3 =	sadd.s32 $0x780, s3;
	[sflag:s8] =	ssyncadd.s32 $0xFFFFF000  }
0xb8: {  	[tilespmem:s28], [sflag:$0x8] =	stream.indirect.gather [hbm4b:s4+s13], $0x20, s3, s13, $0xb8;
	[tilespmem:$0x11E30] =	vst v63  }
0xb9: {  	_ =	swait.ge [sflag:s29], $0x1000  }
0xba: {  	[sflag:s29] =	ssyncset.done $0x0  }
0xbb: {  	s11 =	simm.s32 $0x4800;
	[sflag:s29] =	ssyncadd.s32 $0xFFFFF000  }
0xbc: {  	[spmem:s2] =	stream.indirect.scatter.add.bf16 [tilespmem:s14], [sflag:$0x9], $0x20, s11, s13, $0xb8;
	[tilespmem:$0x11E30] =	vst v63  }
0xbd: {  	_ =	swait.ge [sflag:s30], $0x1000  }
0xbe: {  	[sflag:s30] =	ssyncset.done $0x0  }
0xbf: {  	s10 =	simm.s32 $0x2400;
	[sflag:s30] =	ssyncadd.s32 $0xFFFFF000  }
0xc0: {  	[tilespmem:s14], [sflag:$0x1] =	stream.indirect.gather [hbm4b:s4+s13], $0x20, s10, s13, $0xb8;
	[tilespmem:$0x11E30] =	vst v63  }
0xc1: {  	_ =	swait.ge [sflag:s31], $0x1000  }
0xc2: {  	[sflag:s31] =	ssyncset.done $0x0  }
0xc3: {  	s11 =	simm.s32 $0x4880;
	[sflag:s31] =	ssyncadd.s32 $0xFFFFF000  }
0xc4: {  	[spmem:s2] =	stream.indirect.scatter.add.bf16 [tilespmem:s15], [sflag:$0xA], $0x20, s11, s13, $0xb8;
	[tilespmem:$0x11E30] =	vst v63  }
0xc5: {  	_ =	swait.ge [sflag:s1], $0x1000  }
0xc6: {  	[sflag:s1] =	ssyncset.done $0x0  }
0xc7: {  	s10 =	simm.s32 $0x2480;
	[sflag:s1] =	ssyncadd.s32 $0xFFFFF000  }
0xc8: {  	[tilespmem:s15], [sflag:$0x2] =	stream.indirect.gather [hbm4b:s4+s13], $0x20, s10, s13, $0xb8;
	[tilespmem:$0x11E30] =	vst v63  }
0xc9: {  	_ =	swait.ge [sflag:s12], $0x1000  }
0xca: {  	[sflag:s12] =	ssyncset.done $0x0  }
0xcb: {  	s11 =	simm.s32 $0x4900;
	[sflag:s12] =	ssyncadd.s32 $0xFFFFF000  }
0xcc: {  	[spmem:s2] =	stream.indirect.scatter.add.bf16 [tilespmem:s17], [sflag:$0xB], $0x20, s11, s13, $0xb8;
	[tilespmem:$0x11E30] =	vst v63  }
0xcd: {  	_ =	swait.ge [sflag:s16], $0x1000  }
0xce: {  	[sflag:s16] =	ssyncset.done $0x0  }
0xcf: {  	s10 =	simm.s32 $0x2500;
	[sflag:s16] =	ssyncadd.s32 $0xFFFFF000  }
0xd0: {  	[tilespmem:s17], [sflag:$0x3] =	stream.indirect.gather [hbm4b:s4+s13], $0x20, s10, s13, $0xb8;
	[tilespmem:$0x11E30] =	vst v63  }
0xd1: {  	_ =	swait.ge [sflag:s18], $0x1000  }
0xd2: {  	[sflag:s18] =	ssyncset.done $0x0  }
0xd3: {  	s11 =	simm.s32 $0x4980;
	[sflag:s18] =	ssyncadd.s32 $0xFFFFF000  }
0xd4: {  	[spmem:s2] =	stream.indirect.scatter.add.bf16 [tilespmem:s19], [sflag:$0xC], $0x20, s11, s13, $0xb8;
	[tilespmem:$0x11E30] =	vst v63  }
0xd5: {  	_ =	swait.ge [sflag:s20], $0x1000  }
0xd6: {  	[sflag:s20] =	ssyncset.done $0x0  }
0xd7: {  	s10 =	simm.s32 $0x2580;
	[sflag:s20] =	ssyncadd.s32 $0xFFFFF000  }
0xd8: {  	[tilespmem:s19], [sflag:$0x4] =	stream.indirect.gather [hbm4b:s4+s13], $0x20, s10, s13, $0xb8;
	[tilespmem:$0x11E30] =	vst v63  }
0xd9: {  	_ =	swait.ge [sflag:s22], $0x1000  }
0xda: {  	[sflag:s22] =	ssyncset.done $0x0  }
0xdb: {  	s11 =	simm.s32 $0x4A00;
	[sflag:s22] =	ssyncadd.s32 $0xFFFFF000  }
0xdc: {  	[spmem:s2] =	stream.indirect.scatter.add.bf16 [tilespmem:s21], [sflag:$0xD], $0x20, s11, s13, $0xb8;
	[tilespmem:$0x11E30] =	vst v63  }
0xdd: {  	_ =	swait.ge [sflag:s24], $0x1000  }
0xde: {  	[sflag:s24] =	ssyncset.done $0x0  }
0xdf: {  	s10 =	simm.s32 $0x2600;
	[sflag:s24] =	ssyncadd.s32 $0xFFFFF000  }
0xe0: {  	[tilespmem:s21], [sflag:$0x5] =	stream.indirect.gather [hbm4b:s4+s13], $0x20, s10, s13, $0xb8;
	[tilespmem:$0x11E30] =	vst v63  }
0xe1: {  	_ =	swait.ge [sflag:s26], $0x1000  }
0xe2: {  	[sflag:s26] =	ssyncset.done $0x0  }
0xe3: {  	s11 =	simm.s32 $0x4A80;
	[sflag:s26] =	ssyncadd.s32 $0xFFFFF000  }
0xe4: {  	[spmem:s2] =	stream.indirect.scatter.add.bf16 [tilespmem:s23], [sflag:$0xE], $0x20, s11, s13, $0xb8;
	[tilespmem:$0x11E30] =	vst v63  }
0xe5: {  	_ =	swait.ge [sflag:s0], $0x1000  }
0xe6: {  	[sflag:s0] =	ssyncset.done $0x0  }
0xe7: {  	s10 =	simm.s32 $0x2680;
	[sflag:s0] =	ssyncadd.s32 $0xFFFFF000  }
0xe8: {  	[tilespmem:s23], [sflag:$0x6] =	stream.indirect.gather [hbm4b:s4+s13], $0x20, s10, s13, $0xb8;
	[tilespmem:$0x11E30] =	vst v63  }
0xe9: {  	_ =	swait.ge [sflag:s5], $0x1000  }
0xea: {  	[sflag:s5] =	ssyncset.done $0x0  }
0xeb: {  	s11 =	simm.s32 $0x4B00;
	[sflag:s5] =	ssyncadd.s32 $0xFFFFF000  }
0xec: {  	[spmem:s2] =	stream.indirect.scatter.add.bf16 [tilespmem:s25], [sflag:$0xF], $0x20, s11, s13, $0xb8;
	[tilespmem:$0x11E30] =	vst v63  }
0xed: {  	_ =	swait.ge [sflag:s6], $0x1000  }
0xee: {  	[sflag:s6] =	ssyncset.done $0x0  }
0xef: {  	s10 =	simm.s32 $0x2700;
	[sflag:s6] =	ssyncadd.s32 $0xFFFFF000  }
0xf0: {  	[tilespmem:s25], [sflag:$0x7] =	stream.indirect.gather [hbm4b:s4+s13], $0x20, s10, s13, $0xb8;
	[tilespmem:$0x11E30] =	vst v63  }
0xf1: {  	_ =	swait.ge [sflag:s7], $0x1000  }
0xf2: {  	[sflag:s7] =	ssyncset.done $0x0  }
0xf3: {  	s11 =	simm.s32 $0x4B80;
	[sflag:s7] =	ssyncadd.s32 $0xFFFFF000  }
0xf4: {  	[spmem:s2] =	stream.indirect.scatter.add.bf16 [tilespmem:s28], [sflag:$0x10], $0x20, s11, s13, $0xb8;
	[tilespmem:$0x11E30] =	vst v63  }
0xf5: {  	_ =	swait.ge [sflag:s8], $0x1000  }
0xf6: {  	[sflag:s8] =	ssyncset.done $0x0  }
0xf7: {  	s10 =	simm.s32 $0x2780;
	[sflag:s8] =	ssyncadd.s32 $0xFFFFF000  }
0xf8: {  	[tilespmem:s28], [sflag:$0x8] =	stream.indirect.gather [hbm4b:s4+s13], $0x20, s10, s13, $0xb8;
	[tilespmem:$0x11E30] =	vst v63  }
0xf9: {  	_ =	swait.ge [sflag:s29], $0x1000  }
0xfa: {  	[sflag:s29] =	ssyncset.done $0x0  }
0xfb: {  	s11 =	simm.s32 $0x4C00;
	[sflag:s29] =	ssyncadd.s32 $0xFFFFF000  }
0xfc: {  	[spmem:s2] =	stream.indirect.scatter.add.bf16 [tilespmem:s14], [sflag:$0x9], $0x20, s11, s13, $0xb8;
	[tilespmem:$0x11E30] =	vst v63  }
0xfd: {  	_ =	swait.ge [sflag:s30], $0x1000  }
0xfe: {  	[sflag:s30] =	ssyncset.done $0x0  }
0xff: {  	[sflag:s30] =	ssyncadd.s32 $0xFFFFF000  }
0x100: {  	_ =	swait.ge [sflag:s31], $0x1000  }
0x101: {  	[sflag:s31] =	ssyncset.done $0x0  }
0x102: {  	s10 =	simm.s32 $0x4C80;
	[sflag:s31] =	ssyncadd.s32 $0xFFFFF000  }
0x103: {  	[spmem:s2] =	stream.indirect.scatter.add.bf16 [tilespmem:s15], [sflag:$0xA], $0x20, s10, s13, $0xb8;
	[tilespmem:$0x11E30] =	vst v63  }
0x104: {  	_ =	swait.ge [sflag:s1], $0x1000  }
0x105: {  	[sflag:s1] =	ssyncset.done $0x0  }
0x106: {  	[sflag:s1] =	ssyncadd.s32 $0xFFFFF000  }
0x107: {  	_ =	swait.ge [sflag:s12], $0x1000  }
0x108: {  	[sflag:s12] =	ssyncset.done $0x0  }
0x109: {  	s11 =	simm.s32 $0x4D00;
	[sflag:s12] =	ssyncadd.s32 $0xFFFFF000  }
0x10a: {  	[spmem:s2] =	stream.indirect.scatter.add.bf16 [tilespmem:s17], [sflag:$0xB], $0x20, s11, s13, $0xb8;
	[tilespmem:$0x11E30] =	vst v63  }
0x10b: {  	_ =	swait.ge [sflag:s16], $0x1000  }
0x10c: {  	[sflag:s16] =	ssyncset.done $0x0  }
0x10d: {  	[sflag:s16] =	ssyncadd.s32 $0xFFFFF000  }
0x10e: {  	_ =	swait.ge [sflag:s18], $0x1000  }
0x10f: {  	[sflag:s18] =	ssyncset.done $0x0  }
0x110: {  	s10 =	simm.s32 $0x4D80;
	[sflag:s18] =	ssyncadd.s32 $0xFFFFF000  }
0x111: {  	[spmem:s2] =	stream.indirect.scatter.add.bf16 [tilespmem:s19], [sflag:$0xC], $0x20, s10, s13, $0xb8;
	[tilespmem:$0x11E30] =	vst v63  }
0x112: {  	_ =	swait.ge [sflag:s20], $0x1000  }
0x113: {  	[sflag:s20] =	ssyncset.done $0x0  }
0x114: {  	[sflag:s20] =	ssyncadd.s32 $0xFFFFF000  }
0x115: {  	_ =	swait.ge [sflag:s22], $0x1000  }
0x116: {  	[sflag:s22] =	ssyncset.done $0x0  }
0x117: {  	s11 =	simm.s32 $0x4E00;
	[sflag:s22] =	ssyncadd.s32 $0xFFFFF000  }
0x118: {  	[spmem:s2] =	stream.indirect.scatter.add.bf16 [tilespmem:s21], [sflag:$0xD], $0x20, s11, s13, $0xb8;
	[tilespmem:$0x11E30] =	vst v63  }
0x119: {  	_ =	swait.ge [sflag:s24], $0x1000  }
0x11a: {  	[sflag:s24] =	ssyncset.done $0x0  }
0x11b: {  	[sflag:s24] =	ssyncadd.s32 $0xFFFFF000  }
0x11c: {  	_ =	swait.ge [sflag:s26], $0x1000  }
0x11d: {  	[sflag:s26] =	ssyncset.done $0x0  }
0x11e: {  	s10 =	simm.s32 $0x4E80;
	[sflag:s26] =	ssyncadd.s32 $0xFFFFF000  }
0x11f: {  	[spmem:s2] =	stream.indirect.scatter.add.bf16 [tilespmem:s23], [sflag:$0xE], $0x20, s10, s13, $0xb8;
	[tilespmem:$0x11E30] =	vst v63  }
0x120: {  	_ =	swait.ge [sflag:s0], $0x1000  }
0x121: {  	[sflag:s0] =	ssyncset.done $0x0  }
0x122: {  	[sflag:s0] =	ssyncadd.s32 $0xFFFFF000  }
0x123: {  	_ =	swait.ge [sflag:s5], $0x1000  }
0x124: {  	[sflag:s5] =	ssyncset.done $0x0  }
0x125: {  	s11 =	simm.s32 $0x4F00;
	[sflag:s5] =	ssyncadd.s32 $0xFFFFF000  }
0x126: {  	[spmem:s2] =	stream.indirect.scatter.add.bf16 [tilespmem:s25], [sflag:$0xF], $0x20, s11, s13, $0xb8;
	[tilespmem:$0x11E30] =	vst v63  }
0x127: {  	_ =	swait.ge [sflag:s6], $0x1000  }
0x128: {  	[sflag:s6] =	ssyncset.done $0x0  }
0x129: {  	[sflag:s6] =	ssyncadd.s32 $0xFFFFF000  }
0x12a: {  	_ =	swait.ge [sflag:s7], $0x1000  }
0x12b: {  	[sflag:s7] =	ssyncset.done $0x0  }
0x12c: {  	s10 =	simm.s32 $0x4F80;
	[sflag:s7] =	ssyncadd.s32 $0xFFFFF000  }
0x12d: {  	[spmem:s2] =	stream.indirect.scatter.add.bf16 [tilespmem:s28], [sflag:$0x10], $0x20, s10, s13, $0xb8;
	[tilespmem:$0x11E30] =	vst v63  }
0x12e: {  	_ =	swait.ge [sflag:s8], $0x1000  }
0x12f: {  	[sflag:s8] =	ssyncset.done $0x0  }
0x130: {  	[sflag:s8] =	ssyncadd.s32 $0xFFFFF000  }
0x131: {  	[bflag:$0x0] =	sbarrier.arrive $0xFFFF  }
0x132: {  	s11 =	rddreg [dreg:$0x7]  }
0x133: {  	s10 =	rddreg [dreg:$0xa]  }
0x134: {  	[hbm:s11], [sflag:s9] =	dma.local [spmem:s10], $0x9C4  }
0x135: {  	s11 =	simm.s32 $0x11  }
0x136: {  	_ =	swait.ge [sflag:s11], $0x9C4  }
0x137: {  	s3 =	rddreg [dreg:$0x9]  }
0x138: {  	s10 =	rddreg [dreg:$0x8];
	s9 =	sadd.s32 $0x1, s3  }
0x139: {  	p0 =	sne.s32 s9, s10  }
.Ltmp1:
0x13a: {  	_ = 	snop;
	(pc) =	sbr.rel @p0 .LBB2_1-.Ltmp1, $3  }
0x13b: {  	_ =	sdelay $0x1  }
0x13c: {  	[sflag:s11] =	ssyncset.done $0x0  }
0x13d: {  	[sflag:s11] =	ssyncadd.s32 $0xFFFFF63C  }
0x13e: {  	_ =	sfence.sel $0x180000  }
0x13f: {  	[bflag:$0x0] =	sbarrier.arrive $0xFFFF  }
0x140: {  	_ =	strace $0x9000004D  }
0x141: {  	s0 =	stileid.u32;
	[bflag:$0x2] =	sbarrier.arrive $0xFFFF  }
0x142: {  	p0 =	sne.s32 s0, $0x0;
	s0 =	rddreg [dreg:$0x2]  }
0x143: {  	s0 =	sadd.s32 @!p0 $0x100000, s0  }
0x144: {  	[sflag:s0] =	ssyncadd.tile.s32 @!p0 $0x1;
	_ =	shalt  }
.Lfunc_end2:
_tile_overlayer_lowered:
.L_overlay_start_2:
0x145: {  	(tag) =	ssettag $0x2  }
0x146: {  	s0 =	rddreg [dreg:$0x0];
	s2 =	stileid.u32  }
0x147: {  	s1 =	rddreg [dreg:$0x1];
	p0 =	sne.s32 s2, $0x0  }
0x148: {  	s3 =	rddreg [dreg:$0x2];
	[bflag:$0x3] =	sbarrier.arrive $0xFFFF;
	s2 =	simm.s32 @!p0 $0x1C11  }
0x149: {  	[timem:s3], [sflag:s2] =	dma.local @!p0 [hbm:s0], s1  }
0x14a: {  	s0 =	simm.s32 @!p0 $0x11  }
0x14b: {  	_ =	swait.ge @!p0 [sflag:s0], s1  }
0x14c: {  	s1 =	ssub.s32 @!p0 $0x0, s1;
	[sflag:s0] =	ssyncset.done @!p0 $0x0  }
0x14d: {  	[sflag:s0] =	ssyncadd.s32 @!p0 s1  }
0x14e: {  	[bflag:$0x3] =	sbarrier.arrive $0xFFFF  }
0x14f: {  	_ =	shalt  }

// kernel: kernel.19.cloned.1.call-start
scs
__scs_entry_jumppad:
0x0: {  	(pc) =	sbr.rel $0x88, $3  }
0x1: {  	(tag) =	ssettag $0x0;
	lr =	simm.s32 $0x1  }
0x2: {  	[smem:$0x3F99] =	sst lr;
	_ =	strace $0xD0000000  }
0x3: {  	_ = 	snop  }
0x4: {  	_ = 	snop  }
0x5: {  	_ = 	snop  }
0x6: {  	_ = 	snop  }
0x7: {  	_ = 	snop  }
__scs_overlays_trampoline_lowered:
0x8: {  	[smem:$0x3FA8] =	sst s0  }
0x9: {  	[smem:$0x3FA9] =	sst s1  }
0xa: {  	[smem:$0x3FAA] =	sst s2  }
0xb: {  	[smem:$0x3FAB] =	sst s3  }
0xc: {  	[smem:$0x3FAC] =	sst s4  }
0xd: {  	[smem:$0x3FAD] =	sst s5  }
0xe: {  	[smem:$0x3FAE] =	sst s6  }
0xf: {  	[smem:$0x3FAF] =	sst s7  }
0x10: {  	[smem:$0x3FB0] =	sst s8  }
0x11: {  	[smem:$0x3FB1] =	sst s9;
	s0 =	simm.s32 @!p0 $0x0  }
0x12: {  	s1 =	sld [smem:$0x3F97];
	s0 =	simm.s32 @p0 $0x1  }
0x13: {  	[smem:$0x3FB2] =	sst s0;
	s0 =	simm.s32 @!p1 $0x0  }
0x14: {  	s2 =	sld [smem:$0x3F96];
	s0 =	simm.s32 @p1 $0x1  }
0x15: {  	[smem:$0x3FB3] =	sst s0;
	s0 =	simm.s32 @!p2 $0x0  }
0x16: {  	s3 =	sld [smem:$0x3FDB];
	s0 =	simm.s32 @p2 $0x1  }
0x17: {  	s4 =	simm.s32 $0x1BF5;
	[smem:$0x3FB5] =	sst s0  }
0x18: {  	s0 =	sld [smem:$0x3F98];
	_ =	swait.ge [sflag:s4], $0x0  }
0x19: {  	s7 =	sld [smem:$0x3F99]  }
0x1a: {  	s8 =	sadd.s32 $0xFFFFE003, lr  }
0x1b: {  	s9 =	sadd.s32 $0xFFFFFEF7, lr;
	s5 =	simm.s32 $0xFFFFFFFF;
	p2 =	slt.u32 s8, $0xFFFFF086  }
0x1c: {  	p1 =	slt.u32 s9, $0xF7A;
	s5 =	simm.s32 @!p2 $0x0  }
0x1d: {  	s5 =	simm.s32 @p1 $0x1;
	p0 =	seq.s32 s7, s2  }
0x1e: {  	s7 =	smul.u32 @!p0 $0xF7A, s2;
	p2 =	seq.s32 @!p0 s5, $0x0  }
0x1f: {  	s9 =	smul.u32 $0xF7A, s1;
	s8 =	simm.s32 @!p0 $0x1BF5;
	p2 =	por !p2, p0  }
0x20: {  	[sflag:s8] =	ssyncset.s32 @!p0 $0xFFFFF086;
	s6 =	sadd.s32 @!p0 s3, s7;
	s7 =	simm.s32 @!p0 $0x108  }
0x21: {  	s3 =	sadd.s32 s3, s9;
	s6 =	sadd.s32 @!p0 $0x88, s6;
	s7 =	simm.s32 @p2 $0x1082  }
0x22: {  	[simem:s7], [sflag:s8] =	dma.local @!p0 [hbm:s6], $0xF7A  }
0x23: {  	s9 =	sor.u32 $0xD0000000, s2;
	s6 =	simm.s32 $0x108;
	_ =	swait.ge @!p0 [sflag:s8], $0x0  }
0x24: {  	s3 =	sadd.s32 $0x88, s3;
	s6 =	simm.s32 @!p1 $0x1082;
	[sflag:s4] =	ssyncset.s32 $0xFFFFF086  }
0x25: {  	[simem:s6], [sflag:s4] =	dma.local [hbm:s3], $0xF7A  }
0x26: {  	[smem:$0x3F99] =	sst s1;
	(tag) =	ssettag s2;
	_ =	strace s9  }
0x27: {  	s1 =	sld [smem:$0x3FA9]  }
0x28: {  	s2 =	sld [smem:$0x3FAA]  }
0x29: {  	s4 =	sld [smem:$0x3FAC]  }
0x2a: {  	p0 =	seq.s32 s5, $0x0;
	s5 =	sld [smem:$0x3FAD]  }
0x2b: {  	s6 =	sld [smem:$0x3FAE]  }
0x2c: {  	s7 =	sld [smem:$0x3FAF]  }
0x2d: {  	s3 =	simm.s32 $0x108;
	s8 =	sld [smem:$0x3FB0]  }
0x2e: {  	s3 =	simm.s32 @!p0 $0x1082;
	s9 =	sld [smem:$0x3FB1]  }
0x2f: {  	lr =	sadd.s32 s0, s3;
	s0 =	sld [smem:$0x3FA8]  }
0x30: {  	s3 =	sld [smem:$0x3FAB]  }
0x31: {  	[smem:$0x3FB4] =	sst s10  }
0x32: {  	s10 =	sld [smem:$0x3FB2];
	_ =	sdelay $0x3  }
0x33: {  	p0 =	seq.s32 s10, $0x1;
	s10 =	sld [smem:$0x3FB4];
	_ =	sdelay $0x3  }
0x34: {  	[smem:$0x3FB4] =	sst s10  }
0x35: {  	s10 =	sld [smem:$0x3FB3];
	_ =	sdelay $0x3  }
0x36: {  	p1 =	seq.s32 s10, $0x1;
	s10 =	sld [smem:$0x3FB4];
	_ =	sdelay $0x3  }
0x37: {  	[smem:$0x3FB4] =	sst s10  }
0x38: {  	s10 =	sld [smem:$0x3FB5]  }
0x39: {  	_ = 	snop;
	(pc) =	sbr.ind lr, $3  }
0x3a: {  	_ = 	snop  }
0x3b: {  	_ = 	snop  }
0x3c: {  	p2 =	seq.s32 s10, $0x1;
	s10 =	sld [smem:$0x3FB4]  }
0x3d: {  	_ =	shalt  }
0x3e: {  	_ =	shalt  }
0x3f: {  	_ =	shalt  }
0x40: {  	_ =	shalt  }
0x41: {  	_ =	shalt  }
0x42: {  	_ =	shalt  }
0x43: {  	_ =	shalt  }
0x44: {  	_ =	shalt  }
0x45: {  	_ =	shalt  }
0x46: {  	_ =	shalt  }
0x47: {  	_ =	shalt  }
0x48: {  	_ =	shalt  }
0x49: {  	_ =	shalt  }
0x4a: {  	_ =	shalt  }
0x4b: {  	_ =	shalt  }
0x4c: {  	_ =	shalt  }
0x4d: {  	_ =	shalt  }
0x4e: {  	_ =	shalt  }
0x4f: {  	_ =	shalt  }
0x50: {  	_ =	shalt  }
0x51: {  	_ =	shalt  }
0x52: {  	_ =	shalt  }
0x53: {  	_ =	shalt  }
0x54: {  	_ =	shalt  }
0x55: {  	_ =	shalt  }
0x56: {  	_ =	shalt  }
0x57: {  	_ =	shalt  }
0x58: {  	_ =	shalt  }
0x59: {  	_ =	shalt  }
0x5a: {  	_ =	shalt  }
0x5b: {  	_ =	shalt  }
0x5c: {  	_ =	shalt  }
0x5d: {  	_ =	shalt  }
0x5e: {  	_ =	shalt  }
0x5f: {  	_ =	shalt  }
0x60: {  	_ =	shalt  }
0x61: {  	_ =	shalt  }
0x62: {  	_ =	shalt  }
0x63: {  	_ =	shalt  }
0x64: {  	_ =	shalt  }
0x65: {  	_ =	shalt  }
0x66: {  	_ =	shalt  }
0x67: {  	_ =	shalt  }
0x68: {  	_ =	shalt  }
0x69: {  	_ =	shalt  }
0x6a: {  	_ =	shalt  }
0x6b: {  	_ =	shalt  }
0x6c: {  	_ =	shalt  }
0x6d: {  	_ =	shalt  }
0x6e: {  	_ =	shalt  }
0x6f: {  	_ =	shalt  }
0x70: {  	_ =	shalt  }
0x71: {  	_ =	shalt  }
0x72: {  	_ =	shalt  }
0x73: {  	_ =	shalt  }
0x74: {  	_ =	shalt  }
0x75: {  	_ =	shalt  }
0x76: {  	_ =	shalt  }
0x77: {  	_ =	shalt  }
0x78: {  	_ =	shalt  }
0x79: {  	_ =	shalt  }
0x7a: {  	_ =	shalt  }
0x7b: {  	_ =	shalt  }
0x7c: {  	_ =	shalt  }
0x7d: {  	_ =	shalt  }
0x7e: {  	_ =	shalt  }
0x7f: {  	_ =	shalt  }
0x80: {  	_ =	shalt  }
0x81: {  	_ =	shalt  }
0x82: {  	_ =	shalt  }
0x83: {  	_ =	shalt  }
0x84: {  	_ =	shalt  }
0x85: {  	_ =	shalt  }
0x86: {  	_ =	shalt  }
0x87: {  	_ =	shalt  }
.Lfunc_end0:
.L_simem_size_0:
called_computation.3_lowered:
.L_overlay_start_0:
0x88: {  	s2 =	sld [smem:$0x3FD9]  }
0x89: {  	s3 =	sld [smem:$0x3FFE];
	_ =	sdelay $0x1  }
0x8a: {  	s1 =	srdreg.scid  }
0x8b: {  	s0 =	sand.u32 $0x1, s1  }
0x8c: {  	s17 =	sshll.u32 s0, $0xA;
	s2 =	sadd.s32 s3, s2  }
0x8d: {  	s2 =	sadd.s32 s2, s17  }
0x8e: {  	[smem:$0x3FC0] =	sst s2  }
0x8f: {  	_ = 	snop  }
0x90: {  	s2 =	sld [smem:$0x3FD0];
	(tm) =	ssettm $0x1  }
0x91: {  	s18 =	sld [smem:$0x3FFB];
	_ =	sdelay $0x3  }
0x92: {  	_ =	strace s18  }
0x93: {  	s3 =	sld [smem:$0x3FFC];
	_ =	sdelay $0x3  }
0x94: {  	_ =	strace s3  }
0x95: {  	s3 =	sld [smem:$0x3FFD];
	_ =	sdelay $0x3  }
0x96: {  	_ =	strace s3  }
0x97: {  	_ =	strace $0x8FFFFFFF  }
0x98: {  	s19 =	sld [smem:$0x3FDB];
	_ =	sdelay $0x1  }
0x99: {  	s4 =	simm.s32 $_scs_section_size  }
0x9a: {  	s5 =	simm.s32 $_size__tile_overlayer_lowered;
	s6 =	simm.s32 $_tile_overlayer_lowered  }
0x9b: {  	s22 =	simm.s32 $0x1BFF;
	s21 =	sshll.u32 s6, $0x1;
	s3 =	sadd.s32 s4, s19  }
0x9c: {  	s7 =	simm.s32 $0x0;
	s20 =	sshll.u32 s5, $0x1;
	s5 =	sadd.s32 s21, s3  }
0x9d: {  	[timem:s7], [sflag:s22] =	dma.local [hbm:s5], s20  }
0x9e: {  	_ =	swait.ge [sflag:s22], s20  }
0x9f: {  	s4 =	ssub.s32 $0x0, s20;
	[sflag:s22] =	ssyncset.done $0x0  }
0xa0: {  	[sflag:s22] =	ssyncadd.s32 s4;
	_ =	sdelay $0x1  }
0xa1: {  	s23 =	simm.s32 $0x1B8B  }
0xa2: {  	_ =	swait.ge [sflag:s23], $0x1  }
0xa3: {  	[sflag:s23] =	ssyncset.done $0x0  }
0xa4: {  	s25 =	simm.s32 $0x1B8E;
	s24 =	sld [smem:$0x3FFE];
	[sflag:s23] =	ssyncadd.s32 $0xFFFFFFFF  }
0xa5: {  	s26 =	simm.s32 $execute0_lowered;
	[smem:$0x3FD2] =	sst s25  }
0xa6: {  	s5 =	sshll.u32 s26, $0x1;
	_ =	strace $0x8000004F;
	[dreg:$0x1] =	wrdreg $0xFFFFFFFF  }
0xa7: {  	s28 =	simm.s32 $_size_execute0_lowered;
	s3 =	sadd.s32 s3, s5;
	[dreg:$0x0] =	wrdreg $0x0  }
0xa8: {  	s5 =	sshll.u32 s28, $0x1;
	[dreg:$0x2] =	wrdreg s3  }
0xa9: {  	[dreg:$0x3] =	wrdreg s5  }
0xaa: {  	[dreg:$0x4] =	wrdreg $0xC0  }
0xab: {  	_ =	task [dreg:s7], $0x5FFFF  }
0xac: {  	[dreg:$0x1] =	wrdreg $0xFFFFFFFF  }
0xad: {  	[dreg:$0x0] =	wrdreg $0x60  }
0xae: {  	[dreg:$0x2] =	wrdreg s2  }
0xaf: {  	[dreg:$0x3] =	wrdreg s24  }
0xb0: {  	[dreg:$0x4] =	wrdreg $0x90000  }
0xb1: {  	[dreg:$0x5] =	wrdreg $0x9  }
0xb2: {  	_ =	task.clear_ibuf [dreg:s7], $0x6FFFF;
	_ =	strace $0x9000004F  }
0xb3: {  	s29 =	simm.s32 $0x9;
	_ =	strace $0x80000051  }
0xb4: {  	_ =	swait.ge [sflag:s29], $0x1  }
0xb5: {  	[sflag:s29] =	ssyncadd.s32 $0xFFFFFFFF  }
0xb6: {  	_ =	strace $0x90000051  }
0xb7: {  	_ =	sfence  }
0xb8: {  	s30 =	sld [smem:$0x0];
	_ =	sdelay $0x2  }
0xb9: {  	s31 =	sshll.u32 s1, $0xD;
	s1 =	sshrl.u32 s1, $0x2  }
0xba: {  	s3 =	sand.u32 $0x4000, s31;
	s1 =	sadd.s32 s1, s30  }
0xbb: {  	s0 =	sor.u32 s3, s0;
	s1 =	sshll.u32 s1, $0x11  }
0xbc: {  	s0 =	sor.u32 s1, s0  }
0xbd: {  	s0 =	sadd.s32 $0x8F2B, s0  }
0xbe: {  	[sflag:s0] =	ssyncadd.remote.s32 $0x1  }
0xbf: {  	_ =	sfence.sel $0xFFFF  }
0xc0: {  	[dreg:$0x0] =	wrdreg $0xFFFFFFFF;
	(pc) =	sbr.abs _section_cstart, $3  }
0xc1: {  	[dreg:$0x1] =	wrdreg $0xFFFFFFFF  }
0xc2: {  	_ =	task.clear_ibuf [dreg:s7], $0x2FFFF;
	_ =	strace $0x9FFFFFFF  }
0xc3: {  	(tm) =	ssettm $0x7FFFFFFF  }
tec
execute0_lowered:
.L_overlay_start_1:
0x0: {  	(tag) =	ssettag $0x1  }
0x1: {  	s0 =	srdreg.scid;
	s1 =	rddreg [dreg:$0x0]  }
0x2: {  	s8 =	stileid.u32;
	s4 =	rddreg [dreg:$0x1]  }
0x3: {  	s3 =	rddreg [dreg:$0x2];
	s6 =	simm.s32 $0x0;
	s11 =	simm.s32 $0x11  }
0x4: {  	s13 =	simm.s32 $0x80;
	s14 =	simm.s32 $0x5000;
	s15 =	simm.s32 $0x5800  }
0x5: {  	s17 =	simm.s32 $0x6000;
	s28 =	simm.s32 $0x8800;
	s29 =	simm.s32 $0x1  }
0x6: {  	s30 =	simm.s32 $0x9;
	s31 =	simm.s32 $0x2;
	s12 =	simm.s32 $0x3  }
0x7: {  	s16 =	simm.s32 $0xB;
	s18 =	simm.s32 $0x4;
	s9 =	simm.s32 $0x0  }
0x8: {  	s0 =	sand.u32 $0x1, s0;
	s2 =	sshll.u32 s8, $0x1;
	s5 =	smul.u32 $0x2710, s8  }
0x9: {  	[smem:$0x7FF] =	sst s6;
	s20 =	smul.u32 $0x9C40, s8;
	s6 =	simm.s32 $0xF  }
0xa: {  	s8 =	simm.s32 $0x10;
	s2 =	sor.u32 s0, s2;
	s19 =	smul.u32 $0x27100, s0  }
0xb: {  	_ =	strace $0x80000050;
	s0 =	ssub.s32 $0x2, s0;
	s2 =	smul.u32 $0x500, s2  }
0xc: {  	s7 =	sshrl.u32 s5, $0x3;
	s21 =	sshrl.u32 s0, $0x1;
	s23 =	sshrl.u32 s20, $0x2  }
0xd: {  	s20 =	simm.s32 $0xC;
	s5 =	sadd.s32 s5, s19;
	s7 =	sadd.s32 s7, s4  }
0xe: {  	s0 =	ssub.s32 s0, s21;
	s24 =	sadd.s32 s23, s3;
	s19 =	simm.s32 $0x6800  }
0xf: {  	s21 =	simm.s32 $0x7000;
	s23 =	simm.s32 $0x7800;
	s2 =	sadd.s32 s2, s4  }
0x10: {  	s5 =	sshrl.u32 s5, $0x3;
	[dreg:$0x6] =	wrdreg s24;
	s25 =	sadd.s32 $0x2000, s7  }
0x11: {  	s0 =	smax.u32 s0, $0x1;
	s24 =	simm.s32 $0xD;
	s7 =	simm.s32 $0x8  }
0x12: {  	s4 =	sadd.s32 s5, s4;
	s22 =	sadd.s32 $0x1FA00, s2;
	[dreg:$0x7] =	wrdreg s25  }
0x13: {  	s2 =	sadd.s32 $0x29A00, s2;
	[dreg:$0x9] =	wrdreg s0;
	s25 =	simm.s32 $0x8000  }
0x14: {  	s0 =	simm.s32 $0xE;
	s5 =	simm.s32 $0x7;
	[dreg:$0x4] =	wrdreg s22  }
0x15: {  	[dreg:$0x5] =	wrdreg s2;
	s26 =	sadd.s32 $0x7000, s4;
	s2 =	simm.s32 $0xA  }
0x16: {  	s22 =	simm.s32 $0x5;
	[dreg:$0x8] =	wrdreg s26;
	s26 =	simm.s32 $0x6  }
.LBB2_1:
0x17: {  	[dreg:$0xa] =	wrdreg s9  }
0x18: {  	s4 =	simm.s32 $0x0;
	s10 =	rddreg [dreg:$0x4]  }
0x19: {  	[tilespmem:s4], [sflag:$0x11] =	stream.linear.gather [hbm4b:s10+s4], $0x2800, $0x38;
	[tilespmem:$0xB718] =	vst v63  }
0x1a: {  	_ =	swait.ge [sflag:s11], $0x2800  }
0x1b: {  	[sflag:s11] =	ssyncset.done $0x0  }
0x1c: {  	s9 =	simm.s32 $0x2800;
	s10 =	rddreg [dreg:$0x5];
	[sflag:s11] =	ssyncadd.s32 $0xFFFFD800  }
0x1d: {  	[tilespmem:s9], [sflag:$0x11] =	stream.linear.gather [hbm4b:s10+s4], $0x2800, $0x38;
	[tilespmem:$0xB718] =	vst v63  }
0x1e: {  	_ =	swait.ge [sflag:s11], $0x2800  }
0x1f: {  	[sflag:s11] =	ssyncset.done $0x0  }
0x20: {  	[sflag:s11] =	ssyncadd.s32 $0xFFFFD800  }
0x21: {  	[tilespmem:s14], [sflag:$0x1] =	stream.indirect.gather [hbm4b:s1+s13], $0x10, s4, s13, $0xb8;
	[tilespmem:$0xB718] =	vst v63  }
0x22: {  	_ = 	snop  }
0x23: {  	[tilespmem:s15], [sflag:$0x2] =	stream.indirect.gather [hbm4b:s1+s13], $0x10, s13, s13, $0xb8;
	[tilespmem:$0xB718] =	vst v63  }
0x24: {  	s9 =	simm.s32 $0x100  }
0x25: {  	[tilespmem:s17], [sflag:$0x3] =	stream.indirect.gather [hbm4b:s1+s13], $0x10, s9, s13, $0xb8;
	[tilespmem:$0xB718] =	vst v63  }
0x26: {  	s10 =	simm.s32 $0x180  }
0x27: {  	[tilespmem:s19], [sflag:$0x4] =	stream.indirect.gather [hbm4b:s1+s13], $0x10, s10, s13, $0xb8;
	[tilespmem:$0xB718] =	vst v63  }
0x28: {  	s9 =	simm.s32 $0x200  }
0x29: {  	[tilespmem:s21], [sflag:$0x5] =	stream.indirect.gather [hbm4b:s1+s13], $0x10, s9, s13, $0xb8;
	[tilespmem:$0xB718] =	vst v63  }
0x2a: {  	s10 =	simm.s32 $0x280  }
0x2b: {  	[tilespmem:s23], [sflag:$0x6] =	stream.indirect.gather [hbm4b:s1+s13], $0x10, s10, s13, $0xb8;
	[tilespmem:$0xB718] =	vst v63  }
0x2c: {  	s9 =	simm.s32 $0x300  }
0x2d: {  	[tilespmem:s25], [sflag:$0x7] =	stream.indirect.gather [hbm4b:s1+s13], $0x10, s9, s13, $0xb8;
	[tilespmem:$0xB718] =	vst v63  }
0x2e: {  	s10 =	simm.s32 $0x380;
	s9 =	stileid.u32  }
0x2f: {  	[tilespmem:s28], [sflag:$0x8] =	stream.indirect.gather [hbm4b:s1+s13], $0x10, s10, s13, $0xb8;
	[tilespmem:$0xB718] =	vst v63  }
0x30: {  	s4 =	sshll.u32 s9, $0x6;
	s10 =	rddreg [dreg:$0x6]  }
0x31: {  	s9 =	sor.u32 $0x1C11, s4;
	s4 =	rddreg [dreg:$0x7];
	s10 =	sshrl.u32 s10, $0x3  }
0x32: {  	[dreg:$0xb] =	wrdreg s10  }
0x33: {  	[spmem:s10], [sflag:s9] =	dma.local [hbm:s4], $0x4E2  }
0x34: {  	_ =	swait.ge [sflag:s11], $0x4E2  }
0x35: {  	[sflag:s11] =	ssyncset.done $0x0  }
0x36: {  	[sflag:s11] =	ssyncadd.s32 $0xFFFFFB1E  }
0x37: {  	[bflag:$0x0] =	sbarrier.arrive $0xFFFF  }
0x38: {  	_ =	swait.ge [sflag:s29], $0x800  }
0x39: {  	[sflag:s29] =	ssyncset.done $0x0  }
0x3a: {  	s11 =	simm.s32 $0x2800;
	[sflag:s29] =	ssyncadd.s32 $0xFFFFF800  }
0x3b: {  	[spmem:s3] =	stream.indirect.scatter.add.f32 [tilespmem:s14], [sflag:$0x9], $0x10, s11, s13, $0xb8;
	[tilespmem:$0xB718] =	vst v63  }
0x3c: {  	_ =	swait.ge [sflag:s30], $0x800  }
0x3d: {  	[sflag:s30] =	ssyncset.done $0x0  }
0x3e: {  	s10 =	simm.s32 $0x400;
	[sflag:s30] =	ssyncadd.s32 $0xFFFFF800  }
0x3f: {  	[tilespmem:s14], [sflag:$0x1] =	stream.indirect.gather [hbm4b:s1+s13], $0x10, s10, s13, $0xb8;
	[tilespmem:$0xB718] =	vst v63  }
0x40: {  	_ =	swait.ge [sflag:s31], $0x800  }
0x41: {  	[sflag:s31] =	ssyncset.done $0x0  }
0x42: {  	s11 =	simm.s32 $0x2880;
	[sflag:s31] =	ssyncadd.s32 $0xFFFFF800  }
0x43: {  	[spmem:s3] =	stream.indirect.scatter.add.f32 [tilespmem:s15], [sflag:$0xA], $0x10, s11, s13, $0xb8;
	[tilespmem:$0xB718] =	vst v63  }
0x44: {  	_ =	swait.ge [sflag:s2], $0x800  }
0x45: {  	[sflag:s2] =	ssyncset.done $0x0  }
0x46: {  	s10 =	simm.s32 $0x480;
	[sflag:s2] =	ssyncadd.s32 $0xFFFFF800  }
0x47: {  	[tilespmem:s15], [sflag:$0x2] =	stream.indirect.gather [hbm4b:s1+s13], $0x10, s10, s13, $0xb8;
	[tilespmem:$0xB718] =	vst v63  }
0x48: {  	_ =	swait.ge [sflag:s12], $0x800  }
0x49: {  	[sflag:s12] =	ssyncset.done $0x0  }
0x4a: {  	s11 =	simm.s32 $0x2900;
	[sflag:s12] =	ssyncadd.s32 $0xFFFFF800  }
0x4b: {  	[spmem:s3] =	stream.indirect.scatter.add.f32 [tilespmem:s17], [sflag:$0xB], $0x10, s11, s13, $0xb8;
	[tilespmem:$0xB718] =	vst v63  }
0x4c: {  	_ =	swait.ge [sflag:s16], $0x800  }
0x4d: {  	[sflag:s16] =	ssyncset.done $0x0  }
0x4e: {  	s10 =	simm.s32 $0x500;
	[sflag:s16] =	ssyncadd.s32 $0xFFFFF800  }
0x4f: {  	[tilespmem:s17], [sflag:$0x3] =	stream.indirect.gather [hbm4b:s1+s13], $0x10, s10, s13, $0xb8;
	[tilespmem:$0xB718] =	vst v63  }
0x50: {  	_ =	swait.ge [sflag:s18], $0x800  }
0x51: {  	[sflag:s18] =	ssyncset.done $0x0  }
0x52: {  	s11 =	simm.s32 $0x2980;
	[sflag:s18] =	ssyncadd.s32 $0xFFFFF800  }
0x53: {  	[spmem:s3] =	stream.indirect.scatter.add.f32 [tilespmem:s19], [sflag:$0xC], $0x10, s11, s13, $0xb8;
	[tilespmem:$0xB718] =	vst v63  }
0x54: {  	_ =	swait.ge [sflag:s20], $0x800  }
0x55: {  	[sflag:s20] =	ssyncset.done $0x0  }
0x56: {  	s10 =	simm.s32 $0x580;
	[sflag:s20] =	ssyncadd.s32 $0xFFFFF800  }
0x57: {  	[tilespmem:s19], [sflag:$0x4] =	stream.indirect.gather [hbm4b:s1+s13], $0x10, s10, s13, $0xb8;
	[tilespmem:$0xB718] =	vst v63  }
0x58: {  	_ =	swait.ge [sflag:s22], $0x800  }
0x59: {  	[sflag:s22] =	ssyncset.done $0x0  }
0x5a: {  	s11 =	simm.s32 $0x2A00;
	[sflag:s22] =	ssyncadd.s32 $0xFFFFF800  }
0x5b: {  	[spmem:s3] =	stream.indirect.scatter.add.f32 [tilespmem:s21], [sflag:$0xD], $0x10, s11, s13, $0xb8;
	[tilespmem:$0xB718] =	vst v63  }
0x5c: {  	_ =	swait.ge [sflag:s24], $0x800  }
0x5d: {  	[sflag:s24] =	ssyncset.done $0x0  }
0x5e: {  	s10 =	simm.s32 $0x600;
	[sflag:s24] =	ssyncadd.s32 $0xFFFFF800  }
0x5f: {  	[tilespmem:s21], [sflag:$0x5] =	stream.indirect.gather [hbm4b:s1+s13], $0x10, s10, s13, $0xb8;
	[tilespmem:$0xB718] =	vst v63  }
0x60: {  	_ =	swait.ge [sflag:s26], $0x800  }
0x61: {  	[sflag:s26] =	ssyncset.done $0x0  }
0x62: {  	s11 =	simm.s32 $0x2A80;
	[sflag:s26] =	ssyncadd.s32 $0xFFFFF800  }
0x63: {  	[spmem:s3] =	stream.indirect.scatter.add.f32 [tilespmem:s23], [sflag:$0xE], $0x10, s11, s13, $0xb8;
	[tilespmem:$0xB718] =	vst v63  }
0x64: {  	_ =	swait.ge [sflag:s0], $0x800  }
0x65: {  	[sflag:s0] =	ssyncset.done $0x0  }
0x66: {  	s10 =	simm.s32 $0x680;
	[sflag:s0] =	ssyncadd.s32 $0xFFFFF800  }
0x67: {  	[tilespmem:s23], [sflag:$0x6] =	stream.indirect.gather [hbm4b:s1+s13], $0x10, s10, s13, $0xb8;
	[tilespmem:$0xB718] =	vst v63  }
0x68: {  	_ =	swait.ge [sflag:s5], $0x800  }
0x69: {  	[sflag:s5] =	ssyncset.done $0x0  }
0x6a: {  	s11 =	simm.s32 $0x2B00;
	[sflag:s5] =	ssyncadd.s32 $0xFFFFF800  }
0x6b: {  	[spmem:s3] =	stream.indirect.scatter.add.f32 [tilespmem:s25], [sflag:$0xF], $0x10, s11, s13, $0xb8;
	[tilespmem:$0xB718] =	vst v63  }
0x6c: {  	_ =	swait.ge [sflag:s6], $0x800  }
0x6d: {  	[sflag:s6] =	ssyncset.done $0x0  }
0x6e: {  	s10 =	simm.s32 $0x700;
	[sflag:s6] =	ssyncadd.s32 $0xFFFFF800  }
0x6f: {  	[tilespmem:s25], [sflag:$0x7] =	stream.indirect.gather [hbm4b:s1+s13], $0x10, s10, s13, $0xb8;
	[tilespmem:$0xB718] =	vst v63  }
0x70: {  	_ =	swait.ge [sflag:s7], $0x800  }
0x71: {  	[sflag:s7] =	ssyncset.done $0x0  }
0x72: {  	s11 =	simm.s32 $0x2B80;
	[sflag:s7] =	ssyncadd.s32 $0xFFFFF800  }
0x73: {  	[spmem:s3] =	stream.indirect.scatter.add.f32 [tilespmem:s28], [sflag:$0x10], $0x10, s11, s13, $0xb8;
	[tilespmem:$0xB718] =	vst v63  }
0x74: {  	_ =	swait.ge [sflag:s8], $0x800  }
0x75: {  	[sflag:s8] =	ssyncset.done $0x0  }
0x76: {  	s4 =	simm.s32 $0x780;
	s10 =	simm.s32 $0x1000;
	[sflag:s8] =	ssyncadd.s32 $0xFFFFF800  }
.LBB2_2:
0x77: {  	[tilespmem:s28], [sflag:$0x8] =	stream.indirect.gather [hbm4b:s1+s13], $0x10, s4, s13, $0xb8;
	[tilespmem:$0xB718] =	vst v63  }
0x78: {  	s4 =	smov.u32 s10  }
0x79: {  	p0 =	sne.s32 s10, $0x7000;
	s10 =	sadd.s32 $0x1000, s10;
	_ =	swait.ge [sflag:s29], $0x800  }
0x7a: {  	s4 =	sshra.s32 s4, $0x2;
	[sflag:s29] =	ssyncset.done $0x0  }
0x7b: {  	s11 =	sadd.s32 $0x2800, s4;
	[sflag:s29] =	ssyncadd.s32 $0xFFFFF800  }
0x7c: {  	[spmem:s3] =	stream.indirect.scatter.add.f32 [tilespmem:s14], [sflag:$0x9], $0x10, s11, s13, $0xb8;
	[tilespmem:$0xB718] =	vst v63  }
0x7d: {  	_ =	swait.ge [sflag:s30], $0x800  }
0x7e: {  	[sflag:s30] =	ssyncset.done $0x0  }
0x7f: {  	s11 =	sadd.s32 $0x400, s4;
	[sflag:s30] =	ssyncadd.s32 $0xFFFFF800  }
0x80: {  	[tilespmem:s14], [sflag:$0x1] =	stream.indirect.gather [hbm4b:s1+s13], $0x10, s11, s13, $0xb8;
	[tilespmem:$0xB718] =	vst v63  }
0x81: {  	_ =	swait.ge [sflag:s31], $0x800  }
0x82: {  	[sflag:s31] =	ssyncset.done $0x0  }
0x83: {  	s11 =	sadd.s32 $0x2880, s4;
	[sflag:s31] =	ssyncadd.s32 $0xFFFFF800  }
0x84: {  	[spmem:s3] =	stream.indirect.scatter.add.f32 [tilespmem:s15], [sflag:$0xA], $0x10, s11, s13, $0xb8;
	[tilespmem:$0xB718] =	vst v63  }
0x85: {  	_ =	swait.ge [sflag:s2], $0x800  }
0x86: {  	[sflag:s2] =	ssyncset.done $0x0  }
0x87: {  	s11 =	sadd.s32 $0x480, s4;
	[sflag:s2] =	ssyncadd.s32 $0xFFFFF800  }
0x88: {  	[tilespmem:s15], [sflag:$0x2] =	stream.indirect.gather [hbm4b:s1+s13], $0x10, s11, s13, $0xb8;
	[tilespmem:$0xB718] =	vst v63  }
0x89: {  	_ =	swait.ge [sflag:s12], $0x800  }
0x8a: {  	[sflag:s12] =	ssyncset.done $0x0  }
0x8b: {  	s11 =	sadd.s32 $0x2900, s4;
	[sflag:s12] =	ssyncadd.s32 $0xFFFFF800  }
0x8c: {  	[spmem:s3] =	stream.indirect.scatter.add.f32 [tilespmem:s17], [sflag:$0xB], $0x10, s11, s13, $0xb8;
	[tilespmem:$0xB718] =	vst v63  }
0x8d: {  	_ =	swait.ge [sflag:s16], $0x800  }
0x8e: {  	[sflag:s16] =	ssyncset.done $0x0  }
0x8f: {  	s11 =	sadd.s32 $0x500, s4;
	[sflag:s16] =	ssyncadd.s32 $0xFFFFF800  }
0x90: {  	[tilespmem:s17], [sflag:$0x3] =	stream.indirect.gather [hbm4b:s1+s13], $0x10, s11, s13, $0xb8;
	[tilespmem:$0xB718] =	vst v63  }
0x91: {  	_ =	swait.ge [sflag:s18], $0x800  }
0x92: {  	[sflag:s18] =	ssyncset.done $0x0  }
0x93: {  	s11 =	sadd.s32 $0x2980, s4;
	[sflag:s18] =	ssyncadd.s32 $0xFFFFF800  }
0x94: {  	[spmem:s3] =	stream.indirect.scatter.add.f32 [tilespmem:s19], [sflag:$0xC], $0x10, s11, s13, $0xb8;
	[tilespmem:$0xB718] =	vst v63  }
0x95: {  	_ =	swait.ge [sflag:s20], $0x800  }
0x96: {  	[sflag:s20] =	ssyncset.done $0x0  }
0x97: {  	s11 =	sadd.s32 $0x580, s4;
	[sflag:s20] =	ssyncadd.s32 $0xFFFFF800  }
0x98: {  	[tilespmem:s19], [sflag:$0x4] =	stream.indirect.gather [hbm4b:s1+s13], $0x10, s11, s13, $0xb8;
	[tilespmem:$0xB718] =	vst v63  }
0x99: {  	_ =	swait.ge [sflag:s22], $0x800  }
0x9a: {  	[sflag:s22] =	ssyncset.done $0x0  }
0x9b: {  	s11 =	sadd.s32 $0x2A00, s4;
	[sflag:s22] =	ssyncadd.s32 $0xFFFFF800  }
0x9c: {  	[spmem:s3] =	stream.indirect.scatter.add.f32 [tilespmem:s21], [sflag:$0xD], $0x10, s11, s13, $0xb8;
	[tilespmem:$0xB718] =	vst v63  }
0x9d: {  	_ =	swait.ge [sflag:s24], $0x800  }
0x9e: {  	[sflag:s24] =	ssyncset.done $0x0  }
0x9f: {  	s11 =	sadd.s32 $0x600, s4;
	[sflag:s24] =	ssyncadd.s32 $0xFFFFF800  }
0xa0: {  	[tilespmem:s21], [sflag:$0x5] =	stream.indirect.gather [hbm4b:s1+s13], $0x10, s11, s13, $0xb8;
	[tilespmem:$0xB718] =	vst v63  }
0xa1: {  	_ =	swait.ge [sflag:s26], $0x800  }
0xa2: {  	[sflag:s26] =	ssyncset.done $0x0  }
0xa3: {  	s11 =	sadd.s32 $0x2A80, s4;
	[sflag:s26] =	ssyncadd.s32 $0xFFFFF800  }
0xa4: {  	[spmem:s3] =	stream.indirect.scatter.add.f32 [tilespmem:s23], [sflag:$0xE], $0x10, s11, s13, $0xb8;
	[tilespmem:$0xB718] =	vst v63  }
0xa5: {  	_ =	swait.ge [sflag:s0], $0x800  }
0xa6: {  	[sflag:s0] =	ssyncset.done $0x0  }
0xa7: {  	s11 =	sadd.s32 $0x680, s4;
	[sflag:s0] =	ssyncadd.s32 $0xFFFFF800  }
0xa8: {  	[tilespmem:s23], [sflag:$0x6] =	stream.indirect.gather [hbm4b:s1+s13], $0x10, s11, s13, $0xb8;
	[tilespmem:$0xB718] =	vst v63  }
0xa9: {  	_ =	swait.ge [sflag:s5], $0x800  }
0xaa: {  	[sflag:s5] =	ssyncset.done $0x0  }
0xab: {  	s11 =	sadd.s32 $0x2B00, s4;
	[sflag:s5] =	ssyncadd.s32 $0xFFFFF800  }
0xac: {  	[spmem:s3] =	stream.indirect.scatter.add.f32 [tilespmem:s25], [sflag:$0xF], $0x10, s11, s13, $0xb8;
	[tilespmem:$0xB718] =	vst v63  }
0xad: {  	_ =	swait.ge [sflag:s6], $0x800  }
0xae: {  	[sflag:s6] =	ssyncset.done $0x0  }
0xaf: {  	s11 =	sadd.s32 $0x700, s4;
	[sflag:s6] =	ssyncadd.s32 $0xFFFFF800  }
0xb0: {  	[tilespmem:s25], [sflag:$0x7] =	stream.indirect.gather [hbm4b:s1+s13], $0x10, s11, s13, $0xb8;
	[tilespmem:$0xB718] =	vst v63  }
0xb1: {  	_ =	swait.ge [sflag:s7], $0x800  }
0xb2: {  	[sflag:s7] =	ssyncset.done $0x0  }
.Ltmp0:
0xb3: {  	s11 =	sadd.s32 $0x2B80, s4;
	[sflag:s7] =	ssyncadd.s32 $0xFFFFF800;
	(pc) =	sbr.rel @p0 .LBB2_2-.Ltmp0, $4  }
0xb4: {  	[spmem:s3] =	stream.indirect.scatter.add.f32 [tilespmem:s28], [sflag:$0x10], $0x10, s11, s13, $0xb8;
	[tilespmem:$0xB718] =	vst v63  }
0xb5: {  	_ =	swait.ge [sflag:s8], $0x800  }
0xb6: {  	[sflag:s8] =	ssyncset.done $0x0  }
0xb7: {  	s4 =	sadd.s32 $0x780, s4;
	[sflag:s8] =	ssyncadd.s32 $0xFFFFF800  }
0xb8: {  	[tilespmem:s28], [sflag:$0x8] =	stream.indirect.gather [hbm4b:s1+s13], $0x10, s4, s13, $0xb8;
	[tilespmem:$0xB718] =	vst v63  }
0xb9: {  	_ =	swait.ge [sflag:s29], $0x800  }
0xba: {  	[sflag:s29] =	ssyncset.done $0x0  }
0xbb: {  	s11 =	simm.s32 $0x4800;
	[sflag:s29] =	ssyncadd.s32 $0xFFFFF800  }
0xbc: {  	[spmem:s3] =	stream.indirect.scatter.add.f32 [tilespmem:s14], [sflag:$0x9], $0x10, s11, s13, $0xb8;
	[tilespmem:$0xB718] =	vst v63  }
0xbd: {  	_ =	swait.ge [sflag:s30], $0x800  }
0xbe: {  	[sflag:s30] =	ssyncset.done $0x0  }
0xbf: {  	s10 =	simm.s32 $0x2400;
	[sflag:s30] =	ssyncadd.s32 $0xFFFFF800  }
0xc0: {  	[tilespmem:s14], [sflag:$0x1] =	stream.indirect.gather [hbm4b:s1+s13], $0x10, s10, s13, $0xb8;
	[tilespmem:$0xB718] =	vst v63  }
0xc1: {  	_ =	swait.ge [sflag:s31], $0x800  }
0xc2: {  	[sflag:s31] =	ssyncset.done $0x0  }
0xc3: {  	s11 =	simm.s32 $0x4880;
	[sflag:s31] =	ssyncadd.s32 $0xFFFFF800  }
0xc4: {  	[spmem:s3] =	stream.indirect.scatter.add.f32 [tilespmem:s15], [sflag:$0xA], $0x10, s11, s13, $0xb8;
	[tilespmem:$0xB718] =	vst v63  }
0xc5: {  	_ =	swait.ge [sflag:s2], $0x800  }
0xc6: {  	[sflag:s2] =	ssyncset.done $0x0  }
0xc7: {  	s10 =	simm.s32 $0x2480;
	[sflag:s2] =	ssyncadd.s32 $0xFFFFF800  }
0xc8: {  	[tilespmem:s15], [sflag:$0x2] =	stream.indirect.gather [hbm4b:s1+s13], $0x10, s10, s13, $0xb8;
	[tilespmem:$0xB718] =	vst v63  }
0xc9: {  	_ =	swait.ge [sflag:s12], $0x800  }
0xca: {  	[sflag:s12] =	ssyncset.done $0x0  }
0xcb: {  	s11 =	simm.s32 $0x4900;
	[sflag:s12] =	ssyncadd.s32 $0xFFFFF800  }
0xcc: {  	[spmem:s3] =	stream.indirect.scatter.add.f32 [tilespmem:s17], [sflag:$0xB], $0x10, s11, s13, $0xb8;
	[tilespmem:$0xB718] =	vst v63  }
0xcd: {  	_ =	swait.ge [sflag:s16], $0x800  }
0xce: {  	[sflag:s16] =	ssyncset.done $0x0  }
0xcf: {  	s10 =	simm.s32 $0x2500;
	[sflag:s16] =	ssyncadd.s32 $0xFFFFF800  }
0xd0: {  	[tilespmem:s17], [sflag:$0x3] =	stream.indirect.gather [hbm4b:s1+s13], $0x10, s10, s13, $0xb8;
	[tilespmem:$0xB718] =	vst v63  }
0xd1: {  	_ =	swait.ge [sflag:s18], $0x800  }
0xd2: {  	[sflag:s18] =	ssyncset.done $0x0  }
0xd3: {  	s11 =	simm.s32 $0x4980;
	[sflag:s18] =	ssyncadd.s32 $0xFFFFF800  }
0xd4: {  	[spmem:s3] =	stream.indirect.scatter.add.f32 [tilespmem:s19], [sflag:$0xC], $0x10, s11, s13, $0xb8;
	[tilespmem:$0xB718] =	vst v63  }
0xd5: {  	_ =	swait.ge [sflag:s20], $0x800  }
0xd6: {  	[sflag:s20] =	ssyncset.done $0x0  }
0xd7: {  	s10 =	simm.s32 $0x2580;
	[sflag:s20] =	ssyncadd.s32 $0xFFFFF800  }
0xd8: {  	[tilespmem:s19], [sflag:$0x4] =	stream.indirect.gather [hbm4b:s1+s13], $0x10, s10, s13, $0xb8;
	[tilespmem:$0xB718] =	vst v63  }
0xd9: {  	_ =	swait.ge [sflag:s22], $0x800  }
0xda: {  	[sflag:s22] =	ssyncset.done $0x0  }
0xdb: {  	s11 =	simm.s32 $0x4A00;
	[sflag:s22] =	ssyncadd.s32 $0xFFFFF800  }
0xdc: {  	[spmem:s3] =	stream.indirect.scatter.add.f32 [tilespmem:s21], [sflag:$0xD], $0x10, s11, s13, $0xb8;
	[tilespmem:$0xB718] =	vst v63  }
0xdd: {  	_ =	swait.ge [sflag:s24], $0x800  }
0xde: {  	[sflag:s24] =	ssyncset.done $0x0  }
0xdf: {  	s10 =	simm.s32 $0x2600;
	[sflag:s24] =	ssyncadd.s32 $0xFFFFF800  }
0xe0: {  	[tilespmem:s21], [sflag:$0x5] =	stream.indirect.gather [hbm4b:s1+s13], $0x10, s10, s13, $0xb8;
	[tilespmem:$0xB718] =	vst v63  }
0xe1: {  	_ =	swait.ge [sflag:s26], $0x800  }
0xe2: {  	[sflag:s26] =	ssyncset.done $0x0  }
0xe3: {  	s11 =	simm.s32 $0x4A80;
	[sflag:s26] =	ssyncadd.s32 $0xFFFFF800  }
0xe4: {  	[spmem:s3] =	stream.indirect.scatter.add.f32 [tilespmem:s23], [sflag:$0xE], $0x10, s11, s13, $0xb8;
	[tilespmem:$0xB718] =	vst v63  }
0xe5: {  	_ =	swait.ge [sflag:s0], $0x800  }
0xe6: {  	[sflag:s0] =	ssyncset.done $0x0  }
0xe7: {  	s10 =	simm.s32 $0x2680;
	[sflag:s0] =	ssyncadd.s32 $0xFFFFF800  }
0xe8: {  	[tilespmem:s23], [sflag:$0x6] =	stream.indirect.gather [hbm4b:s1+s13], $0x10, s10, s13, $0xb8;
	[tilespmem:$0xB718] =	vst v63  }
0xe9: {  	_ =	swait.ge [sflag:s5], $0x800  }
0xea: {  	[sflag:s5] =	ssyncset.done $0x0  }
0xeb: {  	s11 =	simm.s32 $0x4B00;
	[sflag:s5] =	ssyncadd.s32 $0xFFFFF800  }
0xec: {  	[spmem:s3] =	stream.indirect.scatter.add.f32 [tilespmem:s25], [sflag:$0xF], $0x10, s11, s13, $0xb8;
	[tilespmem:$0xB718] =	vst v63  }
0xed: {  	_ =	swait.ge [sflag:s6], $0x800  }
0xee: {  	[sflag:s6] =	ssyncset.done $0x0  }
0xef: {  	s10 =	simm.s32 $0x2700;
	[sflag:s6] =	ssyncadd.s32 $0xFFFFF800  }
0xf0: {  	[tilespmem:s25], [sflag:$0x7] =	stream.indirect.gather [hbm4b:s1+s13], $0x10, s10, s13, $0xb8;
	[tilespmem:$0xB718] =	vst v63  }
0xf1: {  	_ =	swait.ge [sflag:s7], $0x800  }
0xf2: {  	[sflag:s7] =	ssyncset.done $0x0  }
0xf3: {  	s11 =	simm.s32 $0x4B80;
	[sflag:s7] =	ssyncadd.s32 $0xFFFFF800  }
0xf4: {  	[spmem:s3] =	stream.indirect.scatter.add.f32 [tilespmem:s28], [sflag:$0x10], $0x10, s11, s13, $0xb8;
	[tilespmem:$0xB718] =	vst v63  }
0xf5: {  	_ =	swait.ge [sflag:s8], $0x800  }
0xf6: {  	[sflag:s8] =	ssyncset.done $0x0  }
0xf7: {  	s10 =	simm.s32 $0x2780;
	[sflag:s8] =	ssyncadd.s32 $0xFFFFF800  }
0xf8: {  	[tilespmem:s28], [sflag:$0x8] =	stream.indirect.gather [hbm4b:s1+s13], $0x10, s10, s13, $0xb8;
	[tilespmem:$0xB718] =	vst v63  }
0xf9: {  	_ =	swait.ge [sflag:s29], $0x800  }
0xfa: {  	[sflag:s29] =	ssyncset.done $0x0  }
0xfb: {  	s11 =	simm.s32 $0x4C00;
	[sflag:s29] =	ssyncadd.s32 $0xFFFFF800  }
0xfc: {  	[spmem:s3] =	stream.indirect.scatter.add.f32 [tilespmem:s14], [sflag:$0x9], $0x10, s11, s13, $0xb8;
	[tilespmem:$0xB718] =	vst v63  }
0xfd: {  	_ =	swait.ge [sflag:s30], $0x800  }
0xfe: {  	[sflag:s30] =	ssyncset.done $0x0  }
0xff: {  	[sflag:s30] =	ssyncadd.s32 $0xFFFFF800  }
0x100: {  	_ =	swait.ge [sflag:s31], $0x800  }
0x101: {  	[sflag:s31] =	ssyncset.done $0x0  }
0x102: {  	s10 =	simm.s32 $0x4C80;
	[sflag:s31] =	ssyncadd.s32 $0xFFFFF800  }
0x103: {  	[spmem:s3] =	stream.indirect.scatter.add.f32 [tilespmem:s15], [sflag:$0xA], $0x10, s10, s13, $0xb8;
	[tilespmem:$0xB718] =	vst v63  }
0x104: {  	_ =	swait.ge [sflag:s2], $0x800  }
0x105: {  	[sflag:s2] =	ssyncset.done $0x0  }
0x106: {  	[sflag:s2] =	ssyncadd.s32 $0xFFFFF800  }
0x107: {  	_ =	swait.ge [sflag:s12], $0x800  }
0x108: {  	[sflag:s12] =	ssyncset.done $0x0  }
0x109: {  	s11 =	simm.s32 $0x4D00;
	[sflag:s12] =	ssyncadd.s32 $0xFFFFF800  }
0x10a: {  	[spmem:s3] =	stream.indirect.scatter.add.f32 [tilespmem:s17], [sflag:$0xB], $0x10, s11, s13, $0xb8;
	[tilespmem:$0xB718] =	vst v63  }
0x10b: {  	_ =	swait.ge [sflag:s16], $0x800  }
0x10c: {  	[sflag:s16] =	ssyncset.done $0x0  }
0x10d: {  	[sflag:s16] =	ssyncadd.s32 $0xFFFFF800  }
0x10e: {  	_ =	swait.ge [sflag:s18], $0x800  }
0x10f: {  	[sflag:s18] =	ssyncset.done $0x0  }
0x110: {  	s10 =	simm.s32 $0x4D80;
	[sflag:s18] =	ssyncadd.s32 $0xFFFFF800  }
0x111: {  	[spmem:s3] =	stream.indirect.scatter.add.f32 [tilespmem:s19], [sflag:$0xC], $0x10, s10, s13, $0xb8;
	[tilespmem:$0xB718] =	vst v63  }
0x112: {  	_ =	swait.ge [sflag:s20], $0x800  }
0x113: {  	[sflag:s20] =	ssyncset.done $0x0  }
0x114: {  	[sflag:s20] =	ssyncadd.s32 $0xFFFFF800  }
0x115: {  	_ =	swait.ge [sflag:s22], $0x800  }
0x116: {  	[sflag:s22] =	ssyncset.done $0x0  }
0x117: {  	s11 =	simm.s32 $0x4E00;
	[sflag:s22] =	ssyncadd.s32 $0xFFFFF800  }
0x118: {  	[spmem:s3] =	stream.indirect.scatter.add.f32 [tilespmem:s21], [sflag:$0xD], $0x10, s11, s13, $0xb8;
	[tilespmem:$0xB718] =	vst v63  }
0x119: {  	_ =	swait.ge [sflag:s24], $0x800  }
0x11a: {  	[sflag:s24] =	ssyncset.done $0x0  }
0x11b: {  	[sflag:s24] =	ssyncadd.s32 $0xFFFFF800  }
0x11c: {  	_ =	swait.ge [sflag:s26], $0x800  }
0x11d: {  	[sflag:s26] =	ssyncset.done $0x0  }
0x11e: {  	s10 =	simm.s32 $0x4E80;
	[sflag:s26] =	ssyncadd.s32 $0xFFFFF800  }
0x11f: {  	[spmem:s3] =	stream.indirect.scatter.add.f32 [tilespmem:s23], [sflag:$0xE], $0x10, s10, s13, $0xb8;
	[tilespmem:$0xB718] =	vst v63  }
0x120: {  	_ =	swait.ge [sflag:s0], $0x800  }
0x121: {  	[sflag:s0] =	ssyncset.done $0x0  }
0x122: {  	[sflag:s0] =	ssyncadd.s32 $0xFFFFF800  }
0x123: {  	_ =	swait.ge [sflag:s5], $0x800  }
0x124: {  	[sflag:s5] =	ssyncset.done $0x0  }
0x125: {  	s11 =	simm.s32 $0x4F00;
	[sflag:s5] =	ssyncadd.s32 $0xFFFFF800  }
0x126: {  	[spmem:s3] =	stream.indirect.scatter.add.f32 [tilespmem:s25], [sflag:$0xF], $0x10, s11, s13, $0xb8;
	[tilespmem:$0xB718] =	vst v63  }
0x127: {  	_ =	swait.ge [sflag:s6], $0x800  }
0x128: {  	[sflag:s6] =	ssyncset.done $0x0  }
0x129: {  	[sflag:s6] =	ssyncadd.s32 $0xFFFFF800  }
0x12a: {  	_ =	swait.ge [sflag:s7], $0x800  }
0x12b: {  	[sflag:s7] =	ssyncset.done $0x0  }
0x12c: {  	s10 =	simm.s32 $0x4F80;
	[sflag:s7] =	ssyncadd.s32 $0xFFFFF800  }
0x12d: {  	[spmem:s3] =	stream.indirect.scatter.add.f32 [tilespmem:s28], [sflag:$0x10], $0x10, s10, s13, $0xb8;
	[tilespmem:$0xB718] =	vst v63  }
0x12e: {  	_ =	swait.ge [sflag:s8], $0x800  }
0x12f: {  	[sflag:s8] =	ssyncset.done $0x0  }
0x130: {  	[sflag:s8] =	ssyncadd.s32 $0xFFFFF800  }
0x131: {  	[bflag:$0x0] =	sbarrier.arrive $0xFFFF  }
0x132: {  	s11 =	rddreg [dreg:$0x8]  }
0x133: {  	s10 =	rddreg [dreg:$0xb]  }
0x134: {  	[hbm:s11], [sflag:s9] =	dma.local [spmem:s10], $0x4E2  }
0x135: {  	s11 =	simm.s32 $0x11  }
0x136: {  	_ =	swait.ge [sflag:s11], $0x4E2  }
0x137: {  	s4 =	rddreg [dreg:$0xa]  }
0x138: {  	s10 =	rddreg [dreg:$0x9];
	s9 =	sadd.s32 $0x1, s4  }
0x139: {  	p0 =	sne.s32 s9, s10  }
.Ltmp1:
0x13a: {  	_ = 	snop;
	(pc) =	sbr.rel @p0 .LBB2_1-.Ltmp1, $3  }
0x13b: {  	_ =	sdelay $0x1  }
0x13c: {  	[sflag:s11] =	ssyncset.done $0x0  }
0x13d: {  	[sflag:s11] =	ssyncadd.s32 $0xFFFFFB1E  }
0x13e: {  	_ =	sfence.sel $0x180000  }
0x13f: {  	[bflag:$0x0] =	sbarrier.arrive $0xFFFF  }
0x140: {  	_ =	strace $0x90000050  }
0x141: {  	s0 =	stileid.u32;
	[bflag:$0x2] =	sbarrier.arrive $0xFFFF  }
0x142: {  	p0 =	sne.s32 s0, $0x0;
	s0 =	rddreg [dreg:$0x3]  }
0x143: {  	s0 =	sadd.s32 @!p0 $0x100000, s0  }
0x144: {  	[sflag:s0] =	ssyncadd.tile.s32 @!p0 $0x1;
	_ =	shalt  }
.Lfunc_end2:
_tile_overlayer_lowered:
.L_overlay_start_2:
0x145: {  	(tag) =	ssettag $0x2  }
0x146: {  	s0 =	rddreg [dreg:$0x0];
	s2 =	stileid.u32  }
0x147: {  	s1 =	rddreg [dreg:$0x1];
	p0 =	sne.s32 s2, $0x0  }
0x148: {  	s3 =	rddreg [dreg:$0x2];
	[bflag:$0x3] =	sbarrier.arrive $0xFFFF;
	s2 =	simm.s32 @!p0 $0x1C11  }
0x149: {  	[timem:s3], [sflag:s2] =	dma.local @!p0 [hbm:s0], s1  }
0x14a: {  	s0 =	simm.s32 @!p0 $0x11  }
0x14b: {  	_ =	swait.ge @!p0 [sflag:s0], s1  }
0x14c: {  	s1 =	ssub.s32 @!p0 $0x0, s1;
	[sflag:s0] =	ssyncset.done @!p0 $0x0  }
0x14d: {  	[sflag:s0] =	ssyncadd.s32 @!p0 s1  }
0x14e: {  	[bflag:$0x3] =	sbarrier.arrive $0xFFFF  }
0x14f: {  	_ =	shalt  }

</sc_bundles>
